<compile_context>
chip_gen: v7x
topology: tpu7x:2x2x1
jax: 0.10.2.dev20260603
libtpu: 0.0.44.dev20260713+nightly
codegen_flags: <defaults>
</compile_context>

<pallas_src>
import functools

import jax
import jax.numpy as jnp
from jax import lax
from jax.experimental import pallas as pl
from jax.experimental.pallas import tpu as pltpu
from jax.experimental.pallas import tpu_sc as plsc

N = 10000
NPAD = 10240
E = 320000
D = 128

NC = 2
NS = 16
NW = NC * NS
EPW = E // NW
RPT = NPAD // NS
DEG_W = 128

@functools.cache
def _sc_mesh():
    return plsc.VectorSubcoreMesh(core_axis_name="c", subcore_axis_name="s",
                                  num_cores=NC, num_subcores=NS)


DGC = 80
DGB = 4
NG_D = (EPW // DGC) // DGB


def _deg_body(eflat_hbm, out_hbm, acc_sh, didx, ones_v, zbuf, sem_d, sem_s):
    core = lax.axis_index("c")
    tid = lax.axis_index("s")
    wid = tid * NC + core
    base = E + wid * EPW
    ones16 = jnp.ones((16,), jnp.float32)
    zeros16 = jnp.zeros((16,), jnp.float32)

    def fill(r, carry):
        for l in range(DEG_W // 16):
            ones_v[r, pl.ds(l * 16, 16)] = ones16
            zbuf[r, pl.ds(l * 16, 16)] = zeros16
        return carry

    lax.fori_loop(0, DGC, fill, 0)
    for q in range(RPT // DGC):
        pltpu.sync_copy(zbuf, acc_sh.at[pl.ds(tid * RPT + q * DGC, DGC)])
    plsc.subcore_barrier()

    def group(g, carry):
        for b in range(DGB):
            @pl.when(g > 0)
            def _():
                pltpu.make_async_copy(ones_v, acc_sh.at[didx.at[b]],
                                      sem_s.at[b]).wait()
            pltpu.async_copy(eflat_hbm.at[pl.ds(base + (g * DGB + b) * DGC, DGC)],
                             didx.at[b], sem_d.at[b])
        for b in range(DGB):
            pltpu.make_async_copy(eflat_hbm.at[pl.ds(0, DGC)], didx.at[b],
                                  sem_d.at[b]).wait()
            pltpu.async_copy(ones_v, acc_sh.at[didx.at[b]], sem_s.at[b],
                             add=True)
        return carry

    lax.fori_loop(0, NG_D, group, 0)
    pltpu.make_async_copy(ones_v, acc_sh.at[didx.at[0]], sem_s.at[0]).wait()
    pltpu.async_copy(eflat_hbm.at[pl.ds(base + NG_D * DGB * DGC, DGC)],
                     didx.at[0], sem_d.at[0])
    pltpu.make_async_copy(eflat_hbm.at[pl.ds(0, DGC)], didx.at[0],
                          sem_d.at[0]).wait()
    pltpu.async_copy(ones_v, acc_sh.at[didx.at[0]], sem_s.at[0], add=True)
    for b in range(DGB):
        pltpu.make_async_copy(ones_v, acc_sh.at[didx.at[b]], sem_s.at[b]).wait()
    plsc.subcore_barrier()
    pltpu.sync_copy(acc_sh.at[pl.ds(tid * RPT, RPT)],
                    out_hbm.at[core].at[pl.ds(tid * RPT, RPT)])


def _degree_partials(eflat):
    return pl.kernel(
        _deg_body,
        out_type=jax.ShapeDtypeStruct((NC, NPAD, DEG_W), jnp.float32),
        mesh=_sc_mesh(),
        scratch_types=[
            pltpu.VMEM_SHARED((NPAD, DEG_W), jnp.float32),
            pltpu.VMEM((DGB, DGC), jnp.int32),
            pltpu.VMEM((DGC, DEG_W), jnp.float32),
            pltpu.VMEM((DGC, DEG_W), jnp.float32),
            pltpu.SemaphoreType.DMA((DGB,)),
            pltpu.SemaphoreType.DMA((DGB,)),
        ],
    )(eflat)


CM = 80
NB_M = 4
NCHUNK_M = EPW // CM
NG_M = NCHUNK_M // NB_M


def _gather_body(eflat_hbm, g_hbm, out_hbm,
                 acc_sh, sidx, didx, rows, sem_i, sem_d, sem_g, sem_s):
    core = lax.axis_index("c")
    tid = lax.axis_index("s")
    wid = tid * NC + core
    base = wid * EPW
    zeros16 = jnp.zeros((16,), jnp.float32)

    def fill(r, carry):
        for l in range(D // 16):
            rows[0, r, pl.ds(l * 16, 16)] = zeros16
        return carry

    lax.fori_loop(0, CM, fill, 0)
    for q in range(RPT // CM):
        pltpu.sync_copy(rows.at[0], acc_sh.at[pl.ds(tid * RPT + q * CM, CM)])
    plsc.subcore_barrier()

    def group(g, carry):
        for b in range(NB_M):
            @pl.when(g > 0)
            def _():
                pltpu.make_async_copy(rows.at[b], acc_sh.at[didx.at[b]],
                                      sem_s.at[b]).wait()
            e = base + (g * NB_M + b) * CM
            pltpu.async_copy(eflat_hbm.at[pl.ds(e, CM)], sidx.at[b], sem_i.at[b])
            pltpu.async_copy(eflat_hbm.at[pl.ds(E + e, CM)], didx.at[b], sem_d.at[b])
        for b in range(NB_M):
            pltpu.make_async_copy(eflat_hbm.at[pl.ds(0, CM)], sidx.at[b],
                                  sem_i.at[b]).wait()
            pltpu.async_copy(g_hbm.at[sidx.at[b]], rows.at[b], sem_g.at[b])
        for b in range(NB_M):
            pltpu.make_async_copy(g_hbm.at[sidx.at[b]], rows.at[b],
                                  sem_g.at[b]).wait()
            pltpu.make_async_copy(eflat_hbm.at[pl.ds(0, CM)], didx.at[b],
                                  sem_d.at[b]).wait()
            pltpu.async_copy(rows.at[b], acc_sh.at[didx.at[b]], sem_s.at[b],
                             add=True)
        return carry

    lax.fori_loop(0, NG_M, group, 0)
    pltpu.make_async_copy(rows.at[0], acc_sh.at[didx.at[0]], sem_s.at[0]).wait()
    e = base + NG_M * NB_M * CM
    pltpu.async_copy(eflat_hbm.at[pl.ds(e, CM)], sidx.at[0], sem_i.at[0])
    pltpu.async_copy(eflat_hbm.at[pl.ds(E + e, CM)], didx.at[0], sem_d.at[0])
    pltpu.make_async_copy(eflat_hbm.at[pl.ds(0, CM)], sidx.at[0], sem_i.at[0]).wait()
    pltpu.async_copy(g_hbm.at[sidx.at[0]], rows.at[0], sem_g.at[0])
    pltpu.make_async_copy(g_hbm.at[sidx.at[0]], rows.at[0], sem_g.at[0]).wait()
    pltpu.make_async_copy(eflat_hbm.at[pl.ds(0, CM)], didx.at[0], sem_d.at[0]).wait()
    pltpu.async_copy(rows.at[0], acc_sh.at[didx.at[0]], sem_s.at[0], add=True)
    pltpu.make_async_copy(rows.at[0], acc_sh.at[didx.at[0]], sem_s.at[0]).wait()
    for b in range(1, NB_M):
        pltpu.make_async_copy(rows.at[b], acc_sh.at[didx.at[b]],
                              sem_s.at[b]).wait()
    plsc.subcore_barrier()
    pltpu.sync_copy(acc_sh.at[pl.ds(tid * RPT, RPT)],
                    out_hbm.at[core].at[pl.ds(tid * RPT, RPT)])


def _message_partials(eflat, g):
    return pl.kernel(
        _gather_body,
        out_type=jax.ShapeDtypeStruct((NC, NPAD, D), jnp.float32),
        mesh=_sc_mesh(),
        scratch_types=[
            pltpu.VMEM_SHARED((NPAD, D), jnp.float32),
            pltpu.VMEM((NB_M, CM), jnp.int32),
            pltpu.VMEM((NB_M, CM), jnp.int32),
            pltpu.VMEM((NB_M, CM, D), jnp.float32),
            pltpu.SemaphoreType.DMA((NB_M,)),
            pltpu.SemaphoreType.DMA((NB_M,)),
            pltpu.SemaphoreType.DMA((NB_M,)),
            pltpu.SemaphoreType.DMA((NB_M,)),
        ],
    )(eflat, g)


R = 2000


def _dis_from(dp_ref):
    deg = dp_ref[0, :, 0] + dp_ref[1, :, 0] + 1.0
    return lax.rsqrt(deg)


def _mm(a, w):
    return lax.dot_general(a, w, (((1,), (1,)), ((), ())),
                           preferred_element_type=jnp.float32)


def _tc_first_body(dp_ref, x_ref, w1_ref, g1_ref):
    dis = _dis_from(dp_ref)
    g1_ref[...] = _mm(x_ref[...], w1_ref[...]) * dis[:, None]


def _tc_mid_body(dp_ref, acc_ref, g1_ref, b1_ref, w2_ref, x1_ref, g2_ref):
    dis = _dis_from(dp_ref)
    t = (acc_ref[0] + acc_ref[1] + g1_ref[...]) * dis[:, None] + b1_ref[...]
    x1 = jnp.maximum(t, 0.0)
    x1_ref[...] = x1
    g2_ref[...] = _mm(x1, w2_ref[...]) * dis[:, None]


def _tc_last_body(dp_ref, acc_ref, g2_ref, b2_ref, x1_ref,
                  wp1a_ref, wp1b_ref, bp1_ref, wp2_ref, bp2_ref, out_ref):
    dis = _dis_from(dp_ref)
    t = (acc_ref[0] + acc_ref[1] + g2_ref[...]) * dis[:, None] + b2_ref[...]
    x2 = jnp.maximum(t, 0.0)
    p = _mm(x1_ref[...], wp1a_ref[...]) + _mm(x2, wp1b_ref[...]) + bp1_ref[...]
    p = jnp.maximum(p, 0.0)
    out_ref[...] = _mm(p, wp2_ref[...]) + bp2_ref[...]


def _row_spec(width):
    return pl.BlockSpec((R, width), lambda i: (i, 0))


_DP_SPEC = pl.BlockSpec((NC, R, DEG_W), lambda i: (0, i, 0))
_ACC_SPEC = pl.BlockSpec((NC, R, D), lambda i: (0, i, 0))


def _full_spec(r, c):
    return pl.BlockSpec((r, c), lambda i: (0, 0))


def _tc_first(dp, x, w1):
    return pl.pallas_call(
        _tc_first_body,
        grid=(N // R,),
        in_specs=[_DP_SPEC, _row_spec(D), _full_spec(D, D)],
        out_specs=_row_spec(D),
        out_shape=jax.ShapeDtypeStruct((N, D), jnp.float32),
    )(dp, x, w1)


def _tc_mid(dp, acc, g1, b1, w2):
    return pl.pallas_call(
        _tc_mid_body,
        grid=(N // R,),
        in_specs=[_DP_SPEC, _ACC_SPEC, _row_spec(D), _full_spec(1, D),
                  _full_spec(D, D)],
        out_specs=[_row_spec(D), _row_spec(D)],
        out_shape=[jax.ShapeDtypeStruct((N, D), jnp.float32),
                   jax.ShapeDtypeStruct((N, D), jnp.float32)],
    )(dp, acc, g1, b1, w2)


def _tc_last(dp, acc, g2, b2, x1, wp1a, wp1b, bp1, wp2, bp2):
    return pl.pallas_call(
        _tc_last_body,
        grid=(N // R,),
        in_specs=[_DP_SPEC, _ACC_SPEC, _row_spec(D), _full_spec(1, D),
                  _row_spec(D), _full_spec(D, D), _full_spec(D, D),
                  _full_spec(1, D), _full_spec(D, D), _full_spec(1, D)],
        out_specs=_row_spec(D),
        out_shape=jax.ShapeDtypeStruct((N, D), jnp.float32),
    )(dp, acc, g2, b2, x1, wp1a, wp1b, bp1, wp2, bp2)


def kernel(x, edge_index, W1, b1, W2, b2, Wp1, bp1, Wp2, bp2):
    eflat = edge_index.reshape(2 * E)

    dp = _degree_partials(eflat)

    g1 = _tc_first(dp, x, W1)
    acc1 = _message_partials(eflat, g1)
    x1, g2 = _tc_mid(dp, acc1, g1, b1.reshape(1, D), W2)
    acc2 = _message_partials(eflat, g2)
    out = _tc_last(dp, acc2, g2, b2.reshape(1, D), x1,
                   Wp1[:, :D], Wp1[:, D:], bp1.reshape(1, D), Wp2,
                   bp2.reshape(1, D))
    return out

# --- scband reference (transcript-rebuilt; emitter-appended) ---
"""Pipeline reference for scband-graph-cl-82317343195923 (READ-ONLY COPY).

The authoritative reference and input builder live on the scoring server;
editing this copy changes nothing except your own understanding.
"""

import jax, jax.numpy as jnp
import numpy as np

N = 10000
E = 320000
D_IN = 128
D_EMB = 128
NUM_LAYER = 2

def _xavier(key, out_dim, in_dim):
    limit = float(np.sqrt(6.0 / (in_dim + out_dim)))
    return jax.random.uniform(key, (out_dim, in_dim), dtype=jnp.float32, minval=-limit, maxval=limit)

def setup_inputs(seed: int = 0) -> dict:
    key = jax.random.key(seed)
    ks = jax.random.split(key, 8)
    x = jax.random.normal(ks[0], (N, D_IN), dtype=jnp.float32)
    edge_index = jax.random.randint(ks[1], (2, E), 0, N, dtype=jnp.int32)
    # GCN layer weights (PyG Linear stores weight as [out, in])
    W1 = _xavier(ks[2], D_EMB, D_IN)
    b1 = jnp.zeros((D_EMB,), dtype=jnp.float32)
    W2 = _xavier(ks[3], D_EMB, D_EMB)
    b2 = jnp.zeros((D_EMB,), dtype=jnp.float32)
    # projection head: LinearPred(emb_dim*num_layer -> emb_dim -> emb_dim), 2 layers
    Wp1 = _xavier(ks[4], D_EMB, D_EMB * NUM_LAYER)
    bp1 = jnp.zeros((D_EMB,), dtype=jnp.float32)
    Wp2 = _xavier(ks[5], D_EMB, D_EMB)
    bp2 = jnp.zeros((D_EMB,), dtype=jnp.float32)
    return {"x": x, "edge_index": edge_index, "W1": W1, "b1": b1, "W2": W2, "b2": b2,
            "Wp1": Wp1, "bp1": bp1, "Wp2": Wp2, "bp2": bp2}

def _gcn_conv(x, src, dst, W, b):
    # PyG GCNConv with normalize=True, add_self_loops=True, edge_weight=None
    loop = jnp.arange(N, dtype=src.dtype)
    s = jnp.concatenate([src, loop])
    d = jnp.concatenate([dst, loop])
    ew = jnp.ones(s.shape[0], dtype=jnp.float32)
    deg = jnp.zeros((N,), dtype=jnp.float32).at[d].add(ew)
    deg_inv_sqrt = jnp.where(deg > 0, deg ** -0.5, 0.0)
    norm = deg_inv_sqrt[s] * ew * deg_inv_sqrt[d]
    h = x @ W.T
    msg = h[s] * norm[:, None]
    out = jnp.zeros((N, h.shape[1]), dtype=jnp.float32).at[d].add(msg)
    return out + b

def reference(x, edge_index, W1, b1, W2, b2, Wp1, bp1, Wp2, bp2):
    src = edge_index[0]
    dst = edge_index[1]
    # Encoder: 2 GCN layers, no norm, relu act, dropout=0, concat=True
    x1 = jax.nn.relu(_gcn_conv(x, src, dst, W1, b1))
    x2 = jax.nn.relu(_gcn_conv(x1, src, dst, W2, b2))
    h = jnp.concatenate([x1, x2], axis=1)
    # proj_head: LinearPred with 2 layers, relu after first, identity after last
    h = jax.nn.relu(h @ Wp1.T + bp1)
    h = h @ Wp2.T + bp2
    return h

if __name__ == "__main__":
    import jax
    _d = setup_inputs()
    print(jax.jit(kernel)(*tuple(_d.values())))

</pallas_src>

<mosaic_0001>
#map = affine_map<(d0, d1) -> (0)>
#map1 = affine_map<(d0, d1) -> (0, 0)>
#map2 = affine_map<(d0, d1) -> (0, 0, 0)>
module attributes {stable_mosaic.version = 14 : i64} {
  func.func @_gather_body(%arg0: i32, %arg1: i32, %arg2: memref<640000xi32, #tpu.memory_space<hbm>>, %arg3: memref<10000x128xf32, #tpu.memory_space<hbm>>, %arg4: memref<2x10240x128xf32, #tpu.memory_space<hbm>>, %arg5: memref<10240x128xf32, #tpu.memory_space<vmem_shared>>, %arg6: memref<4x80xi32, #tpu.memory_space<vmem>>, %arg7: memref<4x80xi32, #tpu.memory_space<vmem>>, %arg8: memref<4x80x128xf32, #tpu.memory_space<vmem>>, %arg9: memref<4x!tpu.dma_semaphore, #tpu.memory_space<semaphore_mem>>, %arg10: memref<4x!tpu.dma_semaphore, #tpu.memory_space<semaphore_mem>>, %arg11: memref<4x!tpu.dma_semaphore, #tpu.memory_space<semaphore_mem>>, %arg12: memref<4x!tpu.dma_semaphore, #tpu.memory_space<semaphore_mem>>) attributes {dimension_semantics = [#tpu.dimension_semantics<core_parallel>, #tpu.dimension_semantics<subcore_parallel>], iteration_bounds = array<i64: 2, 16>, scalar_prefetch = 0 : i64, scratch_operands = 8 : i64, tpu.core_type = #tpu.core_type<sc_vector_subcore>, window_params = [{transform_indices = #map}, {transform_indices = #map1}, {transform_indices = #map2}]} {
    %mul3A = arith.constant 2 : i32
    %mul3A_0 = arith.muli %arg1, %mul3A : i32
    %add3A = arith.addi %mul3A_0, %arg0 : i32
    %mul3A_1 = arith.constant 10000 : i32
    %mul3A_2 = arith.muli %add3A, %mul3A_1 : i32
    %broadcast_in_dim3A = arith.constant 0.000000e+00 : f32
    %broadcast_in_dim3A_3 = vector.broadcast %broadcast_in_dim3A : f32 to vector<16xf32>
    %scan3A = arith.constant 0 : i32
    %scan3A_4 = arith.constant 0 : i32
    %scan3A_5 = arith.constant 80 : i32
    %scan3A_6 = arith.addi %scan3A_4, %scan3A_5 : i32
    %scan3A_7 = arith.constant 1 : i32
    scf.for %scan3A_233 = %scan3A_4 to %scan3A_6 step %scan3A_7  : i32 {
      %swap3A = arith.constant 0 : i32
      %swap3A_234 = arith.index_cast %swap3A : i32 to index
      %swap3A_235 = arith.index_cast %scan3A_233 : i32 to index
      %swap3A_236 = arith.constant 0 : index
      %swap3A_237 = tpu.vector_load %arg8[%swap3A_234, %swap3A_235, %swap3A_236] {strides = array<i32>} : memref<4x80x128xf32, #tpu.memory_space<vmem>>, vector<1x1x16xf32>,
      %swap3A_238 = vector.shape_cast %swap3A_237 : vector<1x1x16xf32> to vector<16xf32>
      %swap3A_239 = vector.shape_cast %broadcast_in_dim3A_3 : vector<16xf32> to vector<1x1x16xf32>
      tpu.vector_store %arg8[%swap3A_234, %swap3A_235, %swap3A_236], %swap3A_239 {strides = array<i32>} : memref<4x80x128xf32, #tpu.memory_space<vmem>>, vector<1x1x16xf32>,
      %swap3A_240 = arith.constant 0 : i32
      %swap3A_241 = arith.index_cast %swap3A_240 : i32 to index
      %swap3A_242 = arith.index_cast %scan3A_233 : i32 to index
      %swap3A_243 = arith.constant 16 : index
      %swap3A_244 = tpu.vector_load %arg8[%swap3A_241, %swap3A_242, %swap3A_243] {strides = array<i32>} : memref<4x80x128xf32, #tpu.memory_space<vmem>>, vector<1x1x16xf32>,
      %swap3A_245 = vector.shape_cast %swap3A_244 : vector<1x1x16xf32> to vector<16xf32>
      %swap3A_246 = vector.shape_cast %broadcast_in_dim3A_3 : vector<16xf32> to vector<1x1x16xf32>
      tpu.vector_store %arg8[%swap3A_241, %swap3A_242, %swap3A_243], %swap3A_246 {strides = array<i32>} : memref<4x80x128xf32, #tpu.memory_space<vmem>>, vector<1x1x16xf32>,
      %swap3A_247 = arith.constant 0 : i32
      %swap3A_248 = arith.index_cast %swap3A_247 : i32 to index
      %swap3A_249 = arith.index_cast %scan3A_233 : i32 to index
      %swap3A_250 = arith.constant 32 : index
      %swap3A_251 = tpu.vector_load %arg8[%swap3A_248, %swap3A_249, %swap3A_250] {strides = array<i32>} : memref<4x80x128xf32, #tpu.memory_space<vmem>>, vector<1x1x16xf32>,
      %swap3A_252 = vector.shape_cast %swap3A_251 : vector<1x1x16xf32> to vector<16xf32>
      %swap3A_253 = vector.shape_cast %broadcast_in_dim3A_3 : vector<16xf32> to vector<1x1x16xf32>
      tpu.vector_store %arg8[%swap3A_248, %swap3A_249, %swap3A_250], %swap3A_253 {strides = array<i32>} : memref<4x80x128xf32, #tpu.memory_space<vmem>>, vector<1x1x16xf32>,
      %swap3A_254 = arith.constant 0 : i32
      %swap3A_255 = arith.index_cast %swap3A_254 : i32 to index
      %swap3A_256 = arith.index_cast %scan3A_233 : i32 to index
      %swap3A_257 = arith.constant 48 : index
      %swap3A_258 = tpu.vector_load %arg8[%swap3A_255, %swap3A_256, %swap3A_257] {strides = array<i32>} : memref<4x80x128xf32, #tpu.memory_space<vmem>>, vector<1x1x16xf32>,
      %swap3A_259 = vector.shape_cast %swap3A_258 : vector<1x1x16xf32> to vector<16xf32>
      %swap3A_260 = vector.shape_cast %broadcast_in_dim3A_3 : vector<16xf32> to vector<1x1x16xf32>
      tpu.vector_store %arg8[%swap3A_255, %swap3A_256, %swap3A_257], %swap3A_260 {strides = array<i32>} : memref<4x80x128xf32, #tpu.memory_space<vmem>>, vector<1x1x16xf32>,
      %swap3A_261 = arith.constant 0 : i32
      %swap3A_262 = arith.index_cast %swap3A_261 : i32 to index
      %swap3A_263 = arith.index_cast %scan3A_233 : i32 to index
      %swap3A_264 = arith.constant 64 : index
      %swap3A_265 = tpu.vector_load %arg8[%swap3A_262, %swap3A_263, %swap3A_264] {strides = array<i32>} : memref<4x80x128xf32, #tpu.memory_space<vmem>>, vector<1x1x16xf32>,
      %swap3A_266 = vector.shape_cast %swap3A_265 : vector<1x1x16xf32> to vector<16xf32>
      %swap3A_267 = vector.shape_cast %broadcast_in_dim3A_3 : vector<16xf32> to vector<1x1x16xf32>
      tpu.vector_store %arg8[%swap3A_262, %swap3A_263, %swap3A_264], %swap3A_267 {strides = array<i32>} : memref<4x80x128xf32, #tpu.memory_space<vmem>>, vector<1x1x16xf32>,
      %swap3A_268 = arith.constant 0 : i32
      %swap3A_269 = arith.index_cast %swap3A_268 : i32 to index
      %swap3A_270 = arith.index_cast %scan3A_233 : i32 to index
      %swap3A_271 = arith.constant 80 : index
      %swap3A_272 = tpu.vector_load %arg8[%swap3A_269, %swap3A_270, %swap3A_271] {strides = array<i32>} : memref<4x80x128xf32, #tpu.memory_space<vmem>>, vector<1x1x16xf32>,
      %swap3A_273 = vector.shape_cast %swap3A_272 : vector<1x1x16xf32> to vector<16xf32>
      %swap3A_274 = vector.shape_cast %broadcast_in_dim3A_3 : vector<16xf32> to vector<1x1x16xf32>
      tpu.vector_store %arg8[%swap3A_269, %swap3A_270, %swap3A_271], %swap3A_274 {strides = array<i32>} : memref<4x80x128xf32, #tpu.memory_space<vmem>>, vector<1x1x16xf32>,
      %swap3A_275 = arith.constant 0 : i32
      %swap3A_276 = arith.index_cast %swap3A_275 : i32 to index
      %swap3A_277 = arith.index_cast %scan3A_233 : i32 to index
      %swap3A_278 = arith.constant 96 : index
      %swap3A_279 = tpu.vector_load %arg8[%swap3A_276, %swap3A_277, %swap3A_278] {strides = array<i32>} : memref<4x80x128xf32, #tpu.memory_space<vmem>>, vector<1x1x16xf32>,
      %swap3A_280 = vector.shape_cast %swap3A_279 : vector<1x1x16xf32> to vector<16xf32>
      %swap3A_281 = vector.shape_cast %broadcast_in_dim3A_3 : vector<16xf32> to vector<1x1x16xf32>
      tpu.vector_store %arg8[%swap3A_276, %swap3A_277, %swap3A_278], %swap3A_281 {strides = array<i32>} : memref<4x80x128xf32, #tpu.memory_space<vmem>>, vector<1x1x16xf32>,
      %swap3A_282 = arith.constant 0 : i32
      %swap3A_283 = arith.index_cast %swap3A_282 : i32 to index
      %swap3A_284 = arith.index_cast %scan3A_233 : i32 to index
      %swap3A_285 = arith.constant 112 : index
      %swap3A_286 = tpu.vector_load %arg8[%swap3A_283, %swap3A_284, %swap3A_285] {strides = array<i32>} : memref<4x80x128xf32, #tpu.memory_space<vmem>>, vector<1x1x16xf32>,
      %swap3A_287 = vector.shape_cast %swap3A_286 : vector<1x1x16xf32> to vector<16xf32>
      %swap3A_288 = vector.shape_cast %broadcast_in_dim3A_3 : vector<16xf32> to vector<1x1x16xf32>
      tpu.vector_store %arg8[%swap3A_283, %swap3A_284, %swap3A_285], %swap3A_288 {strides = array<i32>} : memref<4x80x128xf32, #tpu.memory_space<vmem>>, vector<1x1x16xf32>,
    }
    %scan3A_8 = arith.constant 80 : i32
    %mul3A_9 = arith.constant 640 : i32
    %mul3A_10 = arith.muli %arg1, %mul3A_9 : i32
    %add3A_11 = arith.constant 0 : i32
    %add3A_12 = arith.addi %mul3A_10, %add3A_11 : i32
    %run_scoped3A = arith.constant 0 : i32
    "tpu.region"() ({
      %run_scoped3A_233 = tpu.sem_alloc : memref<!tpu.dma_semaphore, #tpu.memory_space<semaphore_mem>>
      %dma_start3A_234 = arith.constant 0 : i32
      %dma_start3A_235 = arith.constant 0 : i32
      %dma_start3A_236 = tpu.memref_slice %arg8[%run_scoped3A, %dma_start3A_234, %dma_start3A_235] : memref<4x80x128xf32, #tpu.memory_space<vmem>> -> memref<1x80x128xf32, #tpu.memory_space<vmem>>
      %dma_start3A_237 = tpu.memref_squeeze %dma_start3A_236 : memref<1x80x128xf32, #tpu.memory_space<vmem>> -> memref<80x128xf32, #tpu.memory_space<vmem>>
      %dma_start3A_238 = arith.constant 0 : i32
      %dma_start3A_239 = tpu.memref_slice %arg5[%add3A_12, %dma_start3A_238] : memref<10240x128xf32, #tpu.memory_space<vmem_shared>> -> memref<80x128xf32, #tpu.memory_space<vmem_shared>>
      %dma_start3A_240 = arith.constant 0 : i32
      %dma_start3A_241 = tpu.memref_slice %arg5[%add3A_12, %dma_start3A_240] : memref<10240x128xf32, #tpu.memory_space<vmem_shared>> -> memref<80x128xf32, #tpu.memory_space<vmem_shared>>
      %dma_start3A_242 = arith.constant 0 : i32
      %dma_start3A_243 = arith.constant 0 : i32
      %dma_start3A_244 = tpu.memref_slice %arg8[%run_scoped3A, %dma_start3A_242, %dma_start3A_243] : memref<4x80x128xf32, #tpu.memory_space<vmem>> -> memref<1x80x128xf32, #tpu.memory_space<vmem>>
      %dma_start3A_245 = tpu.memref_squeeze %dma_start3A_244 : memref<1x80x128xf32, #tpu.memory_space<vmem>> -> memref<80x128xf32, #tpu.memory_space<vmem>>
      tpu.enqueue_dma source(%dma_start3A_245 : memref<80x128xf32, #tpu.memory_space<vmem>>) target(%dma_start3A_241 : memref<80x128xf32, #tpu.memory_space<vmem_shared>>) target_semaphore(%run_scoped3A_233 : memref<!tpu.dma_semaphore, #tpu.memory_space<semaphore_mem>>)
      %dma_wait3A_246 = arith.constant 0 : i32
      %dma_wait3A_247 = arith.constant 0 : i32
      %dma_wait3A_248 = tpu.memref_slice %arg8[%run_scoped3A, %dma_wait3A_246, %dma_wait3A_247] : memref<4x80x128xf32, #tpu.memory_space<vmem>> -> memref<1x80x128xf32, #tpu.memory_space<vmem>>
      %dma_wait3A_249 = tpu.memref_squeeze %dma_wait3A_248 : memref<1x80x128xf32, #tpu.memory_space<vmem>> -> memref<80x128xf32, #tpu.memory_space<vmem>>
      %dma_wait3A_250 = arith.constant 0 : i32
      %dma_wait3A_251 = tpu.memref_slice %arg5[%add3A_12, %dma_wait3A_250] : memref<10240x128xf32, #tpu.memory_space<vmem_shared>> -> memref<80x128xf32, #tpu.memory_space<vmem_shared>>
      %dma_wait3A_252 = arith.constant 0 : i32
      %dma_wait3A_253 = tpu.memref_slice %arg5[%add3A_12, %dma_wait3A_252] : memref<10240x128xf32, #tpu.memory_space<vmem_shared>> -> memref<80x128xf32, #tpu.memory_space<vmem_shared>>
      %dma_wait3A_254 = arith.constant 0 : i32
      %dma_wait3A_255 = arith.constant 0 : i32
      %dma_wait3A_256 = tpu.memref_slice %arg8[%run_scoped3A, %dma_wait3A_254, %dma_wait3A_255] : memref<4x80x128xf32, #tpu.memory_space<vmem>> -> memref<1x80x128xf32, #tpu.memory_space<vmem>>
      %dma_wait3A_257 = tpu.memref_squeeze %dma_wait3A_256 : memref<1x80x128xf32, #tpu.memory_space<vmem>> -> memref<80x128xf32, #tpu.memory_space<vmem>>
      tpu.wait_dma2 semaphore(%run_scoped3A_233 : memref<!tpu.dma_semaphore, #tpu.memory_space<semaphore_mem>>) src(%dma_wait3A_257 : memref<80x128xf32, #tpu.memory_space<vmem>>) dst(%dma_wait3A_253 : memref<80x128xf32, #tpu.memory_space<vmem_shared>>)
      tpu.yield
    }) : () -> ()
    %mul3A_13 = arith.constant 640 : i32
    %mul3A_14 = arith.muli %arg1, %mul3A_13 : i32
    %add3A_15 = arith.constant 80 : i32
    %add3A_16 = arith.addi %mul3A_14, %add3A_15 : i32
    %run_scoped3A_17 = arith.constant 0 : i32
    "tpu.region"() ({
      %run_scoped3A_233 = tpu.sem_alloc : memref<!tpu.dma_semaphore, #tpu.memory_space<semaphore_mem>>
      %dma_start3A_234 = arith.constant 0 : i32
      %dma_start3A_235 = arith.constant 0 : i32
      %dma_start3A_236 = tpu.memref_slice %arg8[%run_scoped3A_17, %dma_start3A_234, %dma_start3A_235] : memref<4x80x128xf32, #tpu.memory_space<vmem>> -> memref<1x80x128xf32, #tpu.memory_space<vmem>>
      %dma_start3A_237 = tpu.memref_squeeze %dma_start3A_236 : memref<1x80x128xf32, #tpu.memory_space<vmem>> -> memref<80x128xf32, #tpu.memory_space<vmem>>
      %dma_start3A_238 = arith.constant 0 : i32
      %dma_start3A_239 = tpu.memref_slice %arg5[%add3A_16, %dma_start3A_238] : memref<10240x128xf32, #tpu.memory_space<vmem_shared>> -> memref<80x128xf32, #tpu.memory_space<vmem_shared>>
      %dma_start3A_240 = arith.constant 0 : i32
      %dma_start3A_241 = tpu.memref_slice %arg5[%add3A_16, %dma_start3A_240] : memref<10240x128xf32, #tpu.memory_space<vmem_shared>> -> memref<80x128xf32, #tpu.memory_space<vmem_shared>>
      %dma_start3A_242 = arith.constant 0 : i32
      %dma_start3A_243 = arith.constant 0 : i32
      %dma_start3A_244 = tpu.memref_slice %arg8[%run_scoped3A_17, %dma_start3A_242, %dma_start3A_243] : memref<4x80x128xf32, #tpu.memory_space<vmem>> -> memref<1x80x128xf32, #tpu.memory_space<vmem>>
      %dma_start3A_245 = tpu.memref_squeeze %dma_start3A_244 : memref<1x80x128xf32, #tpu.memory_space<vmem>> -> memref<80x128xf32, #tpu.memory_space<vmem>>
      tpu.enqueue_dma source(%dma_start3A_245 : memref<80x128xf32, #tpu.memory_space<vmem>>) target(%dma_start3A_241 : memref<80x128xf32, #tpu.memory_space<vmem_shared>>) target_semaphore(%run_scoped3A_233 : memref<!tpu.dma_semaphore, #tpu.memory_space<semaphore_mem>>)
      %dma_wait3A_246 = arith.constant 0 : i32
      %dma_wait3A_247 = arith.constant 0 : i32
      %dma_wait3A_248 = tpu.memref_slice %arg8[%run_scoped3A_17, %dma_wait3A_246, %dma_wait3A_247] : memref<4x80x128xf32, #tpu.memory_space<vmem>> -> memref<1x80x128xf32, #tpu.memory_space<vmem>>
      %dma_wait3A_249 = tpu.memref_squeeze %dma_wait3A_248 : memref<1x80x128xf32, #tpu.memory_space<vmem>> -> memref<80x128xf32, #tpu.memory_space<vmem>>
      %dma_wait3A_250 = arith.constant 0 : i32
      %dma_wait3A_251 = tpu.memref_slice %arg5[%add3A_16, %dma_wait3A_250] : memref<10240x128xf32, #tpu.memory_space<vmem_shared>> -> memref<80x128xf32, #tpu.memory_space<vmem_shared>>
      %dma_wait3A_252 = arith.constant 0 : i32
      %dma_wait3A_253 = tpu.memref_slice %arg5[%add3A_16, %dma_wait3A_252] : memref<10240x128xf32, #tpu.memory_space<vmem_shared>> -> memref<80x128xf32, #tpu.memory_space<vmem_shared>>
      %dma_wait3A_254 = arith.constant 0 : i32
      %dma_wait3A_255 = arith.constant 0 : i32
      %dma_wait3A_256 = tpu.memref_slice %arg8[%run_scoped3A_17, %dma_wait3A_254, %dma_wait3A_255] : memref<4x80x128xf32, #tpu.memory_space<vmem>> -> memref<1x80x128xf32, #tpu.memory_space<vmem>>
      %dma_wait3A_257 = tpu.memref_squeeze %dma_wait3A_256 : memref<1x80x128xf32, #tpu.memory_space<vmem>> -> memref<80x128xf32, #tpu.memory_space<vmem>>
      tpu.wait_dma2 semaphore(%run_scoped3A_233 : memref<!tpu.dma_semaphore, #tpu.memory_space<semaphore_mem>>) src(%dma_wait3A_257 : memref<80x128xf32, #tpu.memory_space<vmem>>) dst(%dma_wait3A_253 : memref<80x128xf32, #tpu.memory_space<vmem_shared>>)
      tpu.yield
    }) : () -> ()
    %mul3A_18 = arith.constant 640 : i32
    %mul3A_19 = arith.muli %arg1, %mul3A_18 : i32
    %add3A_20 = arith.constant 160 : i32
    %add3A_21 = arith.addi %mul3A_19, %add3A_20 : i32
    %run_scoped3A_22 = arith.constant 0 : i32
    "tpu.region"() ({
      %run_scoped3A_233 = tpu.sem_alloc : memref<!tpu.dma_semaphore, #tpu.memory_space<semaphore_mem>>
      %dma_start3A_234 = arith.constant 0 : i32
      %dma_start3A_235 = arith.constant 0 : i32
      %dma_start3A_236 = tpu.memref_slice %arg8[%run_scoped3A_22, %dma_start3A_234, %dma_start3A_235] : memref<4x80x128xf32, #tpu.memory_space<vmem>> -> memref<1x80x128xf32, #tpu.memory_space<vmem>>
      %dma_start3A_237 = tpu.memref_squeeze %dma_start3A_236 : memref<1x80x128xf32, #tpu.memory_space<vmem>> -> memref<80x128xf32, #tpu.memory_space<vmem>>
      %dma_start3A_238 = arith.constant 0 : i32
      %dma_start3A_239 = tpu.memref_slice %arg5[%add3A_21, %dma_start3A_238] : memref<10240x128xf32, #tpu.memory_space<vmem_shared>> -> memref<80x128xf32, #tpu.memory_space<vmem_shared>>
      %dma_start3A_240 = arith.constant 0 : i32
      %dma_start3A_241 = tpu.memref_slice %arg5[%add3A_21, %dma_start3A_240] : memref<10240x128xf32, #tpu.memory_space<vmem_shared>> -> memref<80x128xf32, #tpu.memory_space<vmem_shared>>
      %dma_start3A_242 = arith.constant 0 : i32
      %dma_start3A_243 = arith.constant 0 : i32
      %dma_start3A_244 = tpu.memref_slice %arg8[%run_scoped3A_22, %dma_start3A_242, %dma_start3A_243] : memref<4x80x128xf32, #tpu.memory_space<vmem>> -> memref<1x80x128xf32, #tpu.memory_space<vmem>>
      %dma_start3A_245 = tpu.memref_squeeze %dma_start3A_244 : memref<1x80x128xf32, #tpu.memory_space<vmem>> -> memref<80x128xf32, #tpu.memory_space<vmem>>
      tpu.enqueue_dma source(%dma_start3A_245 : memref<80x128xf32, #tpu.memory_space<vmem>>) target(%dma_start3A_241 : memref<80x128xf32, #tpu.memory_space<vmem_shared>>) target_semaphore(%run_scoped3A_233 : memref<!tpu.dma_semaphore, #tpu.memory_space<semaphore_mem>>)
      %dma_wait3A_246 = arith.constant 0 : i32
      %dma_wait3A_247 = arith.constant 0 : i32
      %dma_wait3A_248 = tpu.memref_slice %arg8[%run_scoped3A_22, %dma_wait3A_246, %dma_wait3A_247] : memref<4x80x128xf32, #tpu.memory_space<vmem>> -> memref<1x80x128xf32, #tpu.memory_space<vmem>>
      %dma_wait3A_249 = tpu.memref_squeeze %dma_wait3A_248 : memref<1x80x128xf32, #tpu.memory_space<vmem>> -> memref<80x128xf32, #tpu.memory_space<vmem>>
      %dma_wait3A_250 = arith.constant 0 : i32
      %dma_wait3A_251 = tpu.memref_slice %arg5[%add3A_21, %dma_wait3A_250] : memref<10240x128xf32, #tpu.memory_space<vmem_shared>> -> memref<80x128xf32, #tpu.memory_space<vmem_shared>>
      %dma_wait3A_252 = arith.constant 0 : i32
      %dma_wait3A_253 = tpu.memref_slice %arg5[%add3A_21, %dma_wait3A_252] : memref<10240x128xf32, #tpu.memory_space<vmem_shared>> -> memref<80x128xf32, #tpu.memory_space<vmem_shared>>
      %dma_wait3A_254 = arith.constant 0 : i32
      %dma_wait3A_255 = arith.constant 0 : i32
      %dma_wait3A_256 = tpu.memref_slice %arg8[%run_scoped3A_22, %dma_wait3A_254, %dma_wait3A_255] : memref<4x80x128xf32, #tpu.memory_space<vmem>> -> memref<1x80x128xf32, #tpu.memory_space<vmem>>
      %dma_wait3A_257 = tpu.memref_squeeze %dma_wait3A_256 : memref<1x80x128xf32, #tpu.memory_space<vmem>> -> memref<80x128xf32, #tpu.memory_space<vmem>>
      tpu.wait_dma2 semaphore(%run_scoped3A_233 : memref<!tpu.dma_semaphore, #tpu.memory_space<semaphore_mem>>) src(%dma_wait3A_257 : memref<80x128xf32, #tpu.memory_space<vmem>>) dst(%dma_wait3A_253 : memref<80x128xf32, #tpu.memory_space<vmem_shared>>)
      tpu.yield
    }) : () -> ()
    %mul3A_23 = arith.constant 640 : i32
    %mul3A_24 = arith.muli %arg1, %mul3A_23 : i32
    %add3A_25 = arith.constant 240 : i32
    %add3A_26 = arith.addi %mul3A_24, %add3A_25 : i32
    %run_scoped3A_27 = arith.constant 0 : i32
    "tpu.region"() ({
      %run_scoped3A_233 = tpu.sem_alloc : memref<!tpu.dma_semaphore, #tpu.memory_space<semaphore_mem>>
      %dma_start3A_234 = arith.constant 0 : i32
      %dma_start3A_235 = arith.constant 0 : i32
      %dma_start3A_236 = tpu.memref_slice %arg8[%run_scoped3A_27, %dma_start3A_234, %dma_start3A_235] : memref<4x80x128xf32, #tpu.memory_space<vmem>> -> memref<1x80x128xf32, #tpu.memory_space<vmem>>
      %dma_start3A_237 = tpu.memref_squeeze %dma_start3A_236 : memref<1x80x128xf32, #tpu.memory_space<vmem>> -> memref<80x128xf32, #tpu.memory_space<vmem>>
      %dma_start3A_238 = arith.constant 0 : i32
      %dma_start3A_239 = tpu.memref_slice %arg5[%add3A_26, %dma_start3A_238] : memref<10240x128xf32, #tpu.memory_space<vmem_shared>> -> memref<80x128xf32, #tpu.memory_space<vmem_shared>>
      %dma_start3A_240 = arith.constant 0 : i32
      %dma_start3A_241 = tpu.memref_slice %arg5[%add3A_26, %dma_start3A_240] : memref<10240x128xf32, #tpu.memory_space<vmem_shared>> -> memref<80x128xf32, #tpu.memory_space<vmem_shared>>
      %dma_start3A_242 = arith.constant 0 : i32
      %dma_start3A_243 = arith.constant 0 : i32
      %dma_start3A_244 = tpu.memref_slice %arg8[%run_scoped3A_27, %dma_start3A_242, %dma_start3A_243] : memref<4x80x128xf32, #tpu.memory_space<vmem>> -> memref<1x80x128xf32, #tpu.memory_space<vmem>>
      %dma_start3A_245 = tpu.memref_squeeze %dma_start3A_244 : memref<1x80x128xf32, #tpu.memory_space<vmem>> -> memref<80x128xf32, #tpu.memory_space<vmem>>
      tpu.enqueue_dma source(%dma_start3A_245 : memref<80x128xf32, #tpu.memory_space<vmem>>) target(%dma_start3A_241 : memref<80x128xf32, #tpu.memory_space<vmem_shared>>) target_semaphore(%run_scoped3A_233 : memref<!tpu.dma_semaphore, #tpu.memory_space<semaphore_mem>>)
      %dma_wait3A_246 = arith.constant 0 : i32
      %dma_wait3A_247 = arith.constant 0 : i32
      %dma_wait3A_248 = tpu.memref_slice %arg8[%run_scoped3A_27, %dma_wait3A_246, %dma_wait3A_247] : memref<4x80x128xf32, #tpu.memory_space<vmem>> -> memref<1x80x128xf32, #tpu.memory_space<vmem>>
      %dma_wait3A_249 = tpu.memref_squeeze %dma_wait3A_248 : memref<1x80x128xf32, #tpu.memory_space<vmem>> -> memref<80x128xf32, #tpu.memory_space<vmem>>
      %dma_wait3A_250 = arith.constant 0 : i32
      %dma_wait3A_251 = tpu.memref_slice %arg5[%add3A_26, %dma_wait3A_250] : memref<10240x128xf32, #tpu.memory_space<vmem_shared>> -> memref<80x128xf32, #tpu.memory_space<vmem_shared>>
      %dma_wait3A_252 = arith.constant 0 : i32
      %dma_wait3A_253 = tpu.memref_slice %arg5[%add3A_26, %dma_wait3A_252] : memref<10240x128xf32, #tpu.memory_space<vmem_shared>> -> memref<80x128xf32, #tpu.memory_space<vmem_shared>>
      %dma_wait3A_254 = arith.constant 0 : i32
      %dma_wait3A_255 = arith.constant 0 : i32
      %dma_wait3A_256 = tpu.memref_slice %arg8[%run_scoped3A_27, %dma_wait3A_254, %dma_wait3A_255] : memref<4x80x128xf32, #tpu.memory_space<vmem>> -> memref<1x80x128xf32, #tpu.memory_space<vmem>>
      %dma_wait3A_257 = tpu.memref_squeeze %dma_wait3A_256 : memref<1x80x128xf32, #tpu.memory_space<vmem>> -> memref<80x128xf32, #tpu.memory_space<vmem>>
      tpu.wait_dma2 semaphore(%run_scoped3A_233 : memref<!tpu.dma_semaphore, #tpu.memory_space<semaphore_mem>>) src(%dma_wait3A_257 : memref<80x128xf32, #tpu.memory_space<vmem>>) dst(%dma_wait3A_253 : memref<80x128xf32, #tpu.memory_space<vmem_shared>>)
      tpu.yield
    }) : () -> ()
    %mul3A_28 = arith.constant 640 : i32
    %mul3A_29 = arith.muli %arg1, %mul3A_28 : i32
    %add3A_30 = arith.constant 320 : i32
    %add3A_31 = arith.addi %mul3A_29, %add3A_30 : i32
    %run_scoped3A_32 = arith.constant 0 : i32
    "tpu.region"() ({
      %run_scoped3A_233 = tpu.sem_alloc : memref<!tpu.dma_semaphore, #tpu.memory_space<semaphore_mem>>
      %dma_start3A_234 = arith.constant 0 : i32
      %dma_start3A_235 = arith.constant 0 : i32
      %dma_start3A_236 = tpu.memref_slice %arg8[%run_scoped3A_32, %dma_start3A_234, %dma_start3A_235] : memref<4x80x128xf32, #tpu.memory_space<vmem>> -> memref<1x80x128xf32, #tpu.memory_space<vmem>>
      %dma_start3A_237 = tpu.memref_squeeze %dma_start3A_236 : memref<1x80x128xf32, #tpu.memory_space<vmem>> -> memref<80x128xf32, #tpu.memory_space<vmem>>
      %dma_start3A_238 = arith.constant 0 : i32
      %dma_start3A_239 = tpu.memref_slice %arg5[%add3A_31, %dma_start3A_238] : memref<10240x128xf32, #tpu.memory_space<vmem_shared>> -> memref<80x128xf32, #tpu.memory_space<vmem_shared>>
      %dma_start3A_240 = arith.constant 0 : i32
      %dma_start3A_241 = tpu.memref_slice %arg5[%add3A_31, %dma_start3A_240] : memref<10240x128xf32, #tpu.memory_space<vmem_shared>> -> memref<80x128xf32, #tpu.memory_space<vmem_shared>>
      %dma_start3A_242 = arith.constant 0 : i32
      %dma_start3A_243 = arith.constant 0 : i32
      %dma_start3A_244 = tpu.memref_slice %arg8[%run_scoped3A_32, %dma_start3A_242, %dma_start3A_243] : memref<4x80x128xf32, #tpu.memory_space<vmem>> -> memref<1x80x128xf32, #tpu.memory_space<vmem>>
      %dma_start3A_245 = tpu.memref_squeeze %dma_start3A_244 : memref<1x80x128xf32, #tpu.memory_space<vmem>> -> memref<80x128xf32, #tpu.memory_space<vmem>>
      tpu.enqueue_dma source(%dma_start3A_245 : memref<80x128xf32, #tpu.memory_space<vmem>>) target(%dma_start3A_241 : memref<80x128xf32, #tpu.memory_space<vmem_shared>>) target_semaphore(%run_scoped3A_233 : memref<!tpu.dma_semaphore, #tpu.memory_space<semaphore_mem>>)
      %dma_wait3A_246 = arith.constant 0 : i32
      %dma_wait3A_247 = arith.constant 0 : i32
      %dma_wait3A_248 = tpu.memref_slice %arg8[%run_scoped3A_32, %dma_wait3A_246, %dma_wait3A_247] : memref<4x80x128xf32, #tpu.memory_space<vmem>> -> memref<1x80x128xf32, #tpu.memory_space<vmem>>
      %dma_wait3A_249 = tpu.memref_squeeze %dma_wait3A_248 : memref<1x80x128xf32, #tpu.memory_space<vmem>> -> memref<80x128xf32, #tpu.memory_space<vmem>>
      %dma_wait3A_250 = arith.constant 0 : i32
      %dma_wait3A_251 = tpu.memref_slice %arg5[%add3A_31, %dma_wait3A_250] : memref<10240x128xf32, #tpu.memory_space<vmem_shared>> -> memref<80x128xf32, #tpu.memory_space<vmem_shared>>
      %dma_wait3A_252 = arith.constant 0 : i32
      %dma_wait3A_253 = tpu.memref_slice %arg5[%add3A_31, %dma_wait3A_252] : memref<10240x128xf32, #tpu.memory_space<vmem_shared>> -> memref<80x128xf32, #tpu.memory_space<vmem_shared>>
      %dma_wait3A_254 = arith.constant 0 : i32
      %dma_wait3A_255 = arith.constant 0 : i32
      %dma_wait3A_256 = tpu.memref_slice %arg8[%run_scoped3A_32, %dma_wait3A_254, %dma_wait3A_255] : memref<4x80x128xf32, #tpu.memory_space<vmem>> -> memref<1x80x128xf32, #tpu.memory_space<vmem>>
      %dma_wait3A_257 = tpu.memref_squeeze %dma_wait3A_256 : memref<1x80x128xf32, #tpu.memory_space<vmem>> -> memref<80x128xf32, #tpu.memory_space<vmem>>
      tpu.wait_dma2 semaphore(%run_scoped3A_233 : memref<!tpu.dma_semaphore, #tpu.memory_space<semaphore_mem>>) src(%dma_wait3A_257 : memref<80x128xf32, #tpu.memory_space<vmem>>) dst(%dma_wait3A_253 : memref<80x128xf32, #tpu.memory_space<vmem_shared>>)
      tpu.yield
    }) : () -> ()
    %mul3A_33 = arith.constant 640 : i32
    %mul3A_34 = arith.muli %arg1, %mul3A_33 : i32
    %add3A_35 = arith.constant 400 : i32
    %add3A_36 = arith.addi %mul3A_34, %add3A_35 : i32
    %run_scoped3A_37 = arith.constant 0 : i32
    "tpu.region"() ({
      %run_scoped3A_233 = tpu.sem_alloc : memref<!tpu.dma_semaphore, #tpu.memory_space<semaphore_mem>>
      %dma_start3A_234 = arith.constant 0 : i32
      %dma_start3A_235 = arith.constant 0 : i32
      %dma_start3A_236 = tpu.memref_slice %arg8[%run_scoped3A_37, %dma_start3A_234, %dma_start3A_235] : memref<4x80x128xf32, #tpu.memory_space<vmem>> -> memref<1x80x128xf32, #tpu.memory_space<vmem>>
      %dma_start3A_237 = tpu.memref_squeeze %dma_start3A_236 : memref<1x80x128xf32, #tpu.memory_space<vmem>> -> memref<80x128xf32, #tpu.memory_space<vmem>>
      %dma_start3A_238 = arith.constant 0 : i32
      %dma_start3A_239 = tpu.memref_slice %arg5[%add3A_36, %dma_start3A_238] : memref<10240x128xf32, #tpu.memory_space<vmem_shared>> -> memref<80x128xf32, #tpu.memory_space<vmem_shared>>
      %dma_start3A_240 = arith.constant 0 : i32
      %dma_start3A_241 = tpu.memref_slice %arg5[%add3A_36, %dma_start3A_240] : memref<10240x128xf32, #tpu.memory_space<vmem_shared>> -> memref<80x128xf32, #tpu.memory_space<vmem_shared>>
      %dma_start3A_242 = arith.constant 0 : i32
      %dma_start3A_243 = arith.constant 0 : i32
      %dma_start3A_244 = tpu.memref_slice %arg8[%run_scoped3A_37, %dma_start3A_242, %dma_start3A_243] : memref<4x80x128xf32, #tpu.memory_space<vmem>> -> memref<1x80x128xf32, #tpu.memory_space<vmem>>
      %dma_start3A_245 = tpu.memref_squeeze %dma_start3A_244 : memref<1x80x128xf32, #tpu.memory_space<vmem>> -> memref<80x128xf32, #tpu.memory_space<vmem>>
      tpu.enqueue_dma source(%dma_start3A_245 : memref<80x128xf32, #tpu.memory_space<vmem>>) target(%dma_start3A_241 : memref<80x128xf32, #tpu.memory_space<vmem_shared>>) target_semaphore(%run_scoped3A_233 : memref<!tpu.dma_semaphore, #tpu.memory_space<semaphore_mem>>)
      %dma_wait3A_246 = arith.constant 0 : i32
      %dma_wait3A_247 = arith.constant 0 : i32
      %dma_wait3A_248 = tpu.memref_slice %arg8[%run_scoped3A_37, %dma_wait3A_246, %dma_wait3A_247] : memref<4x80x128xf32, #tpu.memory_space<vmem>> -> memref<1x80x128xf32, #tpu.memory_space<vmem>>
      %dma_wait3A_249 = tpu.memref_squeeze %dma_wait3A_248 : memref<1x80x128xf32, #tpu.memory_space<vmem>> -> memref<80x128xf32, #tpu.memory_space<vmem>>
      %dma_wait3A_250 = arith.constant 0 : i32
      %dma_wait3A_251 = tpu.memref_slice %arg5[%add3A_36, %dma_wait3A_250] : memref<10240x128xf32, #tpu.memory_space<vmem_shared>> -> memref<80x128xf32, #tpu.memory_space<vmem_shared>>
      %dma_wait3A_252 = arith.constant 0 : i32
      %dma_wait3A_253 = tpu.memref_slice %arg5[%add3A_36, %dma_wait3A_252] : memref<10240x128xf32, #tpu.memory_space<vmem_shared>> -> memref<80x128xf32, #tpu.memory_space<vmem_shared>>
      %dma_wait3A_254 = arith.constant 0 : i32
      %dma_wait3A_255 = arith.constant 0 : i32
      %dma_wait3A_256 = tpu.memref_slice %arg8[%run_scoped3A_37, %dma_wait3A_254, %dma_wait3A_255] : memref<4x80x128xf32, #tpu.memory_space<vmem>> -> memref<1x80x128xf32, #tpu.memory_space<vmem>>
      %dma_wait3A_257 = tpu.memref_squeeze %dma_wait3A_256 : memref<1x80x128xf32, #tpu.memory_space<vmem>> -> memref<80x128xf32, #tpu.memory_space<vmem>>
      tpu.wait_dma2 semaphore(%run_scoped3A_233 : memref<!tpu.dma_semaphore, #tpu.memory_space<semaphore_mem>>) src(%dma_wait3A_257 : memref<80x128xf32, #tpu.memory_space<vmem>>) dst(%dma_wait3A_253 : memref<80x128xf32, #tpu.memory_space<vmem_shared>>)
      tpu.yield
    }) : () -> ()
    %mul3A_38 = arith.constant 640 : i32
    %mul3A_39 = arith.muli %arg1, %mul3A_38 : i32
    %add3A_40 = arith.constant 480 : i32
    %add3A_41 = arith.addi %mul3A_39, %add3A_40 : i32
    %run_scoped3A_42 = arith.constant 0 : i32
    "tpu.region"() ({
      %run_scoped3A_233 = tpu.sem_alloc : memref<!tpu.dma_semaphore, #tpu.memory_space<semaphore_mem>>
      %dma_start3A_234 = arith.constant 0 : i32
      %dma_start3A_235 = arith.constant 0 : i32
      %dma_start3A_236 = tpu.memref_slice %arg8[%run_scoped3A_42, %dma_start3A_234, %dma_start3A_235] : memref<4x80x128xf32, #tpu.memory_space<vmem>> -> memref<1x80x128xf32, #tpu.memory_space<vmem>>
      %dma_start3A_237 = tpu.memref_squeeze %dma_start3A_236 : memref<1x80x128xf32, #tpu.memory_space<vmem>> -> memref<80x128xf32, #tpu.memory_space<vmem>>
      %dma_start3A_238 = arith.constant 0 : i32
      %dma_start3A_239 = tpu.memref_slice %arg5[%add3A_41, %dma_start3A_238] : memref<10240x128xf32, #tpu.memory_space<vmem_shared>> -> memref<80x128xf32, #tpu.memory_space<vmem_shared>>
      %dma_start3A_240 = arith.constant 0 : i32
      %dma_start3A_241 = tpu.memref_slice %arg5[%add3A_41, %dma_start3A_240] : memref<10240x128xf32, #tpu.memory_space<vmem_shared>> -> memref<80x128xf32, #tpu.memory_space<vmem_shared>>
      %dma_start3A_242 = arith.constant 0 : i32
      %dma_start3A_243 = arith.constant 0 : i32
      %dma_start3A_244 = tpu.memref_slice %arg8[%run_scoped3A_42, %dma_start3A_242, %dma_start3A_243] : memref<4x80x128xf32, #tpu.memory_space<vmem>> -> memref<1x80x128xf32, #tpu.memory_space<vmem>>
      %dma_start3A_245 = tpu.memref_squeeze %dma_start3A_244 : memref<1x80x128xf32, #tpu.memory_space<vmem>> -> memref<80x128xf32, #tpu.memory_space<vmem>>
      tpu.enqueue_dma source(%dma_start3A_245 : memref<80x128xf32, #tpu.memory_space<vmem>>) target(%dma_start3A_241 : memref<80x128xf32, #tpu.memory_space<vmem_shared>>) target_semaphore(%run_scoped3A_233 : memref<!tpu.dma_semaphore, #tpu.memory_space<semaphore_mem>>)
      %dma_wait3A_246 = arith.constant 0 : i32
      %dma_wait3A_247 = arith.constant 0 : i32
      %dma_wait3A_248 = tpu.memref_slice %arg8[%run_scoped3A_42, %dma_wait3A_246, %dma_wait3A_247] : memref<4x80x128xf32, #tpu.memory_space<vmem>> -> memref<1x80x128xf32, #tpu.memory_space<vmem>>
      %dma_wait3A_249 = tpu.memref_squeeze %dma_wait3A_248 : memref<1x80x128xf32, #tpu.memory_space<vmem>> -> memref<80x128xf32, #tpu.memory_space<vmem>>
      %dma_wait3A_250 = arith.constant 0 : i32
      %dma_wait3A_251 = tpu.memref_slice %arg5[%add3A_41, %dma_wait3A_250] : memref<10240x128xf32, #tpu.memory_space<vmem_shared>> -> memref<80x128xf32, #tpu.memory_space<vmem_shared>>
      %dma_wait3A_252 = arith.constant 0 : i32
      %dma_wait3A_253 = tpu.memref_slice %arg5[%add3A_41, %dma_wait3A_252] : memref<10240x128xf32, #tpu.memory_space<vmem_shared>> -> memref<80x128xf32, #tpu.memory_space<vmem_shared>>
      %dma_wait3A_254 = arith.constant 0 : i32
      %dma_wait3A_255 = arith.constant 0 : i32
      %dma_wait3A_256 = tpu.memref_slice %arg8[%run_scoped3A_42, %dma_wait3A_254, %dma_wait3A_255] : memref<4x80x128xf32, #tpu.memory_space<vmem>> -> memref<1x80x128xf32, #tpu.memory_space<vmem>>
      %dma_wait3A_257 = tpu.memref_squeeze %dma_wait3A_256 : memref<1x80x128xf32, #tpu.memory_space<vmem>> -> memref<80x128xf32, #tpu.memory_space<vmem>>
      tpu.wait_dma2 semaphore(%run_scoped3A_233 : memref<!tpu.dma_semaphore, #tpu.memory_space<semaphore_mem>>) src(%dma_wait3A_257 : memref<80x128xf32, #tpu.memory_space<vmem>>) dst(%dma_wait3A_253 : memref<80x128xf32, #tpu.memory_space<vmem_shared>>)
      tpu.yield
    }) : () -> ()
    %mul3A_43 = arith.constant 640 : i32
    %mul3A_44 = arith.muli %arg1, %mul3A_43 : i32
    %add3A_45 = arith.constant 560 : i32
    %add3A_46 = arith.addi %mul3A_44, %add3A_45 : i32
    %run_scoped3A_47 = arith.constant 0 : i32
    "tpu.region"() ({
      %run_scoped3A_233 = tpu.sem_alloc : memref<!tpu.dma_semaphore, #tpu.memory_space<semaphore_mem>>
      %dma_start3A_234 = arith.constant 0 : i32
      %dma_start3A_235 = arith.constant 0 : i32
      %dma_start3A_236 = tpu.memref_slice %arg8[%run_scoped3A_47, %dma_start3A_234, %dma_start3A_235] : memref<4x80x128xf32, #tpu.memory_space<vmem>> -> memref<1x80x128xf32, #tpu.memory_space<vmem>>
      %dma_start3A_237 = tpu.memref_squeeze %dma_start3A_236 : memref<1x80x128xf32, #tpu.memory_space<vmem>> -> memref<80x128xf32, #tpu.memory_space<vmem>>
      %dma_start3A_238 = arith.constant 0 : i32
      %dma_start3A_239 = tpu.memref_slice %arg5[%add3A_46, %dma_start3A_238] : memref<10240x128xf32, #tpu.memory_space<vmem_shared>> -> memref<80x128xf32, #tpu.memory_space<vmem_shared>>
      %dma_start3A_240 = arith.constant 0 : i32
      %dma_start3A_241 = tpu.memref_slice %arg5[%add3A_46, %dma_start3A_240] : memref<10240x128xf32, #tpu.memory_space<vmem_shared>> -> memref<80x128xf32, #tpu.memory_space<vmem_shared>>
      %dma_start3A_242 = arith.constant 0 : i32
      %dma_start3A_243 = arith.constant 0 : i32
      %dma_start3A_244 = tpu.memref_slice %arg8[%run_scoped3A_47, %dma_start3A_242, %dma_start3A_243] : memref<4x80x128xf32, #tpu.memory_space<vmem>> -> memref<1x80x128xf32, #tpu.memory_space<vmem>>
      %dma_start3A_245 = tpu.memref_squeeze %dma_start3A_244 : memref<1x80x128xf32, #tpu.memory_space<vmem>> -> memref<80x128xf32, #tpu.memory_space<vmem>>
      tpu.enqueue_dma source(%dma_start3A_245 : memref<80x128xf32, #tpu.memory_space<vmem>>) target(%dma_start3A_241 : memref<80x128xf32, #tpu.memory_space<vmem_shared>>) target_semaphore(%run_scoped3A_233 : memref<!tpu.dma_semaphore, #tpu.memory_space<semaphore_mem>>)
      %dma_wait3A_246 = arith.constant 0 : i32
      %dma_wait3A_247 = arith.constant 0 : i32
      %dma_wait3A_248 = tpu.memref_slice %arg8[%run_scoped3A_47, %dma_wait3A_246, %dma_wait3A_247] : memref<4x80x128xf32, #tpu.memory_space<vmem>> -> memref<1x80x128xf32, #tpu.memory_space<vmem>>
      %dma_wait3A_249 = tpu.memref_squeeze %dma_wait3A_248 : memref<1x80x128xf32, #tpu.memory_space<vmem>> -> memref<80x128xf32, #tpu.memory_space<vmem>>
      %dma_wait3A_250 = arith.constant 0 : i32
      %dma_wait3A_251 = tpu.memref_slice %arg5[%add3A_46, %dma_wait3A_250] : memref<10240x128xf32, #tpu.memory_space<vmem_shared>> -> memref<80x128xf32, #tpu.memory_space<vmem_shared>>
      %dma_wait3A_252 = arith.constant 0 : i32
      %dma_wait3A_253 = tpu.memref_slice %arg5[%add3A_46, %dma_wait3A_252] : memref<10240x128xf32, #tpu.memory_space<vmem_shared>> -> memref<80x128xf32, #tpu.memory_space<vmem_shared>>
      %dma_wait3A_254 = arith.constant 0 : i32
      %dma_wait3A_255 = arith.constant 0 : i32
      %dma_wait3A_256 = tpu.memref_slice %arg8[%run_scoped3A_47, %dma_wait3A_254, %dma_wait3A_255] : memref<4x80x128xf32, #tpu.memory_space<vmem>> -> memref<1x80x128xf32, #tpu.memory_space<vmem>>
      %dma_wait3A_257 = tpu.memref_squeeze %dma_wait3A_256 : memref<1x80x128xf32, #tpu.memory_space<vmem>> -> memref<80x128xf32, #tpu.memory_space<vmem>>
      tpu.wait_dma2 semaphore(%run_scoped3A_233 : memref<!tpu.dma_semaphore, #tpu.memory_space<semaphore_mem>>) src(%dma_wait3A_257 : memref<80x128xf32, #tpu.memory_space<vmem>>) dst(%dma_wait3A_253 : memref<80x128xf32, #tpu.memory_space<vmem_shared>>)
      tpu.yield
    }) : () -> ()
    %barrier3A = arith.constant 0 : index
    tpu.barrier barrier_id(%barrier3A)
    %scan3A_48 = arith.constant 0 : i32
    %scan3A_49 = arith.constant 0 : i32
    %scan3A_50 = arith.constant 31 : i32
    %scan3A_51 = arith.addi %scan3A_49, %scan3A_50 : i32
    %scan3A_52 = arith.constant 1 : i32
    scf.for %scan3A_233 = %scan3A_49 to %scan3A_51 step %scan3A_52  : i32 {
      %gt3A = arith.constant 0 : i32
      %gt3A_234 = arith.cmpi sgt, %scan3A_233, %gt3A : i32
      %convert_element_type3A = arith.extui %gt3A_234 : i1 to i32
      %cond3A = arith.constant 0 : i32
      %cond3A_235 = arith.cmpi ne, %convert_element_type3A, %cond3A : i32
      scf.if %cond3A_235 {
        %dma_wait3A_675 = arith.constant 0 : i32
        %dma_wait3A_676 = arith.constant 0 : i32
        %dma_wait3A_677 = arith.constant 0 : i32
        %dma_wait3A_678 = arith.constant 0 : i32
        %dma_wait3A_679 = arith.constant 0 : i32
        %dma_wait3A_680 = tpu.memref_slice %arg8[%dma_wait3A_675, %dma_wait3A_678, %dma_wait3A_679] : memref<4x80x128xf32, #tpu.memory_space<vmem>> -> memref<1x80x128xf32, #tpu.memory_space<vmem>>
        %dma_wait3A_681 = tpu.memref_squeeze %dma_wait3A_680 : memref<1x80x128xf32, #tpu.memory_space<vmem>> -> memref<80x128xf32, #tpu.memory_space<vmem>>
        %dma_wait3A_682 = arith.constant 0 : i32
        %dma_wait3A_683 = tpu.memref_slice %arg7[%dma_wait3A_676, %dma_wait3A_682] : memref<4x80xi32, #tpu.memory_space<vmem>> -> memref<1x80xi32, #tpu.memory_space<vmem>>
        %dma_wait3A_684 = tpu.memref_squeeze %dma_wait3A_683 : memref<1x80xi32, #tpu.memory_space<vmem>> -> memref<80xi32, #tpu.memory_space<vmem>>
        %dma_wait3A_685 = arith.constant 0 : i32
        %dma_wait3A_686 = arith.constant 0 : i32
        %dma_wait3A_687 = tpu.memref_slice %arg5[%dma_wait3A_685, %dma_wait3A_686] : memref<10240x128xf32, #tpu.memory_space<vmem_shared>> -> memref<10240x128xf32, #tpu.memory_space<vmem_shared>>
        %dma_wait3A_688 = tpu.memref_slice %arg12[%dma_wait3A_677] : memref<4x!tpu.dma_semaphore, #tpu.memory_space<semaphore_mem>> -> memref<1x!tpu.dma_semaphore, #tpu.memory_space<semaphore_mem>>
        %dma_wait3A_689 = tpu.memref_squeeze %dma_wait3A_688 : memref<1x!tpu.dma_semaphore, #tpu.memory_space<semaphore_mem>> -> memref<!tpu.dma_semaphore, #tpu.memory_space<semaphore_mem>>
        tpu.wait_indirect_dma semaphore(%dma_wait3A_689 : memref<!tpu.dma_semaphore, #tpu.memory_space<semaphore_mem>>) src(%dma_wait3A_681 : memref<80x128xf32, #tpu.memory_space<vmem>>) dst(%dma_wait3A_687 : memref<10240x128xf32, #tpu.memory_space<vmem_shared>>)
      } else {
      }
      %mul3A_236 = arith.constant 4 : i32
      %mul3A_237 = arith.muli %scan3A_233, %mul3A_236 : i32
      %add3A_238 = arith.constant 0 : i32
      %add3A_239 = arith.addi %mul3A_237, %add3A_238 : i32
      %mul3A_240 = arith.constant 80 : i32
      %mul3A_241 = arith.muli %add3A_239, %mul3A_240 : i32
      %add3A_242 = arith.addi %mul3A_2, %mul3A_241 : i32
      %dma_start3A_243 = arith.constant 0 : i32
      %dma_start3A_244 = arith.constant 0 : i32
      %dma_start3A_245 = arith.constant 0 : i32
      %dma_start3A_246 = tpu.memref_slice %arg6[%dma_start3A_243, %dma_start3A_245] : memref<4x80xi32, #tpu.memory_space<vmem>> -> memref<1x80xi32, #tpu.memory_space<vmem>>
      %dma_start3A_247 = tpu.memref_squeeze %dma_start3A_246 : memref<1x80xi32, #tpu.memory_space<vmem>> -> memref<80xi32, #tpu.memory_space<vmem>>
      %dma_start3A_248 = tpu.memref_slice %arg2[%add3A_242] : memref<640000xi32, #tpu.memory_space<hbm>> -> memref<80xi32, #tpu.memory_space<hbm>>
      %dma_start3A_249 = tpu.memref_slice %arg9[%dma_start3A_244] : memref<4x!tpu.dma_semaphore, #tpu.memory_space<semaphore_mem>> -> memref<1x!tpu.dma_semaphore, #tpu.memory_space<semaphore_mem>>
      %dma_start3A_250 = tpu.memref_squeeze %dma_start3A_249 : memref<1x!tpu.dma_semaphore, #tpu.memory_space<semaphore_mem>> -> memref<!tpu.dma_semaphore, #tpu.memory_space<semaphore_mem>>
      %dma_start3A_251 = arith.constant 0 : i32
      %dma_start3A_252 = tpu.memref_slice %arg6[%dma_start3A_243, %dma_start3A_251] : memref<4x80xi32, #tpu.memory_space<vmem>> -> memref<1x80xi32, #tpu.memory_space<vmem>>
      %dma_start3A_253 = tpu.memref_squeeze %dma_start3A_252 : memref<1x80xi32, #tpu.memory_space<vmem>> -> memref<80xi32, #tpu.memory_space<vmem>>
      %dma_start3A_254 = tpu.memref_slice %arg2[%add3A_242] : memref<640000xi32, #tpu.memory_space<hbm>> -> memref<80xi32, #tpu.memory_space<hbm>>
      tpu.enqueue_dma source(%dma_start3A_254 : memref<80xi32, #tpu.memory_space<hbm>>) target(%dma_start3A_253 : memref<80xi32, #tpu.memory_space<vmem>>) target_semaphore(%dma_start3A_250 : memref<!tpu.dma_semaphore, #tpu.memory_space<semaphore_mem>>)
      %add3A_255 = arith.constant 320000 : i32
      %add3A_256 = arith.addi %add3A_255, %add3A_242 : i32
      %dma_start3A_257 = arith.constant 0 : i32
      %dma_start3A_258 = arith.constant 0 : i32
      %dma_start3A_259 = arith.constant 0 : i32
      %dma_start3A_260 = tpu.memref_slice %arg7[%dma_start3A_257, %dma_start3A_259] : memref<4x80xi32, #tpu.memory_space<vmem>> -> memref<1x80xi32, #tpu.memory_space<vmem>>
      %dma_start3A_261 = tpu.memref_squeeze %dma_start3A_260 : memref<1x80xi32, #tpu.memory_space<vmem>> -> memref<80xi32, #tpu.memory_space<vmem>>
      %dma_start3A_262 = tpu.memref_slice %arg2[%add3A_256] : memref<640000xi32, #tpu.memory_space<hbm>> -> memref<80xi32, #tpu.memory_space<hbm>>
      %dma_start3A_263 = tpu.memref_slice %arg10[%dma_start3A_258] : memref<4x!tpu.dma_semaphore, #tpu.memory_space<semaphore_mem>> -> memref<1x!tpu.dma_semaphore, #tpu.memory_space<semaphore_mem>>
      %dma_start3A_264 = tpu.memref_squeeze %dma_start3A_263 : memref<1x!tpu.dma_semaphore, #tpu.memory_space<semaphore_mem>> -> memref<!tpu.dma_semaphore, #tpu.memory_space<semaphore_mem>>
      %dma_start3A_265 = arith.constant 0 : i32
      %dma_start3A_266 = tpu.memref_slice %arg7[%dma_start3A_257, %dma_start3A_265] : memref<4x80xi32, #tpu.memory_space<vmem>> -> memref<1x80xi32, #tpu.memory_space<vmem>>
      %dma_start3A_267 = tpu.memref_squeeze %dma_start3A_266 : memref<1x80xi32, #tpu.memory_space<vmem>> -> memref<80xi32, #tpu.memory_space<vmem>>
      %dma_start3A_268 = tpu.memref_slice %arg2[%add3A_256] : memref<640000xi32, #tpu.memory_space<hbm>> -> memref<80xi32, #tpu.memory_space<hbm>>
      tpu.enqueue_dma source(%dma_start3A_268 : memref<80xi32, #tpu.memory_space<hbm>>) target(%dma_start3A_267 : memref<80xi32, #tpu.memory_space<vmem>>) target_semaphore(%dma_start3A_264 : memref<!tpu.dma_semaphore, #tpu.memory_space<semaphore_mem>>)
      %gt3A_269 = arith.constant 0 : i32
      %gt3A_270 = arith.cmpi sgt, %scan3A_233, %gt3A_269 : i32
      %convert_element_type3A_271 = arith.extui %gt3A_270 : i1 to i32
      %cond3A_272 = arith.constant 0 : i32
      %cond3A_273 = arith.cmpi ne, %convert_element_type3A_271, %cond3A_272 : i32
      scf.if %cond3A_273 {
        %dma_wait3A_675 = arith.constant 1 : i32
        %dma_wait3A_676 = arith.constant 1 : i32
        %dma_wait3A_677 = arith.constant 1 : i32
        %dma_wait3A_678 = arith.constant 0 : i32
        %dma_wait3A_679 = arith.constant 0 : i32
        %dma_wait3A_680 = tpu.memref_slice %arg8[%dma_wait3A_675, %dma_wait3A_678, %dma_wait3A_679] : memref<4x80x128xf32, #tpu.memory_space<vmem>> -> memref<1x80x128xf32, #tpu.memory_space<vmem>>
        %dma_wait3A_681 = tpu.memref_squeeze %dma_wait3A_680 : memref<1x80x128xf32, #tpu.memory_space<vmem>> -> memref<80x128xf32, #tpu.memory_space<vmem>>
        %dma_wait3A_682 = arith.constant 0 : i32
        %dma_wait3A_683 = tpu.memref_slice %arg7[%dma_wait3A_676, %dma_wait3A_682] : memref<4x80xi32, #tpu.memory_space<vmem>> -> memref<1x80xi32, #tpu.memory_space<vmem>>
        %dma_wait3A_684 = tpu.memref_squeeze %dma_wait3A_683 : memref<1x80xi32, #tpu.memory_space<vmem>> -> memref<80xi32, #tpu.memory_space<vmem>>
        %dma_wait3A_685 = arith.constant 0 : i32
        %dma_wait3A_686 = arith.constant 0 : i32
        %dma_wait3A_687 = tpu.memref_slice %arg5[%dma_wait3A_685, %dma_wait3A_686] : memref<10240x128xf32, #tpu.memory_space<vmem_shared>> -> memref<10240x128xf32, #tpu.memory_space<vmem_shared>>
        %dma_wait3A_688 = tpu.memref_slice %arg12[%dma_wait3A_677] : memref<4x!tpu.dma_semaphore, #tpu.memory_space<semaphore_mem>> -> memref<1x!tpu.dma_semaphore, #tpu.memory_space<semaphore_mem>>
        %dma_wait3A_689 = tpu.memref_squeeze %dma_wait3A_688 : memref<1x!tpu.dma_semaphore, #tpu.memory_space<semaphore_mem>> -> memref<!tpu.dma_semaphore, #tpu.memory_space<semaphore_mem>>
        tpu.wait_indirect_dma semaphore(%dma_wait3A_689 : memref<!tpu.dma_semaphore, #tpu.memory_space<semaphore_mem>>) src(%dma_wait3A_681 : memref<80x128xf32, #tpu.memory_space<vmem>>) dst(%dma_wait3A_687 : memref<10240x128xf32, #tpu.memory_space<vmem_shared>>)
      } else {
      }
      %mul3A_274 = arith.constant 4 : i32
      %mul3A_275 = arith.muli %scan3A_233, %mul3A_274 : i32
      %add3A_276 = arith.constant 1 : i32
      %add3A_277 = arith.addi %mul3A_275, %add3A_276 : i32
      %mul3A_278 = arith.constant 80 : i32
      %mul3A_279 = arith.muli %add3A_277, %mul3A_278 : i32
      %add3A_280 = arith.addi %mul3A_2, %mul3A_279 : i32
      %dma_start3A_281 = arith.constant 1 : i32
      %dma_start3A_282 = arith.constant 1 : i32
      %dma_start3A_283 = arith.constant 0 : i32
      %dma_start3A_284 = tpu.memref_slice %arg6[%dma_start3A_281, %dma_start3A_283] : memref<4x80xi32, #tpu.memory_space<vmem>> -> memref<1x80xi32, #tpu.memory_space<vmem>>
      %dma_start3A_285 = tpu.memref_squeeze %dma_start3A_284 : memref<1x80xi32, #tpu.memory_space<vmem>> -> memref<80xi32, #tpu.memory_space<vmem>>
      %dma_start3A_286 = tpu.memref_slice %arg2[%add3A_280] : memref<640000xi32, #tpu.memory_space<hbm>> -> memref<80xi32, #tpu.memory_space<hbm>>
      %dma_start3A_287 = tpu.memref_slice %arg9[%dma_start3A_282] : memref<4x!tpu.dma_semaphore, #tpu.memory_space<semaphore_mem>> -> memref<1x!tpu.dma_semaphore, #tpu.memory_space<semaphore_mem>>
      %dma_start3A_288 = tpu.memref_squeeze %dma_start3A_287 : memref<1x!tpu.dma_semaphore, #tpu.memory_space<semaphore_mem>> -> memref<!tpu.dma_semaphore, #tpu.memory_space<semaphore_mem>>
      %dma_start3A_289 = arith.constant 0 : i32
      %dma_start3A_290 = tpu.memref_slice %arg6[%dma_start3A_281, %dma_start3A_289] : memref<4x80xi32, #tpu.memory_space<vmem>> -> memref<1x80xi32, #tpu.memory_space<vmem>>
      %dma_start3A_291 = tpu.memref_squeeze %dma_start3A_290 : memref<1x80xi32, #tpu.memory_space<vmem>> -> memref<80xi32, #tpu.memory_space<vmem>>
      %dma_start3A_292 = tpu.memref_slice %arg2[%add3A_280] : memref<640000xi32, #tpu.memory_space<hbm>> -> memref<80xi32, #tpu.memory_space<hbm>>
      tpu.enqueue_dma source(%dma_start3A_292 : memref<80xi32, #tpu.memory_space<hbm>>) target(%dma_start3A_291 : memref<80xi32, #tpu.memory_space<vmem>>) target_semaphore(%dma_start3A_288 : memref<!tpu.dma_semaphore, #tpu.memory_space<semaphore_mem>>)
      %add3A_293 = arith.constant 320000 : i32
      %add3A_294 = arith.addi %add3A_293, %add3A_280 : i32
      %dma_start3A_295 = arith.constant 1 : i32
      %dma_start3A_296 = arith.constant 1 : i32
      %dma_start3A_297 = arith.constant 0 : i32
      %dma_start3A_298 = tpu.memref_slice %arg7[%dma_start3A_295, %dma_start3A_297] : memref<4x80xi32, #tpu.memory_space<vmem>> -> memref<1x80xi32, #tpu.memory_space<vmem>>
      %dma_start3A_299 = tpu.memref_squeeze %dma_start3A_298 : memref<1x80xi32, #tpu.memory_space<vmem>> -> memref<80xi32, #tpu.memory_space<vmem>>
      %dma_start3A_300 = tpu.memref_slice %arg2[%add3A_294] : memref<640000xi32, #tpu.memory_space<hbm>> -> memref<80xi32, #tpu.memory_space<hbm>>
      %dma_start3A_301 = tpu.memref_slice %arg10[%dma_start3A_296] : memref<4x!tpu.dma_semaphore, #tpu.memory_space<semaphore_mem>> -> memref<1x!tpu.dma_semaphore, #tpu.memory_space<semaphore_mem>>
      %dma_start3A_302 = tpu.memref_squeeze %dma_start3A_301 : memref<1x!tpu.dma_semaphore, #tpu.memory_space<semaphore_mem>> -> memref<!tpu.dma_semaphore, #tpu.memory_space<semaphore_mem>>
      %dma_start3A_303 = arith.constant 0 : i32
      %dma_start3A_304 = tpu.memref_slice %arg7[%dma_start3A_295, %dma_start3A_303] : memref<4x80xi32, #tpu.memory_space<vmem>> -> memref<1x80xi32, #tpu.memory_space<vmem>>
      %dma_start3A_305 = tpu.memref_squeeze %dma_start3A_304 : memref<1x80xi32, #tpu.memory_space<vmem>> -> memref<80xi32, #tpu.memory_space<vmem>>
      %dma_start3A_306 = tpu.memref_slice %arg2[%add3A_294] : memref<640000xi32, #tpu.memory_space<hbm>> -> memref<80xi32, #tpu.memory_space<hbm>>
      tpu.enqueue_dma source(%dma_start3A_306 : memref<80xi32, #tpu.memory_space<hbm>>) target(%dma_start3A_305 : memref<80xi32, #tpu.memory_space<vmem>>) target_semaphore(%dma_start3A_302 : memref<!tpu.dma_semaphore, #tpu.memory_space<semaphore_mem>>)
      %gt3A_307 = arith.constant 0 : i32
      %gt3A_308 = arith.cmpi sgt, %scan3A_233, %gt3A_307 : i32
      %convert_element_type3A_309 = arith.extui %gt3A_308 : i1 to i32
      %cond3A_310 = arith.constant 0 : i32
      %cond3A_311 = arith.cmpi ne, %convert_element_type3A_309, %cond3A_310 : i32
      scf.if %cond3A_311 {
        %dma_wait3A_675 = arith.constant 2 : i32
        %dma_wait3A_676 = arith.constant 2 : i32
        %dma_wait3A_677 = arith.constant 2 : i32
        %dma_wait3A_678 = arith.constant 0 : i32
        %dma_wait3A_679 = arith.constant 0 : i32
        %dma_wait3A_680 = tpu.memref_slice %arg8[%dma_wait3A_675, %dma_wait3A_678, %dma_wait3A_679] : memref<4x80x128xf32, #tpu.memory_space<vmem>> -> memref<1x80x128xf32, #tpu.memory_space<vmem>>
        %dma_wait3A_681 = tpu.memref_squeeze %dma_wait3A_680 : memref<1x80x128xf32, #tpu.memory_space<vmem>> -> memref<80x128xf32, #tpu.memory_space<vmem>>
        %dma_wait3A_682 = arith.constant 0 : i32
        %dma_wait3A_683 = tpu.memref_slice %arg7[%dma_wait3A_676, %dma_wait3A_682] : memref<4x80xi32, #tpu.memory_space<vmem>> -> memref<1x80xi32, #tpu.memory_space<vmem>>
        %dma_wait3A_684 = tpu.memref_squeeze %dma_wait3A_683 : memref<1x80xi32, #tpu.memory_space<vmem>> -> memref<80xi32, #tpu.memory_space<vmem>>
        %dma_wait3A_685 = arith.constant 0 : i32
        %dma_wait3A_686 = arith.constant 0 : i32
        %dma_wait3A_687 = tpu.memref_slice %arg5[%dma_wait3A_685, %dma_wait3A_686] : memref<10240x128xf32, #tpu.memory_space<vmem_shared>> -> memref<10240x128xf32, #tpu.memory_space<vmem_shared>>
        %dma_wait3A_688 = tpu.memref_slice %arg12[%dma_wait3A_677] : memref<4x!tpu.dma_semaphore, #tpu.memory_space<semaphore_mem>> -> memref<1x!tpu.dma_semaphore, #tpu.memory_space<semaphore_mem>>
        %dma_wait3A_689 = tpu.memref_squeeze %dma_wait3A_688 : memref<1x!tpu.dma_semaphore, #tpu.memory_space<semaphore_mem>> -> memref<!tpu.dma_semaphore, #tpu.memory_space<semaphore_mem>>
        tpu.wait_indirect_dma semaphore(%dma_wait3A_689 : memref<!tpu.dma_semaphore, #tpu.memory_space<semaphore_mem>>) src(%dma_wait3A_681 : memref<80x128xf32, #tpu.memory_space<vmem>>) dst(%dma_wait3A_687 : memref<10240x128xf32, #tpu.memory_space<vmem_shared>>)
      } else {
      }
      %mul3A_312 = arith.constant 4 : i32
      %mul3A_313 = arith.muli %scan3A_233, %mul3A_312 : i32
      %add3A_314 = arith.constant 2 : i32
      %add3A_315 = arith.addi %mul3A_313, %add3A_314 : i32
      %mul3A_316 = arith.constant 80 : i32
      %mul3A_317 = arith.muli %add3A_315, %mul3A_316 : i32
      %add3A_318 = arith.addi %mul3A_2, %mul3A_317 : i32
      %dma_start3A_319 = arith.constant 2 : i32
      %dma_start3A_320 = arith.constant 2 : i32
      %dma_start3A_321 = arith.constant 0 : i32
      %dma_start3A_322 = tpu.memref_slice %arg6[%dma_start3A_319, %dma_start3A_321] : memref<4x80xi32, #tpu.memory_space<vmem>> -> memref<1x80xi32, #tpu.memory_space<vmem>>
      %dma_start3A_323 = tpu.memref_squeeze %dma_start3A_322 : memref<1x80xi32, #tpu.memory_space<vmem>> -> memref<80xi32, #tpu.memory_space<vmem>>
      %dma_start3A_324 = tpu.memref_slice %arg2[%add3A_318] : memref<640000xi32, #tpu.memory_space<hbm>> -> memref<80xi32, #tpu.memory_space<hbm>>
      %dma_start3A_325 = tpu.memref_slice %arg9[%dma_start3A_320] : memref<4x!tpu.dma_semaphore, #tpu.memory_space<semaphore_mem>> -> memref<1x!tpu.dma_semaphore, #tpu.memory_space<semaphore_mem>>
      %dma_start3A_326 = tpu.memref_squeeze %dma_start3A_325 : memref<1x!tpu.dma_semaphore, #tpu.memory_space<semaphore_mem>> -> memref<!tpu.dma_semaphore, #tpu.memory_space<semaphore_mem>>
      %dma_start3A_327 = arith.constant 0 : i32
      %dma_start3A_328 = tpu.memref_slice %arg6[%dma_start3A_319, %dma_start3A_327] : memref<4x80xi32, #tpu.memory_space<vmem>> -> memref<1x80xi32, #tpu.memory_space<vmem>>
      %dma_start3A_329 = tpu.memref_squeeze %dma_start3A_328 : memref<1x80xi32, #tpu.memory_space<vmem>> -> memref<80xi32, #tpu.memory_space<vmem>>
      %dma_start3A_330 = tpu.memref_slice %arg2[%add3A_318] : memref<640000xi32, #tpu.memory_space<hbm>> -> memref<80xi32, #tpu.memory_space<hbm>>
      tpu.enqueue_dma source(%dma_start3A_330 : memref<80xi32, #tpu.memory_space<hbm>>) target(%dma_start3A_329 : memref<80xi32, #tpu.memory_space<vmem>>) target_semaphore(%dma_start3A_326 : memref<!tpu.dma_semaphore, #tpu.memory_space<semaphore_mem>>)
      %add3A_331 = arith.constant 320000 : i32
      %add3A_332 = arith.addi %add3A_331, %add3A_318 : i32
      %dma_start3A_333 = arith.constant 2 : i32
      %dma_start3A_334 = arith.constant 2 : i32
      %dma_start3A_335 = arith.constant 0 : i32
      %dma_start3A_336 = tpu.memref_slice %arg7[%dma_start3A_333, %dma_start3A_335] : memref<4x80xi32, #tpu.memory_space<vmem>> -> memref<1x80xi32, #tpu.memory_space<vmem>>
      %dma_start3A_337 = tpu.memref_squeeze %dma_start3A_336 : memref<1x80xi32, #tpu.memory_space<vmem>> -> memref<80xi32, #tpu.memory_space<vmem>>
      %dma_start3A_338 = tpu.memref_slice %arg2[%add3A_332] : memref<640000xi32, #tpu.memory_space<hbm>> -> memref<80xi32, #tpu.memory_space<hbm>>
      %dma_start3A_339 = tpu.memref_slice %arg10[%dma_start3A_334] : memref<4x!tpu.dma_semaphore, #tpu.memory_space<semaphore_mem>> -> memref<1x!tpu.dma_semaphore, #tpu.memory_space<semaphore_mem>>
      %dma_start3A_340 = tpu.memref_squeeze %dma_start3A_339 : memref<1x!tpu.dma_semaphore, #tpu.memory_space<semaphore_mem>> -> memref<!tpu.dma_semaphore, #tpu.memory_space<semaphore_mem>>
      %dma_start3A_341 = arith.constant 0 : i32
      %dma_start3A_342 = tpu.memref_slice %arg7[%dma_start3A_333, %dma_start3A_341] : memref<4x80xi32, #tpu.memory_space<vmem>> -> memref<1x80xi32, #tpu.memory_space<vmem>>
      %dma_start3A_343 = tpu.memref_squeeze %dma_start3A_342 : memref<1x80xi32, #tpu.memory_space<vmem>> -> memref<80xi32, #tpu.memory_space<vmem>>
      %dma_start3A_344 = tpu.memref_slice %arg2[%add3A_332] : memref<640000xi32, #tpu.memory_space<hbm>> -> memref<80xi32, #tpu.memory_space<hbm>>
      tpu.enqueue_dma source(%dma_start3A_344 : memref<80xi32, #tpu.memory_space<hbm>>) target(%dma_start3A_343 : memref<80xi32, #tpu.memory_space<vmem>>) target_semaphore(%dma_start3A_340 : memref<!tpu.dma_semaphore, #tpu.memory_space<semaphore_mem>>)
      %gt3A_345 = arith.constant 0 : i32
      %gt3A_346 = arith.cmpi sgt, %scan3A_233, %gt3A_345 : i32
      %convert_element_type3A_347 = arith.extui %gt3A_346 : i1 to i32
      %cond3A_348 = arith.constant 0 : i32
      %cond3A_349 = arith.cmpi ne, %convert_element_type3A_347, %cond3A_348 : i32
      scf.if %cond3A_349 {
        %dma_wait3A_675 = arith.constant 3 : i32
        %dma_wait3A_676 = arith.constant 3 : i32
        %dma_wait3A_677 = arith.constant 3 : i32
        %dma_wait3A_678 = arith.constant 0 : i32
        %dma_wait3A_679 = arith.constant 0 : i32
        %dma_wait3A_680 = tpu.memref_slice %arg8[%dma_wait3A_675, %dma_wait3A_678, %dma_wait3A_679] : memref<4x80x128xf32, #tpu.memory_space<vmem>> -> memref<1x80x128xf32, #tpu.memory_space<vmem>>
        %dma_wait3A_681 = tpu.memref_squeeze %dma_wait3A_680 : memref<1x80x128xf32, #tpu.memory_space<vmem>> -> memref<80x128xf32, #tpu.memory_space<vmem>>
        %dma_wait3A_682 = arith.constant 0 : i32
        %dma_wait3A_683 = tpu.memref_slice %arg7[%dma_wait3A_676, %dma_wait3A_682] : memref<4x80xi32, #tpu.memory_space<vmem>> -> memref<1x80xi32, #tpu.memory_space<vmem>>
        %dma_wait3A_684 = tpu.memref_squeeze %dma_wait3A_683 : memref<1x80xi32, #tpu.memory_space<vmem>> -> memref<80xi32, #tpu.memory_space<vmem>>
        %dma_wait3A_685 = arith.constant 0 : i32
        %dma_wait3A_686 = arith.constant 0 : i32
        %dma_wait3A_687 = tpu.memref_slice %arg5[%dma_wait3A_685, %dma_wait3A_686] : memref<10240x128xf32, #tpu.memory_space<vmem_shared>> -> memref<10240x128xf32, #tpu.memory_space<vmem_shared>>
        %dma_wait3A_688 = tpu.memref_slice %arg12[%dma_wait3A_677] : memref<4x!tpu.dma_semaphore, #tpu.memory_space<semaphore_mem>> -> memref<1x!tpu.dma_semaphore, #tpu.memory_space<semaphore_mem>>
        %dma_wait3A_689 = tpu.memref_squeeze %dma_wait3A_688 : memref<1x!tpu.dma_semaphore, #tpu.memory_space<semaphore_mem>> -> memref<!tpu.dma_semaphore, #tpu.memory_space<semaphore_mem>>
        tpu.wait_indirect_dma semaphore(%dma_wait3A_689 : memref<!tpu.dma_semaphore, #tpu.memory_space<semaphore_mem>>) src(%dma_wait3A_681 : memref<80x128xf32, #tpu.memory_space<vmem>>) dst(%dma_wait3A_687 : memref<10240x128xf32, #tpu.memory_space<vmem_shared>>)
      } else {
      }
      %mul3A_350 = arith.constant 4 : i32
      %mul3A_351 = arith.muli %scan3A_233, %mul3A_350 : i32
      %add3A_352 = arith.constant 3 : i32
      %add3A_353 = arith.addi %mul3A_351, %add3A_352 : i32
      %mul3A_354 = arith.constant 80 : i32
      %mul3A_355 = arith.muli %add3A_353, %mul3A_354 : i32
      %add3A_356 = arith.addi %mul3A_2, %mul3A_355 : i32
      %dma_start3A_357 = arith.constant 3 : i32
      %dma_start3A_358 = arith.constant 3 : i32
      %dma_start3A_359 = arith.constant 0 : i32
      %dma_start3A_360 = tpu.memref_slice %arg6[%dma_start3A_357, %dma_start3A_359] : memref<4x80xi32, #tpu.memory_space<vmem>> -> memref<1x80xi32, #tpu.memory_space<vmem>>
      %dma_start3A_361 = tpu.memref_squeeze %dma_start3A_360 : memref<1x80xi32, #tpu.memory_space<vmem>> -> memref<80xi32, #tpu.memory_space<vmem>>
      %dma_start3A_362 = tpu.memref_slice %arg2[%add3A_356] : memref<640000xi32, #tpu.memory_space<hbm>> -> memref<80xi32, #tpu.memory_space<hbm>>
      %dma_start3A_363 = tpu.memref_slice %arg9[%dma_start3A_358] : memref<4x!tpu.dma_semaphore, #tpu.memory_space<semaphore_mem>> -> memref<1x!tpu.dma_semaphore, #tpu.memory_space<semaphore_mem>>
      %dma_start3A_364 = tpu.memref_squeeze %dma_start3A_363 : memref<1x!tpu.dma_semaphore, #tpu.memory_space<semaphore_mem>> -> memref<!tpu.dma_semaphore, #tpu.memory_space<semaphore_mem>>
      %dma_start3A_365 = arith.constant 0 : i32
      %dma_start3A_366 = tpu.memref_slice %arg6[%dma_start3A_357, %dma_start3A_365] : memref<4x80xi32, #tpu.memory_space<vmem>> -> memref<1x80xi32, #tpu.memory_space<vmem>>
      %dma_start3A_367 = tpu.memref_squeeze %dma_start3A_366 : memref<1x80xi32, #tpu.memory_space<vmem>> -> memref<80xi32, #tpu.memory_space<vmem>>
      %dma_start3A_368 = tpu.memref_slice %arg2[%add3A_356] : memref<640000xi32, #tpu.memory_space<hbm>> -> memref<80xi32, #tpu.memory_space<hbm>>
      tpu.enqueue_dma source(%dma_start3A_368 : memref<80xi32, #tpu.memory_space<hbm>>) target(%dma_start3A_367 : memref<80xi32, #tpu.memory_space<vmem>>) target_semaphore(%dma_start3A_364 : memref<!tpu.dma_semaphore, #tpu.memory_space<semaphore_mem>>)
      %add3A_369 = arith.constant 320000 : i32
      %add3A_370 = arith.addi %add3A_369, %add3A_356 : i32
      %dma_start3A_371 = arith.constant 3 : i32
      %dma_start3A_372 = arith.constant 3 : i32
      %dma_start3A_373 = arith.constant 0 : i32
      %dma_start3A_374 = tpu.memref_slice %arg7[%dma_start3A_371, %dma_start3A_373] : memref<4x80xi32, #tpu.memory_space<vmem>> -> memref<1x80xi32, #tpu.memory_space<vmem>>
      %dma_start3A_375 = tpu.memref_squeeze %dma_start3A_374 : memref<1x80xi32, #tpu.memory_space<vmem>> -> memref<80xi32, #tpu.memory_space<vmem>>
      %dma_start3A_376 = tpu.memref_slice %arg2[%add3A_370] : memref<640000xi32, #tpu.memory_space<hbm>> -> memref<80xi32, #tpu.memory_space<hbm>>
      %dma_start3A_377 = tpu.memref_slice %arg10[%dma_start3A_372] : memref<4x!tpu.dma_semaphore, #tpu.memory_space<semaphore_mem>> -> memref<1x!tpu.dma_semaphore, #tpu.memory_space<semaphore_mem>>
      %dma_start3A_378 = tpu.memref_squeeze %dma_start3A_377 : memref<1x!tpu.dma_semaphore, #tpu.memory_space<semaphore_mem>> -> memref<!tpu.dma_semaphore, #tpu.memory_space<semaphore_mem>>
      %dma_start3A_379 = arith.constant 0 : i32
      %dma_start3A_380 = tpu.memref_slice %arg7[%dma_start3A_371, %dma_start3A_379] : memref<4x80xi32, #tpu.memory_space<vmem>> -> memref<1x80xi32, #tpu.memory_space<vmem>>
      %dma_start3A_381 = tpu.memref_squeeze %dma_start3A_380 : memref<1x80xi32, #tpu.memory_space<vmem>> -> memref<80xi32, #tpu.memory_space<vmem>>
      %dma_start3A_382 = tpu.memref_slice %arg2[%add3A_370] : memref<640000xi32, #tpu.memory_space<hbm>> -> memref<80xi32, #tpu.memory_space<hbm>>
      tpu.enqueue_dma source(%dma_start3A_382 : memref<80xi32, #tpu.memory_space<hbm>>) target(%dma_start3A_381 : memref<80xi32, #tpu.memory_space<vmem>>) target_semaphore(%dma_start3A_378 : memref<!tpu.dma_semaphore, #tpu.memory_space<semaphore_mem>>)
      %dma_wait3A_383 = arith.constant 0 : i32
      %dma_wait3A_384 = arith.constant 0 : i32
      %dma_wait3A_385 = arith.constant 0 : i32
      %dma_wait3A_386 = tpu.memref_slice %arg6[%dma_wait3A_383, %dma_wait3A_385] : memref<4x80xi32, #tpu.memory_space<vmem>> -> memref<1x80xi32, #tpu.memory_space<vmem>>
      %dma_wait3A_387 = tpu.memref_squeeze %dma_wait3A_386 : memref<1x80xi32, #tpu.memory_space<vmem>> -> memref<80xi32, #tpu.memory_space<vmem>>
      %dma_wait3A_388 = arith.constant 0 : i32
      %dma_wait3A_389 = tpu.memref_slice %arg2[%dma_wait3A_388] : memref<640000xi32, #tpu.memory_space<hbm>> -> memref<80xi32, #tpu.memory_space<hbm>>
      %dma_wait3A_390 = tpu.memref_slice %arg9[%dma_wait3A_384] : memref<4x!tpu.dma_semaphore, #tpu.memory_space<semaphore_mem>> -> memref<1x!tpu.dma_semaphore, #tpu.memory_space<semaphore_mem>>
      %dma_wait3A_391 = tpu.memref_squeeze %dma_wait3A_390 : memref<1x!tpu.dma_semaphore, #tpu.memory_space<semaphore_mem>> -> memref<!tpu.dma_semaphore, #tpu.memory_space<semaphore_mem>>
      %dma_wait3A_392 = arith.constant 0 : i32
      %dma_wait3A_393 = tpu.memref_slice %arg6[%dma_wait3A_383, %dma_wait3A_392] : memref<4x80xi32, #tpu.memory_space<vmem>> -> memref<1x80xi32, #tpu.memory_space<vmem>>
      %dma_wait3A_394 = tpu.memref_squeeze %dma_wait3A_393 : memref<1x80xi32, #tpu.memory_space<vmem>> -> memref<80xi32, #tpu.memory_space<vmem>>
      %dma_wait3A_395 = arith.constant 0 : i32
      %dma_wait3A_396 = tpu.memref_slice %arg2[%dma_wait3A_395] : memref<640000xi32, #tpu.memory_space<hbm>> -> memref<80xi32, #tpu.memory_space<hbm>>
      tpu.wait_dma2 semaphore(%dma_wait3A_391 : memref<!tpu.dma_semaphore, #tpu.memory_space<semaphore_mem>>) src(%dma_wait3A_396 : memref<80xi32, #tpu.memory_space<hbm>>) dst(%dma_wait3A_394 : memref<80xi32, #tpu.memory_space<vmem>>)
      %dma_start3A_397 = arith.constant 0 : i32
      %dma_start3A_398 = arith.constant 0 : i32
      %dma_start3A_399 = arith.constant 0 : i32
      %dma_start3A_400 = arith.constant 0 : i32
      %dma_start3A_401 = arith.constant 0 : i32
      %dma_start3A_402 = tpu.memref_slice %arg8[%dma_start3A_398, %dma_start3A_400, %dma_start3A_401] : memref<4x80x128xf32, #tpu.memory_space<vmem>> -> memref<1x80x128xf32, #tpu.memory_space<vmem>>
      %dma_start3A_403 = tpu.memref_squeeze %dma_start3A_402 : memref<1x80x128xf32, #tpu.memory_space<vmem>> -> memref<80x128xf32, #tpu.memory_space<vmem>>
      %dma_start3A_404 = arith.constant 0 : i32
      %dma_start3A_405 = tpu.memref_slice %arg6[%dma_start3A_397, %dma_start3A_404] : memref<4x80xi32, #tpu.memory_space<vmem>> -> memref<1x80xi32, #tpu.memory_space<vmem>>
      %dma_start3A_406 = tpu.memref_squeeze %dma_start3A_405 : memref<1x80xi32, #tpu.memory_space<vmem>> -> memref<80xi32, #tpu.memory_space<vmem>>
      %dma_start3A_407 = arith.constant 0 : i32
      %dma_start3A_408 = arith.constant 0 : i32
      %dma_start3A_409 = tpu.memref_slice %arg3[%dma_start3A_407, %dma_start3A_408] : memref<10000x128xf32, #tpu.memory_space<hbm>> -> memref<10000x128xf32, #tpu.memory_space<hbm>>
      %dma_start3A_410 = tpu.memref_slice %arg11[%dma_start3A_399] : memref<4x!tpu.dma_semaphore, #tpu.memory_space<semaphore_mem>> -> memref<1x!tpu.dma_semaphore, #tpu.memory_space<semaphore_mem>>
      %dma_start3A_411 = tpu.memref_squeeze %dma_start3A_410 : memref<1x!tpu.dma_semaphore, #tpu.memory_space<semaphore_mem>> -> memref<!tpu.dma_semaphore, #tpu.memory_space<semaphore_mem>>
      tpu.enqueue_indirect_dma source(%dma_start3A_409 : memref<10000x128xf32, #tpu.memory_space<hbm>>) target(%dma_start3A_403 : memref<80x128xf32, #tpu.memory_space<vmem>>) offsets(%dma_start3A_406 : memref<80xi32, #tpu.memory_space<vmem>>) semaphore(%dma_start3A_411 : memref<!tpu.dma_semaphore, #tpu.memory_space<semaphore_mem>>)
      %dma_wait3A_412 = arith.constant 1 : i32
      %dma_wait3A_413 = arith.constant 1 : i32
      %dma_wait3A_414 = arith.constant 0 : i32
      %dma_wait3A_415 = tpu.memref_slice %arg6[%dma_wait3A_412, %dma_wait3A_414] : memref<4x80xi32, #tpu.memory_space<vmem>> -> memref<1x80xi32, #tpu.memory_space<vmem>>
      %dma_wait3A_416 = tpu.memref_squeeze %dma_wait3A_415 : memref<1x80xi32, #tpu.memory_space<vmem>> -> memref<80xi32, #tpu.memory_space<vmem>>
      %dma_wait3A_417 = arith.constant 0 : i32
      %dma_wait3A_418 = tpu.memref_slice %arg2[%dma_wait3A_417] : memref<640000xi32, #tpu.memory_space<hbm>> -> memref<80xi32, #tpu.memory_space<hbm>>
      %dma_wait3A_419 = tpu.memref_slice %arg9[%dma_wait3A_413] : memref<4x!tpu.dma_semaphore, #tpu.memory_space<semaphore_mem>> -> memref<1x!tpu.dma_semaphore, #tpu.memory_space<semaphore_mem>>
      %dma_wait3A_420 = tpu.memref_squeeze %dma_wait3A_419 : memref<1x!tpu.dma_semaphore, #tpu.memory_space<semaphore_mem>> -> memref<!tpu.dma_semaphore, #tpu.memory_space<semaphore_mem>>
      %dma_wait3A_421 = arith.constant 0 : i32
      %dma_wait3A_422 = tpu.memref_slice %arg6[%dma_wait3A_412, %dma_wait3A_421] : memref<4x80xi32, #tpu.memory_space<vmem>> -> memref<1x80xi32, #tpu.memory_space<vmem>>
      %dma_wait3A_423 = tpu.memref_squeeze %dma_wait3A_422 : memref<1x80xi32, #tpu.memory_space<vmem>> -> memref<80xi32, #tpu.memory_space<vmem>>
      %dma_wait3A_424 = arith.constant 0 : i32
      %dma_wait3A_425 = tpu.memref_slice %arg2[%dma_wait3A_424] : memref<640000xi32, #tpu.memory_space<hbm>> -> memref<80xi32, #tpu.memory_space<hbm>>
      tpu.wait_dma2 semaphore(%dma_wait3A_420 : memref<!tpu.dma_semaphore, #tpu.memory_space<semaphore_mem>>) src(%dma_wait3A_425 : memref<80xi32, #tpu.memory_space<hbm>>) dst(%dma_wait3A_423 : memref<80xi32, #tpu.memory_space<vmem>>)
      %dma_start3A_426 = arith.constant 1 : i32
      %dma_start3A_427 = arith.constant 1 : i32
      %dma_start3A_428 = arith.constant 1 : i32
      %dma_start3A_429 = arith.constant 0 : i32
      %dma_start3A_430 = arith.constant 0 : i32
      %dma_start3A_431 = tpu.memref_slice %arg8[%dma_start3A_427, %dma_start3A_429, %dma_start3A_430] : memref<4x80x128xf32, #tpu.memory_space<vmem>> -> memref<1x80x128xf32, #tpu.memory_space<vmem>>
      %dma_start3A_432 = tpu.memref_squeeze %dma_start3A_431 : memref<1x80x128xf32, #tpu.memory_space<vmem>> -> memref<80x128xf32, #tpu.memory_space<vmem>>
      %dma_start3A_433 = arith.constant 0 : i32
      %dma_start3A_434 = tpu.memref_slice %arg6[%dma_start3A_426, %dma_start3A_433] : memref<4x80xi32, #tpu.memory_space<vmem>> -> memref<1x80xi32, #tpu.memory_space<vmem>>
      %dma_start3A_435 = tpu.memref_squeeze %dma_start3A_434 : memref<1x80xi32, #tpu.memory_space<vmem>> -> memref<80xi32, #tpu.memory_space<vmem>>
      %dma_start3A_436 = arith.constant 0 : i32
      %dma_start3A_437 = arith.constant 0 : i32
      %dma_start3A_438 = tpu.memref_slice %arg3[%dma_start3A_436, %dma_start3A_437] : memref<10000x128xf32, #tpu.memory_space<hbm>> -> memref<10000x128xf32, #tpu.memory_space<hbm>>
      %dma_start3A_439 = tpu.memref_slice %arg11[%dma_start3A_428] : memref<4x!tpu.dma_semaphore, #tpu.memory_space<semaphore_mem>> -> memref<1x!tpu.dma_semaphore, #tpu.memory_space<semaphore_mem>>
      %dma_start3A_440 = tpu.memref_squeeze %dma_start3A_439 : memref<1x!tpu.dma_semaphore, #tpu.memory_space<semaphore_mem>> -> memref<!tpu.dma_semaphore, #tpu.memory_space<semaphore_mem>>
      tpu.enqueue_indirect_dma source(%dma_start3A_438 : memref<10000x128xf32, #tpu.memory_space<hbm>>) target(%dma_start3A_432 : memref<80x128xf32, #tpu.memory_space<vmem>>) offsets(%dma_start3A_435 : memref<80xi32, #tpu.memory_space<vmem>>) semaphore(%dma_start3A_440 : memref<!tpu.dma_semaphore, #tpu.memory_space<semaphore_mem>>)
      %dma_wait3A_441 = arith.constant 2 : i32
      %dma_wait3A_442 = arith.constant 2 : i32
      %dma_wait3A_443 = arith.constant 0 : i32
      %dma_wait3A_444 = tpu.memref_slice %arg6[%dma_wait3A_441, %dma_wait3A_443] : memref<4x80xi32, #tpu.memory_space<vmem>> -> memref<1x80xi32, #tpu.memory_space<vmem>>
      %dma_wait3A_445 = tpu.memref_squeeze %dma_wait3A_444 : memref<1x80xi32, #tpu.memory_space<vmem>> -> memref<80xi32, #tpu.memory_space<vmem>>
      %dma_wait3A_446 = arith.constant 0 : i32
      %dma_wait3A_447 = tpu.memref_slice %arg2[%dma_wait3A_446] : memref<640000xi32, #tpu.memory_space<hbm>> -> memref<80xi32, #tpu.memory_space<hbm>>
      %dma_wait3A_448 = tpu.memref_slice %arg9[%dma_wait3A_442] : memref<4x!tpu.dma_semaphore, #tpu.memory_space<semaphore_mem>> -> memref<1x!tpu.dma_semaphore, #tpu.memory_space<semaphore_mem>>
      %dma_wait3A_449 = tpu.memref_squeeze %dma_wait3A_448 : memref<1x!tpu.dma_semaphore, #tpu.memory_space<semaphore_mem>> -> memref<!tpu.dma_semaphore, #tpu.memory_space<semaphore_mem>>
      %dma_wait3A_450 = arith.constant 0 : i32
      %dma_wait3A_451 = tpu.memref_slice %arg6[%dma_wait3A_441, %dma_wait3A_450] : memref<4x80xi32, #tpu.memory_space<vmem>> -> memref<1x80xi32, #tpu.memory_space<vmem>>
      %dma_wait3A_452 = tpu.memref_squeeze %dma_wait3A_451 : memref<1x80xi32, #tpu.memory_space<vmem>> -> memref<80xi32, #tpu.memory_space<vmem>>
      %dma_wait3A_453 = arith.constant 0 : i32
      %dma_wait3A_454 = tpu.memref_slice %arg2[%dma_wait3A_453] : memref<640000xi32, #tpu.memory_space<hbm>> -> memref<80xi32, #tpu.memory_space<hbm>>
      tpu.wait_dma2 semaphore(%dma_wait3A_449 : memref<!tpu.dma_semaphore, #tpu.memory_space<semaphore_mem>>) src(%dma_wait3A_454 : memref<80xi32, #tpu.memory_space<hbm>>) dst(%dma_wait3A_452 : memref<80xi32, #tpu.memory_space<vmem>>)
      %dma_start3A_455 = arith.constant 2 : i32
      %dma_start3A_456 = arith.constant 2 : i32
      %dma_start3A_457 = arith.constant 2 : i32
      %dma_start3A_458 = arith.constant 0 : i32
      %dma_start3A_459 = arith.constant 0 : i32
      %dma_start3A_460 = tpu.memref_slice %arg8[%dma_start3A_456, %dma_start3A_458, %dma_start3A_459] : memref<4x80x128xf32, #tpu.memory_space<vmem>> -> memref<1x80x128xf32, #tpu.memory_space<vmem>>
      %dma_start3A_461 = tpu.memref_squeeze %dma_start3A_460 : memref<1x80x128xf32, #tpu.memory_space<vmem>> -> memref<80x128xf32, #tpu.memory_space<vmem>>
      %dma_start3A_462 = arith.constant 0 : i32
      %dma_start3A_463 = tpu.memref_slice %arg6[%dma_start3A_455, %dma_start3A_462] : memref<4x80xi32, #tpu.memory_space<vmem>> -> memref<1x80xi32, #tpu.memory_space<vmem>>
      %dma_start3A_464 = tpu.memref_squeeze %dma_start3A_463 : memref<1x80xi32, #tpu.memory_space<vmem>> -> memref<80xi32, #tpu.memory_space<vmem>>
      %dma_start3A_465 = arith.constant 0 : i32
      %dma_start3A_466 = arith.constant 0 : i32
      %dma_start3A_467 = tpu.memref_slice %arg3[%dma_start3A_465, %dma_start3A_466] : memref<10000x128xf32, #tpu.memory_space<hbm>> -> memref<10000x128xf32, #tpu.memory_space<hbm>>
      %dma_start3A_468 = tpu.memref_slice %arg11[%dma_start3A_457] : memref<4x!tpu.dma_semaphore, #tpu.memory_space<semaphore_mem>> -> memref<1x!tpu.dma_semaphore, #tpu.memory_space<semaphore_mem>>
      %dma_start3A_469 = tpu.memref_squeeze %dma_start3A_468 : memref<1x!tpu.dma_semaphore, #tpu.memory_space<semaphore_mem>> -> memref<!tpu.dma_semaphore, #tpu.memory_space<semaphore_mem>>
      tpu.enqueue_indirect_dma source(%dma_start3A_467 : memref<10000x128xf32, #tpu.memory_space<hbm>>) target(%dma_start3A_461 : memref<80x128xf32, #tpu.memory_space<vmem>>) offsets(%dma_start3A_464 : memref<80xi32, #tpu.memory_space<vmem>>) semaphore(%dma_start3A_469 : memref<!tpu.dma_semaphore, #tpu.memory_space<semaphore_mem>>)
      %dma_wait3A_470 = arith.constant 3 : i32
      %dma_wait3A_471 = arith.constant 3 : i32
      %dma_wait3A_472 = arith.constant 0 : i32
      %dma_wait3A_473 = tpu.memref_slice %arg6[%dma_wait3A_470, %dma_wait3A_472] : memref<4x80xi32, #tpu.memory_space<vmem>> -> memref<1x80xi32, #tpu.memory_space<vmem>>
      %dma_wait3A_474 = tpu.memref_squeeze %dma_wait3A_473 : memref<1x80xi32, #tpu.memory_space<vmem>> -> memref<80xi32, #tpu.memory_space<vmem>>
      %dma_wait3A_475 = arith.constant 0 : i32
      %dma_wait3A_476 = tpu.memref_slice %arg2[%dma_wait3A_475] : memref<640000xi32, #tpu.memory_space<hbm>> -> memref<80xi32, #tpu.memory_space<hbm>>
      %dma_wait3A_477 = tpu.memref_slice %arg9[%dma_wait3A_471] : memref<4x!tpu.dma_semaphore, #tpu.memory_space<semaphore_mem>> -> memref<1x!tpu.dma_semaphore, #tpu.memory_space<semaphore_mem>>
      %dma_wait3A_478 = tpu.memref_squeeze %dma_wait3A_477 : memref<1x!tpu.dma_semaphore, #tpu.memory_space<semaphore_mem>> -> memref<!tpu.dma_semaphore, #tpu.memory_space<semaphore_mem>>
      %dma_wait3A_479 = arith.constant 0 : i32
      %dma_wait3A_480 = tpu.memref_slice %arg6[%dma_wait3A_470, %dma_wait3A_479] : memref<4x80xi32, #tpu.memory_space<vmem>> -> memref<1x80xi32, #tpu.memory_space<vmem>>
      %dma_wait3A_481 = tpu.memref_squeeze %dma_wait3A_480 : memref<1x80xi32, #tpu.memory_space<vmem>> -> memref<80xi32, #tpu.memory_space<vmem>>
      %dma_wait3A_482 = arith.constant 0 : i32
      %dma_wait3A_483 = tpu.memref_slice %arg2[%dma_wait3A_482] : memref<640000xi32, #tpu.memory_space<hbm>> -> memref<80xi32, #tpu.memory_space<hbm>>
      tpu.wait_dma2 semaphore(%dma_wait3A_478 : memref<!tpu.dma_semaphore, #tpu.memory_space<semaphore_mem>>) src(%dma_wait3A_483 : memref<80xi32, #tpu.memory_space<hbm>>) dst(%dma_wait3A_481 : memref<80xi32, #tpu.memory_space<vmem>>)
      %dma_start3A_484 = arith.constant 3 : i32
      %dma_start3A_485 = arith.constant 3 : i32
      %dma_start3A_486 = arith.constant 3 : i32
      %dma_start3A_487 = arith.constant 0 : i32
      %dma_start3A_488 = arith.constant 0 : i32
      %dma_start3A_489 = tpu.memref_slice %arg8[%dma_start3A_485, %dma_start3A_487, %dma_start3A_488] : memref<4x80x128xf32, #tpu.memory_space<vmem>> -> memref<1x80x128xf32, #tpu.memory_space<vmem>>
      %dma_start3A_490 = tpu.memref_squeeze %dma_start3A_489 : memref<1x80x128xf32, #tpu.memory_space<vmem>> -> memref<80x128xf32, #tpu.memory_space<vmem>>
      %dma_start3A_491 = arith.constant 0 : i32
      %dma_start3A_492 = tpu.memref_slice %arg6[%dma_start3A_484, %dma_start3A_491] : memref<4x80xi32, #tpu.memory_space<vmem>> -> memref<1x80xi32, #tpu.memory_space<vmem>>
      %dma_start3A_493 = tpu.memref_squeeze %dma_start3A_492 : memref<1x80xi32, #tpu.memory_space<vmem>> -> memref<80xi32, #tpu.memory_space<vmem>>
      %dma_start3A_494 = arith.constant 0 : i32
      %dma_start3A_495 = arith.constant 0 : i32
      %dma_start3A_496 = tpu.memref_slice %arg3[%dma_start3A_494, %dma_start3A_495] : memref<10000x128xf32, #tpu.memory_space<hbm>> -> memref<10000x128xf32, #tpu.memory_space<hbm>>
      %dma_start3A_497 = tpu.memref_slice %arg11[%dma_start3A_486] : memref<4x!tpu.dma_semaphore, #tpu.memory_space<semaphore_mem>> -> memref<1x!tpu.dma_semaphore, #tpu.memory_space<semaphore_mem>>
      %dma_start3A_498 = tpu.memref_squeeze %dma_start3A_497 : memref<1x!tpu.dma_semaphore, #tpu.memory_space<semaphore_mem>> -> memref<!tpu.dma_semaphore, #tpu.memory_space<semaphore_mem>>
      tpu.enqueue_indirect_dma source(%dma_start3A_496 : memref<10000x128xf32, #tpu.memory_space<hbm>>) target(%dma_start3A_490 : memref<80x128xf32, #tpu.memory_space<vmem>>) offsets(%dma_start3A_493 : memref<80xi32, #tpu.memory_space<vmem>>) semaphore(%dma_start3A_498 : memref<!tpu.dma_semaphore, #tpu.memory_space<semaphore_mem>>)
      %dma_wait3A_499 = arith.constant 0 : i32
      %dma_wait3A_500 = arith.constant 0 : i32
      %dma_wait3A_501 = arith.constant 0 : i32
      %dma_wait3A_502 = arith.constant 0 : i32
      %dma_wait3A_503 = arith.constant 0 : i32
      %dma_wait3A_504 = tpu.memref_slice %arg8[%dma_wait3A_500, %dma_wait3A_502, %dma_wait3A_503] : memref<4x80x128xf32, #tpu.memory_space<vmem>> -> memref<1x80x128xf32, #tpu.memory_space<vmem>>
      %dma_wait3A_505 = tpu.memref_squeeze %dma_wait3A_504 : memref<1x80x128xf32, #tpu.memory_space<vmem>> -> memref<80x128xf32, #tpu.memory_space<vmem>>
      %dma_wait3A_506 = arith.constant 0 : i32
      %dma_wait3A_507 = tpu.memref_slice %arg6[%dma_wait3A_499, %dma_wait3A_506] : memref<4x80xi32, #tpu.memory_space<vmem>> -> memref<1x80xi32, #tpu.memory_space<vmem>>
      %dma_wait3A_508 = tpu.memref_squeeze %dma_wait3A_507 : memref<1x80xi32, #tpu.memory_space<vmem>> -> memref<80xi32, #tpu.memory_space<vmem>>
      %dma_wait3A_509 = arith.constant 0 : i32
      %dma_wait3A_510 = arith.constant 0 : i32
      %dma_wait3A_511 = tpu.memref_slice %arg3[%dma_wait3A_509, %dma_wait3A_510] : memref<10000x128xf32, #tpu.memory_space<hbm>> -> memref<10000x128xf32, #tpu.memory_space<hbm>>
      %dma_wait3A_512 = tpu.memref_slice %arg11[%dma_wait3A_501] : memref<4x!tpu.dma_semaphore, #tpu.memory_space<semaphore_mem>> -> memref<1x!tpu.dma_semaphore, #tpu.memory_space<semaphore_mem>>
      %dma_wait3A_513 = tpu.memref_squeeze %dma_wait3A_512 : memref<1x!tpu.dma_semaphore, #tpu.memory_space<semaphore_mem>> -> memref<!tpu.dma_semaphore, #tpu.memory_space<semaphore_mem>>
      tpu.wait_indirect_dma semaphore(%dma_wait3A_513 : memref<!tpu.dma_semaphore, #tpu.memory_space<semaphore_mem>>) src(%dma_wait3A_511 : memref<10000x128xf32, #tpu.memory_space<hbm>>) dst(%dma_wait3A_505 : memref<80x128xf32, #tpu.memory_space<vmem>>)
      %dma_wait3A_514 = arith.constant 0 : i32
      %dma_wait3A_515 = arith.constant 0 : i32
      %dma_wait3A_516 = arith.constant 0 : i32
      %dma_wait3A_517 = tpu.memref_slice %arg7[%dma_wait3A_514, %dma_wait3A_516] : memref<4x80xi32, #tpu.memory_space<vmem>> -> memref<1x80xi32, #tpu.memory_space<vmem>>
      %dma_wait3A_518 = tpu.memref_squeeze %dma_wait3A_517 : memref<1x80xi32, #tpu.memory_space<vmem>> -> memref<80xi32, #tpu.memory_space<vmem>>
      %dma_wait3A_519 = arith.constant 0 : i32
      %dma_wait3A_520 = tpu.memref_slice %arg2[%dma_wait3A_519] : memref<640000xi32, #tpu.memory_space<hbm>> -> memref<80xi32, #tpu.memory_space<hbm>>
      %dma_wait3A_521 = tpu.memref_slice %arg10[%dma_wait3A_515] : memref<4x!tpu.dma_semaphore, #tpu.memory_space<semaphore_mem>> -> memref<1x!tpu.dma_semaphore, #tpu.memory_space<semaphore_mem>>
      %dma_wait3A_522 = tpu.memref_squeeze %dma_wait3A_521 : memref<1x!tpu.dma_semaphore, #tpu.memory_space<semaphore_mem>> -> memref<!tpu.dma_semaphore, #tpu.memory_space<semaphore_mem>>
      %dma_wait3A_523 = arith.constant 0 : i32
      %dma_wait3A_524 = tpu.memref_slice %arg7[%dma_wait3A_514, %dma_wait3A_523] : memref<4x80xi32, #tpu.memory_space<vmem>> -> memref<1x80xi32, #tpu.memory_space<vmem>>
      %dma_wait3A_525 = tpu.memref_squeeze %dma_wait3A_524 : memref<1x80xi32, #tpu.memory_space<vmem>> -> memref<80xi32, #tpu.memory_space<vmem>>
      %dma_wait3A_526 = arith.constant 0 : i32
      %dma_wait3A_527 = tpu.memref_slice %arg2[%dma_wait3A_526] : memref<640000xi32, #tpu.memory_space<hbm>> -> memref<80xi32, #tpu.memory_space<hbm>>
      tpu.wait_dma2 semaphore(%dma_wait3A_522 : memref<!tpu.dma_semaphore, #tpu.memory_space<semaphore_mem>>) src(%dma_wait3A_527 : memref<80xi32, #tpu.memory_space<hbm>>) dst(%dma_wait3A_525 : memref<80xi32, #tpu.memory_space<vmem>>)
      %dma_start3A_528 = arith.constant 0 : i32
      %dma_start3A_529 = arith.constant 0 : i32
      %dma_start3A_530 = arith.constant 0 : i32
      %dma_start3A_531 = arith.constant 0 : i32
      %dma_start3A_532 = arith.constant 0 : i32
      %dma_start3A_533 = tpu.memref_slice %arg8[%dma_start3A_528, %dma_start3A_531, %dma_start3A_532] : memref<4x80x128xf32, #tpu.memory_space<vmem>> -> memref<1x80x128xf32, #tpu.memory_space<vmem>>
      %dma_start3A_534 = tpu.memref_squeeze %dma_start3A_533 : memref<1x80x128xf32, #tpu.memory_space<vmem>> -> memref<80x128xf32, #tpu.memory_space<vmem>>
      %dma_start3A_535 = arith.constant 0 : i32
      %dma_start3A_536 = tpu.memref_slice %arg7[%dma_start3A_529, %dma_start3A_535] : memref<4x80xi32, #tpu.memory_space<vmem>> -> memref<1x80xi32, #tpu.memory_space<vmem>>
      %dma_start3A_537 = tpu.memref_squeeze %dma_start3A_536 : memref<1x80xi32, #tpu.memory_space<vmem>> -> memref<80xi32, #tpu.memory_space<vmem>>
      %dma_start3A_538 = arith.constant 0 : i32
      %dma_start3A_539 = arith.constant 0 : i32
      %dma_start3A_540 = tpu.memref_slice %arg5[%dma_start3A_538, %dma_start3A_539] : memref<10240x128xf32, #tpu.memory_space<vmem_shared>> -> memref<10240x128xf32, #tpu.memory_space<vmem_shared>>
      %dma_start3A_541 = tpu.memref_slice %arg12[%dma_start3A_530] : memref<4x!tpu.dma_semaphore, #tpu.memory_space<semaphore_mem>> -> memref<1x!tpu.dma_semaphore, #tpu.memory_space<semaphore_mem>>
      %dma_start3A_542 = tpu.memref_squeeze %dma_start3A_541 : memref<1x!tpu.dma_semaphore, #tpu.memory_space<semaphore_mem>> -> memref<!tpu.dma_semaphore, #tpu.memory_space<semaphore_mem>>
      tpu.enqueue_indirect_dma source(%dma_start3A_534 : memref<80x128xf32, #tpu.memory_space<vmem>>) target(%dma_start3A_540 : memref<10240x128xf32, #tpu.memory_space<vmem_shared>>) offsets(%dma_start3A_537 : memref<80xi32, #tpu.memory_space<vmem>>) semaphore(%dma_start3A_542 : memref<!tpu.dma_semaphore, #tpu.memory_space<semaphore_mem>>) {add = true}
      %dma_wait3A_543 = arith.constant 1 : i32
      %dma_wait3A_544 = arith.constant 1 : i32
      %dma_wait3A_545 = arith.constant 1 : i32
      %dma_wait3A_546 = arith.constant 0 : i32
      %dma_wait3A_547 = arith.constant 0 : i32
      %dma_wait3A_548 = tpu.memref_slice %arg8[%dma_wait3A_544, %dma_wait3A_546, %dma_wait3A_547] : memref<4x80x128xf32, #tpu.memory_space<vmem>> -> memref<1x80x128xf32, #tpu.memory_space<vmem>>
      %dma_wait3A_549 = tpu.memref_squeeze %dma_wait3A_548 : memref<1x80x128xf32, #tpu.memory_space<vmem>> -> memref<80x128xf32, #tpu.memory_space<vmem>>
      %dma_wait3A_550 = arith.constant 0 : i32
      %dma_wait3A_551 = tpu.memref_slice %arg6[%dma_wait3A_543, %dma_wait3A_550] : memref<4x80xi32, #tpu.memory_space<vmem>> -> memref<1x80xi32, #tpu.memory_space<vmem>>
      %dma_wait3A_552 = tpu.memref_squeeze %dma_wait3A_551 : memref<1x80xi32, #tpu.memory_space<vmem>> -> memref<80xi32, #tpu.memory_space<vmem>>
      %dma_wait3A_553 = arith.constant 0 : i32
      %dma_wait3A_554 = arith.constant 0 : i32
      %dma_wait3A_555 = tpu.memref_slice %arg3[%dma_wait3A_553, %dma_wait3A_554] : memref<10000x128xf32, #tpu.memory_space<hbm>> -> memref<10000x128xf32, #tpu.memory_space<hbm>>
      %dma_wait3A_556 = tpu.memref_slice %arg11[%dma_wait3A_545] : memref<4x!tpu.dma_semaphore, #tpu.memory_space<semaphore_mem>> -> memref<1x!tpu.dma_semaphore, #tpu.memory_space<semaphore_mem>>
      %dma_wait3A_557 = tpu.memref_squeeze %dma_wait3A_556 : memref<1x!tpu.dma_semaphore, #tpu.memory_space<semaphore_mem>> -> memref<!tpu.dma_semaphore, #tpu.memory_space<semaphore_mem>>
      tpu.wait_indirect_dma semaphore(%dma_wait3A_557 : memref<!tpu.dma_semaphore, #tpu.memory_space<semaphore_mem>>) src(%dma_wait3A_555 : memref<10000x128xf32, #tpu.memory_space<hbm>>) dst(%dma_wait3A_549 : memref<80x128xf32, #tpu.memory_space<vmem>>)
      %dma_wait3A_558 = arith.constant 1 : i32
      %dma_wait3A_559 = arith.constant 1 : i32
      %dma_wait3A_560 = arith.constant 0 : i32
      %dma_wait3A_561 = tpu.memref_slice %arg7[%dma_wait3A_558, %dma_wait3A_560] : memref<4x80xi32, #tpu.memory_space<vmem>> -> memref<1x80xi32, #tpu.memory_space<vmem>>
      %dma_wait3A_562 = tpu.memref_squeeze %dma_wait3A_561 : memref<1x80xi32, #tpu.memory_space<vmem>> -> memref<80xi32, #tpu.memory_space<vmem>>
      %dma_wait3A_563 = arith.constant 0 : i32
      %dma_wait3A_564 = tpu.memref_slice %arg2[%dma_wait3A_563] : memref<640000xi32, #tpu.memory_space<hbm>> -> memref<80xi32, #tpu.memory_space<hbm>>
      %dma_wait3A_565 = tpu.memref_slice %arg10[%dma_wait3A_559] : memref<4x!tpu.dma_semaphore, #tpu.memory_space<semaphore_mem>> -> memref<1x!tpu.dma_semaphore, #tpu.memory_space<semaphore_mem>>
      %dma_wait3A_566 = tpu.memref_squeeze %dma_wait3A_565 : memref<1x!tpu.dma_semaphore, #tpu.memory_space<semaphore_mem>> -> memref<!tpu.dma_semaphore, #tpu.memory_space<semaphore_mem>>
      %dma_wait3A_567 = arith.constant 0 : i32
      %dma_wait3A_568 = tpu.memref_slice %arg7[%dma_wait3A_558, %dma_wait3A_567] : memref<4x80xi32, #tpu.memory_space<vmem>> -> memref<1x80xi32, #tpu.memory_space<vmem>>
      %dma_wait3A_569 = tpu.memref_squeeze %dma_wait3A_568 : memref<1x80xi32, #tpu.memory_space<vmem>> -> memref<80xi32, #tpu.memory_space<vmem>>
      %dma_wait3A_570 = arith.constant 0 : i32
      %dma_wait3A_571 = tpu.memref_slice %arg2[%dma_wait3A_570] : memref<640000xi32, #tpu.memory_space<hbm>> -> memref<80xi32, #tpu.memory_space<hbm>>
      tpu.wait_dma2 semaphore(%dma_wait3A_566 : memref<!tpu.dma_semaphore, #tpu.memory_space<semaphore_mem>>) src(%dma_wait3A_571 : memref<80xi32, #tpu.memory_space<hbm>>) dst(%dma_wait3A_569 : memref<80xi32, #tpu.memory_space<vmem>>)
      %dma_start3A_572 = arith.constant 1 : i32
      %dma_start3A_573 = arith.constant 1 : i32
      %dma_start3A_574 = arith.constant 1 : i32
      %dma_start3A_575 = arith.constant 0 : i32
      %dma_start3A_576 = arith.constant 0 : i32
      %dma_start3A_577 = tpu.memref_slice %arg8[%dma_start3A_572, %dma_start3A_575, %dma_start3A_576] : memref<4x80x128xf32, #tpu.memory_space<vmem>> -> memref<1x80x128xf32, #tpu.memory_space<vmem>>
      %dma_start3A_578 = tpu.memref_squeeze %dma_start3A_577 : memref<1x80x128xf32, #tpu.memory_space<vmem>> -> memref<80x128xf32, #tpu.memory_space<vmem>>
      %dma_start3A_579 = arith.constant 0 : i32
      %dma_start3A_580 = tpu.memref_slice %arg7[%dma_start3A_573, %dma_start3A_579] : memref<4x80xi32, #tpu.memory_space<vmem>> -> memref<1x80xi32, #tpu.memory_space<vmem>>
      %dma_start3A_581 = tpu.memref_squeeze %dma_start3A_580 : memref<1x80xi32, #tpu.memory_space<vmem>> -> memref<80xi32, #tpu.memory_space<vmem>>
      %dma_start3A_582 = arith.constant 0 : i32
      %dma_start3A_583 = arith.constant 0 : i32
      %dma_start3A_584 = tpu.memref_slice %arg5[%dma_start3A_582, %dma_start3A_583] : memref<10240x128xf32, #tpu.memory_space<vmem_shared>> -> memref<10240x128xf32, #tpu.memory_space<vmem_shared>>
      %dma_start3A_585 = tpu.memref_slice %arg12[%dma_start3A_574] : memref<4x!tpu.dma_semaphore, #tpu.memory_space<semaphore_mem>> -> memref<1x!tpu.dma_semaphore, #tpu.memory_space<semaphore_mem>>
      %dma_start3A_586 = tpu.memref_squeeze %dma_start3A_585 : memref<1x!tpu.dma_semaphore, #tpu.memory_space<semaphore_mem>> -> memref<!tpu.dma_semaphore, #tpu.memory_space<semaphore_mem>>
      tpu.enqueue_indirect_dma source(%dma_start3A_578 : memref<80x128xf32, #tpu.memory_space<vmem>>) target(%dma_start3A_584 : memref<10240x128xf32, #tpu.memory_space<vmem_shared>>) offsets(%dma_start3A_581 : memref<80xi32, #tpu.memory_space<vmem>>) semaphore(%dma_start3A_586 : memref<!tpu.dma_semaphore, #tpu.memory_space<semaphore_mem>>) {add = true}
      %dma_wait3A_587 = arith.constant 2 : i32
      %dma_wait3A_588 = arith.constant 2 : i32
      %dma_wait3A_589 = arith.constant 2 : i32
      %dma_wait3A_590 = arith.constant 0 : i32
      %dma_wait3A_591 = arith.constant 0 : i32
      %dma_wait3A_592 = tpu.memref_slice %arg8[%dma_wait3A_588, %dma_wait3A_590, %dma_wait3A_591] : memref<4x80x128xf32, #tpu.memory_space<vmem>> -> memref<1x80x128xf32, #tpu.memory_space<vmem>>
      %dma_wait3A_593 = tpu.memref_squeeze %dma_wait3A_592 : memref<1x80x128xf32, #tpu.memory_space<vmem>> -> memref<80x128xf32, #tpu.memory_space<vmem>>
      %dma_wait3A_594 = arith.constant 0 : i32
      %dma_wait3A_595 = tpu.memref_slice %arg6[%dma_wait3A_587, %dma_wait3A_594] : memref<4x80xi32, #tpu.memory_space<vmem>> -> memref<1x80xi32, #tpu.memory_space<vmem>>
      %dma_wait3A_596 = tpu.memref_squeeze %dma_wait3A_595 : memref<1x80xi32, #tpu.memory_space<vmem>> -> memref<80xi32, #tpu.memory_space<vmem>>
      %dma_wait3A_597 = arith.constant 0 : i32
      %dma_wait3A_598 = arith.constant 0 : i32
      %dma_wait3A_599 = tpu.memref_slice %arg3[%dma_wait3A_597, %dma_wait3A_598] : memref<10000x128xf32, #tpu.memory_space<hbm>> -> memref<10000x128xf32, #tpu.memory_space<hbm>>
      %dma_wait3A_600 = tpu.memref_slice %arg11[%dma_wait3A_589] : memref<4x!tpu.dma_semaphore, #tpu.memory_space<semaphore_mem>> -> memref<1x!tpu.dma_semaphore, #tpu.memory_space<semaphore_mem>>
      %dma_wait3A_601 = tpu.memref_squeeze %dma_wait3A_600 : memref<1x!tpu.dma_semaphore, #tpu.memory_space<semaphore_mem>> -> memref<!tpu.dma_semaphore, #tpu.memory_space<semaphore_mem>>
      tpu.wait_indirect_dma semaphore(%dma_wait3A_601 : memref<!tpu.dma_semaphore, #tpu.memory_space<semaphore_mem>>) src(%dma_wait3A_599 : memref<10000x128xf32, #tpu.memory_space<hbm>>) dst(%dma_wait3A_593 : memref<80x128xf32, #tpu.memory_space<vmem>>)
      %dma_wait3A_602 = arith.constant 2 : i32
      %dma_wait3A_603 = arith.constant 2 : i32
      %dma_wait3A_604 = arith.constant 0 : i32
      %dma_wait3A_605 = tpu.memref_slice %arg7[%dma_wait3A_602, %dma_wait3A_604] : memref<4x80xi32, #tpu.memory_space<vmem>> -> memref<1x80xi32, #tpu.memory_space<vmem>>
      %dma_wait3A_606 = tpu.memref_squeeze %dma_wait3A_605 : memref<1x80xi32, #tpu.memory_space<vmem>> -> memref<80xi32, #tpu.memory_space<vmem>>
      %dma_wait3A_607 = arith.constant 0 : i32
      %dma_wait3A_608 = tpu.memref_slice %arg2[%dma_wait3A_607] : memref<640000xi32, #tpu.memory_space<hbm>> -> memref<80xi32, #tpu.memory_space<hbm>>
      %dma_wait3A_609 = tpu.memref_slice %arg10[%dma_wait3A_603] : memref<4x!tpu.dma_semaphore, #tpu.memory_space<semaphore_mem>> -> memref<1x!tpu.dma_semaphore, #tpu.memory_space<semaphore_mem>>
      %dma_wait3A_610 = tpu.memref_squeeze %dma_wait3A_609 : memref<1x!tpu.dma_semaphore, #tpu.memory_space<semaphore_mem>> -> memref<!tpu.dma_semaphore, #tpu.memory_space<semaphore_mem>>
      %dma_wait3A_611 = arith.constant 0 : i32
      %dma_wait3A_612 = tpu.memref_slice %arg7[%dma_wait3A_602, %dma_wait3A_611] : memref<4x80xi32, #tpu.memory_space<vmem>> -> memref<1x80xi32, #tpu.memory_space<vmem>>
      %dma_wait3A_613 = tpu.memref_squeeze %dma_wait3A_612 : memref<1x80xi32, #tpu.memory_space<vmem>> -> memref<80xi32, #tpu.memory_space<vmem>>
      %dma_wait3A_614 = arith.constant 0 : i32
      %dma_wait3A_615 = tpu.memref_slice %arg2[%dma_wait3A_614] : memref<640000xi32, #tpu.memory_space<hbm>> -> memref<80xi32, #tpu.memory_space<hbm>>
      tpu.wait_dma2 semaphore(%dma_wait3A_610 : memref<!tpu.dma_semaphore, #tpu.memory_space<semaphore_mem>>) src(%dma_wait3A_615 : memref<80xi32, #tpu.memory_space<hbm>>) dst(%dma_wait3A_613 : memref<80xi32, #tpu.memory_space<vmem>>)
      %dma_start3A_616 = arith.constant 2 : i32
      %dma_start3A_617 = arith.constant 2 : i32
      %dma_start3A_618 = arith.constant 2 : i32
      %dma_start3A_619 = arith.constant 0 : i32
      %dma_start3A_620 = arith.constant 0 : i32
      %dma_start3A_621 = tpu.memref_slice %arg8[%dma_start3A_616, %dma_start3A_619, %dma_start3A_620] : memref<4x80x128xf32, #tpu.memory_space<vmem>> -> memref<1x80x128xf32, #tpu.memory_space<vmem>>
      %dma_start3A_622 = tpu.memref_squeeze %dma_start3A_621 : memref<1x80x128xf32, #tpu.memory_space<vmem>> -> memref<80x128xf32, #tpu.memory_space<vmem>>
      %dma_start3A_623 = arith.constant 0 : i32
      %dma_start3A_624 = tpu.memref_slice %arg7[%dma_start3A_617, %dma_start3A_623] : memref<4x80xi32, #tpu.memory_space<vmem>> -> memref<1x80xi32, #tpu.memory_space<vmem>>
      %dma_start3A_625 = tpu.memref_squeeze %dma_start3A_624 : memref<1x80xi32, #tpu.memory_space<vmem>> -> memref<80xi32, #tpu.memory_space<vmem>>
      %dma_start3A_626 = arith.constant 0 : i32
      %dma_start3A_627 = arith.constant 0 : i32
      %dma_start3A_628 = tpu.memref_slice %arg5[%dma_start3A_626, %dma_start3A_627] : memref<10240x128xf32, #tpu.memory_space<vmem_shared>> -> memref<10240x128xf32, #tpu.memory_space<vmem_shared>>
      %dma_start3A_629 = tpu.memref_slice %arg12[%dma_start3A_618] : memref<4x!tpu.dma_semaphore, #tpu.memory_space<semaphore_mem>> -> memref<1x!tpu.dma_semaphore, #tpu.memory_space<semaphore_mem>>
      %dma_start3A_630 = tpu.memref_squeeze %dma_start3A_629 : memref<1x!tpu.dma_semaphore, #tpu.memory_space<semaphore_mem>> -> memref<!tpu.dma_semaphore, #tpu.memory_space<semaphore_mem>>
      tpu.enqueue_indirect_dma source(%dma_start3A_622 : memref<80x128xf32, #tpu.memory_space<vmem>>) target(%dma_start3A_628 : memref<10240x128xf32, #tpu.memory_space<vmem_shared>>) offsets(%dma_start3A_625 : memref<80xi32, #tpu.memory_space<vmem>>) semaphore(%dma_start3A_630 : memref<!tpu.dma_semaphore, #tpu.memory_space<semaphore_mem>>) {add = true}
      %dma_wait3A_631 = arith.constant 3 : i32
      %dma_wait3A_632 = arith.constant 3 : i32
      %dma_wait3A_633 = arith.constant 3 : i32
      %dma_wait3A_634 = arith.constant 0 : i32
      %dma_wait3A_635 = arith.constant 0 : i32
      %dma_wait3A_636 = tpu.memref_slice %arg8[%dma_wait3A_632, %dma_wait3A_634, %dma_wait3A_635] : memref<4x80x128xf32, #tpu.memory_space<vmem>> -> memref<1x80x128xf32, #tpu.memory_space<vmem>>
      %dma_wait3A_637 = tpu.memref_squeeze %dma_wait3A_636 : memref<1x80x128xf32, #tpu.memory_space<vmem>> -> memref<80x128xf32, #tpu.memory_space<vmem>>
      %dma_wait3A_638 = arith.constant 0 : i32
      %dma_wait3A_639 = tpu.memref_slice %arg6[%dma_wait3A_631, %dma_wait3A_638] : memref<4x80xi32, #tpu.memory_space<vmem>> -> memref<1x80xi32, #tpu.memory_space<vmem>>
      %dma_wait3A_640 = tpu.memref_squeeze %dma_wait3A_639 : memref<1x80xi32, #tpu.memory_space<vmem>> -> memref<80xi32, #tpu.memory_space<vmem>>
      %dma_wait3A_641 = arith.constant 0 : i32
      %dma_wait3A_642 = arith.constant 0 : i32
      %dma_wait3A_643 = tpu.memref_slice %arg3[%dma_wait3A_641, %dma_wait3A_642] : memref<10000x128xf32, #tpu.memory_space<hbm>> -> memref<10000x128xf32, #tpu.memory_space<hbm>>
      %dma_wait3A_644 = tpu.memref_slice %arg11[%dma_wait3A_633] : memref<4x!tpu.dma_semaphore, #tpu.memory_space<semaphore_mem>> -> memref<1x!tpu.dma_semaphore, #tpu.memory_space<semaphore_mem>>
      %dma_wait3A_645 = tpu.memref_squeeze %dma_wait3A_644 : memref<1x!tpu.dma_semaphore, #tpu.memory_space<semaphore_mem>> -> memref<!tpu.dma_semaphore, #tpu.memory_space<semaphore_mem>>
      tpu.wait_indirect_dma semaphore(%dma_wait3A_645 : memref<!tpu.dma_semaphore, #tpu.memory_space<semaphore_mem>>) src(%dma_wait3A_643 : memref<10000x128xf32, #tpu.memory_space<hbm>>) dst(%dma_wait3A_637 : memref<80x128xf32, #tpu.memory_space<vmem>>)
      %dma_wait3A_646 = arith.constant 3 : i32
      %dma_wait3A_647 = arith.constant 3 : i32
      %dma_wait3A_648 = arith.constant 0 : i32
      %dma_wait3A_649 = tpu.memref_slice %arg7[%dma_wait3A_646, %dma_wait3A_648] : memref<4x80xi32, #tpu.memory_space<vmem>> -> memref<1x80xi32, #tpu.memory_space<vmem>>
      %dma_wait3A_650 = tpu.memref_squeeze %dma_wait3A_649 : memref<1x80xi32, #tpu.memory_space<vmem>> -> memref<80xi32, #tpu.memory_space<vmem>>
      %dma_wait3A_651 = arith.constant 0 : i32
      %dma_wait3A_652 = tpu.memref_slice %arg2[%dma_wait3A_651] : memref<640000xi32, #tpu.memory_space<hbm>> -> memref<80xi32, #tpu.memory_space<hbm>>
      %dma_wait3A_653 = tpu.memref_slice %arg10[%dma_wait3A_647] : memref<4x!tpu.dma_semaphore, #tpu.memory_space<semaphore_mem>> -> memref<1x!tpu.dma_semaphore, #tpu.memory_space<semaphore_mem>>
      %dma_wait3A_654 = tpu.memref_squeeze %dma_wait3A_653 : memref<1x!tpu.dma_semaphore, #tpu.memory_space<semaphore_mem>> -> memref<!tpu.dma_semaphore, #tpu.memory_space<semaphore_mem>>
      %dma_wait3A_655 = arith.constant 0 : i32
      %dma_wait3A_656 = tpu.memref_slice %arg7[%dma_wait3A_646, %dma_wait3A_655] : memref<4x80xi32, #tpu.memory_space<vmem>> -> memref<1x80xi32, #tpu.memory_space<vmem>>
      %dma_wait3A_657 = tpu.memref_squeeze %dma_wait3A_656 : memref<1x80xi32, #tpu.memory_space<vmem>> -> memref<80xi32, #tpu.memory_space<vmem>>
      %dma_wait3A_658 = arith.constant 0 : i32
      %dma_wait3A_659 = tpu.memref_slice %arg2[%dma_wait3A_658] : memref<640000xi32, #tpu.memory_space<hbm>> -> memref<80xi32, #tpu.memory_space<hbm>>
      tpu.wait_dma2 semaphore(%dma_wait3A_654 : memref<!tpu.dma_semaphore, #tpu.memory_space<semaphore_mem>>) src(%dma_wait3A_659 : memref<80xi32, #tpu.memory_space<hbm>>) dst(%dma_wait3A_657 : memref<80xi32, #tpu.memory_space<vmem>>)
      %dma_start3A_660 = arith.constant 3 : i32
      %dma_start3A_661 = arith.constant 3 : i32
      %dma_start3A_662 = arith.constant 3 : i32
      %dma_start3A_663 = arith.constant 0 : i32
      %dma_start3A_664 = arith.constant 0 : i32
      %dma_start3A_665 = tpu.memref_slice %arg8[%dma_start3A_660, %dma_start3A_663, %dma_start3A_664] : memref<4x80x128xf32, #tpu.memory_space<vmem>> -> memref<1x80x128xf32, #tpu.memory_space<vmem>>
      %dma_start3A_666 = tpu.memref_squeeze %dma_start3A_665 : memref<1x80x128xf32, #tpu.memory_space<vmem>> -> memref<80x128xf32, #tpu.memory_space<vmem>>
      %dma_start3A_667 = arith.constant 0 : i32
      %dma_start3A_668 = tpu.memref_slice %arg7[%dma_start3A_661, %dma_start3A_667] : memref<4x80xi32, #tpu.memory_space<vmem>> -> memref<1x80xi32, #tpu.memory_space<vmem>>
      %dma_start3A_669 = tpu.memref_squeeze %dma_start3A_668 : memref<1x80xi32, #tpu.memory_space<vmem>> -> memref<80xi32, #tpu.memory_space<vmem>>
      %dma_start3A_670 = arith.constant 0 : i32
      %dma_start3A_671 = arith.constant 0 : i32
      %dma_start3A_672 = tpu.memref_slice %arg5[%dma_start3A_670, %dma_start3A_671] : memref<10240x128xf32, #tpu.memory_space<vmem_shared>> -> memref<10240x128xf32, #tpu.memory_space<vmem_shared>>
      %dma_start3A_673 = tpu.memref_slice %arg12[%dma_start3A_662] : memref<4x!tpu.dma_semaphore, #tpu.memory_space<semaphore_mem>> -> memref<1x!tpu.dma_semaphore, #tpu.memory_space<semaphore_mem>>
      %dma_start3A_674 = tpu.memref_squeeze %dma_start3A_673 : memref<1x!tpu.dma_semaphore, #tpu.memory_space<semaphore_mem>> -> memref<!tpu.dma_semaphore, #tpu.memory_space<semaphore_mem>>
      tpu.enqueue_indirect_dma source(%dma_start3A_666 : memref<80x128xf32, #tpu.memory_space<vmem>>) target(%dma_start3A_672 : memref<10240x128xf32, #tpu.memory_space<vmem_shared>>) offsets(%dma_start3A_669 : memref<80xi32, #tpu.memory_space<vmem>>) semaphore(%dma_start3A_674 : memref<!tpu.dma_semaphore, #tpu.memory_space<semaphore_mem>>) {add = true}
    }
    %scan3A_53 = arith.constant 31 : i32
    %dma_wait3A = arith.constant 0 : i32
    %dma_wait3A_54 = arith.constant 0 : i32
    %dma_wait3A_55 = arith.constant 0 : i32
    %dma_wait3A_56 = arith.constant 0 : i32
    %dma_wait3A_57 = arith.constant 0 : i32
    %dma_wait3A_58 = tpu.memref_slice %arg8[%dma_wait3A, %dma_wait3A_56, %dma_wait3A_57] : memref<4x80x128xf32, #tpu.memory_space<vmem>> -> memref<1x80x128xf32, #tpu.memory_space<vmem>>
    %dma_wait3A_59 = tpu.memref_squeeze %dma_wait3A_58 : memref<1x80x128xf32, #tpu.memory_space<vmem>> -> memref<80x128xf32, #tpu.memory_space<vmem>>
    %dma_wait3A_60 = arith.constant 0 : i32
    %dma_wait3A_61 = tpu.memref_slice %arg7[%dma_wait3A_54, %dma_wait3A_60] : memref<4x80xi32, #tpu.memory_space<vmem>> -> memref<1x80xi32, #tpu.memory_space<vmem>>
    %dma_wait3A_62 = tpu.memref_squeeze %dma_wait3A_61 : memref<1x80xi32, #tpu.memory_space<vmem>> -> memref<80xi32, #tpu.memory_space<vmem>>
    %dma_wait3A_63 = arith.constant 0 : i32
    %dma_wait3A_64 = arith.constant 0 : i32
    %dma_wait3A_65 = tpu.memref_slice %arg5[%dma_wait3A_63, %dma_wait3A_64] : memref<10240x128xf32, #tpu.memory_space<vmem_shared>> -> memref<10240x128xf32, #tpu.memory_space<vmem_shared>>
    %dma_wait3A_66 = tpu.memref_slice %arg12[%dma_wait3A_55] : memref<4x!tpu.dma_semaphore, #tpu.memory_space<semaphore_mem>> -> memref<1x!tpu.dma_semaphore, #tpu.memory_space<semaphore_mem>>
    %dma_wait3A_67 = tpu.memref_squeeze %dma_wait3A_66 : memref<1x!tpu.dma_semaphore, #tpu.memory_space<semaphore_mem>> -> memref<!tpu.dma_semaphore, #tpu.memory_space<semaphore_mem>>
    tpu.wait_indirect_dma semaphore(%dma_wait3A_67 : memref<!tpu.dma_semaphore, #tpu.memory_space<semaphore_mem>>) src(%dma_wait3A_59 : memref<80x128xf32, #tpu.memory_space<vmem>>) dst(%dma_wait3A_65 : memref<10240x128xf32, #tpu.memory_space<vmem_shared>>)
    %add3A_68 = arith.constant 9920 : i32
    %add3A_69 = arith.addi %mul3A_2, %add3A_68 : i32
    %dma_start3A = arith.constant 0 : i32
    %dma_start3A_70 = arith.constant 0 : i32
    %dma_start3A_71 = arith.constant 0 : i32
    %dma_start3A_72 = tpu.memref_slice %arg6[%dma_start3A, %dma_start3A_71] : memref<4x80xi32, #tpu.memory_space<vmem>> -> memref<1x80xi32, #tpu.memory_space<vmem>>
    %dma_start3A_73 = tpu.memref_squeeze %dma_start3A_72 : memref<1x80xi32, #tpu.memory_space<vmem>> -> memref<80xi32, #tpu.memory_space<vmem>>
    %dma_start3A_74 = tpu.memref_slice %arg2[%add3A_69] : memref<640000xi32, #tpu.memory_space<hbm>> -> memref<80xi32, #tpu.memory_space<hbm>>
    %dma_start3A_75 = tpu.memref_slice %arg9[%dma_start3A_70] : memref<4x!tpu.dma_semaphore, #tpu.memory_space<semaphore_mem>> -> memref<1x!tpu.dma_semaphore, #tpu.memory_space<semaphore_mem>>
    %dma_start3A_76 = tpu.memref_squeeze %dma_start3A_75 : memref<1x!tpu.dma_semaphore, #tpu.memory_space<semaphore_mem>> -> memref<!tpu.dma_semaphore, #tpu.memory_space<semaphore_mem>>
    %dma_start3A_77 = arith.constant 0 : i32
    %dma_start3A_78 = tpu.memref_slice %arg6[%dma_start3A, %dma_start3A_77] : memref<4x80xi32, #tpu.memory_space<vmem>> -> memref<1x80xi32, #tpu.memory_space<vmem>>
    %dma_start3A_79 = tpu.memref_squeeze %dma_start3A_78 : memref<1x80xi32, #tpu.memory_space<vmem>> -> memref<80xi32, #tpu.memory_space<vmem>>
    %dma_start3A_80 = tpu.memref_slice %arg2[%add3A_69] : memref<640000xi32, #tpu.memory_space<hbm>> -> memref<80xi32, #tpu.memory_space<hbm>>
    tpu.enqueue_dma source(%dma_start3A_80 : memref<80xi32, #tpu.memory_space<hbm>>) target(%dma_start3A_79 : memref<80xi32, #tpu.memory_space<vmem>>) target_semaphore(%dma_start3A_76 : memref<!tpu.dma_semaphore, #tpu.memory_space<semaphore_mem>>)
    %add3A_81 = arith.constant 320000 : i32
    %add3A_82 = arith.addi %add3A_81, %add3A_69 : i32
    %dma_start3A_83 = arith.constant 0 : i32
    %dma_start3A_84 = arith.constant 0 : i32
    %dma_start3A_85 = arith.constant 0 : i32
    %dma_start3A_86 = tpu.memref_slice %arg7[%dma_start3A_83, %dma_start3A_85] : memref<4x80xi32, #tpu.memory_space<vmem>> -> memref<1x80xi32, #tpu.memory_space<vmem>>
    %dma_start3A_87 = tpu.memref_squeeze %dma_start3A_86 : memref<1x80xi32, #tpu.memory_space<vmem>> -> memref<80xi32, #tpu.memory_space<vmem>>
    %dma_start3A_88 = tpu.memref_slice %arg2[%add3A_82] : memref<640000xi32, #tpu.memory_space<hbm>> -> memref<80xi32, #tpu.memory_space<hbm>>
    %dma_start3A_89 = tpu.memref_slice %arg10[%dma_start3A_84] : memref<4x!tpu.dma_semaphore, #tpu.memory_space<semaphore_mem>> -> memref<1x!tpu.dma_semaphore, #tpu.memory_space<semaphore_mem>>
    %dma_start3A_90 = tpu.memref_squeeze %dma_start3A_89 : memref<1x!tpu.dma_semaphore, #tpu.memory_space<semaphore_mem>> -> memref<!tpu.dma_semaphore, #tpu.memory_space<semaphore_mem>>
    %dma_start3A_91 = arith.constant 0 : i32
    %dma_start3A_92 = tpu.memref_slice %arg7[%dma_start3A_83, %dma_start3A_91] : memref<4x80xi32, #tpu.memory_space<vmem>> -> memref<1x80xi32, #tpu.memory_space<vmem>>
    %dma_start3A_93 = tpu.memref_squeeze %dma_start3A_92 : memref<1x80xi32, #tpu.memory_space<vmem>> -> memref<80xi32, #tpu.memory_space<vmem>>
    %dma_start3A_94 = tpu.memref_slice %arg2[%add3A_82] : memref<640000xi32, #tpu.memory_space<hbm>> -> memref<80xi32, #tpu.memory_space<hbm>>
    tpu.enqueue_dma source(%dma_start3A_94 : memref<80xi32, #tpu.memory_space<hbm>>) target(%dma_start3A_93 : memref<80xi32, #tpu.memory_space<vmem>>) target_semaphore(%dma_start3A_90 : memref<!tpu.dma_semaphore, #tpu.memory_space<semaphore_mem>>)
    %dma_wait3A_95 = arith.constant 0 : i32
    %dma_wait3A_96 = arith.constant 0 : i32
    %dma_wait3A_97 = arith.constant 0 : i32
    %dma_wait3A_98 = tpu.memref_slice %arg6[%dma_wait3A_95, %dma_wait3A_97] : memref<4x80xi32, #tpu.memory_space<vmem>> -> memref<1x80xi32, #tpu.memory_space<vmem>>
    %dma_wait3A_99 = tpu.memref_squeeze %dma_wait3A_98 : memref<1x80xi32, #tpu.memory_space<vmem>> -> memref<80xi32, #tpu.memory_space<vmem>>
    %dma_wait3A_100 = arith.constant 0 : i32
    %dma_wait3A_101 = tpu.memref_slice %arg2[%dma_wait3A_100] : memref<640000xi32, #tpu.memory_space<hbm>> -> memref<80xi32, #tpu.memory_space<hbm>>
    %dma_wait3A_102 = tpu.memref_slice %arg9[%dma_wait3A_96] : memref<4x!tpu.dma_semaphore, #tpu.memory_space<semaphore_mem>> -> memref<1x!tpu.dma_semaphore, #tpu.memory_space<semaphore_mem>>
    %dma_wait3A_103 = tpu.memref_squeeze %dma_wait3A_102 : memref<1x!tpu.dma_semaphore, #tpu.memory_space<semaphore_mem>> -> memref<!tpu.dma_semaphore, #tpu.memory_space<semaphore_mem>>
    %dma_wait3A_104 = arith.constant 0 : i32
    %dma_wait3A_105 = tpu.memref_slice %arg6[%dma_wait3A_95, %dma_wait3A_104] : memref<4x80xi32, #tpu.memory_space<vmem>> -> memref<1x80xi32, #tpu.memory_space<vmem>>
    %dma_wait3A_106 = tpu.memref_squeeze %dma_wait3A_105 : memref<1x80xi32, #tpu.memory_space<vmem>> -> memref<80xi32, #tpu.memory_space<vmem>>
    %dma_wait3A_107 = arith.constant 0 : i32
    %dma_wait3A_108 = tpu.memref_slice %arg2[%dma_wait3A_107] : memref<640000xi32, #tpu.memory_space<hbm>> -> memref<80xi32, #tpu.memory_space<hbm>>
    tpu.wait_dma2 semaphore(%dma_wait3A_103 : memref<!tpu.dma_semaphore, #tpu.memory_space<semaphore_mem>>) src(%dma_wait3A_108 : memref<80xi32, #tpu.memory_space<hbm>>) dst(%dma_wait3A_106 : memref<80xi32, #tpu.memory_space<vmem>>)
    %dma_start3A_109 = arith.constant 0 : i32
    %dma_start3A_110 = arith.constant 0 : i32
    %dma_start3A_111 = arith.constant 0 : i32
    %dma_start3A_112 = arith.constant 0 : i32
    %dma_start3A_113 = arith.constant 0 : i32
    %dma_start3A_114 = tpu.memref_slice %arg8[%dma_start3A_110, %dma_start3A_112, %dma_start3A_113] : memref<4x80x128xf32, #tpu.memory_space<vmem>> -> memref<1x80x128xf32, #tpu.memory_space<vmem>>
    %dma_start3A_115 = tpu.memref_squeeze %dma_start3A_114 : memref<1x80x128xf32, #tpu.memory_space<vmem>> -> memref<80x128xf32, #tpu.memory_space<vmem>>
    %dma_start3A_116 = arith.constant 0 : i32
    %dma_start3A_117 = tpu.memref_slice %arg6[%dma_start3A_109, %dma_start3A_116] : memref<4x80xi32, #tpu.memory_space<vmem>> -> memref<1x80xi32, #tpu.memory_space<vmem>>
    %dma_start3A_118 = tpu.memref_squeeze %dma_start3A_117 : memref<1x80xi32, #tpu.memory_space<vmem>> -> memref<80xi32, #tpu.memory_space<vmem>>
    %dma_start3A_119 = arith.constant 0 : i32
    %dma_start3A_120 = arith.constant 0 : i32
    %dma_start3A_121 = tpu.memref_slice %arg3[%dma_start3A_119, %dma_start3A_120] : memref<10000x128xf32, #tpu.memory_space<hbm>> -> memref<10000x128xf32, #tpu.memory_space<hbm>>
    %dma_start3A_122 = tpu.memref_slice %arg11[%dma_start3A_111] : memref<4x!tpu.dma_semaphore, #tpu.memory_space<semaphore_mem>> -> memref<1x!tpu.dma_semaphore, #tpu.memory_space<semaphore_mem>>
    %dma_start3A_123 = tpu.memref_squeeze %dma_start3A_122 : memref<1x!tpu.dma_semaphore, #tpu.memory_space<semaphore_mem>> -> memref<!tpu.dma_semaphore, #tpu.memory_space<semaphore_mem>>
    tpu.enqueue_indirect_dma source(%dma_start3A_121 : memref<10000x128xf32, #tpu.memory_space<hbm>>) target(%dma_start3A_115 : memref<80x128xf32, #tpu.memory_space<vmem>>) offsets(%dma_start3A_118 : memref<80xi32, #tpu.memory_space<vmem>>) semaphore(%dma_start3A_123 : memref<!tpu.dma_semaphore, #tpu.memory_space<semaphore_mem>>)
    %dma_wait3A_124 = arith.constant 0 : i32
    %dma_wait3A_125 = arith.constant 0 : i32
    %dma_wait3A_126 = arith.constant 0 : i32
    %dma_wait3A_127 = arith.constant 0 : i32
    %dma_wait3A_128 = arith.constant 0 : i32
    %dma_wait3A_129 = tpu.memref_slice %arg8[%dma_wait3A_125, %dma_wait3A_127, %dma_wait3A_128] : memref<4x80x128xf32, #tpu.memory_space<vmem>> -> memref<1x80x128xf32, #tpu.memory_space<vmem>>
    %dma_wait3A_130 = tpu.memref_squeeze %dma_wait3A_129 : memref<1x80x128xf32, #tpu.memory_space<vmem>> -> memref<80x128xf32, #tpu.memory_space<vmem>>
    %dma_wait3A_131 = arith.constant 0 : i32
    %dma_wait3A_132 = tpu.memref_slice %arg6[%dma_wait3A_124, %dma_wait3A_131] : memref<4x80xi32, #tpu.memory_space<vmem>> -> memref<1x80xi32, #tpu.memory_space<vmem>>
    %dma_wait3A_133 = tpu.memref_squeeze %dma_wait3A_132 : memref<1x80xi32, #tpu.memory_space<vmem>> -> memref<80xi32, #tpu.memory_space<vmem>>
    %dma_wait3A_134 = arith.constant 0 : i32
    %dma_wait3A_135 = arith.constant 0 : i32
    %dma_wait3A_136 = tpu.memref_slice %arg3[%dma_wait3A_134, %dma_wait3A_135] : memref<10000x128xf32, #tpu.memory_space<hbm>> -> memref<10000x128xf32, #tpu.memory_space<hbm>>
    %dma_wait3A_137 = tpu.memref_slice %arg11[%dma_wait3A_126] : memref<4x!tpu.dma_semaphore, #tpu.memory_space<semaphore_mem>> -> memref<1x!tpu.dma_semaphore, #tpu.memory_space<semaphore_mem>>
    %dma_wait3A_138 = tpu.memref_squeeze %dma_wait3A_137 : memref<1x!tpu.dma_semaphore, #tpu.memory_space<semaphore_mem>> -> memref<!tpu.dma_semaphore, #tpu.memory_space<semaphore_mem>>
    tpu.wait_indirect_dma semaphore(%dma_wait3A_138 : memref<!tpu.dma_semaphore, #tpu.memory_space<semaphore_mem>>) src(%dma_wait3A_136 : memref<10000x128xf32, #tpu.memory_space<hbm>>) dst(%dma_wait3A_130 : memref<80x128xf32, #tpu.memory_space<vmem>>)
    %dma_wait3A_139 = arith.constant 0 : i32
    %dma_wait3A_140 = arith.constant 0 : i32
    %dma_wait3A_141 = arith.constant 0 : i32
    %dma_wait3A_142 = tpu.memref_slice %arg7[%dma_wait3A_139, %dma_wait3A_141] : memref<4x80xi32, #tpu.memory_space<vmem>> -> memref<1x80xi32, #tpu.memory_space<vmem>>
    %dma_wait3A_143 = tpu.memref_squeeze %dma_wait3A_142 : memref<1x80xi32, #tpu.memory_space<vmem>> -> memref<80xi32, #tpu.memory_space<vmem>>
    %dma_wait3A_144 = arith.constant 0 : i32
    %dma_wait3A_145 = tpu.memref_slice %arg2[%dma_wait3A_144] : memref<640000xi32, #tpu.memory_space<hbm>> -> memref<80xi32, #tpu.memory_space<hbm>>
    %dma_wait3A_146 = tpu.memref_slice %arg10[%dma_wait3A_140] : memref<4x!tpu.dma_semaphore, #tpu.memory_space<semaphore_mem>> -> memref<1x!tpu.dma_semaphore, #tpu.memory_space<semaphore_mem>>
    %dma_wait3A_147 = tpu.memref_squeeze %dma_wait3A_146 : memref<1x!tpu.dma_semaphore, #tpu.memory_space<semaphore_mem>> -> memref<!tpu.dma_semaphore, #tpu.memory_space<semaphore_mem>>
    %dma_wait3A_148 = arith.constant 0 : i32
    %dma_wait3A_149 = tpu.memref_slice %arg7[%dma_wait3A_139, %dma_wait3A_148] : memref<4x80xi32, #tpu.memory_space<vmem>> -> memref<1x80xi32, #tpu.memory_space<vmem>>
    %dma_wait3A_150 = tpu.memref_squeeze %dma_wait3A_149 : memref<1x80xi32, #tpu.memory_space<vmem>> -> memref<80xi32, #tpu.memory_space<vmem>>
    %dma_wait3A_151 = arith.constant 0 : i32
    %dma_wait3A_152 = tpu.memref_slice %arg2[%dma_wait3A_151] : memref<640000xi32, #tpu.memory_space<hbm>> -> memref<80xi32, #tpu.memory_space<hbm>>
    tpu.wait_dma2 semaphore(%dma_wait3A_147 : memref<!tpu.dma_semaphore, #tpu.memory_space<semaphore_mem>>) src(%dma_wait3A_152 : memref<80xi32, #tpu.memory_space<hbm>>) dst(%dma_wait3A_150 : memref<80xi32, #tpu.memory_space<vmem>>)
    %dma_start3A_153 = arith.constant 0 : i32
    %dma_start3A_154 = arith.constant 0 : i32
    %dma_start3A_155 = arith.constant 0 : i32
    %dma_start3A_156 = arith.constant 0 : i32
    %dma_start3A_157 = arith.constant 0 : i32
    %dma_start3A_158 = tpu.memref_slice %arg8[%dma_start3A_153, %dma_start3A_156, %dma_start3A_157] : memref<4x80x128xf32, #tpu.memory_space<vmem>> -> memref<1x80x128xf32, #tpu.memory_space<vmem>>
    %dma_start3A_159 = tpu.memref_squeeze %dma_start3A_158 : memref<1x80x128xf32, #tpu.memory_space<vmem>> -> memref<80x128xf32, #tpu.memory_space<vmem>>
    %dma_start3A_160 = arith.constant 0 : i32
    %dma_start3A_161 = tpu.memref_slice %arg7[%dma_start3A_154, %dma_start3A_160] : memref<4x80xi32, #tpu.memory_space<vmem>> -> memref<1x80xi32, #tpu.memory_space<vmem>>
    %dma_start3A_162 = tpu.memref_squeeze %dma_start3A_161 : memref<1x80xi32, #tpu.memory_space<vmem>> -> memref<80xi32, #tpu.memory_space<vmem>>
    %dma_start3A_163 = arith.constant 0 : i32
    %dma_start3A_164 = arith.constant 0 : i32
    %dma_start3A_165 = tpu.memref_slice %arg5[%dma_start3A_163, %dma_start3A_164] : memref<10240x128xf32, #tpu.memory_space<vmem_shared>> -> memref<10240x128xf32, #tpu.memory_space<vmem_shared>>
    %dma_start3A_166 = tpu.memref_slice %arg12[%dma_start3A_155] : memref<4x!tpu.dma_semaphore, #tpu.memory_space<semaphore_mem>> -> memref<1x!tpu.dma_semaphore, #tpu.memory_space<semaphore_mem>>
    %dma_start3A_167 = tpu.memref_squeeze %dma_start3A_166 : memref<1x!tpu.dma_semaphore, #tpu.memory_space<semaphore_mem>> -> memref<!tpu.dma_semaphore, #tpu.memory_space<semaphore_mem>>
    tpu.enqueue_indirect_dma source(%dma_start3A_159 : memref<80x128xf32, #tpu.memory_space<vmem>>) target(%dma_start3A_165 : memref<10240x128xf32, #tpu.memory_space<vmem_shared>>) offsets(%dma_start3A_162 : memref<80xi32, #tpu.memory_space<vmem>>) semaphore(%dma_start3A_167 : memref<!tpu.dma_semaphore, #tpu.memory_space<semaphore_mem>>) {add = true}
    %dma_wait3A_168 = arith.constant 0 : i32
    %dma_wait3A_169 = arith.constant 0 : i32
    %dma_wait3A_170 = arith.constant 0 : i32
    %dma_wait3A_171 = arith.constant 0 : i32
    %dma_wait3A_172 = arith.constant 0 : i32
    %dma_wait3A_173 = tpu.memref_slice %arg8[%dma_wait3A_168, %dma_wait3A_171, %dma_wait3A_172] : memref<4x80x128xf32, #tpu.memory_space<vmem>> -> memref<1x80x128xf32, #tpu.memory_space<vmem>>
    %dma_wait3A_174 = tpu.memref_squeeze %dma_wait3A_173 : memref<1x80x128xf32, #tpu.memory_space<vmem>> -> memref<80x128xf32, #tpu.memory_space<vmem>>
    %dma_wait3A_175 = arith.constant 0 : i32
    %dma_wait3A_176 = tpu.memref_slice %arg7[%dma_wait3A_169, %dma_wait3A_175] : memref<4x80xi32, #tpu.memory_space<vmem>> -> memref<1x80xi32, #tpu.memory_space<vmem>>
    %dma_wait3A_177 = tpu.memref_squeeze %dma_wait3A_176 : memref<1x80xi32, #tpu.memory_space<vmem>> -> memref<80xi32, #tpu.memory_space<vmem>>
    %dma_wait3A_178 = arith.constant 0 : i32
    %dma_wait3A_179 = arith.constant 0 : i32
    %dma_wait3A_180 = tpu.memref_slice %arg5[%dma_wait3A_178, %dma_wait3A_179] : memref<10240x128xf32, #tpu.memory_space<vmem_shared>> -> memref<10240x128xf32, #tpu.memory_space<vmem_shared>>
    %dma_wait3A_181 = tpu.memref_slice %arg12[%dma_wait3A_170] : memref<4x!tpu.dma_semaphore, #tpu.memory_space<semaphore_mem>> -> memref<1x!tpu.dma_semaphore, #tpu.memory_space<semaphore_mem>>
    %dma_wait3A_182 = tpu.memref_squeeze %dma_wait3A_181 : memref<1x!tpu.dma_semaphore, #tpu.memory_space<semaphore_mem>> -> memref<!tpu.dma_semaphore, #tpu.memory_space<semaphore_mem>>
    tpu.wait_indirect_dma semaphore(%dma_wait3A_182 : memref<!tpu.dma_semaphore, #tpu.memory_space<semaphore_mem>>) src(%dma_wait3A_174 : memref<80x128xf32, #tpu.memory_space<vmem>>) dst(%dma_wait3A_180 : memref<10240x128xf32, #tpu.memory_space<vmem_shared>>)
    %dma_wait3A_183 = arith.constant 1 : i32
    %dma_wait3A_184 = arith.constant 1 : i32
    %dma_wait3A_185 = arith.constant 1 : i32
    %dma_wait3A_186 = arith.constant 0 : i32
    %dma_wait3A_187 = arith.constant 0 : i32
    %dma_wait3A_188 = tpu.memref_slice %arg8[%dma_wait3A_183, %dma_wait3A_186, %dma_wait3A_187] : memref<4x80x128xf32, #tpu.memory_space<vmem>> -> memref<1x80x128xf32, #tpu.memory_space<vmem>>
    %dma_wait3A_189 = tpu.memref_squeeze %dma_wait3A_188 : memref<1x80x128xf32, #tpu.memory_space<vmem>> -> memref<80x128xf32, #tpu.memory_space<vmem>>
    %dma_wait3A_190 = arith.constant 0 : i32
    %dma_wait3A_191 = tpu.memref_slice %arg7[%dma_wait3A_184, %dma_wait3A_190] : memref<4x80xi32, #tpu.memory_space<vmem>> -> memref<1x80xi32, #tpu.memory_space<vmem>>
    %dma_wait3A_192 = tpu.memref_squeeze %dma_wait3A_191 : memref<1x80xi32, #tpu.memory_space<vmem>> -> memref<80xi32, #tpu.memory_space<vmem>>
    %dma_wait3A_193 = arith.constant 0 : i32
    %dma_wait3A_194 = arith.constant 0 : i32
    %dma_wait3A_195 = tpu.memref_slice %arg5[%dma_wait3A_193, %dma_wait3A_194] : memref<10240x128xf32, #tpu.memory_space<vmem_shared>> -> memref<10240x128xf32, #tpu.memory_space<vmem_shared>>
    %dma_wait3A_196 = tpu.memref_slice %arg12[%dma_wait3A_185] : memref<4x!tpu.dma_semaphore, #tpu.memory_space<semaphore_mem>> -> memref<1x!tpu.dma_semaphore, #tpu.memory_space<semaphore_mem>>
    %dma_wait3A_197 = tpu.memref_squeeze %dma_wait3A_196 : memref<1x!tpu.dma_semaphore, #tpu.memory_space<semaphore_mem>> -> memref<!tpu.dma_semaphore, #tpu.memory_space<semaphore_mem>>
    tpu.wait_indirect_dma semaphore(%dma_wait3A_197 : memref<!tpu.dma_semaphore, #tpu.memory_space<semaphore_mem>>) src(%dma_wait3A_189 : memref<80x128xf32, #tpu.memory_space<vmem>>) dst(%dma_wait3A_195 : memref<10240x128xf32, #tpu.memory_space<vmem_shared>>)
    %dma_wait3A_198 = arith.constant 2 : i32
    %dma_wait3A_199 = arith.constant 2 : i32
    %dma_wait3A_200 = arith.constant 2 : i32
    %dma_wait3A_201 = arith.constant 0 : i32
    %dma_wait3A_202 = arith.constant 0 : i32
    %dma_wait3A_203 = tpu.memref_slice %arg8[%dma_wait3A_198, %dma_wait3A_201, %dma_wait3A_202] : memref<4x80x128xf32, #tpu.memory_space<vmem>> -> memref<1x80x128xf32, #tpu.memory_space<vmem>>
    %dma_wait3A_204 = tpu.memref_squeeze %dma_wait3A_203 : memref<1x80x128xf32, #tpu.memory_space<vmem>> -> memref<80x128xf32, #tpu.memory_space<vmem>>
    %dma_wait3A_205 = arith.constant 0 : i32
    %dma_wait3A_206 = tpu.memref_slice %arg7[%dma_wait3A_199, %dma_wait3A_205] : memref<4x80xi32, #tpu.memory_space<vmem>> -> memref<1x80xi32, #tpu.memory_space<vmem>>
    %dma_wait3A_207 = tpu.memref_squeeze %dma_wait3A_206 : memref<1x80xi32, #tpu.memory_space<vmem>> -> memref<80xi32, #tpu.memory_space<vmem>>
    %dma_wait3A_208 = arith.constant 0 : i32
    %dma_wait3A_209 = arith.constant 0 : i32
    %dma_wait3A_210 = tpu.memref_slice %arg5[%dma_wait3A_208, %dma_wait3A_209] : memref<10240x128xf32, #tpu.memory_space<vmem_shared>> -> memref<10240x128xf32, #tpu.memory_space<vmem_shared>>
    %dma_wait3A_211 = tpu.memref_slice %arg12[%dma_wait3A_200] : memref<4x!tpu.dma_semaphore, #tpu.memory_space<semaphore_mem>> -> memref<1x!tpu.dma_semaphore, #tpu.memory_space<semaphore_mem>>
    %dma_wait3A_212 = tpu.memref_squeeze %dma_wait3A_211 : memref<1x!tpu.dma_semaphore, #tpu.memory_space<semaphore_mem>> -> memref<!tpu.dma_semaphore, #tpu.memory_space<semaphore_mem>>
    tpu.wait_indirect_dma semaphore(%dma_wait3A_212 : memref<!tpu.dma_semaphore, #tpu.memory_space<semaphore_mem>>) src(%dma_wait3A_204 : memref<80x128xf32, #tpu.memory_space<vmem>>) dst(%dma_wait3A_210 : memref<10240x128xf32, #tpu.memory_space<vmem_shared>>)
    %dma_wait3A_213 = arith.constant 3 : i32
    %dma_wait3A_214 = arith.constant 3 : i32
    %dma_wait3A_215 = arith.constant 3 : i32
    %dma_wait3A_216 = arith.constant 0 : i32
    %dma_wait3A_217 = arith.constant 0 : i32
    %dma_wait3A_218 = tpu.memref_slice %arg8[%dma_wait3A_213, %dma_wait3A_216, %dma_wait3A_217] : memref<4x80x128xf32, #tpu.memory_space<vmem>> -> memref<1x80x128xf32, #tpu.memory_space<vmem>>
    %dma_wait3A_219 = tpu.memref_squeeze %dma_wait3A_218 : memref<1x80x128xf32, #tpu.memory_space<vmem>> -> memref<80x128xf32, #tpu.memory_space<vmem>>
    %dma_wait3A_220 = arith.constant 0 : i32
    %dma_wait3A_221 = tpu.memref_slice %arg7[%dma_wait3A_214, %dma_wait3A_220] : memref<4x80xi32, #tpu.memory_space<vmem>> -> memref<1x80xi32, #tpu.memory_space<vmem>>
    %dma_wait3A_222 = tpu.memref_squeeze %dma_wait3A_221 : memref<1x80xi32, #tpu.memory_space<vmem>> -> memref<80xi32, #tpu.memory_space<vmem>>
    %dma_wait3A_223 = arith.constant 0 : i32
    %dma_wait3A_224 = arith.constant 0 : i32
    %dma_wait3A_225 = tpu.memref_slice %arg5[%dma_wait3A_223, %dma_wait3A_224] : memref<10240x128xf32, #tpu.memory_space<vmem_shared>> -> memref<10240x128xf32, #tpu.memory_space<vmem_shared>>
    %dma_wait3A_226 = tpu.memref_slice %arg12[%dma_wait3A_215] : memref<4x!tpu.dma_semaphore, #tpu.memory_space<semaphore_mem>> -> memref<1x!tpu.dma_semaphore, #tpu.memory_space<semaphore_mem>>
    %dma_wait3A_227 = tpu.memref_squeeze %dma_wait3A_226 : memref<1x!tpu.dma_semaphore, #tpu.memory_space<semaphore_mem>> -> memref<!tpu.dma_semaphore, #tpu.memory_space<semaphore_mem>>
    tpu.wait_indirect_dma semaphore(%dma_wait3A_227 : memref<!tpu.dma_semaphore, #tpu.memory_space<semaphore_mem>>) src(%dma_wait3A_219 : memref<80x128xf32, #tpu.memory_space<vmem>>) dst(%dma_wait3A_225 : memref<10240x128xf32, #tpu.memory_space<vmem_shared>>)
    %barrier3A_228 = arith.constant 0 : index
    tpu.barrier barrier_id(%barrier3A_228)
    %mul3A_229 = arith.constant 640 : i32
    %mul3A_230 = arith.muli %arg1, %mul3A_229 : i32
    %mul3A_231 = arith.constant 640 : i32
    %mul3A_232 = arith.muli %arg1, %mul3A_231 : i32
    "tpu.region"() ({
      %run_scoped3A_233 = tpu.sem_alloc : memref<!tpu.dma_semaphore, #tpu.memory_space<semaphore_mem>>
      %dma_start3A_234 = arith.constant 0 : i32
      %dma_start3A_235 = arith.constant 0 : i32
      %dma_start3A_236 = tpu.memref_slice %arg4[%arg0, %dma_start3A_234, %dma_start3A_235] : memref<2x10240x128xf32, #tpu.memory_space<hbm>> -> memref<1x10240x128xf32, #tpu.memory_space<hbm>>
      %dma_start3A_237 = tpu.memref_squeeze %dma_start3A_236 : memref<1x10240x128xf32, #tpu.memory_space<hbm>> -> memref<10240x128xf32, #tpu.memory_space<hbm>>
      %dma_start3A_238 = arith.constant 0 : i32
      %dma_start3A_239 = tpu.memref_slice %dma_start3A_237[%mul3A_232, %dma_start3A_238] : memref<10240x128xf32, #tpu.memory_space<hbm>> -> memref<640x128xf32, #tpu.memory_space<hbm>>
      %dma_start3A_240 = arith.constant 0 : i32
      %dma_start3A_241 = tpu.memref_slice %arg5[%mul3A_230, %dma_start3A_240] : memref<10240x128xf32, #tpu.memory_space<vmem_shared>> -> memref<640x128xf32, #tpu.memory_space<vmem_shared>>
      tpu.enqueue_dma source(%dma_start3A_241 : memref<640x128xf32, #tpu.memory_space<vmem_shared>>) target(%dma_start3A_239 : memref<640x128xf32, #tpu.memory_space<hbm>>) target_semaphore(%run_scoped3A_233 : memref<!tpu.dma_semaphore, #tpu.memory_space<semaphore_mem>>)
      %dma_wait3A_242 = arith.constant 0 : i32
      %dma_wait3A_243 = arith.constant 0 : i32
      %dma_wait3A_244 = tpu.memref_slice %arg4[%arg0, %dma_wait3A_242, %dma_wait3A_243] : memref<2x10240x128xf32, #tpu.memory_space<hbm>> -> memref<1x10240x128xf32, #tpu.memory_space<hbm>>
      %dma_wait3A_245 = tpu.memref_squeeze %dma_wait3A_244 : memref<1x10240x128xf32, #tpu.memory_space<hbm>> -> memref<10240x128xf32, #tpu.memory_space<hbm>>
      %dma_wait3A_246 = arith.constant 0 : i32
      %dma_wait3A_247 = tpu.memref_slice %dma_wait3A_245[%mul3A_232, %dma_wait3A_246] : memref<10240x128xf32, #tpu.memory_space<hbm>> -> memref<640x128xf32, #tpu.memory_space<hbm>>
      %dma_wait3A_248 = arith.constant 0 : i32
      %dma_wait3A_249 = tpu.memref_slice %arg5[%mul3A_230, %dma_wait3A_248] : memref<10240x128xf32, #tpu.memory_space<vmem_shared>> -> memref<640x128xf32, #tpu.memory_space<vmem_shared>>
      tpu.wait_dma2 semaphore(%run_scoped3A_233 : memref<!tpu.dma_semaphore, #tpu.memory_space<semaphore_mem>>) src(%dma_wait3A_249 : memref<640x128xf32, #tpu.memory_space<vmem_shared>>) dst(%dma_wait3A_247 : memref<640x128xf32, #tpu.memory_space<hbm>>)
      tpu.yield
    }) : () -> ()
    return
  }
}

#map = affine_map<(d0, d1) -> (0)>
#map1 = affine_map<(d0, d1) -> (0, 0, 0)>
module attributes {stable_mosaic.version = 14 : i64} {
  func.func @_deg_body(%arg0: i32, %arg1: i32, %arg2: memref<640000xi32, #tpu.memory_space<hbm>>, %arg3: memref<2x10240x128xf32, #tpu.memory_space<hbm>>, %arg4: memref<10240x128xf32, #tpu.memory_space<vmem_shared>>, %arg5: memref<4x80xi32, #tpu.memory_space<vmem>>, %arg6: memref<80x128xf32, #tpu.memory_space<vmem>>, %arg7: memref<80x128xf32, #tpu.memory_space<vmem>>, %arg8: memref<4x!tpu.dma_semaphore, #tpu.memory_space<semaphore_mem>>, %arg9: memref<4x!tpu.dma_semaphore, #tpu.memory_space<semaphore_mem>>) attributes {dimension_semantics = [#tpu.dimension_semantics<core_parallel>, #tpu.dimension_semantics<subcore_parallel>], iteration_bounds = array<i64: 2, 16>, scalar_prefetch = 0 : i64, scratch_operands = 6 : i64, tpu.core_type = #tpu.core_type<sc_vector_subcore>, window_params = [{transform_indices = #map}, {transform_indices = #map1}]} {
    %mul3A = arith.constant 2 : i32
    %mul3A_0 = arith.muli %arg1, %mul3A : i32
    %add3A = arith.addi %mul3A_0, %arg0 : i32
    %mul3A_1 = arith.constant 10000 : i32
    %mul3A_2 = arith.muli %add3A, %mul3A_1 : i32
    %add3A_3 = arith.constant 320000 : i32
    %add3A_4 = arith.addi %add3A_3, %mul3A_2 : i32
    %broadcast_in_dim3A = arith.constant 1.000000e+00 : f32
    %broadcast_in_dim3A_5 = vector.broadcast %broadcast_in_dim3A : f32 to vector<16xf32>
    %broadcast_in_dim3A_6 = arith.constant 0.000000e+00 : f32
    %broadcast_in_dim3A_7 = vector.broadcast %broadcast_in_dim3A_6 : f32 to vector<16xf32>
    %scan3A = arith.constant 0 : i32
    %scan3A_8 = arith.constant 0 : i32
    %scan3A_9 = arith.constant 80 : i32
    %scan3A_10 = arith.addi %scan3A_8, %scan3A_9 : i32
    %scan3A_11 = arith.constant 1 : i32
    scf.for %scan3A_142 = %scan3A_8 to %scan3A_10 step %scan3A_11  : i32 {
      %swap3A = arith.index_cast %scan3A_142 : i32 to index
      %swap3A_143 = arith.constant 0 : index
      %swap3A_144 = tpu.vector_load %arg6[%swap3A, %swap3A_143] {strides = array<i32>} : memref<80x128xf32, #tpu.memory_space<vmem>>, vector<1x16xf32>,
      %swap3A_145 = vector.shape_cast %swap3A_144 : vector<1x16xf32> to vector<16xf32>
      %swap3A_146 = vector.shape_cast %broadcast_in_dim3A_5 : vector<16xf32> to vector<1x16xf32>
      tpu.vector_store %arg6[%swap3A, %swap3A_143], %swap3A_146 {strides = array<i32>} : memref<80x128xf32, #tpu.memory_space<vmem>>, vector<1x16xf32>,
      %swap3A_147 = arith.index_cast %scan3A_142 : i32 to index
      %swap3A_148 = arith.constant 0 : index
      %swap3A_149 = tpu.vector_load %arg7[%swap3A_147, %swap3A_148] {strides = array<i32>} : memref<80x128xf32, #tpu.memory_space<vmem>>, vector<1x16xf32>,
      %swap3A_150 = vector.shape_cast %swap3A_149 : vector<1x16xf32> to vector<16xf32>
      %swap3A_151 = vector.shape_cast %broadcast_in_dim3A_7 : vector<16xf32> to vector<1x16xf32>
      tpu.vector_store %arg7[%swap3A_147, %swap3A_148], %swap3A_151 {strides = array<i32>} : memref<80x128xf32, #tpu.memory_space<vmem>>, vector<1x16xf32>,
      %swap3A_152 = arith.index_cast %scan3A_142 : i32 to index
      %swap3A_153 = arith.constant 16 : index
      %swap3A_154 = tpu.vector_load %arg6[%swap3A_152, %swap3A_153] {strides = array<i32>} : memref<80x128xf32, #tpu.memory_space<vmem>>, vector<1x16xf32>,
      %swap3A_155 = vector.shape_cast %swap3A_154 : vector<1x16xf32> to vector<16xf32>
      %swap3A_156 = vector.shape_cast %broadcast_in_dim3A_5 : vector<16xf32> to vector<1x16xf32>
      tpu.vector_store %arg6[%swap3A_152, %swap3A_153], %swap3A_156 {strides = array<i32>} : memref<80x128xf32, #tpu.memory_space<vmem>>, vector<1x16xf32>,
      %swap3A_157 = arith.index_cast %scan3A_142 : i32 to index
      %swap3A_158 = arith.constant 16 : index
      %swap3A_159 = tpu.vector_load %arg7[%swap3A_157, %swap3A_158] {strides = array<i32>} : memref<80x128xf32, #tpu.memory_space<vmem>>, vector<1x16xf32>,
      %swap3A_160 = vector.shape_cast %swap3A_159 : vector<1x16xf32> to vector<16xf32>
      %swap3A_161 = vector.shape_cast %broadcast_in_dim3A_7 : vector<16xf32> to vector<1x16xf32>
      tpu.vector_store %arg7[%swap3A_157, %swap3A_158], %swap3A_161 {strides = array<i32>} : memref<80x128xf32, #tpu.memory_space<vmem>>, vector<1x16xf32>,
      %swap3A_162 = arith.index_cast %scan3A_142 : i32 to index
      %swap3A_163 = arith.constant 32 : index
      %swap3A_164 = tpu.vector_load %arg6[%swap3A_162, %swap3A_163] {strides = array<i32>} : memref<80x128xf32, #tpu.memory_space<vmem>>, vector<1x16xf32>,
      %swap3A_165 = vector.shape_cast %swap3A_164 : vector<1x16xf32> to vector<16xf32>
      %swap3A_166 = vector.shape_cast %broadcast_in_dim3A_5 : vector<16xf32> to vector<1x16xf32>
      tpu.vector_store %arg6[%swap3A_162, %swap3A_163], %swap3A_166 {strides = array<i32>} : memref<80x128xf32, #tpu.memory_space<vmem>>, vector<1x16xf32>,
      %swap3A_167 = arith.index_cast %scan3A_142 : i32 to index
      %swap3A_168 = arith.constant 32 : index
      %swap3A_169 = tpu.vector_load %arg7[%swap3A_167, %swap3A_168] {strides = array<i32>} : memref<80x128xf32, #tpu.memory_space<vmem>>, vector<1x16xf32>,
      %swap3A_170 = vector.shape_cast %swap3A_169 : vector<1x16xf32> to vector<16xf32>
      %swap3A_171 = vector.shape_cast %broadcast_in_dim3A_7 : vector<16xf32> to vector<1x16xf32>
      tpu.vector_store %arg7[%swap3A_167, %swap3A_168], %swap3A_171 {strides = array<i32>} : memref<80x128xf32, #tpu.memory_space<vmem>>, vector<1x16xf32>,
      %swap3A_172 = arith.index_cast %scan3A_142 : i32 to index
      %swap3A_173 = arith.constant 48 : index
      %swap3A_174 = tpu.vector_load %arg6[%swap3A_172, %swap3A_173] {strides = array<i32>} : memref<80x128xf32, #tpu.memory_space<vmem>>, vector<1x16xf32>,
      %swap3A_175 = vector.shape_cast %swap3A_174 : vector<1x16xf32> to vector<16xf32>
      %swap3A_176 = vector.shape_cast %broadcast_in_dim3A_5 : vector<16xf32> to vector<1x16xf32>
      tpu.vector_store %arg6[%swap3A_172, %swap3A_173], %swap3A_176 {strides = array<i32>} : memref<80x128xf32, #tpu.memory_space<vmem>>, vector<1x16xf32>,
      %swap3A_177 = arith.index_cast %scan3A_142 : i32 to index
      %swap3A_178 = arith.constant 48 : index
      %swap3A_179 = tpu.vector_load %arg7[%swap3A_177, %swap3A_178] {strides = array<i32>} : memref<80x128xf32, #tpu.memory_space<vmem>>, vector<1x16xf32>,
      %swap3A_180 = vector.shape_cast %swap3A_179 : vector<1x16xf32> to vector<16xf32>
      %swap3A_181 = vector.shape_cast %broadcast_in_dim3A_7 : vector<16xf32> to vector<1x16xf32>
      tpu.vector_store %arg7[%swap3A_177, %swap3A_178], %swap3A_181 {strides = array<i32>} : memref<80x128xf32, #tpu.memory_space<vmem>>, vector<1x16xf32>,
      %swap3A_182 = arith.index_cast %scan3A_142 : i32 to index
      %swap3A_183 = arith.constant 64 : index
      %swap3A_184 = tpu.vector_load %arg6[%swap3A_182, %swap3A_183] {strides = array<i32>} : memref<80x128xf32, #tpu.memory_space<vmem>>, vector<1x16xf32>,
      %swap3A_185 = vector.shape_cast %swap3A_184 : vector<1x16xf32> to vector<16xf32>
      %swap3A_186 = vector.shape_cast %broadcast_in_dim3A_5 : vector<16xf32> to vector<1x16xf32>
      tpu.vector_store %arg6[%swap3A_182, %swap3A_183], %swap3A_186 {strides = array<i32>} : memref<80x128xf32, #tpu.memory_space<vmem>>, vector<1x16xf32>,
      %swap3A_187 = arith.index_cast %scan3A_142 : i32 to index
      %swap3A_188 = arith.constant 64 : index
      %swap3A_189 = tpu.vector_load %arg7[%swap3A_187, %swap3A_188] {strides = array<i32>} : memref<80x128xf32, #tpu.memory_space<vmem>>, vector<1x16xf32>,
      %swap3A_190 = vector.shape_cast %swap3A_189 : vector<1x16xf32> to vector<16xf32>
      %swap3A_191 = vector.shape_cast %broadcast_in_dim3A_7 : vector<16xf32> to vector<1x16xf32>
      tpu.vector_store %arg7[%swap3A_187, %swap3A_188], %swap3A_191 {strides = array<i32>} : memref<80x128xf32, #tpu.memory_space<vmem>>, vector<1x16xf32>,
      %swap3A_192 = arith.index_cast %scan3A_142 : i32 to index
      %swap3A_193 = arith.constant 80 : index
      %swap3A_194 = tpu.vector_load %arg6[%swap3A_192, %swap3A_193] {strides = array<i32>} : memref<80x128xf32, #tpu.memory_space<vmem>>, vector<1x16xf32>,
      %swap3A_195 = vector.shape_cast %swap3A_194 : vector<1x16xf32> to vector<16xf32>
      %swap3A_196 = vector.shape_cast %broadcast_in_dim3A_5 : vector<16xf32> to vector<1x16xf32>
      tpu.vector_store %arg6[%swap3A_192, %swap3A_193], %swap3A_196 {strides = array<i32>} : memref<80x128xf32, #tpu.memory_space<vmem>>, vector<1x16xf32>,
      %swap3A_197 = arith.index_cast %scan3A_142 : i32 to index
      %swap3A_198 = arith.constant 80 : index
      %swap3A_199 = tpu.vector_load %arg7[%swap3A_197, %swap3A_198] {strides = array<i32>} : memref<80x128xf32, #tpu.memory_space<vmem>>, vector<1x16xf32>,
      %swap3A_200 = vector.shape_cast %swap3A_199 : vector<1x16xf32> to vector<16xf32>
      %swap3A_201 = vector.shape_cast %broadcast_in_dim3A_7 : vector<16xf32> to vector<1x16xf32>
      tpu.vector_store %arg7[%swap3A_197, %swap3A_198], %swap3A_201 {strides = array<i32>} : memref<80x128xf32, #tpu.memory_space<vmem>>, vector<1x16xf32>,
      %swap3A_202 = arith.index_cast %scan3A_142 : i32 to index
      %swap3A_203 = arith.constant 96 : index
      %swap3A_204 = tpu.vector_load %arg6[%swap3A_202, %swap3A_203] {strides = array<i32>} : memref<80x128xf32, #tpu.memory_space<vmem>>, vector<1x16xf32>,
      %swap3A_205 = vector.shape_cast %swap3A_204 : vector<1x16xf32> to vector<16xf32>
      %swap3A_206 = vector.shape_cast %broadcast_in_dim3A_5 : vector<16xf32> to vector<1x16xf32>
      tpu.vector_store %arg6[%swap3A_202, %swap3A_203], %swap3A_206 {strides = array<i32>} : memref<80x128xf32, #tpu.memory_space<vmem>>, vector<1x16xf32>,
      %swap3A_207 = arith.index_cast %scan3A_142 : i32 to index
      %swap3A_208 = arith.constant 96 : index
      %swap3A_209 = tpu.vector_load %arg7[%swap3A_207, %swap3A_208] {strides = array<i32>} : memref<80x128xf32, #tpu.memory_space<vmem>>, vector<1x16xf32>,
      %swap3A_210 = vector.shape_cast %swap3A_209 : vector<1x16xf32> to vector<16xf32>
      %swap3A_211 = vector.shape_cast %broadcast_in_dim3A_7 : vector<16xf32> to vector<1x16xf32>
      tpu.vector_store %arg7[%swap3A_207, %swap3A_208], %swap3A_211 {strides = array<i32>} : memref<80x128xf32, #tpu.memory_space<vmem>>, vector<1x16xf32>,
      %swap3A_212 = arith.index_cast %scan3A_142 : i32 to index
      %swap3A_213 = arith.constant 112 : index
      %swap3A_214 = tpu.vector_load %arg6[%swap3A_212, %swap3A_213] {strides = array<i32>} : memref<80x128xf32, #tpu.memory_space<vmem>>, vector<1x16xf32>,
      %swap3A_215 = vector.shape_cast %swap3A_214 : vector<1x16xf32> to vector<16xf32>
      %swap3A_216 = vector.shape_cast %broadcast_in_dim3A_5 : vector<16xf32> to vector<1x16xf32>
      tpu.vector_store %arg6[%swap3A_212, %swap3A_213], %swap3A_216 {strides = array<i32>} : memref<80x128xf32, #tpu.memory_space<vmem>>, vector<1x16xf32>,
      %swap3A_217 = arith.index_cast %scan3A_142 : i32 to index
      %swap3A_218 = arith.constant 112 : index
      %swap3A_219 = tpu.vector_load %arg7[%swap3A_217, %swap3A_218] {strides = array<i32>} : memref<80x128xf32, #tpu.memory_space<vmem>>, vector<1x16xf32>,
      %swap3A_220 = vector.shape_cast %swap3A_219 : vector<1x16xf32> to vector<16xf32>
      %swap3A_221 = vector.shape_cast %broadcast_in_dim3A_7 : vector<16xf32> to vector<1x16xf32>
      tpu.vector_store %arg7[%swap3A_217, %swap3A_218], %swap3A_221 {strides = array<i32>} : memref<80x128xf32, #tpu.memory_space<vmem>>, vector<1x16xf32>,
    }
    %scan3A_12 = arith.constant 80 : i32
    %mul3A_13 = arith.constant 640 : i32
    %mul3A_14 = arith.muli %arg1, %mul3A_13 : i32
    %add3A_15 = arith.constant 0 : i32
    %add3A_16 = arith.addi %mul3A_14, %add3A_15 : i32
    "tpu.region"() ({
      %run_scoped3A = tpu.sem_alloc : memref<!tpu.dma_semaphore, #tpu.memory_space<semaphore_mem>>
      %dma_start3A_142 = arith.constant 0 : i32
      %dma_start3A_143 = tpu.memref_slice %arg4[%add3A_16, %dma_start3A_142] : memref<10240x128xf32, #tpu.memory_space<vmem_shared>> -> memref<80x128xf32, #tpu.memory_space<vmem_shared>>
      %dma_start3A_144 = arith.constant 0 : i32
      %dma_start3A_145 = tpu.memref_slice %arg4[%add3A_16, %dma_start3A_144] : memref<10240x128xf32, #tpu.memory_space<vmem_shared>> -> memref<80x128xf32, #tpu.memory_space<vmem_shared>>
      tpu.enqueue_dma source(%arg7 : memref<80x128xf32, #tpu.memory_space<vmem>>) target(%dma_start3A_145 : memref<80x128xf32, #tpu.memory_space<vmem_shared>>) target_semaphore(%run_scoped3A : memref<!tpu.dma_semaphore, #tpu.memory_space<semaphore_mem>>)
      %dma_wait3A_146 = arith.constant 0 : i32
      %dma_wait3A_147 = tpu.memref_slice %arg4[%add3A_16, %dma_wait3A_146] : memref<10240x128xf32, #tpu.memory_space<vmem_shared>> -> memref<80x128xf32, #tpu.memory_space<vmem_shared>>
      %dma_wait3A_148 = arith.constant 0 : i32
      %dma_wait3A_149 = tpu.memref_slice %arg4[%add3A_16, %dma_wait3A_148] : memref<10240x128xf32, #tpu.memory_space<vmem_shared>> -> memref<80x128xf32, #tpu.memory_space<vmem_shared>>
      tpu.wait_dma2 semaphore(%run_scoped3A : memref<!tpu.dma_semaphore, #tpu.memory_space<semaphore_mem>>) src(%arg7 : memref<80x128xf32, #tpu.memory_space<vmem>>) dst(%dma_wait3A_149 : memref<80x128xf32, #tpu.memory_space<vmem_shared>>)
      tpu.yield
    }) : () -> ()
    %mul3A_17 = arith.constant 640 : i32
    %mul3A_18 = arith.muli %arg1, %mul3A_17 : i32
    %add3A_19 = arith.constant 80 : i32
    %add3A_20 = arith.addi %mul3A_18, %add3A_19 : i32
    "tpu.region"() ({
      %run_scoped3A = tpu.sem_alloc : memref<!tpu.dma_semaphore, #tpu.memory_space<semaphore_mem>>
      %dma_start3A_142 = arith.constant 0 : i32
      %dma_start3A_143 = tpu.memref_slice %arg4[%add3A_20, %dma_start3A_142] : memref<10240x128xf32, #tpu.memory_space<vmem_shared>> -> memref<80x128xf32, #tpu.memory_space<vmem_shared>>
      %dma_start3A_144 = arith.constant 0 : i32
      %dma_start3A_145 = tpu.memref_slice %arg4[%add3A_20, %dma_start3A_144] : memref<10240x128xf32, #tpu.memory_space<vmem_shared>> -> memref<80x128xf32, #tpu.memory_space<vmem_shared>>
      tpu.enqueue_dma source(%arg7 : memref<80x128xf32, #tpu.memory_space<vmem>>) target(%dma_start3A_145 : memref<80x128xf32, #tpu.memory_space<vmem_shared>>) target_semaphore(%run_scoped3A : memref<!tpu.dma_semaphore, #tpu.memory_space<semaphore_mem>>)
      %dma_wait3A_146 = arith.constant 0 : i32
      %dma_wait3A_147 = tpu.memref_slice %arg4[%add3A_20, %dma_wait3A_146] : memref<10240x128xf32, #tpu.memory_space<vmem_shared>> -> memref<80x128xf32, #tpu.memory_space<vmem_shared>>
      %dma_wait3A_148 = arith.constant 0 : i32
      %dma_wait3A_149 = tpu.memref_slice %arg4[%add3A_20, %dma_wait3A_148] : memref<10240x128xf32, #tpu.memory_space<vmem_shared>> -> memref<80x128xf32, #tpu.memory_space<vmem_shared>>
      tpu.wait_dma2 semaphore(%run_scoped3A : memref<!tpu.dma_semaphore, #tpu.memory_space<semaphore_mem>>) src(%arg7 : memref<80x128xf32, #tpu.memory_space<vmem>>) dst(%dma_wait3A_149 : memref<80x128xf32, #tpu.memory_space<vmem_shared>>)
      tpu.yield
    }) : () -> ()
    %mul3A_21 = arith.constant 640 : i32
    %mul3A_22 = arith.muli %arg1, %mul3A_21 : i32
    %add3A_23 = arith.constant 160 : i32
    %add3A_24 = arith.addi %mul3A_22, %add3A_23 : i32
    "tpu.region"() ({
      %run_scoped3A = tpu.sem_alloc : memref<!tpu.dma_semaphore, #tpu.memory_space<semaphore_mem>>
      %dma_start3A_142 = arith.constant 0 : i32
      %dma_start3A_143 = tpu.memref_slice %arg4[%add3A_24, %dma_start3A_142] : memref<10240x128xf32, #tpu.memory_space<vmem_shared>> -> memref<80x128xf32, #tpu.memory_space<vmem_shared>>
      %dma_start3A_144 = arith.constant 0 : i32
      %dma_start3A_145 = tpu.memref_slice %arg4[%add3A_24, %dma_start3A_144] : memref<10240x128xf32, #tpu.memory_space<vmem_shared>> -> memref<80x128xf32, #tpu.memory_space<vmem_shared>>
      tpu.enqueue_dma source(%arg7 : memref<80x128xf32, #tpu.memory_space<vmem>>) target(%dma_start3A_145 : memref<80x128xf32, #tpu.memory_space<vmem_shared>>) target_semaphore(%run_scoped3A : memref<!tpu.dma_semaphore, #tpu.memory_space<semaphore_mem>>)
      %dma_wait3A_146 = arith.constant 0 : i32
      %dma_wait3A_147 = tpu.memref_slice %arg4[%add3A_24, %dma_wait3A_146] : memref<10240x128xf32, #tpu.memory_space<vmem_shared>> -> memref<80x128xf32, #tpu.memory_space<vmem_shared>>
      %dma_wait3A_148 = arith.constant 0 : i32
      %dma_wait3A_149 = tpu.memref_slice %arg4[%add3A_24, %dma_wait3A_148] : memref<10240x128xf32, #tpu.memory_space<vmem_shared>> -> memref<80x128xf32, #tpu.memory_space<vmem_shared>>
      tpu.wait_dma2 semaphore(%run_scoped3A : memref<!tpu.dma_semaphore, #tpu.memory_space<semaphore_mem>>) src(%arg7 : memref<80x128xf32, #tpu.memory_space<vmem>>) dst(%dma_wait3A_149 : memref<80x128xf32, #tpu.memory_space<vmem_shared>>)
      tpu.yield
    }) : () -> ()
    %mul3A_25 = arith.constant 640 : i32
    %mul3A_26 = arith.muli %arg1, %mul3A_25 : i32
    %add3A_27 = arith.constant 240 : i32
    %add3A_28 = arith.addi %mul3A_26, %add3A_27 : i32
    "tpu.region"() ({
      %run_scoped3A = tpu.sem_alloc : memref<!tpu.dma_semaphore, #tpu.memory_space<semaphore_mem>>
      %dma_start3A_142 = arith.constant 0 : i32
      %dma_start3A_143 = tpu.memref_slice %arg4[%add3A_28, %dma_start3A_142] : memref<10240x128xf32, #tpu.memory_space<vmem_shared>> -> memref<80x128xf32, #tpu.memory_space<vmem_shared>>
      %dma_start3A_144 = arith.constant 0 : i32
      %dma_start3A_145 = tpu.memref_slice %arg4[%add3A_28, %dma_start3A_144] : memref<10240x128xf32, #tpu.memory_space<vmem_shared>> -> memref<80x128xf32, #tpu.memory_space<vmem_shared>>
      tpu.enqueue_dma source(%arg7 : memref<80x128xf32, #tpu.memory_space<vmem>>) target(%dma_start3A_145 : memref<80x128xf32, #tpu.memory_space<vmem_shared>>) target_semaphore(%run_scoped3A : memref<!tpu.dma_semaphore, #tpu.memory_space<semaphore_mem>>)
      %dma_wait3A_146 = arith.constant 0 : i32
      %dma_wait3A_147 = tpu.memref_slice %arg4[%add3A_28, %dma_wait3A_146] : memref<10240x128xf32, #tpu.memory_space<vmem_shared>> -> memref<80x128xf32, #tpu.memory_space<vmem_shared>>
      %dma_wait3A_148 = arith.constant 0 : i32
      %dma_wait3A_149 = tpu.memref_slice %arg4[%add3A_28, %dma_wait3A_148] : memref<10240x128xf32, #tpu.memory_space<vmem_shared>> -> memref<80x128xf32, #tpu.memory_space<vmem_shared>>
      tpu.wait_dma2 semaphore(%run_scoped3A : memref<!tpu.dma_semaphore, #tpu.memory_space<semaphore_mem>>) src(%arg7 : memref<80x128xf32, #tpu.memory_space<vmem>>) dst(%dma_wait3A_149 : memref<80x128xf32, #tpu.memory_space<vmem_shared>>)
      tpu.yield
    }) : () -> ()
    %mul3A_29 = arith.constant 640 : i32
    %mul3A_30 = arith.muli %arg1, %mul3A_29 : i32
    %add3A_31 = arith.constant 320 : i32
    %add3A_32 = arith.addi %mul3A_30, %add3A_31 : i32
    "tpu.region"() ({
      %run_scoped3A = tpu.sem_alloc : memref<!tpu.dma_semaphore, #tpu.memory_space<semaphore_mem>>
      %dma_start3A_142 = arith.constant 0 : i32
      %dma_start3A_143 = tpu.memref_slice %arg4[%add3A_32, %dma_start3A_142] : memref<10240x128xf32, #tpu.memory_space<vmem_shared>> -> memref<80x128xf32, #tpu.memory_space<vmem_shared>>
      %dma_start3A_144 = arith.constant 0 : i32
      %dma_start3A_145 = tpu.memref_slice %arg4[%add3A_32, %dma_start3A_144] : memref<10240x128xf32, #tpu.memory_space<vmem_shared>> -> memref<80x128xf32, #tpu.memory_space<vmem_shared>>
      tpu.enqueue_dma source(%arg7 : memref<80x128xf32, #tpu.memory_space<vmem>>) target(%dma_start3A_145 : memref<80x128xf32, #tpu.memory_space<vmem_shared>>) target_semaphore(%run_scoped3A : memref<!tpu.dma_semaphore, #tpu.memory_space<semaphore_mem>>)
      %dma_wait3A_146 = arith.constant 0 : i32
      %dma_wait3A_147 = tpu.memref_slice %arg4[%add3A_32, %dma_wait3A_146] : memref<10240x128xf32, #tpu.memory_space<vmem_shared>> -> memref<80x128xf32, #tpu.memory_space<vmem_shared>>
      %dma_wait3A_148 = arith.constant 0 : i32
      %dma_wait3A_149 = tpu.memref_slice %arg4[%add3A_32, %dma_wait3A_148] : memref<10240x128xf32, #tpu.memory_space<vmem_shared>> -> memref<80x128xf32, #tpu.memory_space<vmem_shared>>
      tpu.wait_dma2 semaphore(%run_scoped3A : memref<!tpu.dma_semaphore, #tpu.memory_space<semaphore_mem>>) src(%arg7 : memref<80x128xf32, #tpu.memory_space<vmem>>) dst(%dma_wait3A_149 : memref<80x128xf32, #tpu.memory_space<vmem_shared>>)
      tpu.yield
    }) : () -> ()
    %mul3A_33 = arith.constant 640 : i32
    %mul3A_34 = arith.muli %arg1, %mul3A_33 : i32
    %add3A_35 = arith.constant 400 : i32
    %add3A_36 = arith.addi %mul3A_34, %add3A_35 : i32
    "tpu.region"() ({
      %run_scoped3A = tpu.sem_alloc : memref<!tpu.dma_semaphore, #tpu.memory_space<semaphore_mem>>
      %dma_start3A_142 = arith.constant 0 : i32
      %dma_start3A_143 = tpu.memref_slice %arg4[%add3A_36, %dma_start3A_142] : memref<10240x128xf32, #tpu.memory_space<vmem_shared>> -> memref<80x128xf32, #tpu.memory_space<vmem_shared>>
      %dma_start3A_144 = arith.constant 0 : i32
      %dma_start3A_145 = tpu.memref_slice %arg4[%add3A_36, %dma_start3A_144] : memref<10240x128xf32, #tpu.memory_space<vmem_shared>> -> memref<80x128xf32, #tpu.memory_space<vmem_shared>>
      tpu.enqueue_dma source(%arg7 : memref<80x128xf32, #tpu.memory_space<vmem>>) target(%dma_start3A_145 : memref<80x128xf32, #tpu.memory_space<vmem_shared>>) target_semaphore(%run_scoped3A : memref<!tpu.dma_semaphore, #tpu.memory_space<semaphore_mem>>)
      %dma_wait3A_146 = arith.constant 0 : i32
      %dma_wait3A_147 = tpu.memref_slice %arg4[%add3A_36, %dma_wait3A_146] : memref<10240x128xf32, #tpu.memory_space<vmem_shared>> -> memref<80x128xf32, #tpu.memory_space<vmem_shared>>
      %dma_wait3A_148 = arith.constant 0 : i32
      %dma_wait3A_149 = tpu.memref_slice %arg4[%add3A_36, %dma_wait3A_148] : memref<10240x128xf32, #tpu.memory_space<vmem_shared>> -> memref<80x128xf32, #tpu.memory_space<vmem_shared>>
      tpu.wait_dma2 semaphore(%run_scoped3A : memref<!tpu.dma_semaphore, #tpu.memory_space<semaphore_mem>>) src(%arg7 : memref<80x128xf32, #tpu.memory_space<vmem>>) dst(%dma_wait3A_149 : memref<80x128xf32, #tpu.memory_space<vmem_shared>>)
      tpu.yield
    }) : () -> ()
    %mul3A_37 = arith.constant 640 : i32
    %mul3A_38 = arith.muli %arg1, %mul3A_37 : i32
    %add3A_39 = arith.constant 480 : i32
    %add3A_40 = arith.addi %mul3A_38, %add3A_39 : i32
    "tpu.region"() ({
      %run_scoped3A = tpu.sem_alloc : memref<!tpu.dma_semaphore, #tpu.memory_space<semaphore_mem>>
      %dma_start3A_142 = arith.constant 0 : i32
      %dma_start3A_143 = tpu.memref_slice %arg4[%add3A_40, %dma_start3A_142] : memref<10240x128xf32, #tpu.memory_space<vmem_shared>> -> memref<80x128xf32, #tpu.memory_space<vmem_shared>>
      %dma_start3A_144 = arith.constant 0 : i32
      %dma_start3A_145 = tpu.memref_slice %arg4[%add3A_40, %dma_start3A_144] : memref<10240x128xf32, #tpu.memory_space<vmem_shared>> -> memref<80x128xf32, #tpu.memory_space<vmem_shared>>
      tpu.enqueue_dma source(%arg7 : memref<80x128xf32, #tpu.memory_space<vmem>>) target(%dma_start3A_145 : memref<80x128xf32, #tpu.memory_space<vmem_shared>>) target_semaphore(%run_scoped3A : memref<!tpu.dma_semaphore, #tpu.memory_space<semaphore_mem>>)
      %dma_wait3A_146 = arith.constant 0 : i32
      %dma_wait3A_147 = tpu.memref_slice %arg4[%add3A_40, %dma_wait3A_146] : memref<10240x128xf32, #tpu.memory_space<vmem_shared>> -> memref<80x128xf32, #tpu.memory_space<vmem_shared>>
      %dma_wait3A_148 = arith.constant 0 : i32
      %dma_wait3A_149 = tpu.memref_slice %arg4[%add3A_40, %dma_wait3A_148] : memref<10240x128xf32, #tpu.memory_space<vmem_shared>> -> memref<80x128xf32, #tpu.memory_space<vmem_shared>>
      tpu.wait_dma2 semaphore(%run_scoped3A : memref<!tpu.dma_semaphore, #tpu.memory_space<semaphore_mem>>) src(%arg7 : memref<80x128xf32, #tpu.memory_space<vmem>>) dst(%dma_wait3A_149 : memref<80x128xf32, #tpu.memory_space<vmem_shared>>)
      tpu.yield
    }) : () -> ()
    %mul3A_41 = arith.constant 640 : i32
    %mul3A_42 = arith.muli %arg1, %mul3A_41 : i32
    %add3A_43 = arith.constant 560 : i32
    %add3A_44 = arith.addi %mul3A_42, %add3A_43 : i32
    "tpu.region"() ({
      %run_scoped3A = tpu.sem_alloc : memref<!tpu.dma_semaphore, #tpu.memory_space<semaphore_mem>>
      %dma_start3A_142 = arith.constant 0 : i32
      %dma_start3A_143 = tpu.memref_slice %arg4[%add3A_44, %dma_start3A_142] : memref<10240x128xf32, #tpu.memory_space<vmem_shared>> -> memref<80x128xf32, #tpu.memory_space<vmem_shared>>
      %dma_start3A_144 = arith.constant 0 : i32
      %dma_start3A_145 = tpu.memref_slice %arg4[%add3A_44, %dma_start3A_144] : memref<10240x128xf32, #tpu.memory_space<vmem_shared>> -> memref<80x128xf32, #tpu.memory_space<vmem_shared>>
      tpu.enqueue_dma source(%arg7 : memref<80x128xf32, #tpu.memory_space<vmem>>) target(%dma_start3A_145 : memref<80x128xf32, #tpu.memory_space<vmem_shared>>) target_semaphore(%run_scoped3A : memref<!tpu.dma_semaphore, #tpu.memory_space<semaphore_mem>>)
      %dma_wait3A_146 = arith.constant 0 : i32
      %dma_wait3A_147 = tpu.memref_slice %arg4[%add3A_44, %dma_wait3A_146] : memref<10240x128xf32, #tpu.memory_space<vmem_shared>> -> memref<80x128xf32, #tpu.memory_space<vmem_shared>>
      %dma_wait3A_148 = arith.constant 0 : i32
      %dma_wait3A_149 = tpu.memref_slice %arg4[%add3A_44, %dma_wait3A_148] : memref<10240x128xf32, #tpu.memory_space<vmem_shared>> -> memref<80x128xf32, #tpu.memory_space<vmem_shared>>
      tpu.wait_dma2 semaphore(%run_scoped3A : memref<!tpu.dma_semaphore, #tpu.memory_space<semaphore_mem>>) src(%arg7 : memref<80x128xf32, #tpu.memory_space<vmem>>) dst(%dma_wait3A_149 : memref<80x128xf32, #tpu.memory_space<vmem_shared>>)
      tpu.yield
    }) : () -> ()
    %barrier3A = arith.constant 0 : index
    tpu.barrier barrier_id(%barrier3A)
    %scan3A_45 = arith.constant 0 : i32
    %scan3A_46 = arith.constant 0 : i32
    %scan3A_47 = arith.constant 31 : i32
    %scan3A_48 = arith.addi %scan3A_46, %scan3A_47 : i32
    %scan3A_49 = arith.constant 1 : i32
    scf.for %scan3A_142 = %scan3A_46 to %scan3A_48 step %scan3A_49  : i32 {
      %gt3A = arith.constant 0 : i32
      %gt3A_143 = arith.cmpi sgt, %scan3A_142, %gt3A : i32
      %convert_element_type3A = arith.extui %gt3A_143 : i1 to i32
      %cond3A = arith.constant 0 : i32
      %cond3A_144 = arith.cmpi ne, %convert_element_type3A, %cond3A : i32
      scf.if %cond3A_144 {
        %dma_wait3A_332 = arith.constant 0 : i32
        %dma_wait3A_333 = arith.constant 0 : i32
        %dma_wait3A_334 = arith.constant 0 : i32
        %dma_wait3A_335 = tpu.memref_slice %arg5[%dma_wait3A_332, %dma_wait3A_334] : memref<4x80xi32, #tpu.memory_space<vmem>> -> memref<1x80xi32, #tpu.memory_space<vmem>>
        %dma_wait3A_336 = tpu.memref_squeeze %dma_wait3A_335 : memref<1x80xi32, #tpu.memory_space<vmem>> -> memref<80xi32, #tpu.memory_space<vmem>>
        %dma_wait3A_337 = arith.constant 0 : i32
        %dma_wait3A_338 = arith.constant 0 : i32
        %dma_wait3A_339 = tpu.memref_slice %arg4[%dma_wait3A_337, %dma_wait3A_338] : memref<10240x128xf32, #tpu.memory_space<vmem_shared>> -> memref<10240x128xf32, #tpu.memory_space<vmem_shared>>
        %dma_wait3A_340 = tpu.memref_slice %arg9[%dma_wait3A_333] : memref<4x!tpu.dma_semaphore, #tpu.memory_space<semaphore_mem>> -> memref<1x!tpu.dma_semaphore, #tpu.memory_space<semaphore_mem>>
        %dma_wait3A_341 = tpu.memref_squeeze %dma_wait3A_340 : memref<1x!tpu.dma_semaphore, #tpu.memory_space<semaphore_mem>> -> memref<!tpu.dma_semaphore, #tpu.memory_space<semaphore_mem>>
        tpu.wait_indirect_dma semaphore(%dma_wait3A_341 : memref<!tpu.dma_semaphore, #tpu.memory_space<semaphore_mem>>) src(%arg6 : memref<80x128xf32, #tpu.memory_space<vmem>>) dst(%dma_wait3A_339 : memref<10240x128xf32, #tpu.memory_space<vmem_shared>>)
      } else {
      }
      %mul3A_145 = arith.constant 4 : i32
      %mul3A_146 = arith.muli %scan3A_142, %mul3A_145 : i32
      %add3A_147 = arith.constant 0 : i32
      %add3A_148 = arith.addi %mul3A_146, %add3A_147 : i32
      %mul3A_149 = arith.constant 80 : i32
      %mul3A_150 = arith.muli %add3A_148, %mul3A_149 : i32
      %add3A_151 = arith.addi %add3A_4, %mul3A_150 : i32
      %dma_start3A_152 = arith.constant 0 : i32
      %dma_start3A_153 = arith.constant 0 : i32
      %dma_start3A_154 = arith.constant 0 : i32
      %dma_start3A_155 = tpu.memref_slice %arg5[%dma_start3A_152, %dma_start3A_154] : memref<4x80xi32, #tpu.memory_space<vmem>> -> memref<1x80xi32, #tpu.memory_space<vmem>>
      %dma_start3A_156 = tpu.memref_squeeze %dma_start3A_155 : memref<1x80xi32, #tpu.memory_space<vmem>> -> memref<80xi32, #tpu.memory_space<vmem>>
      %dma_start3A_157 = tpu.memref_slice %arg2[%add3A_151] : memref<640000xi32, #tpu.memory_space<hbm>> -> memref<80xi32, #tpu.memory_space<hbm>>
      %dma_start3A_158 = tpu.memref_slice %arg8[%dma_start3A_153] : memref<4x!tpu.dma_semaphore, #tpu.memory_space<semaphore_mem>> -> memref<1x!tpu.dma_semaphore, #tpu.memory_space<semaphore_mem>>
      %dma_start3A_159 = tpu.memref_squeeze %dma_start3A_158 : memref<1x!tpu.dma_semaphore, #tpu.memory_space<semaphore_mem>> -> memref<!tpu.dma_semaphore, #tpu.memory_space<semaphore_mem>>
      %dma_start3A_160 = arith.constant 0 : i32
      %dma_start3A_161 = tpu.memref_slice %arg5[%dma_start3A_152, %dma_start3A_160] : memref<4x80xi32, #tpu.memory_space<vmem>> -> memref<1x80xi32, #tpu.memory_space<vmem>>
      %dma_start3A_162 = tpu.memref_squeeze %dma_start3A_161 : memref<1x80xi32, #tpu.memory_space<vmem>> -> memref<80xi32, #tpu.memory_space<vmem>>
      %dma_start3A_163 = tpu.memref_slice %arg2[%add3A_151] : memref<640000xi32, #tpu.memory_space<hbm>> -> memref<80xi32, #tpu.memory_space<hbm>>
      tpu.enqueue_dma source(%dma_start3A_163 : memref<80xi32, #tpu.memory_space<hbm>>) target(%dma_start3A_162 : memref<80xi32, #tpu.memory_space<vmem>>) target_semaphore(%dma_start3A_159 : memref<!tpu.dma_semaphore, #tpu.memory_space<semaphore_mem>>)
      %gt3A_164 = arith.constant 0 : i32
      %gt3A_165 = arith.cmpi sgt, %scan3A_142, %gt3A_164 : i32
      %convert_element_type3A_166 = arith.extui %gt3A_165 : i1 to i32
      %cond3A_167 = arith.constant 0 : i32
      %cond3A_168 = arith.cmpi ne, %convert_element_type3A_166, %cond3A_167 : i32
      scf.if %cond3A_168 {
        %dma_wait3A_332 = arith.constant 1 : i32
        %dma_wait3A_333 = arith.constant 1 : i32
        %dma_wait3A_334 = arith.constant 0 : i32
        %dma_wait3A_335 = tpu.memref_slice %arg5[%dma_wait3A_332, %dma_wait3A_334] : memref<4x80xi32, #tpu.memory_space<vmem>> -> memref<1x80xi32, #tpu.memory_space<vmem>>
        %dma_wait3A_336 = tpu.memref_squeeze %dma_wait3A_335 : memref<1x80xi32, #tpu.memory_space<vmem>> -> memref<80xi32, #tpu.memory_space<vmem>>
        %dma_wait3A_337 = arith.constant 0 : i32
        %dma_wait3A_338 = arith.constant 0 : i32
        %dma_wait3A_339 = tpu.memref_slice %arg4[%dma_wait3A_337, %dma_wait3A_338] : memref<10240x128xf32, #tpu.memory_space<vmem_shared>> -> memref<10240x128xf32, #tpu.memory_space<vmem_shared>>
        %dma_wait3A_340 = tpu.memref_slice %arg9[%dma_wait3A_333] : memref<4x!tpu.dma_semaphore, #tpu.memory_space<semaphore_mem>> -> memref<1x!tpu.dma_semaphore, #tpu.memory_space<semaphore_mem>>
        %dma_wait3A_341 = tpu.memref_squeeze %dma_wait3A_340 : memref<1x!tpu.dma_semaphore, #tpu.memory_space<semaphore_mem>> -> memref<!tpu.dma_semaphore, #tpu.memory_space<semaphore_mem>>
        tpu.wait_indirect_dma semaphore(%dma_wait3A_341 : memref<!tpu.dma_semaphore, #tpu.memory_space<semaphore_mem>>) src(%arg6 : memref<80x128xf32, #tpu.memory_space<vmem>>) dst(%dma_wait3A_339 : memref<10240x128xf32, #tpu.memory_space<vmem_shared>>)
      } else {
      }
      %mul3A_169 = arith.constant 4 : i32
      %mul3A_170 = arith.muli %scan3A_142, %mul3A_169 : i32
      %add3A_171 = arith.constant 1 : i32
      %add3A_172 = arith.addi %mul3A_170, %add3A_171 : i32
      %mul3A_173 = arith.constant 80 : i32
      %mul3A_174 = arith.muli %add3A_172, %mul3A_173 : i32
      %add3A_175 = arith.addi %add3A_4, %mul3A_174 : i32
      %dma_start3A_176 = arith.constant 1 : i32
      %dma_start3A_177 = arith.constant 1 : i32
      %dma_start3A_178 = arith.constant 0 : i32
      %dma_start3A_179 = tpu.memref_slice %arg5[%dma_start3A_176, %dma_start3A_178] : memref<4x80xi32, #tpu.memory_space<vmem>> -> memref<1x80xi32, #tpu.memory_space<vmem>>
      %dma_start3A_180 = tpu.memref_squeeze %dma_start3A_179 : memref<1x80xi32, #tpu.memory_space<vmem>> -> memref<80xi32, #tpu.memory_space<vmem>>
      %dma_start3A_181 = tpu.memref_slice %arg2[%add3A_175] : memref<640000xi32, #tpu.memory_space<hbm>> -> memref<80xi32, #tpu.memory_space<hbm>>
      %dma_start3A_182 = tpu.memref_slice %arg8[%dma_start3A_177] : memref<4x!tpu.dma_semaphore, #tpu.memory_space<semaphore_mem>> -> memref<1x!tpu.dma_semaphore, #tpu.memory_space<semaphore_mem>>
      %dma_start3A_183 = tpu.memref_squeeze %dma_start3A_182 : memref<1x!tpu.dma_semaphore, #tpu.memory_space<semaphore_mem>> -> memref<!tpu.dma_semaphore, #tpu.memory_space<semaphore_mem>>
      %dma_start3A_184 = arith.constant 0 : i32
      %dma_start3A_185 = tpu.memref_slice %arg5[%dma_start3A_176, %dma_start3A_184] : memref<4x80xi32, #tpu.memory_space<vmem>> -> memref<1x80xi32, #tpu.memory_space<vmem>>
      %dma_start3A_186 = tpu.memref_squeeze %dma_start3A_185 : memref<1x80xi32, #tpu.memory_space<vmem>> -> memref<80xi32, #tpu.memory_space<vmem>>
      %dma_start3A_187 = tpu.memref_slice %arg2[%add3A_175] : memref<640000xi32, #tpu.memory_space<hbm>> -> memref<80xi32, #tpu.memory_space<hbm>>
      tpu.enqueue_dma source(%dma_start3A_187 : memref<80xi32, #tpu.memory_space<hbm>>) target(%dma_start3A_186 : memref<80xi32, #tpu.memory_space<vmem>>) target_semaphore(%dma_start3A_183 : memref<!tpu.dma_semaphore, #tpu.memory_space<semaphore_mem>>)
      %gt3A_188 = arith.constant 0 : i32
      %gt3A_189 = arith.cmpi sgt, %scan3A_142, %gt3A_188 : i32
      %convert_element_type3A_190 = arith.extui %gt3A_189 : i1 to i32
      %cond3A_191 = arith.constant 0 : i32
      %cond3A_192 = arith.cmpi ne, %convert_element_type3A_190, %cond3A_191 : i32
      scf.if %cond3A_192 {
        %dma_wait3A_332 = arith.constant 2 : i32
        %dma_wait3A_333 = arith.constant 2 : i32
        %dma_wait3A_334 = arith.constant 0 : i32
        %dma_wait3A_335 = tpu.memref_slice %arg5[%dma_wait3A_332, %dma_wait3A_334] : memref<4x80xi32, #tpu.memory_space<vmem>> -> memref<1x80xi32, #tpu.memory_space<vmem>>
        %dma_wait3A_336 = tpu.memref_squeeze %dma_wait3A_335 : memref<1x80xi32, #tpu.memory_space<vmem>> -> memref<80xi32, #tpu.memory_space<vmem>>
        %dma_wait3A_337 = arith.constant 0 : i32
        %dma_wait3A_338 = arith.constant 0 : i32
        %dma_wait3A_339 = tpu.memref_slice %arg4[%dma_wait3A_337, %dma_wait3A_338] : memref<10240x128xf32, #tpu.memory_space<vmem_shared>> -> memref<10240x128xf32, #tpu.memory_space<vmem_shared>>
        %dma_wait3A_340 = tpu.memref_slice %arg9[%dma_wait3A_333] : memref<4x!tpu.dma_semaphore, #tpu.memory_space<semaphore_mem>> -> memref<1x!tpu.dma_semaphore, #tpu.memory_space<semaphore_mem>>
        %dma_wait3A_341 = tpu.memref_squeeze %dma_wait3A_340 : memref<1x!tpu.dma_semaphore, #tpu.memory_space<semaphore_mem>> -> memref<!tpu.dma_semaphore, #tpu.memory_space<semaphore_mem>>
        tpu.wait_indirect_dma semaphore(%dma_wait3A_341 : memref<!tpu.dma_semaphore, #tpu.memory_space<semaphore_mem>>) src(%arg6 : memref<80x128xf32, #tpu.memory_space<vmem>>) dst(%dma_wait3A_339 : memref<10240x128xf32, #tpu.memory_space<vmem_shared>>)
      } else {
      }
      %mul3A_193 = arith.constant 4 : i32
      %mul3A_194 = arith.muli %scan3A_142, %mul3A_193 : i32
      %add3A_195 = arith.constant 2 : i32
      %add3A_196 = arith.addi %mul3A_194, %add3A_195 : i32
      %mul3A_197 = arith.constant 80 : i32
      %mul3A_198 = arith.muli %add3A_196, %mul3A_197 : i32
      %add3A_199 = arith.addi %add3A_4, %mul3A_198 : i32
      %dma_start3A_200 = arith.constant 2 : i32
      %dma_start3A_201 = arith.constant 2 : i32
      %dma_start3A_202 = arith.constant 0 : i32
      %dma_start3A_203 = tpu.memref_slice %arg5[%dma_start3A_200, %dma_start3A_202] : memref<4x80xi32, #tpu.memory_space<vmem>> -> memref<1x80xi32, #tpu.memory_space<vmem>>
      %dma_start3A_204 = tpu.memref_squeeze %dma_start3A_203 : memref<1x80xi32, #tpu.memory_space<vmem>> -> memref<80xi32, #tpu.memory_space<vmem>>
      %dma_start3A_205 = tpu.memref_slice %arg2[%add3A_199] : memref<640000xi32, #tpu.memory_space<hbm>> -> memref<80xi32, #tpu.memory_space<hbm>>
      %dma_start3A_206 = tpu.memref_slice %arg8[%dma_start3A_201] : memref<4x!tpu.dma_semaphore, #tpu.memory_space<semaphore_mem>> -> memref<1x!tpu.dma_semaphore, #tpu.memory_space<semaphore_mem>>
      %dma_start3A_207 = tpu.memref_squeeze %dma_start3A_206 : memref<1x!tpu.dma_semaphore, #tpu.memory_space<semaphore_mem>> -> memref<!tpu.dma_semaphore, #tpu.memory_space<semaphore_mem>>
      %dma_start3A_208 = arith.constant 0 : i32
      %dma_start3A_209 = tpu.memref_slice %arg5[%dma_start3A_200, %dma_start3A_208] : memref<4x80xi32, #tpu.memory_space<vmem>> -> memref<1x80xi32, #tpu.memory_space<vmem>>
      %dma_start3A_210 = tpu.memref_squeeze %dma_start3A_209 : memref<1x80xi32, #tpu.memory_space<vmem>> -> memref<80xi32, #tpu.memory_space<vmem>>
      %dma_start3A_211 = tpu.memref_slice %arg2[%add3A_199] : memref<640000xi32, #tpu.memory_space<hbm>> -> memref<80xi32, #tpu.memory_space<hbm>>
      tpu.enqueue_dma source(%dma_start3A_211 : memref<80xi32, #tpu.memory_space<hbm>>) target(%dma_start3A_210 : memref<80xi32, #tpu.memory_space<vmem>>) target_semaphore(%dma_start3A_207 : memref<!tpu.dma_semaphore, #tpu.memory_space<semaphore_mem>>)
      %gt3A_212 = arith.constant 0 : i32
      %gt3A_213 = arith.cmpi sgt, %scan3A_142, %gt3A_212 : i32
      %convert_element_type3A_214 = arith.extui %gt3A_213 : i1 to i32
      %cond3A_215 = arith.constant 0 : i32
      %cond3A_216 = arith.cmpi ne, %convert_element_type3A_214, %cond3A_215 : i32
      scf.if %cond3A_216 {
        %dma_wait3A_332 = arith.constant 3 : i32
        %dma_wait3A_333 = arith.constant 3 : i32
        %dma_wait3A_334 = arith.constant 0 : i32
        %dma_wait3A_335 = tpu.memref_slice %arg5[%dma_wait3A_332, %dma_wait3A_334] : memref<4x80xi32, #tpu.memory_space<vmem>> -> memref<1x80xi32, #tpu.memory_space<vmem>>
        %dma_wait3A_336 = tpu.memref_squeeze %dma_wait3A_335 : memref<1x80xi32, #tpu.memory_space<vmem>> -> memref<80xi32, #tpu.memory_space<vmem>>
        %dma_wait3A_337 = arith.constant 0 : i32
        %dma_wait3A_338 = arith.constant 0 : i32
        %dma_wait3A_339 = tpu.memref_slice %arg4[%dma_wait3A_337, %dma_wait3A_338] : memref<10240x128xf32, #tpu.memory_space<vmem_shared>> -> memref<10240x128xf32, #tpu.memory_space<vmem_shared>>
        %dma_wait3A_340 = tpu.memref_slice %arg9[%dma_wait3A_333] : memref<4x!tpu.dma_semaphore, #tpu.memory_space<semaphore_mem>> -> memref<1x!tpu.dma_semaphore, #tpu.memory_space<semaphore_mem>>
        %dma_wait3A_341 = tpu.memref_squeeze %dma_wait3A_340 : memref<1x!tpu.dma_semaphore, #tpu.memory_space<semaphore_mem>> -> memref<!tpu.dma_semaphore, #tpu.memory_space<semaphore_mem>>
        tpu.wait_indirect_dma semaphore(%dma_wait3A_341 : memref<!tpu.dma_semaphore, #tpu.memory_space<semaphore_mem>>) src(%arg6 : memref<80x128xf32, #tpu.memory_space<vmem>>) dst(%dma_wait3A_339 : memref<10240x128xf32, #tpu.memory_space<vmem_shared>>)
      } else {
      }
      %mul3A_217 = arith.constant 4 : i32
      %mul3A_218 = arith.muli %scan3A_142, %mul3A_217 : i32
      %add3A_219 = arith.constant 3 : i32
      %add3A_220 = arith.addi %mul3A_218, %add3A_219 : i32
      %mul3A_221 = arith.constant 80 : i32
      %mul3A_222 = arith.muli %add3A_220, %mul3A_221 : i32
      %add3A_223 = arith.addi %add3A_4, %mul3A_222 : i32
      %dma_start3A_224 = arith.constant 3 : i32
      %dma_start3A_225 = arith.constant 3 : i32
      %dma_start3A_226 = arith.constant 0 : i32
      %dma_start3A_227 = tpu.memref_slice %arg5[%dma_start3A_224, %dma_start3A_226] : memref<4x80xi32, #tpu.memory_space<vmem>> -> memref<1x80xi32, #tpu.memory_space<vmem>>
      %dma_start3A_228 = tpu.memref_squeeze %dma_start3A_227 : memref<1x80xi32, #tpu.memory_space<vmem>> -> memref<80xi32, #tpu.memory_space<vmem>>
      %dma_start3A_229 = tpu.memref_slice %arg2[%add3A_223] : memref<640000xi32, #tpu.memory_space<hbm>> -> memref<80xi32, #tpu.memory_space<hbm>>
      %dma_start3A_230 = tpu.memref_slice %arg8[%dma_start3A_225] : memref<4x!tpu.dma_semaphore, #tpu.memory_space<semaphore_mem>> -> memref<1x!tpu.dma_semaphore, #tpu.memory_space<semaphore_mem>>
      %dma_start3A_231 = tpu.memref_squeeze %dma_start3A_230 : memref<1x!tpu.dma_semaphore, #tpu.memory_space<semaphore_mem>> -> memref<!tpu.dma_semaphore, #tpu.memory_space<semaphore_mem>>
      %dma_start3A_232 = arith.constant 0 : i32
      %dma_start3A_233 = tpu.memref_slice %arg5[%dma_start3A_224, %dma_start3A_232] : memref<4x80xi32, #tpu.memory_space<vmem>> -> memref<1x80xi32, #tpu.memory_space<vmem>>
      %dma_start3A_234 = tpu.memref_squeeze %dma_start3A_233 : memref<1x80xi32, #tpu.memory_space<vmem>> -> memref<80xi32, #tpu.memory_space<vmem>>
      %dma_start3A_235 = tpu.memref_slice %arg2[%add3A_223] : memref<640000xi32, #tpu.memory_space<hbm>> -> memref<80xi32, #tpu.memory_space<hbm>>
      tpu.enqueue_dma source(%dma_start3A_235 : memref<80xi32, #tpu.memory_space<hbm>>) target(%dma_start3A_234 : memref<80xi32, #tpu.memory_space<vmem>>) target_semaphore(%dma_start3A_231 : memref<!tpu.dma_semaphore, #tpu.memory_space<semaphore_mem>>)
      %dma_wait3A_236 = arith.constant 0 : i32
      %dma_wait3A_237 = arith.constant 0 : i32
      %dma_wait3A_238 = arith.constant 0 : i32
      %dma_wait3A_239 = tpu.memref_slice %arg5[%dma_wait3A_236, %dma_wait3A_238] : memref<4x80xi32, #tpu.memory_space<vmem>> -> memref<1x80xi32, #tpu.memory_space<vmem>>
      %dma_wait3A_240 = tpu.memref_squeeze %dma_wait3A_239 : memref<1x80xi32, #tpu.memory_space<vmem>> -> memref<80xi32, #tpu.memory_space<vmem>>
      %dma_wait3A_241 = arith.constant 0 : i32
      %dma_wait3A_242 = tpu.memref_slice %arg2[%dma_wait3A_241] : memref<640000xi32, #tpu.memory_space<hbm>> -> memref<80xi32, #tpu.memory_space<hbm>>
      %dma_wait3A_243 = tpu.memref_slice %arg8[%dma_wait3A_237] : memref<4x!tpu.dma_semaphore, #tpu.memory_space<semaphore_mem>> -> memref<1x!tpu.dma_semaphore, #tpu.memory_space<semaphore_mem>>
      %dma_wait3A_244 = tpu.memref_squeeze %dma_wait3A_243 : memref<1x!tpu.dma_semaphore, #tpu.memory_space<semaphore_mem>> -> memref<!tpu.dma_semaphore, #tpu.memory_space<semaphore_mem>>
      %dma_wait3A_245 = arith.constant 0 : i32
      %dma_wait3A_246 = tpu.memref_slice %arg5[%dma_wait3A_236, %dma_wait3A_245] : memref<4x80xi32, #tpu.memory_space<vmem>> -> memref<1x80xi32, #tpu.memory_space<vmem>>
      %dma_wait3A_247 = tpu.memref_squeeze %dma_wait3A_246 : memref<1x80xi32, #tpu.memory_space<vmem>> -> memref<80xi32, #tpu.memory_space<vmem>>
      %dma_wait3A_248 = arith.constant 0 : i32
      %dma_wait3A_249 = tpu.memref_slice %arg2[%dma_wait3A_248] : memref<640000xi32, #tpu.memory_space<hbm>> -> memref<80xi32, #tpu.memory_space<hbm>>
      tpu.wait_dma2 semaphore(%dma_wait3A_244 : memref<!tpu.dma_semaphore, #tpu.memory_space<semaphore_mem>>) src(%dma_wait3A_249 : memref<80xi32, #tpu.memory_space<hbm>>) dst(%dma_wait3A_247 : memref<80xi32, #tpu.memory_space<vmem>>)
      %dma_start3A_250 = arith.constant 0 : i32
      %dma_start3A_251 = arith.constant 0 : i32
      %dma_start3A_252 = arith.constant 0 : i32
      %dma_start3A_253 = tpu.memref_slice %arg5[%dma_start3A_250, %dma_start3A_252] : memref<4x80xi32, #tpu.memory_space<vmem>> -> memref<1x80xi32, #tpu.memory_space<vmem>>
      %dma_start3A_254 = tpu.memref_squeeze %dma_start3A_253 : memref<1x80xi32, #tpu.memory_space<vmem>> -> memref<80xi32, #tpu.memory_space<vmem>>
      %dma_start3A_255 = arith.constant 0 : i32
      %dma_start3A_256 = arith.constant 0 : i32
      %dma_start3A_257 = tpu.memref_slice %arg4[%dma_start3A_255, %dma_start3A_256] : memref<10240x128xf32, #tpu.memory_space<vmem_shared>> -> memref<10240x128xf32, #tpu.memory_space<vmem_shared>>
      %dma_start3A_258 = tpu.memref_slice %arg9[%dma_start3A_251] : memref<4x!tpu.dma_semaphore, #tpu.memory_space<semaphore_mem>> -> memref<1x!tpu.dma_semaphore, #tpu.memory_space<semaphore_mem>>
      %dma_start3A_259 = tpu.memref_squeeze %dma_start3A_258 : memref<1x!tpu.dma_semaphore, #tpu.memory_space<semaphore_mem>> -> memref<!tpu.dma_semaphore, #tpu.memory_space<semaphore_mem>>
      tpu.enqueue_indirect_dma source(%arg6 : memref<80x128xf32, #tpu.memory_space<vmem>>) target(%dma_start3A_257 : memref<10240x128xf32, #tpu.memory_space<vmem_shared>>) offsets(%dma_start3A_254 : memref<80xi32, #tpu.memory_space<vmem>>) semaphore(%dma_start3A_259 : memref<!tpu.dma_semaphore, #tpu.memory_space<semaphore_mem>>) {add = true}
      %dma_wait3A_260 = arith.constant 1 : i32
      %dma_wait3A_261 = arith.constant 1 : i32
      %dma_wait3A_262 = arith.constant 0 : i32
      %dma_wait3A_263 = tpu.memref_slice %arg5[%dma_wait3A_260, %dma_wait3A_262] : memref<4x80xi32, #tpu.memory_space<vmem>> -> memref<1x80xi32, #tpu.memory_space<vmem>>
      %dma_wait3A_264 = tpu.memref_squeeze %dma_wait3A_263 : memref<1x80xi32, #tpu.memory_space<vmem>> -> memref<80xi32, #tpu.memory_space<vmem>>
      %dma_wait3A_265 = arith.constant 0 : i32
      %dma_wait3A_266 = tpu.memref_slice %arg2[%dma_wait3A_265] : memref<640000xi32, #tpu.memory_space<hbm>> -> memref<80xi32, #tpu.memory_space<hbm>>
      %dma_wait3A_267 = tpu.memref_slice %arg8[%dma_wait3A_261] : memref<4x!tpu.dma_semaphore, #tpu.memory_space<semaphore_mem>> -> memref<1x!tpu.dma_semaphore, #tpu.memory_space<semaphore_mem>>
      %dma_wait3A_268 = tpu.memref_squeeze %dma_wait3A_267 : memref<1x!tpu.dma_semaphore, #tpu.memory_space<semaphore_mem>> -> memref<!tpu.dma_semaphore, #tpu.memory_space<semaphore_mem>>
      %dma_wait3A_269 = arith.constant 0 : i32
      %dma_wait3A_270 = tpu.memref_slice %arg5[%dma_wait3A_260, %dma_wait3A_269] : memref<4x80xi32, #tpu.memory_space<vmem>> -> memref<1x80xi32, #tpu.memory_space<vmem>>
      %dma_wait3A_271 = tpu.memref_squeeze %dma_wait3A_270 : memref<1x80xi32, #tpu.memory_space<vmem>> -> memref<80xi32, #tpu.memory_space<vmem>>
      %dma_wait3A_272 = arith.constant 0 : i32
      %dma_wait3A_273 = tpu.memref_slice %arg2[%dma_wait3A_272] : memref<640000xi32, #tpu.memory_space<hbm>> -> memref<80xi32, #tpu.memory_space<hbm>>
      tpu.wait_dma2 semaphore(%dma_wait3A_268 : memref<!tpu.dma_semaphore, #tpu.memory_space<semaphore_mem>>) src(%dma_wait3A_273 : memref<80xi32, #tpu.memory_space<hbm>>) dst(%dma_wait3A_271 : memref<80xi32, #tpu.memory_space<vmem>>)
      %dma_start3A_274 = arith.constant 1 : i32
      %dma_start3A_275 = arith.constant 1 : i32
      %dma_start3A_276 = arith.constant 0 : i32
      %dma_start3A_277 = tpu.memref_slice %arg5[%dma_start3A_274, %dma_start3A_276] : memref<4x80xi32, #tpu.memory_space<vmem>> -> memref<1x80xi32, #tpu.memory_space<vmem>>
      %dma_start3A_278 = tpu.memref_squeeze %dma_start3A_277 : memref<1x80xi32, #tpu.memory_space<vmem>> -> memref<80xi32, #tpu.memory_space<vmem>>
      %dma_start3A_279 = arith.constant 0 : i32
      %dma_start3A_280 = arith.constant 0 : i32
      %dma_start3A_281 = tpu.memref_slice %arg4[%dma_start3A_279, %dma_start3A_280] : memref<10240x128xf32, #tpu.memory_space<vmem_shared>> -> memref<10240x128xf32, #tpu.memory_space<vmem_shared>>
      %dma_start3A_282 = tpu.memref_slice %arg9[%dma_start3A_275] : memref<4x!tpu.dma_semaphore, #tpu.memory_space<semaphore_mem>> -> memref<1x!tpu.dma_semaphore, #tpu.memory_space<semaphore_mem>>
      %dma_start3A_283 = tpu.memref_squeeze %dma_start3A_282 : memref<1x!tpu.dma_semaphore, #tpu.memory_space<semaphore_mem>> -> memref<!tpu.dma_semaphore, #tpu.memory_space<semaphore_mem>>
      tpu.enqueue_indirect_dma source(%arg6 : memref<80x128xf32, #tpu.memory_space<vmem>>) target(%dma_start3A_281 : memref<10240x128xf32, #tpu.memory_space<vmem_shared>>) offsets(%dma_start3A_278 : memref<80xi32, #tpu.memory_space<vmem>>) semaphore(%dma_start3A_283 : memref<!tpu.dma_semaphore, #tpu.memory_space<semaphore_mem>>) {add = true}
      %dma_wait3A_284 = arith.constant 2 : i32
      %dma_wait3A_285 = arith.constant 2 : i32
      %dma_wait3A_286 = arith.constant 0 : i32
      %dma_wait3A_287 = tpu.memref_slice %arg5[%dma_wait3A_284, %dma_wait3A_286] : memref<4x80xi32, #tpu.memory_space<vmem>> -> memref<1x80xi32, #tpu.memory_space<vmem>>
      %dma_wait3A_288 = tpu.memref_squeeze %dma_wait3A_287 : memref<1x80xi32, #tpu.memory_space<vmem>> -> memref<80xi32, #tpu.memory_space<vmem>>
      %dma_wait3A_289 = arith.constant 0 : i32
      %dma_wait3A_290 = tpu.memref_slice %arg2[%dma_wait3A_289] : memref<640000xi32, #tpu.memory_space<hbm>> -> memref<80xi32, #tpu.memory_space<hbm>>
      %dma_wait3A_291 = tpu.memref_slice %arg8[%dma_wait3A_285] : memref<4x!tpu.dma_semaphore, #tpu.memory_space<semaphore_mem>> -> memref<1x!tpu.dma_semaphore, #tpu.memory_space<semaphore_mem>>
      %dma_wait3A_292 = tpu.memref_squeeze %dma_wait3A_291 : memref<1x!tpu.dma_semaphore, #tpu.memory_space<semaphore_mem>> -> memref<!tpu.dma_semaphore, #tpu.memory_space<semaphore_mem>>
      %dma_wait3A_293 = arith.constant 0 : i32
      %dma_wait3A_294 = tpu.memref_slice %arg5[%dma_wait3A_284, %dma_wait3A_293] : memref<4x80xi32, #tpu.memory_space<vmem>> -> memref<1x80xi32, #tpu.memory_space<vmem>>
      %dma_wait3A_295 = tpu.memref_squeeze %dma_wait3A_294 : memref<1x80xi32, #tpu.memory_space<vmem>> -> memref<80xi32, #tpu.memory_space<vmem>>
      %dma_wait3A_296 = arith.constant 0 : i32
      %dma_wait3A_297 = tpu.memref_slice %arg2[%dma_wait3A_296] : memref<640000xi32, #tpu.memory_space<hbm>> -> memref<80xi32, #tpu.memory_space<hbm>>
      tpu.wait_dma2 semaphore(%dma_wait3A_292 : memref<!tpu.dma_semaphore, #tpu.memory_space<semaphore_mem>>) src(%dma_wait3A_297 : memref<80xi32, #tpu.memory_space<hbm>>) dst(%dma_wait3A_295 : memref<80xi32, #tpu.memory_space<vmem>>)
      %dma_start3A_298 = arith.constant 2 : i32
      %dma_start3A_299 = arith.constant 2 : i32
      %dma_start3A_300 = arith.constant 0 : i32
      %dma_start3A_301 = tpu.memref_slice %arg5[%dma_start3A_298, %dma_start3A_300] : memref<4x80xi32, #tpu.memory_space<vmem>> -> memref<1x80xi32, #tpu.memory_space<vmem>>
      %dma_start3A_302 = tpu.memref_squeeze %dma_start3A_301 : memref<1x80xi32, #tpu.memory_space<vmem>> -> memref<80xi32, #tpu.memory_space<vmem>>
      %dma_start3A_303 = arith.constant 0 : i32
      %dma_start3A_304 = arith.constant 0 : i32
      %dma_start3A_305 = tpu.memref_slice %arg4[%dma_start3A_303, %dma_start3A_304] : memref<10240x128xf32, #tpu.memory_space<vmem_shared>> -> memref<10240x128xf32, #tpu.memory_space<vmem_shared>>
      %dma_start3A_306 = tpu.memref_slice %arg9[%dma_start3A_299] : memref<4x!tpu.dma_semaphore, #tpu.memory_space<semaphore_mem>> -> memref<1x!tpu.dma_semaphore, #tpu.memory_space<semaphore_mem>>
      %dma_start3A_307 = tpu.memref_squeeze %dma_start3A_306 : memref<1x!tpu.dma_semaphore, #tpu.memory_space<semaphore_mem>> -> memref<!tpu.dma_semaphore, #tpu.memory_space<semaphore_mem>>
      tpu.enqueue_indirect_dma source(%arg6 : memref<80x128xf32, #tpu.memory_space<vmem>>) target(%dma_start3A_305 : memref<10240x128xf32, #tpu.memory_space<vmem_shared>>) offsets(%dma_start3A_302 : memref<80xi32, #tpu.memory_space<vmem>>) semaphore(%dma_start3A_307 : memref<!tpu.dma_semaphore, #tpu.memory_space<semaphore_mem>>) {add = true}
      %dma_wait3A_308 = arith.constant 3 : i32
      %dma_wait3A_309 = arith.constant 3 : i32
      %dma_wait3A_310 = arith.constant 0 : i32
      %dma_wait3A_311 = tpu.memref_slice %arg5[%dma_wait3A_308, %dma_wait3A_310] : memref<4x80xi32, #tpu.memory_space<vmem>> -> memref<1x80xi32, #tpu.memory_space<vmem>>
      %dma_wait3A_312 = tpu.memref_squeeze %dma_wait3A_311 : memref<1x80xi32, #tpu.memory_space<vmem>> -> memref<80xi32, #tpu.memory_space<vmem>>
      %dma_wait3A_313 = arith.constant 0 : i32
      %dma_wait3A_314 = tpu.memref_slice %arg2[%dma_wait3A_313] : memref<640000xi32, #tpu.memory_space<hbm>> -> memref<80xi32, #tpu.memory_space<hbm>>
      %dma_wait3A_315 = tpu.memref_slice %arg8[%dma_wait3A_309] : memref<4x!tpu.dma_semaphore, #tpu.memory_space<semaphore_mem>> -> memref<1x!tpu.dma_semaphore, #tpu.memory_space<semaphore_mem>>
      %dma_wait3A_316 = tpu.memref_squeeze %dma_wait3A_315 : memref<1x!tpu.dma_semaphore, #tpu.memory_space<semaphore_mem>> -> memref<!tpu.dma_semaphore, #tpu.memory_space<semaphore_mem>>
      %dma_wait3A_317 = arith.constant 0 : i32
      %dma_wait3A_318 = tpu.memref_slice %arg5[%dma_wait3A_308, %dma_wait3A_317] : memref<4x80xi32, #tpu.memory_space<vmem>> -> memref<1x80xi32, #tpu.memory_space<vmem>>
      %dma_wait3A_319 = tpu.memref_squeeze %dma_wait3A_318 : memref<1x80xi32, #tpu.memory_space<vmem>> -> memref<80xi32, #tpu.memory_space<vmem>>
      %dma_wait3A_320 = arith.constant 0 : i32
      %dma_wait3A_321 = tpu.memref_slice %arg2[%dma_wait3A_320] : memref<640000xi32, #tpu.memory_space<hbm>> -> memref<80xi32, #tpu.memory_space<hbm>>
      tpu.wait_dma2 semaphore(%dma_wait3A_316 : memref<!tpu.dma_semaphore, #tpu.memory_space<semaphore_mem>>) src(%dma_wait3A_321 : memref<80xi32, #tpu.memory_space<hbm>>) dst(%dma_wait3A_319 : memref<80xi32, #tpu.memory_space<vmem>>)
      %dma_start3A_322 = arith.constant 3 : i32
      %dma_start3A_323 = arith.constant 3 : i32
      %dma_start3A_324 = arith.constant 0 : i32
      %dma_start3A_325 = tpu.memref_slice %arg5[%dma_start3A_322, %dma_start3A_324] : memref<4x80xi32, #tpu.memory_space<vmem>> -> memref<1x80xi32, #tpu.memory_space<vmem>>
      %dma_start3A_326 = tpu.memref_squeeze %dma_start3A_325 : memref<1x80xi32, #tpu.memory_space<vmem>> -> memref<80xi32, #tpu.memory_space<vmem>>
      %dma_start3A_327 = arith.constant 0 : i32
      %dma_start3A_328 = arith.constant 0 : i32
      %dma_start3A_329 = tpu.memref_slice %arg4[%dma_start3A_327, %dma_start3A_328] : memref<10240x128xf32, #tpu.memory_space<vmem_shared>> -> memref<10240x128xf32, #tpu.memory_space<vmem_shared>>
      %dma_start3A_330 = tpu.memref_slice %arg9[%dma_start3A_323] : memref<4x!tpu.dma_semaphore, #tpu.memory_space<semaphore_mem>> -> memref<1x!tpu.dma_semaphore, #tpu.memory_space<semaphore_mem>>
      %dma_start3A_331 = tpu.memref_squeeze %dma_start3A_330 : memref<1x!tpu.dma_semaphore, #tpu.memory_space<semaphore_mem>> -> memref<!tpu.dma_semaphore, #tpu.memory_space<semaphore_mem>>
      tpu.enqueue_indirect_dma source(%arg6 : memref<80x128xf32, #tpu.memory_space<vmem>>) target(%dma_start3A_329 : memref<10240x128xf32, #tpu.memory_space<vmem_shared>>) offsets(%dma_start3A_326 : memref<80xi32, #tpu.memory_space<vmem>>) semaphore(%dma_start3A_331 : memref<!tpu.dma_semaphore, #tpu.memory_space<semaphore_mem>>) {add = true}
    }
    %scan3A_50 = arith.constant 31 : i32
    %dma_wait3A = arith.constant 0 : i32
    %dma_wait3A_51 = arith.constant 0 : i32
    %dma_wait3A_52 = arith.constant 0 : i32
    %dma_wait3A_53 = tpu.memref_slice %arg5[%dma_wait3A, %dma_wait3A_52] : memref<4x80xi32, #tpu.memory_space<vmem>> -> memref<1x80xi32, #tpu.memory_space<vmem>>
    %dma_wait3A_54 = tpu.memref_squeeze %dma_wait3A_53 : memref<1x80xi32, #tpu.memory_space<vmem>> -> memref<80xi32, #tpu.memory_space<vmem>>
    %dma_wait3A_55 = arith.constant 0 : i32
    %dma_wait3A_56 = arith.constant 0 : i32
    %dma_wait3A_57 = tpu.memref_slice %arg4[%dma_wait3A_55, %dma_wait3A_56] : memref<10240x128xf32, #tpu.memory_space<vmem_shared>> -> memref<10240x128xf32, #tpu.memory_space<vmem_shared>>
    %dma_wait3A_58 = tpu.memref_slice %arg9[%dma_wait3A_51] : memref<4x!tpu.dma_semaphore, #tpu.memory_space<semaphore_mem>> -> memref<1x!tpu.dma_semaphore, #tpu.memory_space<semaphore_mem>>
    %dma_wait3A_59 = tpu.memref_squeeze %dma_wait3A_58 : memref<1x!tpu.dma_semaphore, #tpu.memory_space<semaphore_mem>> -> memref<!tpu.dma_semaphore, #tpu.memory_space<semaphore_mem>>
    tpu.wait_indirect_dma semaphore(%dma_wait3A_59 : memref<!tpu.dma_semaphore, #tpu.memory_space<semaphore_mem>>) src(%arg6 : memref<80x128xf32, #tpu.memory_space<vmem>>) dst(%dma_wait3A_57 : memref<10240x128xf32, #tpu.memory_space<vmem_shared>>)
    %add3A_60 = arith.constant 9920 : i32
    %add3A_61 = arith.addi %add3A_4, %add3A_60 : i32
    %dma_start3A = arith.constant 0 : i32
    %dma_start3A_62 = arith.constant 0 : i32
    %dma_start3A_63 = arith.constant 0 : i32
    %dma_start3A_64 = tpu.memref_slice %arg5[%dma_start3A, %dma_start3A_63] : memref<4x80xi32, #tpu.memory_space<vmem>> -> memref<1x80xi32, #tpu.memory_space<vmem>>
    %dma_start3A_65 = tpu.memref_squeeze %dma_start3A_64 : memref<1x80xi32, #tpu.memory_space<vmem>> -> memref<80xi32, #tpu.memory_space<vmem>>
    %dma_start3A_66 = tpu.memref_slice %arg2[%add3A_61] : memref<640000xi32, #tpu.memory_space<hbm>> -> memref<80xi32, #tpu.memory_space<hbm>>
    %dma_start3A_67 = tpu.memref_slice %arg8[%dma_start3A_62] : memref<4x!tpu.dma_semaphore, #tpu.memory_space<semaphore_mem>> -> memref<1x!tpu.dma_semaphore, #tpu.memory_space<semaphore_mem>>
    %dma_start3A_68 = tpu.memref_squeeze %dma_start3A_67 : memref<1x!tpu.dma_semaphore, #tpu.memory_space<semaphore_mem>> -> memref<!tpu.dma_semaphore, #tpu.memory_space<semaphore_mem>>
    %dma_start3A_69 = arith.constant 0 : i32
    %dma_start3A_70 = tpu.memref_slice %arg5[%dma_start3A, %dma_start3A_69] : memref<4x80xi32, #tpu.memory_space<vmem>> -> memref<1x80xi32, #tpu.memory_space<vmem>>
    %dma_start3A_71 = tpu.memref_squeeze %dma_start3A_70 : memref<1x80xi32, #tpu.memory_space<vmem>> -> memref<80xi32, #tpu.memory_space<vmem>>
    %dma_start3A_72 = tpu.memref_slice %arg2[%add3A_61] : memref<640000xi32, #tpu.memory_space<hbm>> -> memref<80xi32, #tpu.memory_space<hbm>>
    tpu.enqueue_dma source(%dma_start3A_72 : memref<80xi32, #tpu.memory_space<hbm>>) target(%dma_start3A_71 : memref<80xi32, #tpu.memory_space<vmem>>) target_semaphore(%dma_start3A_68 : memref<!tpu.dma_semaphore, #tpu.memory_space<semaphore_mem>>)
    %dma_wait3A_73 = arith.constant 0 : i32
    %dma_wait3A_74 = arith.constant 0 : i32
    %dma_wait3A_75 = arith.constant 0 : i32
    %dma_wait3A_76 = tpu.memref_slice %arg5[%dma_wait3A_73, %dma_wait3A_75] : memref<4x80xi32, #tpu.memory_space<vmem>> -> memref<1x80xi32, #tpu.memory_space<vmem>>
    %dma_wait3A_77 = tpu.memref_squeeze %dma_wait3A_76 : memref<1x80xi32, #tpu.memory_space<vmem>> -> memref<80xi32, #tpu.memory_space<vmem>>
    %dma_wait3A_78 = arith.constant 0 : i32
    %dma_wait3A_79 = tpu.memref_slice %arg2[%dma_wait3A_78] : memref<640000xi32, #tpu.memory_space<hbm>> -> memref<80xi32, #tpu.memory_space<hbm>>
    %dma_wait3A_80 = tpu.memref_slice %arg8[%dma_wait3A_74] : memref<4x!tpu.dma_semaphore, #tpu.memory_space<semaphore_mem>> -> memref<1x!tpu.dma_semaphore, #tpu.memory_space<semaphore_mem>>
    %dma_wait3A_81 = tpu.memref_squeeze %dma_wait3A_80 : memref<1x!tpu.dma_semaphore, #tpu.memory_space<semaphore_mem>> -> memref<!tpu.dma_semaphore, #tpu.memory_space<semaphore_mem>>
    %dma_wait3A_82 = arith.constant 0 : i32
    %dma_wait3A_83 = tpu.memref_slice %arg5[%dma_wait3A_73, %dma_wait3A_82] : memref<4x80xi32, #tpu.memory_space<vmem>> -> memref<1x80xi32, #tpu.memory_space<vmem>>
    %dma_wait3A_84 = tpu.memref_squeeze %dma_wait3A_83 : memref<1x80xi32, #tpu.memory_space<vmem>> -> memref<80xi32, #tpu.memory_space<vmem>>
    %dma_wait3A_85 = arith.constant 0 : i32
    %dma_wait3A_86 = tpu.memref_slice %arg2[%dma_wait3A_85] : memref<640000xi32, #tpu.memory_space<hbm>> -> memref<80xi32, #tpu.memory_space<hbm>>
    tpu.wait_dma2 semaphore(%dma_wait3A_81 : memref<!tpu.dma_semaphore, #tpu.memory_space<semaphore_mem>>) src(%dma_wait3A_86 : memref<80xi32, #tpu.memory_space<hbm>>) dst(%dma_wait3A_84 : memref<80xi32, #tpu.memory_space<vmem>>)
    %dma_start3A_87 = arith.constant 0 : i32
    %dma_start3A_88 = arith.constant 0 : i32
    %dma_start3A_89 = arith.constant 0 : i32
    %dma_start3A_90 = tpu.memref_slice %arg5[%dma_start3A_87, %dma_start3A_89] : memref<4x80xi32, #tpu.memory_space<vmem>> -> memref<1x80xi32, #tpu.memory_space<vmem>>
    %dma_start3A_91 = tpu.memref_squeeze %dma_start3A_90 : memref<1x80xi32, #tpu.memory_space<vmem>> -> memref<80xi32, #tpu.memory_space<vmem>>
    %dma_start3A_92 = arith.constant 0 : i32
    %dma_start3A_93 = arith.constant 0 : i32
    %dma_start3A_94 = tpu.memref_slice %arg4[%dma_start3A_92, %dma_start3A_93] : memref<10240x128xf32, #tpu.memory_space<vmem_shared>> -> memref<10240x128xf32, #tpu.memory_space<vmem_shared>>
    %dma_start3A_95 = tpu.memref_slice %arg9[%dma_start3A_88] : memref<4x!tpu.dma_semaphore, #tpu.memory_space<semaphore_mem>> -> memref<1x!tpu.dma_semaphore, #tpu.memory_space<semaphore_mem>>
    %dma_start3A_96 = tpu.memref_squeeze %dma_start3A_95 : memref<1x!tpu.dma_semaphore, #tpu.memory_space<semaphore_mem>> -> memref<!tpu.dma_semaphore, #tpu.memory_space<semaphore_mem>>
    tpu.enqueue_indirect_dma source(%arg6 : memref<80x128xf32, #tpu.memory_space<vmem>>) target(%dma_start3A_94 : memref<10240x128xf32, #tpu.memory_space<vmem_shared>>) offsets(%dma_start3A_91 : memref<80xi32, #tpu.memory_space<vmem>>) semaphore(%dma_start3A_96 : memref<!tpu.dma_semaphore, #tpu.memory_space<semaphore_mem>>) {add = true}
    %dma_wait3A_97 = arith.constant 0 : i32
    %dma_wait3A_98 = arith.constant 0 : i32
    %dma_wait3A_99 = arith.constant 0 : i32
    %dma_wait3A_100 = tpu.memref_slice %arg5[%dma_wait3A_97, %dma_wait3A_99] : memref<4x80xi32, #tpu.memory_space<vmem>> -> memref<1x80xi32, #tpu.memory_space<vmem>>
    %dma_wait3A_101 = tpu.memref_squeeze %dma_wait3A_100 : memref<1x80xi32, #tpu.memory_space<vmem>> -> memref<80xi32, #tpu.memory_space<vmem>>
    %dma_wait3A_102 = arith.constant 0 : i32
    %dma_wait3A_103 = arith.constant 0 : i32
    %dma_wait3A_104 = tpu.memref_slice %arg4[%dma_wait3A_102, %dma_wait3A_103] : memref<10240x128xf32, #tpu.memory_space<vmem_shared>> -> memref<10240x128xf32, #tpu.memory_space<vmem_shared>>
    %dma_wait3A_105 = tpu.memref_slice %arg9[%dma_wait3A_98] : memref<4x!tpu.dma_semaphore, #tpu.memory_space<semaphore_mem>> -> memref<1x!tpu.dma_semaphore, #tpu.memory_space<semaphore_mem>>
    %dma_wait3A_106 = tpu.memref_squeeze %dma_wait3A_105 : memref<1x!tpu.dma_semaphore, #tpu.memory_space<semaphore_mem>> -> memref<!tpu.dma_semaphore, #tpu.memory_space<semaphore_mem>>
    tpu.wait_indirect_dma semaphore(%dma_wait3A_106 : memref<!tpu.dma_semaphore, #tpu.memory_space<semaphore_mem>>) src(%arg6 : memref<80x128xf32, #tpu.memory_space<vmem>>) dst(%dma_wait3A_104 : memref<10240x128xf32, #tpu.memory_space<vmem_shared>>)
    %dma_wait3A_107 = arith.constant 1 : i32
    %dma_wait3A_108 = arith.constant 1 : i32
    %dma_wait3A_109 = arith.constant 0 : i32
    %dma_wait3A_110 = tpu.memref_slice %arg5[%dma_wait3A_107, %dma_wait3A_109] : memref<4x80xi32, #tpu.memory_space<vmem>> -> memref<1x80xi32, #tpu.memory_space<vmem>>
    %dma_wait3A_111 = tpu.memref_squeeze %dma_wait3A_110 : memref<1x80xi32, #tpu.memory_space<vmem>> -> memref<80xi32, #tpu.memory_space<vmem>>
    %dma_wait3A_112 = arith.constant 0 : i32
    %dma_wait3A_113 = arith.constant 0 : i32
    %dma_wait3A_114 = tpu.memref_slice %arg4[%dma_wait3A_112, %dma_wait3A_113] : memref<10240x128xf32, #tpu.memory_space<vmem_shared>> -> memref<10240x128xf32, #tpu.memory_space<vmem_shared>>
    %dma_wait3A_115 = tpu.memref_slice %arg9[%dma_wait3A_108] : memref<4x!tpu.dma_semaphore, #tpu.memory_space<semaphore_mem>> -> memref<1x!tpu.dma_semaphore, #tpu.memory_space<semaphore_mem>>
    %dma_wait3A_116 = tpu.memref_squeeze %dma_wait3A_115 : memref<1x!tpu.dma_semaphore, #tpu.memory_space<semaphore_mem>> -> memref<!tpu.dma_semaphore, #tpu.memory_space<semaphore_mem>>
    tpu.wait_indirect_dma semaphore(%dma_wait3A_116 : memref<!tpu.dma_semaphore, #tpu.memory_space<semaphore_mem>>) src(%arg6 : memref<80x128xf32, #tpu.memory_space<vmem>>) dst(%dma_wait3A_114 : memref<10240x128xf32, #tpu.memory_space<vmem_shared>>)
    %dma_wait3A_117 = arith.constant 2 : i32
    %dma_wait3A_118 = arith.constant 2 : i32
    %dma_wait3A_119 = arith.constant 0 : i32
    %dma_wait3A_120 = tpu.memref_slice %arg5[%dma_wait3A_117, %dma_wait3A_119] : memref<4x80xi32, #tpu.memory_space<vmem>> -> memref<1x80xi32, #tpu.memory_space<vmem>>
    %dma_wait3A_121 = tpu.memref_squeeze %dma_wait3A_120 : memref<1x80xi32, #tpu.memory_space<vmem>> -> memref<80xi32, #tpu.memory_space<vmem>>
    %dma_wait3A_122 = arith.constant 0 : i32
    %dma_wait3A_123 = arith.constant 0 : i32
    %dma_wait3A_124 = tpu.memref_slice %arg4[%dma_wait3A_122, %dma_wait3A_123] : memref<10240x128xf32, #tpu.memory_space<vmem_shared>> -> memref<10240x128xf32, #tpu.memory_space<vmem_shared>>
    %dma_wait3A_125 = tpu.memref_slice %arg9[%dma_wait3A_118] : memref<4x!tpu.dma_semaphore, #tpu.memory_space<semaphore_mem>> -> memref<1x!tpu.dma_semaphore, #tpu.memory_space<semaphore_mem>>
    %dma_wait3A_126 = tpu.memref_squeeze %dma_wait3A_125 : memref<1x!tpu.dma_semaphore, #tpu.memory_space<semaphore_mem>> -> memref<!tpu.dma_semaphore, #tpu.memory_space<semaphore_mem>>
    tpu.wait_indirect_dma semaphore(%dma_wait3A_126 : memref<!tpu.dma_semaphore, #tpu.memory_space<semaphore_mem>>) src(%arg6 : memref<80x128xf32, #tpu.memory_space<vmem>>) dst(%dma_wait3A_124 : memref<10240x128xf32, #tpu.memory_space<vmem_shared>>)
    %dma_wait3A_127 = arith.constant 3 : i32
    %dma_wait3A_128 = arith.constant 3 : i32
    %dma_wait3A_129 = arith.constant 0 : i32
    %dma_wait3A_130 = tpu.memref_slice %arg5[%dma_wait3A_127, %dma_wait3A_129] : memref<4x80xi32, #tpu.memory_space<vmem>> -> memref<1x80xi32, #tpu.memory_space<vmem>>
    %dma_wait3A_131 = tpu.memref_squeeze %dma_wait3A_130 : memref<1x80xi32, #tpu.memory_space<vmem>> -> memref<80xi32, #tpu.memory_space<vmem>>
    %dma_wait3A_132 = arith.constant 0 : i32
    %dma_wait3A_133 = arith.constant 0 : i32
    %dma_wait3A_134 = tpu.memref_slice %arg4[%dma_wait3A_132, %dma_wait3A_133] : memref<10240x128xf32, #tpu.memory_space<vmem_shared>> -> memref<10240x128xf32, #tpu.memory_space<vmem_shared>>
    %dma_wait3A_135 = tpu.memref_slice %arg9[%dma_wait3A_128] : memref<4x!tpu.dma_semaphore, #tpu.memory_space<semaphore_mem>> -> memref<1x!tpu.dma_semaphore, #tpu.memory_space<semaphore_mem>>
    %dma_wait3A_136 = tpu.memref_squeeze %dma_wait3A_135 : memref<1x!tpu.dma_semaphore, #tpu.memory_space<semaphore_mem>> -> memref<!tpu.dma_semaphore, #tpu.memory_space<semaphore_mem>>
    tpu.wait_indirect_dma semaphore(%dma_wait3A_136 : memref<!tpu.dma_semaphore, #tpu.memory_space<semaphore_mem>>) src(%arg6 : memref<80x128xf32, #tpu.memory_space<vmem>>) dst(%dma_wait3A_134 : memref<10240x128xf32, #tpu.memory_space<vmem_shared>>)
    %barrier3A_137 = arith.constant 0 : index
    tpu.barrier barrier_id(%barrier3A_137)
    %mul3A_138 = arith.constant 640 : i32
    %mul3A_139 = arith.muli %arg1, %mul3A_138 : i32
    %mul3A_140 = arith.constant 640 : i32
    %mul3A_141 = arith.muli %arg1, %mul3A_140 : i32
    "tpu.region"() ({
      %run_scoped3A = tpu.sem_alloc : memref<!tpu.dma_semaphore, #tpu.memory_space<semaphore_mem>>
      %dma_start3A_142 = arith.constant 0 : i32
      %dma_start3A_143 = arith.constant 0 : i32
      %dma_start3A_144 = tpu.memref_slice %arg3[%arg0, %dma_start3A_142, %dma_start3A_143] : memref<2x10240x128xf32, #tpu.memory_space<hbm>> -> memref<1x10240x128xf32, #tpu.memory_space<hbm>>
      %dma_start3A_145 = tpu.memref_squeeze %dma_start3A_144 : memref<1x10240x128xf32, #tpu.memory_space<hbm>> -> memref<10240x128xf32, #tpu.memory_space<hbm>>
      %dma_start3A_146 = arith.constant 0 : i32
      %dma_start3A_147 = tpu.memref_slice %dma_start3A_145[%mul3A_141, %dma_start3A_146] : memref<10240x128xf32, #tpu.memory_space<hbm>> -> memref<640x128xf32, #tpu.memory_space<hbm>>
      %dma_start3A_148 = arith.constant 0 : i32
      %dma_start3A_149 = tpu.memref_slice %arg4[%mul3A_139, %dma_start3A_148] : memref<10240x128xf32, #tpu.memory_space<vmem_shared>> -> memref<640x128xf32, #tpu.memory_space<vmem_shared>>
      tpu.enqueue_dma source(%dma_start3A_149 : memref<640x128xf32, #tpu.memory_space<vmem_shared>>) target(%dma_start3A_147 : memref<640x128xf32, #tpu.memory_space<hbm>>) target_semaphore(%run_scoped3A : memref<!tpu.dma_semaphore, #tpu.memory_space<semaphore_mem>>)
      %dma_wait3A_150 = arith.constant 0 : i32
      %dma_wait3A_151 = arith.constant 0 : i32
      %dma_wait3A_152 = tpu.memref_slice %arg3[%arg0, %dma_wait3A_150, %dma_wait3A_151] : memref<2x10240x128xf32, #tpu.memory_space<hbm>> -> memref<1x10240x128xf32, #tpu.memory_space<hbm>>
      %dma_wait3A_153 = tpu.memref_squeeze %dma_wait3A_152 : memref<1x10240x128xf32, #tpu.memory_space<hbm>> -> memref<10240x128xf32, #tpu.memory_space<hbm>>
      %dma_wait3A_154 = arith.constant 0 : i32
      %dma_wait3A_155 = tpu.memref_slice %dma_wait3A_153[%mul3A_141, %dma_wait3A_154] : memref<10240x128xf32, #tpu.memory_space<hbm>> -> memref<640x128xf32, #tpu.memory_space<hbm>>
      %dma_wait3A_156 = arith.constant 0 : i32
      %dma_wait3A_157 = tpu.memref_slice %arg4[%mul3A_139, %dma_wait3A_156] : memref<10240x128xf32, #tpu.memory_space<vmem_shared>> -> memref<640x128xf32, #tpu.memory_space<vmem_shared>>
      tpu.wait_dma2 semaphore(%run_scoped3A : memref<!tpu.dma_semaphore, #tpu.memory_space<semaphore_mem>>) src(%dma_wait3A_157 : memref<640x128xf32, #tpu.memory_space<vmem_shared>>) dst(%dma_wait3A_155 : memref<640x128xf32, #tpu.memory_space<hbm>>)
      tpu.yield
    }) : () -> ()
    return
  }
}

#map = affine_map<(d0, d1) -> (0)>
#map1 = affine_map<(d0, d1) -> (0, 0)>
#map2 = affine_map<(d0, d1) -> (0, 0, 0)>
module attributes {stable_mosaic.version = 14 : i64} {
  func.func @_gather_body(%arg0: i32, %arg1: i32, %arg2: memref<640000xi32, #tpu.memory_space<hbm>>, %arg3: memref<10000x128xf32, #tpu.memory_space<hbm>>, %arg4: memref<2x10240x128xf32, #tpu.memory_space<hbm>>, %arg5: memref<10240x128xf32, #tpu.memory_space<vmem_shared>>, %arg6: memref<4x80xi32, #tpu.memory_space<vmem>>, %arg7: memref<4x80xi32, #tpu.memory_space<vmem>>, %arg8: memref<4x80x128xf32, #tpu.memory_space<vmem>>, %arg9: memref<4x!tpu.dma_semaphore, #tpu.memory_space<semaphore_mem>>, %arg10: memref<4x!tpu.dma_semaphore, #tpu.memory_space<semaphore_mem>>, %arg11: memref<4x!tpu.dma_semaphore, #tpu.memory_space<semaphore_mem>>, %arg12: memref<4x!tpu.dma_semaphore, #tpu.memory_space<semaphore_mem>>) attributes {dimension_semantics = [#tpu.dimension_semantics<core_parallel>, #tpu.dimension_semantics<subcore_parallel>], iteration_bounds = array<i64: 2, 16>, scalar_prefetch = 0 : i64, scratch_operands = 8 : i64, tpu.core_type = #tpu.core_type<sc_vector_subcore>, window_params = [{transform_indices = #map}, {transform_indices = #map1}, {transform_indices = #map2}]} {
    %mul3A = arith.constant 2 : i32
    %mul3A_0 = arith.muli %arg1, %mul3A : i32
    %add3A = arith.addi %mul3A_0, %arg0 : i32
    %mul3A_1 = arith.constant 10000 : i32
    %mul3A_2 = arith.muli %add3A, %mul3A_1 : i32
    %broadcast_in_dim3A = arith.constant 0.000000e+00 : f32
    %broadcast_in_dim3A_3 = vector.broadcast %broadcast_in_dim3A : f32 to vector<16xf32>
    %scan3A = arith.constant 0 : i32
    %scan3A_4 = arith.constant 0 : i32
    %scan3A_5 = arith.constant 80 : i32
    %scan3A_6 = arith.addi %scan3A_4, %scan3A_5 : i32
    %scan3A_7 = arith.constant 1 : i32
    scf.for %scan3A_233 = %scan3A_4 to %scan3A_6 step %scan3A_7  : i32 {
      %swap3A = arith.constant 0 : i32
      %swap3A_234 = arith.index_cast %swap3A : i32 to index
      %swap3A_235 = arith.index_cast %scan3A_233 : i32 to index
      %swap3A_236 = arith.constant 0 : index
      %swap3A_237 = tpu.vector_load %arg8[%swap3A_234, %swap3A_235, %swap3A_236] {strides = array<i32>} : memref<4x80x128xf32, #tpu.memory_space<vmem>>, vector<1x1x16xf32>,
      %swap3A_238 = vector.shape_cast %swap3A_237 : vector<1x1x16xf32> to vector<16xf32>
      %swap3A_239 = vector.shape_cast %broadcast_in_dim3A_3 : vector<16xf32> to vector<1x1x16xf32>
      tpu.vector_store %arg8[%swap3A_234, %swap3A_235, %swap3A_236], %swap3A_239 {strides = array<i32>} : memref<4x80x128xf32, #tpu.memory_space<vmem>>, vector<1x1x16xf32>,
      %swap3A_240 = arith.constant 0 : i32
      %swap3A_241 = arith.index_cast %swap3A_240 : i32 to index
      %swap3A_242 = arith.index_cast %scan3A_233 : i32 to index
      %swap3A_243 = arith.constant 16 : index
      %swap3A_244 = tpu.vector_load %arg8[%swap3A_241, %swap3A_242, %swap3A_243] {strides = array<i32>} : memref<4x80x128xf32, #tpu.memory_space<vmem>>, vector<1x1x16xf32>,
      %swap3A_245 = vector.shape_cast %swap3A_244 : vector<1x1x16xf32> to vector<16xf32>
      %swap3A_246 = vector.shape_cast %broadcast_in_dim3A_3 : vector<16xf32> to vector<1x1x16xf32>
      tpu.vector_store %arg8[%swap3A_241, %swap3A_242, %swap3A_243], %swap3A_246 {strides = array<i32>} : memref<4x80x128xf32, #tpu.memory_space<vmem>>, vector<1x1x16xf32>,
      %swap3A_247 = arith.constant 0 : i32
      %swap3A_248 = arith.index_cast %swap3A_247 : i32 to index
      %swap3A_249 = arith.index_cast %scan3A_233 : i32 to index
      %swap3A_250 = arith.constant 32 : index
      %swap3A_251 = tpu.vector_load %arg8[%swap3A_248, %swap3A_249, %swap3A_250] {strides = array<i32>} : memref<4x80x128xf32, #tpu.memory_space<vmem>>, vector<1x1x16xf32>,
      %swap3A_252 = vector.shape_cast %swap3A_251 : vector<1x1x16xf32> to vector<16xf32>
      %swap3A_253 = vector.shape_cast %broadcast_in_dim3A_3 : vector<16xf32> to vector<1x1x16xf32>
      tpu.vector_store %arg8[%swap3A_248, %swap3A_249, %swap3A_250], %swap3A_253 {strides = array<i32>} : memref<4x80x128xf32, #tpu.memory_space<vmem>>, vector<1x1x16xf32>,
      %swap3A_254 = arith.constant 0 : i32
      %swap3A_255 = arith.index_cast %swap3A_254 : i32 to index
      %swap3A_256 = arith.index_cast %scan3A_233 : i32 to index
      %swap3A_257 = arith.constant 48 : index
      %swap3A_258 = tpu.vector_load %arg8[%swap3A_255, %swap3A_256, %swap3A_257] {strides = array<i32>} : memref<4x80x128xf32, #tpu.memory_space<vmem>>, vector<1x1x16xf32>,
      %swap3A_259 = vector.shape_cast %swap3A_258 : vector<1x1x16xf32> to vector<16xf32>
      %swap3A_260 = vector.shape_cast %broadcast_in_dim3A_3 : vector<16xf32> to vector<1x1x16xf32>
      tpu.vector_store %arg8[%swap3A_255, %swap3A_256, %swap3A_257], %swap3A_260 {strides = array<i32>} : memref<4x80x128xf32, #tpu.memory_space<vmem>>, vector<1x1x16xf32>,
      %swap3A_261 = arith.constant 0 : i32
      %swap3A_262 = arith.index_cast %swap3A_261 : i32 to index
      %swap3A_263 = arith.index_cast %scan3A_233 : i32 to index
      %swap3A_264 = arith.constant 64 : index
      %swap3A_265 = tpu.vector_load %arg8[%swap3A_262, %swap3A_263, %swap3A_264] {strides = array<i32>} : memref<4x80x128xf32, #tpu.memory_space<vmem>>, vector<1x1x16xf32>,
      %swap3A_266 = vector.shape_cast %swap3A_265 : vector<1x1x16xf32> to vector<16xf32>
      %swap3A_267 = vector.shape_cast %broadcast_in_dim3A_3 : vector<16xf32> to vector<1x1x16xf32>
      tpu.vector_store %arg8[%swap3A_262, %swap3A_263, %swap3A_264], %swap3A_267 {strides = array<i32>} : memref<4x80x128xf32, #tpu.memory_space<vmem>>, vector<1x1x16xf32>,
      %swap3A_268 = arith.constant 0 : i32
      %swap3A_269 = arith.index_cast %swap3A_268 : i32 to index
      %swap3A_270 = arith.index_cast %scan3A_233 : i32 to index
      %swap3A_271 = arith.constant 80 : index
      %swap3A_272 = tpu.vector_load %arg8[%swap3A_269, %swap3A_270, %swap3A_271] {strides = array<i32>} : memref<4x80x128xf32, #tpu.memory_space<vmem>>, vector<1x1x16xf32>,
      %swap3A_273 = vector.shape_cast %swap3A_272 : vector<1x1x16xf32> to vector<16xf32>
      %swap3A_274 = vector.shape_cast %broadcast_in_dim3A_3 : vector<16xf32> to vector<1x1x16xf32>
      tpu.vector_store %arg8[%swap3A_269, %swap3A_270, %swap3A_271], %swap3A_274 {strides = array<i32>} : memref<4x80x128xf32, #tpu.memory_space<vmem>>, vector<1x1x16xf32>,
      %swap3A_275 = arith.constant 0 : i32
      %swap3A_276 = arith.index_cast %swap3A_275 : i32 to index
      %swap3A_277 = arith.index_cast %scan3A_233 : i32 to index
      %swap3A_278 = arith.constant 96 : index
      %swap3A_279 = tpu.vector_load %arg8[%swap3A_276, %swap3A_277, %swap3A_278] {strides = array<i32>} : memref<4x80x128xf32, #tpu.memory_space<vmem>>, vector<1x1x16xf32>,
      %swap3A_280 = vector.shape_cast %swap3A_279 : vector<1x1x16xf32> to vector<16xf32>
      %swap3A_281 = vector.shape_cast %broadcast_in_dim3A_3 : vector<16xf32> to vector<1x1x16xf32>
      tpu.vector_store %arg8[%swap3A_276, %swap3A_277, %swap3A_278], %swap3A_281 {strides = array<i32>} : memref<4x80x128xf32, #tpu.memory_space<vmem>>, vector<1x1x16xf32>,
      %swap3A_282 = arith.constant 0 : i32
      %swap3A_283 = arith.index_cast %swap3A_282 : i32 to index
      %swap3A_284 = arith.index_cast %scan3A_233 : i32 to index
      %swap3A_285 = arith.constant 112 : index
      %swap3A_286 = tpu.vector_load %arg8[%swap3A_283, %swap3A_284, %swap3A_285] {strides = array<i32>} : memref<4x80x128xf32, #tpu.memory_space<vmem>>, vector<1x1x16xf32>,
      %swap3A_287 = vector.shape_cast %swap3A_286 : vector<1x1x16xf32> to vector<16xf32>
      %swap3A_288 = vector.shape_cast %broadcast_in_dim3A_3 : vector<16xf32> to vector<1x1x16xf32>
      tpu.vector_store %arg8[%swap3A_283, %swap3A_284, %swap3A_285], %swap3A_288 {strides = array<i32>} : memref<4x80x128xf32, #tpu.memory_space<vmem>>, vector<1x1x16xf32>,
    }
    %scan3A_8 = arith.constant 80 : i32
    %mul3A_9 = arith.constant 640 : i32
    %mul3A_10 = arith.muli %arg1, %mul3A_9 : i32
    %add3A_11 = arith.constant 0 : i32
    %add3A_12 = arith.addi %mul3A_10, %add3A_11 : i32
    %run_scoped3A = arith.constant 0 : i32
    "tpu.region"() ({
      %run_scoped3A_233 = tpu.sem_alloc : memref<!tpu.dma_semaphore, #tpu.memory_space<semaphore_mem>>
      %dma_start3A_234 = arith.constant 0 : i32
      %dma_start3A_235 = arith.constant 0 : i32
      %dma_start3A_236 = tpu.memref_slice %arg8[%run_scoped3A, %dma_start3A_234, %dma_start3A_235] : memref<4x80x128xf32, #tpu.memory_space<vmem>> -> memref<1x80x128xf32, #tpu.memory_space<vmem>>
      %dma_start3A_237 = tpu.memref_squeeze %dma_start3A_236 : memref<1x80x128xf32, #tpu.memory_space<vmem>> -> memref<80x128xf32, #tpu.memory_space<vmem>>
      %dma_start3A_238 = arith.constant 0 : i32
      %dma_start3A_239 = tpu.memref_slice %arg5[%add3A_12, %dma_start3A_238] : memref<10240x128xf32, #tpu.memory_space<vmem_shared>> -> memref<80x128xf32, #tpu.memory_space<vmem_shared>>
      %dma_start3A_240 = arith.constant 0 : i32
      %dma_start3A_241 = tpu.memref_slice %arg5[%add3A_12, %dma_start3A_240] : memref<10240x128xf32, #tpu.memory_space<vmem_shared>> -> memref<80x128xf32, #tpu.memory_space<vmem_shared>>
      %dma_start3A_242 = arith.constant 0 : i32
      %dma_start3A_243 = arith.constant 0 : i32
      %dma_start3A_244 = tpu.memref_slice %arg8[%run_scoped3A, %dma_start3A_242, %dma_start3A_243] : memref<4x80x128xf32, #tpu.memory_space<vmem>> -> memref<1x80x128xf32, #tpu.memory_space<vmem>>
      %dma_start3A_245 = tpu.memref_squeeze %dma_start3A_244 : memref<1x80x128xf32, #tpu.memory_space<vmem>> -> memref<80x128xf32, #tpu.memory_space<vmem>>
      tpu.enqueue_dma source(%dma_start3A_245 : memref<80x128xf32, #tpu.memory_space<vmem>>) target(%dma_start3A_241 : memref<80x128xf32, #tpu.memory_space<vmem_shared>>) target_semaphore(%run_scoped3A_233 : memref<!tpu.dma_semaphore, #tpu.memory_space<semaphore_mem>>)
      %dma_wait3A_246 = arith.constant 0 : i32
      %dma_wait3A_247 = arith.constant 0 : i32
      %dma_wait3A_248 = tpu.memref_slice %arg8[%run_scoped3A, %dma_wait3A_246, %dma_wait3A_247] : memref<4x80x128xf32, #tpu.memory_space<vmem>> -> memref<1x80x128xf32, #tpu.memory_space<vmem>>
      %dma_wait3A_249 = tpu.memref_squeeze %dma_wait3A_248 : memref<1x80x128xf32, #tpu.memory_space<vmem>> -> memref<80x128xf32, #tpu.memory_space<vmem>>
      %dma_wait3A_250 = arith.constant 0 : i32
      %dma_wait3A_251 = tpu.memref_slice %arg5[%add3A_12, %dma_wait3A_250] : memref<10240x128xf32, #tpu.memory_space<vmem_shared>> -> memref<80x128xf32, #tpu.memory_space<vmem_shared>>
      %dma_wait3A_252 = arith.constant 0 : i32
      %dma_wait3A_253 = tpu.memref_slice %arg5[%add3A_12, %dma_wait3A_252] : memref<10240x128xf32, #tpu.memory_space<vmem_shared>> -> memref<80x128xf32, #tpu.memory_space<vmem_shared>>
      %dma_wait3A_254 = arith.constant 0 : i32
      %dma_wait3A_255 = arith.constant 0 : i32
      %dma_wait3A_256 = tpu.memref_slice %arg8[%run_scoped3A, %dma_wait3A_254, %dma_wait3A_255] : memref<4x80x128xf32, #tpu.memory_space<vmem>> -> memref<1x80x128xf32, #tpu.memory_space<vmem>>
      %dma_wait3A_257 = tpu.memref_squeeze %dma_wait3A_256 : memref<1x80x128xf32, #tpu.memory_space<vmem>> -> memref<80x128xf32, #tpu.memory_space<vmem>>
      tpu.wait_dma2 semaphore(%run_scoped3A_233 : memref<!tpu.dma_semaphore, #tpu.memory_space<semaphore_mem>>) src(%dma_wait3A_257 : memref<80x128xf32, #tpu.memory_space<vmem>>) dst(%dma_wait3A_253 : memref<80x128xf32, #tpu.memory_space<vmem_shared>>)
      tpu.yield
    }) : () -> ()
    %mul3A_13 = arith.constant 640 : i32
    %mul3A_14 = arith.muli %arg1, %mul3A_13 : i32
    %add3A_15 = arith.constant 80 : i32
    %add3A_16 = arith.addi %mul3A_14, %add3A_15 : i32
    %run_scoped3A_17 = arith.constant 0 : i32
    "tpu.region"() ({
      %run_scoped3A_233 = tpu.sem_alloc : memref<!tpu.dma_semaphore, #tpu.memory_space<semaphore_mem>>
      %dma_start3A_234 = arith.constant 0 : i32
      %dma_start3A_235 = arith.constant 0 : i32
      %dma_start3A_236 = tpu.memref_slice %arg8[%run_scoped3A_17, %dma_start3A_234, %dma_start3A_235] : memref<4x80x128xf32, #tpu.memory_space<vmem>> -> memref<1x80x128xf32, #tpu.memory_space<vmem>>
      %dma_start3A_237 = tpu.memref_squeeze %dma_start3A_236 : memref<1x80x128xf32, #tpu.memory_space<vmem>> -> memref<80x128xf32, #tpu.memory_space<vmem>>
      %dma_start3A_238 = arith.constant 0 : i32
      %dma_start3A_239 = tpu.memref_slice %arg5[%add3A_16, %dma_start3A_238] : memref<10240x128xf32, #tpu.memory_space<vmem_shared>> -> memref<80x128xf32, #tpu.memory_space<vmem_shared>>
      %dma_start3A_240 = arith.constant 0 : i32
      %dma_start3A_241 = tpu.memref_slice %arg5[%add3A_16, %dma_start3A_240] : memref<10240x128xf32, #tpu.memory_space<vmem_shared>> -> memref<80x128xf32, #tpu.memory_space<vmem_shared>>
      %dma_start3A_242 = arith.constant 0 : i32
      %dma_start3A_243 = arith.constant 0 : i32
      %dma_start3A_244 = tpu.memref_slice %arg8[%run_scoped3A_17, %dma_start3A_242, %dma_start3A_243] : memref<4x80x128xf32, #tpu.memory_space<vmem>> -> memref<1x80x128xf32, #tpu.memory_space<vmem>>
      %dma_start3A_245 = tpu.memref_squeeze %dma_start3A_244 : memref<1x80x128xf32, #tpu.memory_space<vmem>> -> memref<80x128xf32, #tpu.memory_space<vmem>>
      tpu.enqueue_dma source(%dma_start3A_245 : memref<80x128xf32, #tpu.memory_space<vmem>>) target(%dma_start3A_241 : memref<80x128xf32, #tpu.memory_space<vmem_shared>>) target_semaphore(%run_scoped3A_233 : memref<!tpu.dma_semaphore, #tpu.memory_space<semaphore_mem>>)
      %dma_wait3A_246 = arith.constant 0 : i32
      %dma_wait3A_247 = arith.constant 0 : i32
      %dma_wait3A_248 = tpu.memref_slice %arg8[%run_scoped3A_17, %dma_wait3A_246, %dma_wait3A_247] : memref<4x80x128xf32, #tpu.memory_space<vmem>> -> memref<1x80x128xf32, #tpu.memory_space<vmem>>
      %dma_wait3A_249 = tpu.memref_squeeze %dma_wait3A_248 : memref<1x80x128xf32, #tpu.memory_space<vmem>> -> memref<80x128xf32, #tpu.memory_space<vmem>>
      %dma_wait3A_250 = arith.constant 0 : i32
      %dma_wait3A_251 = tpu.memref_slice %arg5[%add3A_16, %dma_wait3A_250] : memref<10240x128xf32, #tpu.memory_space<vmem_shared>> -> memref<80x128xf32, #tpu.memory_space<vmem_shared>>
      %dma_wait3A_252 = arith.constant 0 : i32
      %dma_wait3A_253 = tpu.memref_slice %arg5[%add3A_16, %dma_wait3A_252] : memref<10240x128xf32, #tpu.memory_space<vmem_shared>> -> memref<80x128xf32, #tpu.memory_space<vmem_shared>>
      %dma_wait3A_254 = arith.constant 0 : i32
      %dma_wait3A_255 = arith.constant 0 : i32
      %dma_wait3A_256 = tpu.memref_slice %arg8[%run_scoped3A_17, %dma_wait3A_254, %dma_wait3A_255] : memref<4x80x128xf32, #tpu.memory_space<vmem>> -> memref<1x80x128xf32, #tpu.memory_space<vmem>>
      %dma_wait3A_257 = tpu.memref_squeeze %dma_wait3A_256 : memref<1x80x128xf32, #tpu.memory_space<vmem>> -> memref<80x128xf32, #tpu.memory_space<vmem>>
      tpu.wait_dma2 semaphore(%run_scoped3A_233 : memref<!tpu.dma_semaphore, #tpu.memory_space<semaphore_mem>>) src(%dma_wait3A_257 : memref<80x128xf32, #tpu.memory_space<vmem>>) dst(%dma_wait3A_253 : memref<80x128xf32, #tpu.memory_space<vmem_shared>>)
      tpu.yield
    }) : () -> ()
    %mul3A_18 = arith.constant 640 : i32
    %mul3A_19 = arith.muli %arg1, %mul3A_18 : i32
    %add3A_20 = arith.constant 160 : i32
    %add3A_21 = arith.addi %mul3A_19, %add3A_20 : i32
    %run_scoped3A_22 = arith.constant 0 : i32
    "tpu.region"() ({
      %run_scoped3A_233 = tpu.sem_alloc : memref<!tpu.dma_semaphore, #tpu.memory_space<semaphore_mem>>
      %dma_start3A_234 = arith.constant 0 : i32
      %dma_start3A_235 = arith.constant 0 : i32
      %dma_start3A_236 = tpu.memref_slice %arg8[%run_scoped3A_22, %dma_start3A_234, %dma_start3A_235] : memref<4x80x128xf32, #tpu.memory_space<vmem>> -> memref<1x80x128xf32, #tpu.memory_space<vmem>>
      %dma_start3A_237 = tpu.memref_squeeze %dma_start3A_236 : memref<1x80x128xf32, #tpu.memory_space<vmem>> -> memref<80x128xf32, #tpu.memory_space<vmem>>
      %dma_start3A_238 = arith.constant 0 : i32
      %dma_start3A_239 = tpu.memref_slice %arg5[%add3A_21, %dma_start3A_238] : memref<10240x128xf32, #tpu.memory_space<vmem_shared>> -> memref<80x128xf32, #tpu.memory_space<vmem_shared>>
      %dma_start3A_240 = arith.constant 0 : i32
      %dma_start3A_241 = tpu.memref_slice %arg5[%add3A_21, %dma_start3A_240] : memref<10240x128xf32, #tpu.memory_space<vmem_shared>> -> memref<80x128xf32, #tpu.memory_space<vmem_shared>>
      %dma_start3A_242 = arith.constant 0 : i32
      %dma_start3A_243 = arith.constant 0 : i32
      %dma_start3A_244 = tpu.memref_slice %arg8[%run_scoped3A_22, %dma_start3A_242, %dma_start3A_243] : memref<4x80x128xf32, #tpu.memory_space<vmem>> -> memref<1x80x128xf32, #tpu.memory_space<vmem>>
      %dma_start3A_245 = tpu.memref_squeeze %dma_start3A_244 : memref<1x80x128xf32, #tpu.memory_space<vmem>> -> memref<80x128xf32, #tpu.memory_space<vmem>>
      tpu.enqueue_dma source(%dma_start3A_245 : memref<80x128xf32, #tpu.memory_space<vmem>>) target(%dma_start3A_241 : memref<80x128xf32, #tpu.memory_space<vmem_shared>>) target_semaphore(%run_scoped3A_233 : memref<!tpu.dma_semaphore, #tpu.memory_space<semaphore_mem>>)
      %dma_wait3A_246 = arith.constant 0 : i32
      %dma_wait3A_247 = arith.constant 0 : i32
      %dma_wait3A_248 = tpu.memref_slice %arg8[%run_scoped3A_22, %dma_wait3A_246, %dma_wait3A_247] : memref<4x80x128xf32, #tpu.memory_space<vmem>> -> memref<1x80x128xf32, #tpu.memory_space<vmem>>
      %dma_wait3A_249 = tpu.memref_squeeze %dma_wait3A_248 : memref<1x80x128xf32, #tpu.memory_space<vmem>> -> memref<80x128xf32, #tpu.memory_space<vmem>>
      %dma_wait3A_250 = arith.constant 0 : i32
      %dma_wait3A_251 = tpu.memref_slice %arg5[%add3A_21, %dma_wait3A_250] : memref<10240x128xf32, #tpu.memory_space<vmem_shared>> -> memref<80x128xf32, #tpu.memory_space<vmem_shared>>
      %dma_wait3A_252 = arith.constant 0 : i32
      %dma_wait3A_253 = tpu.memref_slice %arg5[%add3A_21, %dma_wait3A_252] : memref<10240x128xf32, #tpu.memory_space<vmem_shared>> -> memref<80x128xf32, #tpu.memory_space<vmem_shared>>
      %dma_wait3A_254 = arith.constant 0 : i32
      %dma_wait3A_255 = arith.constant 0 : i32
      %dma_wait3A_256 = tpu.memref_slice %arg8[%run_scoped3A_22, %dma_wait3A_254, %dma_wait3A_255] : memref<4x80x128xf32, #tpu.memory_space<vmem>> -> memref<1x80x128xf32, #tpu.memory_space<vmem>>
      %dma_wait3A_257 = tpu.memref_squeeze %dma_wait3A_256 : memref<1x80x128xf32, #tpu.memory_space<vmem>> -> memref<80x128xf32, #tpu.memory_space<vmem>>
      tpu.wait_dma2 semaphore(%run_scoped3A_233 : memref<!tpu.dma_semaphore, #tpu.memory_space<semaphore_mem>>) src(%dma_wait3A_257 : memref<80x128xf32, #tpu.memory_space<vmem>>) dst(%dma_wait3A_253 : memref<80x128xf32, #tpu.memory_space<vmem_shared>>)
      tpu.yield
    }) : () -> ()
    %mul3A_23 = arith.constant 640 : i32
    %mul3A_24 = arith.muli %arg1, %mul3A_23 : i32
    %add3A_25 = arith.constant 240 : i32
    %add3A_26 = arith.addi %mul3A_24, %add3A_25 : i32
    %run_scoped3A_27 = arith.constant 0 : i32
    "tpu.region"() ({
      %run_scoped3A_233 = tpu.sem_alloc : memref<!tpu.dma_semaphore, #tpu.memory_space<semaphore_mem>>
      %dma_start3A_234 = arith.constant 0 : i32
      %dma_start3A_235 = arith.constant 0 : i32
      %dma_start3A_236 = tpu.memref_slice %arg8[%run_scoped3A_27, %dma_start3A_234, %dma_start3A_235] : memref<4x80x128xf32, #tpu.memory_space<vmem>> -> memref<1x80x128xf32, #tpu.memory_space<vmem>>
      %dma_start3A_237 = tpu.memref_squeeze %dma_start3A_236 : memref<1x80x128xf32, #tpu.memory_space<vmem>> -> memref<80x128xf32, #tpu.memory_space<vmem>>
      %dma_start3A_238 = arith.constant 0 : i32
      %dma_start3A_239 = tpu.memref_slice %arg5[%add3A_26, %dma_start3A_238] : memref<10240x128xf32, #tpu.memory_space<vmem_shared>> -> memref<80x128xf32, #tpu.memory_space<vmem_shared>>
      %dma_start3A_240 = arith.constant 0 : i32
      %dma_start3A_241 = tpu.memref_slice %arg5[%add3A_26, %dma_start3A_240] : memref<10240x128xf32, #tpu.memory_space<vmem_shared>> -> memref<80x128xf32, #tpu.memory_space<vmem_shared>>
      %dma_start3A_242 = arith.constant 0 : i32
      %dma_start3A_243 = arith.constant 0 : i32
      %dma_start3A_244 = tpu.memref_slice %arg8[%run_scoped3A_27, %dma_start3A_242, %dma_start3A_243] : memref<4x80x128xf32, #tpu.memory_space<vmem>> -> memref<1x80x128xf32, #tpu.memory_space<vmem>>
      %dma_start3A_245 = tpu.memref_squeeze %dma_start3A_244 : memref<1x80x128xf32, #tpu.memory_space<vmem>> -> memref<80x128xf32, #tpu.memory_space<vmem>>
      tpu.enqueue_dma source(%dma_start3A_245 : memref<80x128xf32, #tpu.memory_space<vmem>>) target(%dma_start3A_241 : memref<80x128xf32, #tpu.memory_space<vmem_shared>>) target_semaphore(%run_scoped3A_233 : memref<!tpu.dma_semaphore, #tpu.memory_space<semaphore_mem>>)
      %dma_wait3A_246 = arith.constant 0 : i32
      %dma_wait3A_247 = arith.constant 0 : i32
      %dma_wait3A_248 = tpu.memref_slice %arg8[%run_scoped3A_27, %dma_wait3A_246, %dma_wait3A_247] : memref<4x80x128xf32, #tpu.memory_space<vmem>> -> memref<1x80x128xf32, #tpu.memory_space<vmem>>
      %dma_wait3A_249 = tpu.memref_squeeze %dma_wait3A_248 : memref<1x80x128xf32, #tpu.memory_space<vmem>> -> memref<80x128xf32, #tpu.memory_space<vmem>>
      %dma_wait3A_250 = arith.constant 0 : i32
      %dma_wait3A_251 = tpu.memref_slice %arg5[%add3A_26, %dma_wait3A_250] : memref<10240x128xf32, #tpu.memory_space<vmem_shared>> -> memref<80x128xf32, #tpu.memory_space<vmem_shared>>
      %dma_wait3A_252 = arith.constant 0 : i32
      %dma_wait3A_253 = tpu.memref_slice %arg5[%add3A_26, %dma_wait3A_252] : memref<10240x128xf32, #tpu.memory_space<vmem_shared>> -> memref<80x128xf32, #tpu.memory_space<vmem_shared>>
      %dma_wait3A_254 = arith.constant 0 : i32
      %dma_wait3A_255 = arith.constant 0 : i32
      %dma_wait3A_256 = tpu.memref_slice %arg8[%run_scoped3A_27, %dma_wait3A_254, %dma_wait3A_255] : memref<4x80x128xf32, #tpu.memory_space<vmem>> -> memref<1x80x128xf32, #tpu.memory_space<vmem>>
      %dma_wait3A_257 = tpu.memref_squeeze %dma_wait3A_256 : memref<1x80x128xf32, #tpu.memory_space<vmem>> -> memref<80x128xf32, #tpu.memory_space<vmem>>
      tpu.wait_dma2 semaphore(%run_scoped3A_233 : memref<!tpu.dma_semaphore, #tpu.memory_space<semaphore_mem>>) src(%dma_wait3A_257 : memref<80x128xf32, #tpu.memory_space<vmem>>) dst(%dma_wait3A_253 : memref<80x128xf32, #tpu.memory_space<vmem_shared>>)
      tpu.yield
    }) : () -> ()
    %mul3A_28 = arith.constant 640 : i32
    %mul3A_29 = arith.muli %arg1, %mul3A_28 : i32
    %add3A_30 = arith.constant 320 : i32
    %add3A_31 = arith.addi %mul3A_29, %add3A_30 : i32
    %run_scoped3A_32 = arith.constant 0 : i32
    "tpu.region"() ({
      %run_scoped3A_233 = tpu.sem_alloc : memref<!tpu.dma_semaphore, #tpu.memory_space<semaphore_mem>>
      %dma_start3A_234 = arith.constant 0 : i32
      %dma_start3A_235 = arith.constant 0 : i32
      %dma_start3A_236 = tpu.memref_slice %arg8[%run_scoped3A_32, %dma_start3A_234, %dma_start3A_235] : memref<4x80x128xf32, #tpu.memory_space<vmem>> -> memref<1x80x128xf32, #tpu.memory_space<vmem>>
      %dma_start3A_237 = tpu.memref_squeeze %dma_start3A_236 : memref<1x80x128xf32, #tpu.memory_space<vmem>> -> memref<80x128xf32, #tpu.memory_space<vmem>>
      %dma_start3A_238 = arith.constant 0 : i32
      %dma_start3A_239 = tpu.memref_slice %arg5[%add3A_31, %dma_start3A_238] : memref<10240x128xf32, #tpu.memory_space<vmem_shared>> -> memref<80x128xf32, #tpu.memory_space<vmem_shared>>
      %dma_start3A_240 = arith.constant 0 : i32
      %dma_start3A_241 = tpu.memref_slice %arg5[%add3A_31, %dma_start3A_240] : memref<10240x128xf32, #tpu.memory_space<vmem_shared>> -> memref<80x128xf32, #tpu.memory_space<vmem_shared>>
      %dma_start3A_242 = arith.constant 0 : i32
      %dma_start3A_243 = arith.constant 0 : i32
      %dma_start3A_244 = tpu.memref_slice %arg8[%run_scoped3A_32, %dma_start3A_242, %dma_start3A_243] : memref<4x80x128xf32, #tpu.memory_space<vmem>> -> memref<1x80x128xf32, #tpu.memory_space<vmem>>
      %dma_start3A_245 = tpu.memref_squeeze %dma_start3A_244 : memref<1x80x128xf32, #tpu.memory_space<vmem>> -> memref<80x128xf32, #tpu.memory_space<vmem>>
      tpu.enqueue_dma source(%dma_start3A_245 : memref<80x128xf32, #tpu.memory_space<vmem>>) target(%dma_start3A_241 : memref<80x128xf32, #tpu.memory_space<vmem_shared>>) target_semaphore(%run_scoped3A_233 : memref<!tpu.dma_semaphore, #tpu.memory_space<semaphore_mem>>)
      %dma_wait3A_246 = arith.constant 0 : i32
      %dma_wait3A_247 = arith.constant 0 : i32
      %dma_wait3A_248 = tpu.memref_slice %arg8[%run_scoped3A_32, %dma_wait3A_246, %dma_wait3A_247] : memref<4x80x128xf32, #tpu.memory_space<vmem>> -> memref<1x80x128xf32, #tpu.memory_space<vmem>>
      %dma_wait3A_249 = tpu.memref_squeeze %dma_wait3A_248 : memref<1x80x128xf32, #tpu.memory_space<vmem>> -> memref<80x128xf32, #tpu.memory_space<vmem>>
      %dma_wait3A_250 = arith.constant 0 : i32
      %dma_wait3A_251 = tpu.memref_slice %arg5[%add3A_31, %dma_wait3A_250] : memref<10240x128xf32, #tpu.memory_space<vmem_shared>> -> memref<80x128xf32, #tpu.memory_space<vmem_shared>>
      %dma_wait3A_252 = arith.constant 0 : i32
      %dma_wait3A_253 = tpu.memref_slice %arg5[%add3A_31, %dma_wait3A_252] : memref<10240x128xf32, #tpu.memory_space<vmem_shared>> -> memref<80x128xf32, #tpu.memory_space<vmem_shared>>
      %dma_wait3A_254 = arith.constant 0 : i32
      %dma_wait3A_255 = arith.constant 0 : i32
      %dma_wait3A_256 = tpu.memref_slice %arg8[%run_scoped3A_32, %dma_wait3A_254, %dma_wait3A_255] : memref<4x80x128xf32, #tpu.memory_space<vmem>> -> memref<1x80x128xf32, #tpu.memory_space<vmem>>
      %dma_wait3A_257 = tpu.memref_squeeze %dma_wait3A_256 : memref<1x80x128xf32, #tpu.memory_space<vmem>> -> memref<80x128xf32, #tpu.memory_space<vmem>>
      tpu.wait_dma2 semaphore(%run_scoped3A_233 : memref<!tpu.dma_semaphore, #tpu.memory_space<semaphore_mem>>) src(%dma_wait3A_257 : memref<80x128xf32, #tpu.memory_space<vmem>>) dst(%dma_wait3A_253 : memref<80x128xf32, #tpu.memory_space<vmem_shared>>)
      tpu.yield
    }) : () -> ()
    %mul3A_33 = arith.constant 640 : i32
    %mul3A_34 = arith.muli %arg1, %mul3A_33 : i32
    %add3A_35 = arith.constant 400 : i32
    %add3A_36 = arith.addi %mul3A_34, %add3A_35 : i32
    %run_scoped3A_37 = arith.constant 0 : i32
    "tpu.region"() ({
      %run_scoped3A_233 = tpu.sem_alloc : memref<!tpu.dma_semaphore, #tpu.memory_space<semaphore_mem>>
      %dma_start3A_234 = arith.constant 0 : i32
      %dma_start3A_235 = arith.constant 0 : i32
      %dma_start3A_236 = tpu.memref_slice %arg8[%run_scoped3A_37, %dma_start3A_234, %dma_start3A_235] : memref<4x80x128xf32, #tpu.memory_space<vmem>> -> memref<1x80x128xf32, #tpu.memory_space<vmem>>
      %dma_start3A_237 = tpu.memref_squeeze %dma_start3A_236 : memref<1x80x128xf32, #tpu.memory_space<vmem>> -> memref<80x128xf32, #tpu.memory_space<vmem>>
      %dma_start3A_238 = arith.constant 0 : i32
      %dma_start3A_239 = tpu.memref_slice %arg5[%add3A_36, %dma_start3A_238] : memref<10240x128xf32, #tpu.memory_space<vmem_shared>> -> memref<80x128xf32, #tpu.memory_space<vmem_shared>>
      %dma_start3A_240 = arith.constant 0 : i32
      %dma_start3A_241 = tpu.memref_slice %arg5[%add3A_36, %dma_start3A_240] : memref<10240x128xf32, #tpu.memory_space<vmem_shared>> -> memref<80x128xf32, #tpu.memory_space<vmem_shared>>
      %dma_start3A_242 = arith.constant 0 : i32
      %dma_start3A_243 = arith.constant 0 : i32
      %dma_start3A_244 = tpu.memref_slice %arg8[%run_scoped3A_37, %dma_start3A_242, %dma_start3A_243] : memref<4x80x128xf32, #tpu.memory_space<vmem>> -> memref<1x80x128xf32, #tpu.memory_space<vmem>>
      %dma_start3A_245 = tpu.memref_squeeze %dma_start3A_244 : memref<1x80x128xf32, #tpu.memory_space<vmem>> -> memref<80x128xf32, #tpu.memory_space<vmem>>
      tpu.enqueue_dma source(%dma_start3A_245 : memref<80x128xf32, #tpu.memory_space<vmem>>) target(%dma_start3A_241 : memref<80x128xf32, #tpu.memory_space<vmem_shared>>) target_semaphore(%run_scoped3A_233 : memref<!tpu.dma_semaphore, #tpu.memory_space<semaphore_mem>>)
      %dma_wait3A_246 = arith.constant 0 : i32
      %dma_wait3A_247 = arith.constant 0 : i32
      %dma_wait3A_248 = tpu.memref_slice %arg8[%run_scoped3A_37, %dma_wait3A_246, %dma_wait3A_247] : memref<4x80x128xf32, #tpu.memory_space<vmem>> -> memref<1x80x128xf32, #tpu.memory_space<vmem>>
      %dma_wait3A_249 = tpu.memref_squeeze %dma_wait3A_248 : memref<1x80x128xf32, #tpu.memory_space<vmem>> -> memref<80x128xf32, #tpu.memory_space<vmem>>
      %dma_wait3A_250 = arith.constant 0 : i32
      %dma_wait3A_251 = tpu.memref_slice %arg5[%add3A_36, %dma_wait3A_250] : memref<10240x128xf32, #tpu.memory_space<vmem_shared>> -> memref<80x128xf32, #tpu.memory_space<vmem_shared>>
      %dma_wait3A_252 = arith.constant 0 : i32
      %dma_wait3A_253 = tpu.memref_slice %arg5[%add3A_36, %dma_wait3A_252] : memref<10240x128xf32, #tpu.memory_space<vmem_shared>> -> memref<80x128xf32, #tpu.memory_space<vmem_shared>>
      %dma_wait3A_254 = arith.constant 0 : i32
      %dma_wait3A_255 = arith.constant 0 : i32
      %dma_wait3A_256 = tpu.memref_slice %arg8[%run_scoped3A_37, %dma_wait3A_254, %dma_wait3A_255] : memref<4x80x128xf32, #tpu.memory_space<vmem>> -> memref<1x80x128xf32, #tpu.memory_space<vmem>>
      %dma_wait3A_257 = tpu.memref_squeeze %dma_wait3A_256 : memref<1x80x128xf32, #tpu.memory_space<vmem>> -> memref<80x128xf32, #tpu.memory_space<vmem>>
      tpu.wait_dma2 semaphore(%run_scoped3A_233 : memref<!tpu.dma_semaphore, #tpu.memory_space<semaphore_mem>>) src(%dma_wait3A_257 : memref<80x128xf32, #tpu.memory_space<vmem>>) dst(%dma_wait3A_253 : memref<80x128xf32, #tpu.memory_space<vmem_shared>>)
      tpu.yield
    }) : () -> ()
    %mul3A_38 = arith.constant 640 : i32
    %mul3A_39 = arith.muli %arg1, %mul3A_38 : i32
    %add3A_40 = arith.constant 480 : i32
    %add3A_41 = arith.addi %mul3A_39, %add3A_40 : i32
    %run_scoped3A_42 = arith.constant 0 : i32
    "tpu.region"() ({
      %run_scoped3A_233 = tpu.sem_alloc : memref<!tpu.dma_semaphore, #tpu.memory_space<semaphore_mem>>
      %dma_start3A_234 = arith.constant 0 : i32
      %dma_start3A_235 = arith.constant 0 : i32
      %dma_start3A_236 = tpu.memref_slice %arg8[%run_scoped3A_42, %dma_start3A_234, %dma_start3A_235] : memref<4x80x128xf32, #tpu.memory_space<vmem>> -> memref<1x80x128xf32, #tpu.memory_space<vmem>>
      %dma_start3A_237 = tpu.memref_squeeze %dma_start3A_236 : memref<1x80x128xf32, #tpu.memory_space<vmem>> -> memref<80x128xf32, #tpu.memory_space<vmem>>
      %dma_start3A_238 = arith.constant 0 : i32
      %dma_start3A_239 = tpu.memref_slice %arg5[%add3A_41, %dma_start3A_238] : memref<10240x128xf32, #tpu.memory_space<vmem_shared>> -> memref<80x128xf32, #tpu.memory_space<vmem_shared>>
      %dma_start3A_240 = arith.constant 0 : i32
      %dma_start3A_241 = tpu.memref_slice %arg5[%add3A_41, %dma_start3A_240] : memref<10240x128xf32, #tpu.memory_space<vmem_shared>> -> memref<80x128xf32, #tpu.memory_space<vmem_shared>>
      %dma_start3A_242 = arith.constant 0 : i32
      %dma_start3A_243 = arith.constant 0 : i32
      %dma_start3A_244 = tpu.memref_slice %arg8[%run_scoped3A_42, %dma_start3A_242, %dma_start3A_243] : memref<4x80x128xf32, #tpu.memory_space<vmem>> -> memref<1x80x128xf32, #tpu.memory_space<vmem>>
      %dma_start3A_245 = tpu.memref_squeeze %dma_start3A_244 : memref<1x80x128xf32, #tpu.memory_space<vmem>> -> memref<80x128xf32, #tpu.memory_space<vmem>>
      tpu.enqueue_dma source(%dma_start3A_245 : memref<80x128xf32, #tpu.memory_space<vmem>>) target(%dma_start3A_241 : memref<80x128xf32, #tpu.memory_space<vmem_shared>>) target_semaphore(%run_scoped3A_233 : memref<!tpu.dma_semaphore, #tpu.memory_space<semaphore_mem>>)
      %dma_wait3A_246 = arith.constant 0 : i32
      %dma_wait3A_247 = arith.constant 0 : i32
      %dma_wait3A_248 = tpu.memref_slice %arg8[%run_scoped3A_42, %dma_wait3A_246, %dma_wait3A_247] : memref<4x80x128xf32, #tpu.memory_space<vmem>> -> memref<1x80x128xf32, #tpu.memory_space<vmem>>
      %dma_wait3A_249 = tpu.memref_squeeze %dma_wait3A_248 : memref<1x80x128xf32, #tpu.memory_space<vmem>> -> memref<80x128xf32, #tpu.memory_space<vmem>>
      %dma_wait3A_250 = arith.constant 0 : i32
      %dma_wait3A_251 = tpu.memref_slice %arg5[%add3A_41, %dma_wait3A_250] : memref<10240x128xf32, #tpu.memory_space<vmem_shared>> -> memref<80x128xf32, #tpu.memory_space<vmem_shared>>
      %dma_wait3A_252 = arith.constant 0 : i32
      %dma_wait3A_253 = tpu.memref_slice %arg5[%add3A_41, %dma_wait3A_252] : memref<10240x128xf32, #tpu.memory_space<vmem_shared>> -> memref<80x128xf32, #tpu.memory_space<vmem_shared>>
      %dma_wait3A_254 = arith.constant 0 : i32
      %dma_wait3A_255 = arith.constant 0 : i32
      %dma_wait3A_256 = tpu.memref_slice %arg8[%run_scoped3A_42, %dma_wait3A_254, %dma_wait3A_255] : memref<4x80x128xf32, #tpu.memory_space<vmem>> -> memref<1x80x128xf32, #tpu.memory_space<vmem>>
      %dma_wait3A_257 = tpu.memref_squeeze %dma_wait3A_256 : memref<1x80x128xf32, #tpu.memory_space<vmem>> -> memref<80x128xf32, #tpu.memory_space<vmem>>
      tpu.wait_dma2 semaphore(%run_scoped3A_233 : memref<!tpu.dma_semaphore, #tpu.memory_space<semaphore_mem>>) src(%dma_wait3A_257 : memref<80x128xf32, #tpu.memory_space<vmem>>) dst(%dma_wait3A_253 : memref<80x128xf32, #tpu.memory_space<vmem_shared>>)
      tpu.yield
    }) : () -> ()
    %mul3A_43 = arith.constant 640 : i32
    %mul3A_44 = arith.muli %arg1, %mul3A_43 : i32
    %add3A_45 = arith.constant 560 : i32
    %add3A_46 = arith.addi %mul3A_44, %add3A_45 : i32
    %run_scoped3A_47 = arith.constant 0 : i32
    "tpu.region"() ({
      %run_scoped3A_233 = tpu.sem_alloc : memref<!tpu.dma_semaphore, #tpu.memory_space<semaphore_mem>>
      %dma_start3A_234 = arith.constant 0 : i32
      %dma_start3A_235 = arith.constant 0 : i32
      %dma_start3A_236 = tpu.memref_slice %arg8[%run_scoped3A_47, %dma_start3A_234, %dma_start3A_235] : memref<4x80x128xf32, #tpu.memory_space<vmem>> -> memref<1x80x128xf32, #tpu.memory_space<vmem>>
      %dma_start3A_237 = tpu.memref_squeeze %dma_start3A_236 : memref<1x80x128xf32, #tpu.memory_space<vmem>> -> memref<80x128xf32, #tpu.memory_space<vmem>>
      %dma_start3A_238 = arith.constant 0 : i32
      %dma_start3A_239 = tpu.memref_slice %arg5[%add3A_46, %dma_start3A_238] : memref<10240x128xf32, #tpu.memory_space<vmem_shared>> -> memref<80x128xf32, #tpu.memory_space<vmem_shared>>
      %dma_start3A_240 = arith.constant 0 : i32
      %dma_start3A_241 = tpu.memref_slice %arg5[%add3A_46, %dma_start3A_240] : memref<10240x128xf32, #tpu.memory_space<vmem_shared>> -> memref<80x128xf32, #tpu.memory_space<vmem_shared>>
      %dma_start3A_242 = arith.constant 0 : i32
      %dma_start3A_243 = arith.constant 0 : i32
      %dma_start3A_244 = tpu.memref_slice %arg8[%run_scoped3A_47, %dma_start3A_242, %dma_start3A_243] : memref<4x80x128xf32, #tpu.memory_space<vmem>> -> memref<1x80x128xf32, #tpu.memory_space<vmem>>
      %dma_start3A_245 = tpu.memref_squeeze %dma_start3A_244 : memref<1x80x128xf32, #tpu.memory_space<vmem>> -> memref<80x128xf32, #tpu.memory_space<vmem>>
      tpu.enqueue_dma source(%dma_start3A_245 : memref<80x128xf32, #tpu.memory_space<vmem>>) target(%dma_start3A_241 : memref<80x128xf32, #tpu.memory_space<vmem_shared>>) target_semaphore(%run_scoped3A_233 : memref<!tpu.dma_semaphore, #tpu.memory_space<semaphore_mem>>)
      %dma_wait3A_246 = arith.constant 0 : i32
      %dma_wait3A_247 = arith.constant 0 : i32
      %dma_wait3A_248 = tpu.memref_slice %arg8[%run_scoped3A_47, %dma_wait3A_246, %dma_wait3A_247] : memref<4x80x128xf32, #tpu.memory_space<vmem>> -> memref<1x80x128xf32, #tpu.memory_space<vmem>>
      %dma_wait3A_249 = tpu.memref_squeeze %dma_wait3A_248 : memref<1x80x128xf32, #tpu.memory_space<vmem>> -> memref<80x128xf32, #tpu.memory_space<vmem>>
      %dma_wait3A_250 = arith.constant 0 : i32
      %dma_wait3A_251 = tpu.memref_slice %arg5[%add3A_46, %dma_wait3A_250] : memref<10240x128xf32, #tpu.memory_space<vmem_shared>> -> memref<80x128xf32, #tpu.memory_space<vmem_shared>>
      %dma_wait3A_252 = arith.constant 0 : i32
      %dma_wait3A_253 = tpu.memref_slice %arg5[%add3A_46, %dma_wait3A_252] : memref<10240x128xf32, #tpu.memory_space<vmem_shared>> -> memref<80x128xf32, #tpu.memory_space<vmem_shared>>
      %dma_wait3A_254 = arith.constant 0 : i32
      %dma_wait3A_255 = arith.constant 0 : i32
      %dma_wait3A_256 = tpu.memref_slice %arg8[%run_scoped3A_47, %dma_wait3A_254, %dma_wait3A_255] : memref<4x80x128xf32, #tpu.memory_space<vmem>> -> memref<1x80x128xf32, #tpu.memory_space<vmem>>
      %dma_wait3A_257 = tpu.memref_squeeze %dma_wait3A_256 : memref<1x80x128xf32, #tpu.memory_space<vmem>> -> memref<80x128xf32, #tpu.memory_space<vmem>>
      tpu.wait_dma2 semaphore(%run_scoped3A_233 : memref<!tpu.dma_semaphore, #tpu.memory_space<semaphore_mem>>) src(%dma_wait3A_257 : memref<80x128xf32, #tpu.memory_space<vmem>>) dst(%dma_wait3A_253 : memref<80x128xf32, #tpu.memory_space<vmem_shared>>)
      tpu.yield
    }) : () -> ()
    %barrier3A = arith.constant 0 : index
    tpu.barrier barrier_id(%barrier3A)
    %scan3A_48 = arith.constant 0 : i32
    %scan3A_49 = arith.constant 0 : i32
    %scan3A_50 = arith.constant 31 : i32
    %scan3A_51 = arith.addi %scan3A_49, %scan3A_50 : i32
    %scan3A_52 = arith.constant 1 : i32
    scf.for %scan3A_233 = %scan3A_49 to %scan3A_51 step %scan3A_52  : i32 {
      %gt3A = arith.constant 0 : i32
      %gt3A_234 = arith.cmpi sgt, %scan3A_233, %gt3A : i32
      %convert_element_type3A = arith.extui %gt3A_234 : i1 to i32
      %cond3A = arith.constant 0 : i32
      %cond3A_235 = arith.cmpi ne, %convert_element_type3A, %cond3A : i32
      scf.if %cond3A_235 {
        %dma_wait3A_675 = arith.constant 0 : i32
        %dma_wait3A_676 = arith.constant 0 : i32
        %dma_wait3A_677 = arith.constant 0 : i32
        %dma_wait3A_678 = arith.constant 0 : i32
        %dma_wait3A_679 = arith.constant 0 : i32
        %dma_wait3A_680 = tpu.memref_slice %arg8[%dma_wait3A_675, %dma_wait3A_678, %dma_wait3A_679] : memref<4x80x128xf32, #tpu.memory_space<vmem>> -> memref<1x80x128xf32, #tpu.memory_space<vmem>>
        %dma_wait3A_681 = tpu.memref_squeeze %dma_wait3A_680 : memref<1x80x128xf32, #tpu.memory_space<vmem>> -> memref<80x128xf32, #tpu.memory_space<vmem>>
        %dma_wait3A_682 = arith.constant 0 : i32
        %dma_wait3A_683 = tpu.memref_slice %arg7[%dma_wait3A_676, %dma_wait3A_682] : memref<4x80xi32, #tpu.memory_space<vmem>> -> memref<1x80xi32, #tpu.memory_space<vmem>>
        %dma_wait3A_684 = tpu.memref_squeeze %dma_wait3A_683 : memref<1x80xi32, #tpu.memory_space<vmem>> -> memref<80xi32, #tpu.memory_space<vmem>>
        %dma_wait3A_685 = arith.constant 0 : i32
        %dma_wait3A_686 = arith.constant 0 : i32
        %dma_wait3A_687 = tpu.memref_slice %arg5[%dma_wait3A_685, %dma_wait3A_686] : memref<10240x128xf32, #tpu.memory_space<vmem_shared>> -> memref<10240x128xf32, #tpu.memory_space<vmem_shared>>
        %dma_wait3A_688 = tpu.memref_slice %arg12[%dma_wait3A_677] : memref<4x!tpu.dma_semaphore, #tpu.memory_space<semaphore_mem>> -> memref<1x!tpu.dma_semaphore, #tpu.memory_space<semaphore_mem>>
        %dma_wait3A_689 = tpu.memref_squeeze %dma_wait3A_688 : memref<1x!tpu.dma_semaphore, #tpu.memory_space<semaphore_mem>> -> memref<!tpu.dma_semaphore, #tpu.memory_space<semaphore_mem>>
        tpu.wait_indirect_dma semaphore(%dma_wait3A_689 : memref<!tpu.dma_semaphore, #tpu.memory_space<semaphore_mem>>) src(%dma_wait3A_681 : memref<80x128xf32, #tpu.memory_space<vmem>>) dst(%dma_wait3A_687 : memref<10240x128xf32, #tpu.memory_space<vmem_shared>>)
      } else {
      }
      %mul3A_236 = arith.constant 4 : i32
      %mul3A_237 = arith.muli %scan3A_233, %mul3A_236 : i32
      %add3A_238 = arith.constant 0 : i32
      %add3A_239 = arith.addi %mul3A_237, %add3A_238 : i32
      %mul3A_240 = arith.constant 80 : i32
      %mul3A_241 = arith.muli %add3A_239, %mul3A_240 : i32
      %add3A_242 = arith.addi %mul3A_2, %mul3A_241 : i32
      %dma_start3A_243 = arith.constant 0 : i32
      %dma_start3A_244 = arith.constant 0 : i32
      %dma_start3A_245 = arith.constant 0 : i32
      %dma_start3A_246 = tpu.memref_slice %arg6[%dma_start3A_243, %dma_start3A_245] : memref<4x80xi32, #tpu.memory_space<vmem>> -> memref<1x80xi32, #tpu.memory_space<vmem>>
      %dma_start3A_247 = tpu.memref_squeeze %dma_start3A_246 : memref<1x80xi32, #tpu.memory_space<vmem>> -> memref<80xi32, #tpu.memory_space<vmem>>
      %dma_start3A_248 = tpu.memref_slice %arg2[%add3A_242] : memref<640000xi32, #tpu.memory_space<hbm>> -> memref<80xi32, #tpu.memory_space<hbm>>
      %dma_start3A_249 = tpu.memref_slice %arg9[%dma_start3A_244] : memref<4x!tpu.dma_semaphore, #tpu.memory_space<semaphore_mem>> -> memref<1x!tpu.dma_semaphore, #tpu.memory_space<semaphore_mem>>
      %dma_start3A_250 = tpu.memref_squeeze %dma_start3A_249 : memref<1x!tpu.dma_semaphore, #tpu.memory_space<semaphore_mem>> -> memref<!tpu.dma_semaphore, #tpu.memory_space<semaphore_mem>>
      %dma_start3A_251 = arith.constant 0 : i32
      %dma_start3A_252 = tpu.memref_slice %arg6[%dma_start3A_243, %dma_start3A_251] : memref<4x80xi32, #tpu.memory_space<vmem>> -> memref<1x80xi32, #tpu.memory_space<vmem>>
      %dma_start3A_253 = tpu.memref_squeeze %dma_start3A_252 : memref<1x80xi32, #tpu.memory_space<vmem>> -> memref<80xi32, #tpu.memory_space<vmem>>
      %dma_start3A_254 = tpu.memref_slice %arg2[%add3A_242] : memref<640000xi32, #tpu.memory_space<hbm>> -> memref<80xi32, #tpu.memory_space<hbm>>
      tpu.enqueue_dma source(%dma_start3A_254 : memref<80xi32, #tpu.memory_space<hbm>>) target(%dma_start3A_253 : memref<80xi32, #tpu.memory_space<vmem>>) target_semaphore(%dma_start3A_250 : memref<!tpu.dma_semaphore, #tpu.memory_space<semaphore_mem>>)
      %add3A_255 = arith.constant 320000 : i32
      %add3A_256 = arith.addi %add3A_255, %add3A_242 : i32
      %dma_start3A_257 = arith.constant 0 : i32
      %dma_start3A_258 = arith.constant 0 : i32
      %dma_start3A_259 = arith.constant 0 : i32
      %dma_start3A_260 = tpu.memref_slice %arg7[%dma_start3A_257, %dma_start3A_259] : memref<4x80xi32, #tpu.memory_space<vmem>> -> memref<1x80xi32, #tpu.memory_space<vmem>>
      %dma_start3A_261 = tpu.memref_squeeze %dma_start3A_260 : memref<1x80xi32, #tpu.memory_space<vmem>> -> memref<80xi32, #tpu.memory_space<vmem>>
      %dma_start3A_262 = tpu.memref_slice %arg2[%add3A_256] : memref<640000xi32, #tpu.memory_space<hbm>> -> memref<80xi32, #tpu.memory_space<hbm>>
      %dma_start3A_263 = tpu.memref_slice %arg10[%dma_start3A_258] : memref<4x!tpu.dma_semaphore, #tpu.memory_space<semaphore_mem>> -> memref<1x!tpu.dma_semaphore, #tpu.memory_space<semaphore_mem>>
      %dma_start3A_264 = tpu.memref_squeeze %dma_start3A_263 : memref<1x!tpu.dma_semaphore, #tpu.memory_space<semaphore_mem>> -> memref<!tpu.dma_semaphore, #tpu.memory_space<semaphore_mem>>
      %dma_start3A_265 = arith.constant 0 : i32
      %dma_start3A_266 = tpu.memref_slice %arg7[%dma_start3A_257, %dma_start3A_265] : memref<4x80xi32, #tpu.memory_space<vmem>> -> memref<1x80xi32, #tpu.memory_space<vmem>>
      %dma_start3A_267 = tpu.memref_squeeze %dma_start3A_266 : memref<1x80xi32, #tpu.memory_space<vmem>> -> memref<80xi32, #tpu.memory_space<vmem>>
      %dma_start3A_268 = tpu.memref_slice %arg2[%add3A_256] : memref<640000xi32, #tpu.memory_space<hbm>> -> memref<80xi32, #tpu.memory_space<hbm>>
      tpu.enqueue_dma source(%dma_start3A_268 : memref<80xi32, #tpu.memory_space<hbm>>) target(%dma_start3A_267 : memref<80xi32, #tpu.memory_space<vmem>>) target_semaphore(%dma_start3A_264 : memref<!tpu.dma_semaphore, #tpu.memory_space<semaphore_mem>>)
      %gt3A_269 = arith.constant 0 : i32
      %gt3A_270 = arith.cmpi sgt, %scan3A_233, %gt3A_269 : i32
      %convert_element_type3A_271 = arith.extui %gt3A_270 : i1 to i32
      %cond3A_272 = arith.constant 0 : i32
      %cond3A_273 = arith.cmpi ne, %convert_element_type3A_271, %cond3A_272 : i32
      scf.if %cond3A_273 {
        %dma_wait3A_675 = arith.constant 1 : i32
        %dma_wait3A_676 = arith.constant 1 : i32
        %dma_wait3A_677 = arith.constant 1 : i32
        %dma_wait3A_678 = arith.constant 0 : i32
        %dma_wait3A_679 = arith.constant 0 : i32
        %dma_wait3A_680 = tpu.memref_slice %arg8[%dma_wait3A_675, %dma_wait3A_678, %dma_wait3A_679] : memref<4x80x128xf32, #tpu.memory_space<vmem>> -> memref<1x80x128xf32, #tpu.memory_space<vmem>>
        %dma_wait3A_681 = tpu.memref_squeeze %dma_wait3A_680 : memref<1x80x128xf32, #tpu.memory_space<vmem>> -> memref<80x128xf32, #tpu.memory_space<vmem>>
        %dma_wait3A_682 = arith.constant 0 : i32
        %dma_wait3A_683 = tpu.memref_slice %arg7[%dma_wait3A_676, %dma_wait3A_682] : memref<4x80xi32, #tpu.memory_space<vmem>> -> memref<1x80xi32, #tpu.memory_space<vmem>>
        %dma_wait3A_684 = tpu.memref_squeeze %dma_wait3A_683 : memref<1x80xi32, #tpu.memory_space<vmem>> -> memref<80xi32, #tpu.memory_space<vmem>>
        %dma_wait3A_685 = arith.constant 0 : i32
        %dma_wait3A_686 = arith.constant 0 : i32
        %dma_wait3A_687 = tpu.memref_slice %arg5[%dma_wait3A_685, %dma_wait3A_686] : memref<10240x128xf32, #tpu.memory_space<vmem_shared>> -> memref<10240x128xf32, #tpu.memory_space<vmem_shared>>
        %dma_wait3A_688 = tpu.memref_slice %arg12[%dma_wait3A_677] : memref<4x!tpu.dma_semaphore, #tpu.memory_space<semaphore_mem>> -> memref<1x!tpu.dma_semaphore, #tpu.memory_space<semaphore_mem>>
        %dma_wait3A_689 = tpu.memref_squeeze %dma_wait3A_688 : memref<1x!tpu.dma_semaphore, #tpu.memory_space<semaphore_mem>> -> memref<!tpu.dma_semaphore, #tpu.memory_space<semaphore_mem>>
        tpu.wait_indirect_dma semaphore(%dma_wait3A_689 : memref<!tpu.dma_semaphore, #tpu.memory_space<semaphore_mem>>) src(%dma_wait3A_681 : memref<80x128xf32, #tpu.memory_space<vmem>>) dst(%dma_wait3A_687 : memref<10240x128xf32, #tpu.memory_space<vmem_shared>>)
      } else {
      }
      %mul3A_274 = arith.constant 4 : i32
      %mul3A_275 = arith.muli %scan3A_233, %mul3A_274 : i32
      %add3A_276 = arith.constant 1 : i32
      %add3A_277 = arith.addi %mul3A_275, %add3A_276 : i32
      %mul3A_278 = arith.constant 80 : i32
      %mul3A_279 = arith.muli %add3A_277, %mul3A_278 : i32
      %add3A_280 = arith.addi %mul3A_2, %mul3A_279 : i32
      %dma_start3A_281 = arith.constant 1 : i32
      %dma_start3A_282 = arith.constant 1 : i32
      %dma_start3A_283 = arith.constant 0 : i32
      %dma_start3A_284 = tpu.memref_slice %arg6[%dma_start3A_281, %dma_start3A_283] : memref<4x80xi32, #tpu.memory_space<vmem>> -> memref<1x80xi32, #tpu.memory_space<vmem>>
      %dma_start3A_285 = tpu.memref_squeeze %dma_start3A_284 : memref<1x80xi32, #tpu.memory_space<vmem>> -> memref<80xi32, #tpu.memory_space<vmem>>
      %dma_start3A_286 = tpu.memref_slice %arg2[%add3A_280] : memref<640000xi32, #tpu.memory_space<hbm>> -> memref<80xi32, #tpu.memory_space<hbm>>
      %dma_start3A_287 = tpu.memref_slice %arg9[%dma_start3A_282] : memref<4x!tpu.dma_semaphore, #tpu.memory_space<semaphore_mem>> -> memref<1x!tpu.dma_semaphore, #tpu.memory_space<semaphore_mem>>
      %dma_start3A_288 = tpu.memref_squeeze %dma_start3A_287 : memref<1x!tpu.dma_semaphore, #tpu.memory_space<semaphore_mem>> -> memref<!tpu.dma_semaphore, #tpu.memory_space<semaphore_mem>>
      %dma_start3A_289 = arith.constant 0 : i32
      %dma_start3A_290 = tpu.memref_slice %arg6[%dma_start3A_281, %dma_start3A_289] : memref<4x80xi32, #tpu.memory_space<vmem>> -> memref<1x80xi32, #tpu.memory_space<vmem>>
      %dma_start3A_291 = tpu.memref_squeeze %dma_start3A_290 : memref<1x80xi32, #tpu.memory_space<vmem>> -> memref<80xi32, #tpu.memory_space<vmem>>
      %dma_start3A_292 = tpu.memref_slice %arg2[%add3A_280] : memref<640000xi32, #tpu.memory_space<hbm>> -> memref<80xi32, #tpu.memory_space<hbm>>
      tpu.enqueue_dma source(%dma_start3A_292 : memref<80xi32, #tpu.memory_space<hbm>>) target(%dma_start3A_291 : memref<80xi32, #tpu.memory_space<vmem>>) target_semaphore(%dma_start3A_288 : memref<!tpu.dma_semaphore, #tpu.memory_space<semaphore_mem>>)
      %add3A_293 = arith.constant 320000 : i32
      %add3A_294 = arith.addi %add3A_293, %add3A_280 : i32
      %dma_start3A_295 = arith.constant 1 : i32
      %dma_start3A_296 = arith.constant 1 : i32
      %dma_start3A_297 = arith.constant 0 : i32
      %dma_start3A_298 = tpu.memref_slice %arg7[%dma_start3A_295, %dma_start3A_297] : memref<4x80xi32, #tpu.memory_space<vmem>> -> memref<1x80xi32, #tpu.memory_space<vmem>>
      %dma_start3A_299 = tpu.memref_squeeze %dma_start3A_298 : memref<1x80xi32, #tpu.memory_space<vmem>> -> memref<80xi32, #tpu.memory_space<vmem>>
      %dma_start3A_300 = tpu.memref_slice %arg2[%add3A_294] : memref<640000xi32, #tpu.memory_space<hbm>> -> memref<80xi32, #tpu.memory_space<hbm>>
      %dma_start3A_301 = tpu.memref_slice %arg10[%dma_start3A_296] : memref<4x!tpu.dma_semaphore, #tpu.memory_space<semaphore_mem>> -> memref<1x!tpu.dma_semaphore, #tpu.memory_space<semaphore_mem>>
      %dma_start3A_302 = tpu.memref_squeeze %dma_start3A_301 : memref<1x!tpu.dma_semaphore, #tpu.memory_space<semaphore_mem>> -> memref<!tpu.dma_semaphore, #tpu.memory_space<semaphore_mem>>
      %dma_start3A_303 = arith.constant 0 : i32
      %dma_start3A_304 = tpu.memref_slice %arg7[%dma_start3A_295, %dma_start3A_303] : memref<4x80xi32, #tpu.memory_space<vmem>> -> memref<1x80xi32, #tpu.memory_space<vmem>>
      %dma_start3A_305 = tpu.memref_squeeze %dma_start3A_304 : memref<1x80xi32, #tpu.memory_space<vmem>> -> memref<80xi32, #tpu.memory_space<vmem>>
      %dma_start3A_306 = tpu.memref_slice %arg2[%add3A_294] : memref<640000xi32, #tpu.memory_space<hbm>> -> memref<80xi32, #tpu.memory_space<hbm>>
      tpu.enqueue_dma source(%dma_start3A_306 : memref<80xi32, #tpu.memory_space<hbm>>) target(%dma_start3A_305 : memref<80xi32, #tpu.memory_space<vmem>>) target_semaphore(%dma_start3A_302 : memref<!tpu.dma_semaphore, #tpu.memory_space<semaphore_mem>>)
      %gt3A_307 = arith.constant 0 : i32
      %gt3A_308 = arith.cmpi sgt, %scan3A_233, %gt3A_307 : i32
      %convert_element_type3A_309 = arith.extui %gt3A_308 : i1 to i32
      %cond3A_310 = arith.constant 0 : i32
      %cond3A_311 = arith.cmpi ne, %convert_element_type3A_309, %cond3A_310 : i32
      scf.if %cond3A_311 {
        %dma_wait3A_675 = arith.constant 2 : i32
        %dma_wait3A_676 = arith.constant 2 : i32
        %dma_wait3A_677 = arith.constant 2 : i32
        %dma_wait3A_678 = arith.constant 0 : i32
        %dma_wait3A_679 = arith.constant 0 : i32
        %dma_wait3A_680 = tpu.memref_slice %arg8[%dma_wait3A_675, %dma_wait3A_678, %dma_wait3A_679] : memref<4x80x128xf32, #tpu.memory_space<vmem>> -> memref<1x80x128xf32, #tpu.memory_space<vmem>>
        %dma_wait3A_681 = tpu.memref_squeeze %dma_wait3A_680 : memref<1x80x128xf32, #tpu.memory_space<vmem>> -> memref<80x128xf32, #tpu.memory_space<vmem>>
        %dma_wait3A_682 = arith.constant 0 : i32
        %dma_wait3A_683 = tpu.memref_slice %arg7[%dma_wait3A_676, %dma_wait3A_682] : memref<4x80xi32, #tpu.memory_space<vmem>> -> memref<1x80xi32, #tpu.memory_space<vmem>>
        %dma_wait3A_684 = tpu.memref_squeeze %dma_wait3A_683 : memref<1x80xi32, #tpu.memory_space<vmem>> -> memref<80xi32, #tpu.memory_space<vmem>>
        %dma_wait3A_685 = arith.constant 0 : i32
        %dma_wait3A_686 = arith.constant 0 : i32
        %dma_wait3A_687 = tpu.memref_slice %arg5[%dma_wait3A_685, %dma_wait3A_686] : memref<10240x128xf32, #tpu.memory_space<vmem_shared>> -> memref<10240x128xf32, #tpu.memory_space<vmem_shared>>
        %dma_wait3A_688 = tpu.memref_slice %arg12[%dma_wait3A_677] : memref<4x!tpu.dma_semaphore, #tpu.memory_space<semaphore_mem>> -> memref<1x!tpu.dma_semaphore, #tpu.memory_space<semaphore_mem>>
        %dma_wait3A_689 = tpu.memref_squeeze %dma_wait3A_688 : memref<1x!tpu.dma_semaphore, #tpu.memory_space<semaphore_mem>> -> memref<!tpu.dma_semaphore, #tpu.memory_space<semaphore_mem>>
        tpu.wait_indirect_dma semaphore(%dma_wait3A_689 : memref<!tpu.dma_semaphore, #tpu.memory_space<semaphore_mem>>) src(%dma_wait3A_681 : memref<80x128xf32, #tpu.memory_space<vmem>>) dst(%dma_wait3A_687 : memref<10240x128xf32, #tpu.memory_space<vmem_shared>>)
      } else {
      }
      %mul3A_312 = arith.constant 4 : i32
      %mul3A_313 = arith.muli %scan3A_233, %mul3A_312 : i32
      %add3A_314 = arith.constant 2 : i32
      %add3A_315 = arith.addi %mul3A_313, %add3A_314 : i32
      %mul3A_316 = arith.constant 80 : i32
      %mul3A_317 = arith.muli %add3A_315, %mul3A_316 : i32
      %add3A_318 = arith.addi %mul3A_2, %mul3A_317 : i32
      %dma_start3A_319 = arith.constant 2 : i32
      %dma_start3A_320 = arith.constant 2 : i32
      %dma_start3A_321 = arith.constant 0 : i32
      %dma_start3A_322 = tpu.memref_slice %arg6[%dma_start3A_319, %dma_start3A_321] : memref<4x80xi32, #tpu.memory_space<vmem>> -> memref<1x80xi32, #tpu.memory_space<vmem>>
      %dma_start3A_323 = tpu.memref_squeeze %dma_start3A_322 : memref<1x80xi32, #tpu.memory_space<vmem>> -> memref<80xi32, #tpu.memory_space<vmem>>
      %dma_start3A_324 = tpu.memref_slice %arg2[%add3A_318] : memref<640000xi32, #tpu.memory_space<hbm>> -> memref<80xi32, #tpu.memory_space<hbm>>
      %dma_start3A_325 = tpu.memref_slice %arg9[%dma_start3A_320] : memref<4x!tpu.dma_semaphore, #tpu.memory_space<semaphore_mem>> -> memref<1x!tpu.dma_semaphore, #tpu.memory_space<semaphore_mem>>
      %dma_start3A_326 = tpu.memref_squeeze %dma_start3A_325 : memref<1x!tpu.dma_semaphore, #tpu.memory_space<semaphore_mem>> -> memref<!tpu.dma_semaphore, #tpu.memory_space<semaphore_mem>>
      %dma_start3A_327 = arith.constant 0 : i32
      %dma_start3A_328 = tpu.memref_slice %arg6[%dma_start3A_319, %dma_start3A_327] : memref<4x80xi32, #tpu.memory_space<vmem>> -> memref<1x80xi32, #tpu.memory_space<vmem>>
      %dma_start3A_329 = tpu.memref_squeeze %dma_start3A_328 : memref<1x80xi32, #tpu.memory_space<vmem>> -> memref<80xi32, #tpu.memory_space<vmem>>
      %dma_start3A_330 = tpu.memref_slice %arg2[%add3A_318] : memref<640000xi32, #tpu.memory_space<hbm>> -> memref<80xi32, #tpu.memory_space<hbm>>
      tpu.enqueue_dma source(%dma_start3A_330 : memref<80xi32, #tpu.memory_space<hbm>>) target(%dma_start3A_329 : memref<80xi32, #tpu.memory_space<vmem>>) target_semaphore(%dma_start3A_326 : memref<!tpu.dma_semaphore, #tpu.memory_space<semaphore_mem>>)
      %add3A_331 = arith.constant 320000 : i32
      %add3A_332 = arith.addi %add3A_331, %add3A_318 : i32
      %dma_start3A_333 = arith.constant 2 : i32
      %dma_start3A_334 = arith.constant 2 : i32
      %dma_start3A_335 = arith.constant 0 : i32
      %dma_start3A_336 = tpu.memref_slice %arg7[%dma_start3A_333, %dma_start3A_335] : memref<4x80xi32, #tpu.memory_space<vmem>> -> memref<1x80xi32, #tpu.memory_space<vmem>>
      %dma_start3A_337 = tpu.memref_squeeze %dma_start3A_336 : memref<1x80xi32, #tpu.memory_space<vmem>> -> memref<80xi32, #tpu.memory_space<vmem>>
      %dma_start3A_338 = tpu.memref_slice %arg2[%add3A_332] : memref<640000xi32, #tpu.memory_space<hbm>> -> memref<80xi32, #tpu.memory_space<hbm>>
      %dma_start3A_339 = tpu.memref_slice %arg10[%dma_start3A_334] : memref<4x!tpu.dma_semaphore, #tpu.memory_space<semaphore_mem>> -> memref<1x!tpu.dma_semaphore, #tpu.memory_space<semaphore_mem>>
      %dma_start3A_340 = tpu.memref_squeeze %dma_start3A_339 : memref<1x!tpu.dma_semaphore, #tpu.memory_space<semaphore_mem>> -> memref<!tpu.dma_semaphore, #tpu.memory_space<semaphore_mem>>
      %dma_start3A_341 = arith.constant 0 : i32
      %dma_start3A_342 = tpu.memref_slice %arg7[%dma_start3A_333, %dma_start3A_341] : memref<4x80xi32, #tpu.memory_space<vmem>> -> memref<1x80xi32, #tpu.memory_space<vmem>>
      %dma_start3A_343 = tpu.memref_squeeze %dma_start3A_342 : memref<1x80xi32, #tpu.memory_space<vmem>> -> memref<80xi32, #tpu.memory_space<vmem>>
      %dma_start3A_344 = tpu.memref_slice %arg2[%add3A_332] : memref<640000xi32, #tpu.memory_space<hbm>> -> memref<80xi32, #tpu.memory_space<hbm>>
      tpu.enqueue_dma source(%dma_start3A_344 : memref<80xi32, #tpu.memory_space<hbm>>) target(%dma_start3A_343 : memref<80xi32, #tpu.memory_space<vmem>>) target_semaphore(%dma_start3A_340 : memref<!tpu.dma_semaphore, #tpu.memory_space<semaphore_mem>>)
      %gt3A_345 = arith.constant 0 : i32
      %gt3A_346 = arith.cmpi sgt, %scan3A_233, %gt3A_345 : i32
      %convert_element_type3A_347 = arith.extui %gt3A_346 : i1 to i32
      %cond3A_348 = arith.constant 0 : i32
      %cond3A_349 = arith.cmpi ne, %convert_element_type3A_347, %cond3A_348 : i32
      scf.if %cond3A_349 {
        %dma_wait3A_675 = arith.constant 3 : i32
        %dma_wait3A_676 = arith.constant 3 : i32
        %dma_wait3A_677 = arith.constant 3 : i32
        %dma_wait3A_678 = arith.constant 0 : i32
        %dma_wait3A_679 = arith.constant 0 : i32
        %dma_wait3A_680 = tpu.memref_slice %arg8[%dma_wait3A_675, %dma_wait3A_678, %dma_wait3A_679] : memref<4x80x128xf32, #tpu.memory_space<vmem>> -> memref<1x80x128xf32, #tpu.memory_space<vmem>>
        %dma_wait3A_681 = tpu.memref_squeeze %dma_wait3A_680 : memref<1x80x128xf32, #tpu.memory_space<vmem>> -> memref<80x128xf32, #tpu.memory_space<vmem>>
        %dma_wait3A_682 = arith.constant 0 : i32
        %dma_wait3A_683 = tpu.memref_slice %arg7[%dma_wait3A_676, %dma_wait3A_682] : memref<4x80xi32, #tpu.memory_space<vmem>> -> memref<1x80xi32, #tpu.memory_space<vmem>>
        %dma_wait3A_684 = tpu.memref_squeeze %dma_wait3A_683 : memref<1x80xi32, #tpu.memory_space<vmem>> -> memref<80xi32, #tpu.memory_space<vmem>>
        %dma_wait3A_685 = arith.constant 0 : i32
        %dma_wait3A_686 = arith.constant 0 : i32
        %dma_wait3A_687 = tpu.memref_slice %arg5[%dma_wait3A_685, %dma_wait3A_686] : memref<10240x128xf32, #tpu.memory_space<vmem_shared>> -> memref<10240x128xf32, #tpu.memory_space<vmem_shared>>
        %dma_wait3A_688 = tpu.memref_slice %arg12[%dma_wait3A_677] : memref<4x!tpu.dma_semaphore, #tpu.memory_space<semaphore_mem>> -> memref<1x!tpu.dma_semaphore, #tpu.memory_space<semaphore_mem>>
        %dma_wait3A_689 = tpu.memref_squeeze %dma_wait3A_688 : memref<1x!tpu.dma_semaphore, #tpu.memory_space<semaphore_mem>> -> memref<!tpu.dma_semaphore, #tpu.memory_space<semaphore_mem>>
        tpu.wait_indirect_dma semaphore(%dma_wait3A_689 : memref<!tpu.dma_semaphore, #tpu.memory_space<semaphore_mem>>) src(%dma_wait3A_681 : memref<80x128xf32, #tpu.memory_space<vmem>>) dst(%dma_wait3A_687 : memref<10240x128xf32, #tpu.memory_space<vmem_shared>>)
      } else {
      }
      %mul3A_350 = arith.constant 4 : i32
      %mul3A_351 = arith.muli %scan3A_233, %mul3A_350 : i32
      %add3A_352 = arith.constant 3 : i32
      %add3A_353 = arith.addi %mul3A_351, %add3A_352 : i32
      %mul3A_354 = arith.constant 80 : i32
      %mul3A_355 = arith.muli %add3A_353, %mul3A_354 : i32
      %add3A_356 = arith.addi %mul3A_2, %mul3A_355 : i32
      %dma_start3A_357 = arith.constant 3 : i32
      %dma_start3A_358 = arith.constant 3 : i32
      %dma_start3A_359 = arith.constant 0 : i32
      %dma_start3A_360 = tpu.memref_slice %arg6[%dma_start3A_357, %dma_start3A_359] : memref<4x80xi32, #tpu.memory_space<vmem>> -> memref<1x80xi32, #tpu.memory_space<vmem>>
      %dma_start3A_361 = tpu.memref_squeeze %dma_start3A_360 : memref<1x80xi32, #tpu.memory_space<vmem>> -> memref<80xi32, #tpu.memory_space<vmem>>
      %dma_start3A_362 = tpu.memref_slice %arg2[%add3A_356] : memref<640000xi32, #tpu.memory_space<hbm>> -> memref<80xi32, #tpu.memory_space<hbm>>
      %dma_start3A_363 = tpu.memref_slice %arg9[%dma_start3A_358] : memref<4x!tpu.dma_semaphore, #tpu.memory_space<semaphore_mem>> -> memref<1x!tpu.dma_semaphore, #tpu.memory_space<semaphore_mem>>
      %dma_start3A_364 = tpu.memref_squeeze %dma_start3A_363 : memref<1x!tpu.dma_semaphore, #tpu.memory_space<semaphore_mem>> -> memref<!tpu.dma_semaphore, #tpu.memory_space<semaphore_mem>>
      %dma_start3A_365 = arith.constant 0 : i32
      %dma_start3A_366 = tpu.memref_slice %arg6[%dma_start3A_357, %dma_start3A_365] : memref<4x80xi32, #tpu.memory_space<vmem>> -> memref<1x80xi32, #tpu.memory_space<vmem>>
      %dma_start3A_367 = tpu.memref_squeeze %dma_start3A_366 : memref<1x80xi32, #tpu.memory_space<vmem>> -> memref<80xi32, #tpu.memory_space<vmem>>
      %dma_start3A_368 = tpu.memref_slice %arg2[%add3A_356] : memref<640000xi32, #tpu.memory_space<hbm>> -> memref<80xi32, #tpu.memory_space<hbm>>
      tpu.enqueue_dma source(%dma_start3A_368 : memref<80xi32, #tpu.memory_space<hbm>>) target(%dma_start3A_367 : memref<80xi32, #tpu.memory_space<vmem>>) target_semaphore(%dma_start3A_364 : memref<!tpu.dma_semaphore, #tpu.memory_space<semaphore_mem>>)
      %add3A_369 = arith.constant 320000 : i32
      %add3A_370 = arith.addi %add3A_369, %add3A_356 : i32
      %dma_start3A_371 = arith.constant 3 : i32
      %dma_start3A_372 = arith.constant 3 : i32
      %dma_start3A_373 = arith.constant 0 : i32
      %dma_start3A_374 = tpu.memref_slice %arg7[%dma_start3A_371, %dma_start3A_373] : memref<4x80xi32, #tpu.memory_space<vmem>> -> memref<1x80xi32, #tpu.memory_space<vmem>>
      %dma_start3A_375 = tpu.memref_squeeze %dma_start3A_374 : memref<1x80xi32, #tpu.memory_space<vmem>> -> memref<80xi32, #tpu.memory_space<vmem>>
      %dma_start3A_376 = tpu.memref_slice %arg2[%add3A_370] : memref<640000xi32, #tpu.memory_space<hbm>> -> memref<80xi32, #tpu.memory_space<hbm>>
      %dma_start3A_377 = tpu.memref_slice %arg10[%dma_start3A_372] : memref<4x!tpu.dma_semaphore, #tpu.memory_space<semaphore_mem>> -> memref<1x!tpu.dma_semaphore, #tpu.memory_space<semaphore_mem>>
      %dma_start3A_378 = tpu.memref_squeeze %dma_start3A_377 : memref<1x!tpu.dma_semaphore, #tpu.memory_space<semaphore_mem>> -> memref<!tpu.dma_semaphore, #tpu.memory_space<semaphore_mem>>
      %dma_start3A_379 = arith.constant 0 : i32
      %dma_start3A_380 = tpu.memref_slice %arg7[%dma_start3A_371, %dma_start3A_379] : memref<4x80xi32, #tpu.memory_space<vmem>> -> memref<1x80xi32, #tpu.memory_space<vmem>>
      %dma_start3A_381 = tpu.memref_squeeze %dma_start3A_380 : memref<1x80xi32, #tpu.memory_space<vmem>> -> memref<80xi32, #tpu.memory_space<vmem>>
      %dma_start3A_382 = tpu.memref_slice %arg2[%add3A_370] : memref<640000xi32, #tpu.memory_space<hbm>> -> memref<80xi32, #tpu.memory_space<hbm>>
      tpu.enqueue_dma source(%dma_start3A_382 : memref<80xi32, #tpu.memory_space<hbm>>) target(%dma_start3A_381 : memref<80xi32, #tpu.memory_space<vmem>>) target_semaphore(%dma_start3A_378 : memref<!tpu.dma_semaphore, #tpu.memory_space<semaphore_mem>>)
      %dma_wait3A_383 = arith.constant 0 : i32
      %dma_wait3A_384 = arith.constant 0 : i32
      %dma_wait3A_385 = arith.constant 0 : i32
      %dma_wait3A_386 = tpu.memref_slice %arg6[%dma_wait3A_383, %dma_wait3A_385] : memref<4x80xi32, #tpu.memory_space<vmem>> -> memref<1x80xi32, #tpu.memory_space<vmem>>
      %dma_wait3A_387 = tpu.memref_squeeze %dma_wait3A_386 : memref<1x80xi32, #tpu.memory_space<vmem>> -> memref<80xi32, #tpu.memory_space<vmem>>
      %dma_wait3A_388 = arith.constant 0 : i32
      %dma_wait3A_389 = tpu.memref_slice %arg2[%dma_wait3A_388] : memref<640000xi32, #tpu.memory_space<hbm>> -> memref<80xi32, #tpu.memory_space<hbm>>
      %dma_wait3A_390 = tpu.memref_slice %arg9[%dma_wait3A_384] : memref<4x!tpu.dma_semaphore, #tpu.memory_space<semaphore_mem>> -> memref<1x!tpu.dma_semaphore, #tpu.memory_space<semaphore_mem>>
      %dma_wait3A_391 = tpu.memref_squeeze %dma_wait3A_390 : memref<1x!tpu.dma_semaphore, #tpu.memory_space<semaphore_mem>> -> memref<!tpu.dma_semaphore, #tpu.memory_space<semaphore_mem>>
      %dma_wait3A_392 = arith.constant 0 : i32
      %dma_wait3A_393 = tpu.memref_slice %arg6[%dma_wait3A_383, %dma_wait3A_392] : memref<4x80xi32, #tpu.memory_space<vmem>> -> memref<1x80xi32, #tpu.memory_space<vmem>>
      %dma_wait3A_394 = tpu.memref_squeeze %dma_wait3A_393 : memref<1x80xi32, #tpu.memory_space<vmem>> -> memref<80xi32, #tpu.memory_space<vmem>>
      %dma_wait3A_395 = arith.constant 0 : i32
      %dma_wait3A_396 = tpu.memref_slice %arg2[%dma_wait3A_395] : memref<640000xi32, #tpu.memory_space<hbm>> -> memref<80xi32, #tpu.memory_space<hbm>>
      tpu.wait_dma2 semaphore(%dma_wait3A_391 : memref<!tpu.dma_semaphore, #tpu.memory_space<semaphore_mem>>) src(%dma_wait3A_396 : memref<80xi32, #tpu.memory_space<hbm>>) dst(%dma_wait3A_394 : memref<80xi32, #tpu.memory_space<vmem>>)
      %dma_start3A_397 = arith.constant 0 : i32
      %dma_start3A_398 = arith.constant 0 : i32
      %dma_start3A_399 = arith.constant 0 : i32
      %dma_start3A_400 = arith.constant 0 : i32
      %dma_start3A_401 = arith.constant 0 : i32
      %dma_start3A_402 = tpu.memref_slice %arg8[%dma_start3A_398, %dma_start3A_400, %dma_start3A_401] : memref<4x80x128xf32, #tpu.memory_space<vmem>> -> memref<1x80x128xf32, #tpu.memory_space<vmem>>
      %dma_start3A_403 = tpu.memref_squeeze %dma_start3A_402 : memref<1x80x128xf32, #tpu.memory_space<vmem>> -> memref<80x128xf32, #tpu.memory_space<vmem>>
      %dma_start3A_404 = arith.constant 0 : i32
      %dma_start3A_405 = tpu.memref_slice %arg6[%dma_start3A_397, %dma_start3A_404] : memref<4x80xi32, #tpu.memory_space<vmem>> -> memref<1x80xi32, #tpu.memory_space<vmem>>
      %dma_start3A_406 = tpu.memref_squeeze %dma_start3A_405 : memref<1x80xi32, #tpu.memory_space<vmem>> -> memref<80xi32, #tpu.memory_space<vmem>>
      %dma_start3A_407 = arith.constant 0 : i32
      %dma_start3A_408 = arith.constant 0 : i32
      %dma_start3A_409 = tpu.memref_slice %arg3[%dma_start3A_407, %dma_start3A_408] : memref<10000x128xf32, #tpu.memory_space<hbm>> -> memref<10000x128xf32, #tpu.memory_space<hbm>>
      %dma_start3A_410 = tpu.memref_slice %arg11[%dma_start3A_399] : memref<4x!tpu.dma_semaphore, #tpu.memory_space<semaphore_mem>> -> memref<1x!tpu.dma_semaphore, #tpu.memory_space<semaphore_mem>>
      %dma_start3A_411 = tpu.memref_squeeze %dma_start3A_410 : memref<1x!tpu.dma_semaphore, #tpu.memory_space<semaphore_mem>> -> memref<!tpu.dma_semaphore, #tpu.memory_space<semaphore_mem>>
      tpu.enqueue_indirect_dma source(%dma_start3A_409 : memref<10000x128xf32, #tpu.memory_space<hbm>>) target(%dma_start3A_403 : memref<80x128xf32, #tpu.memory_space<vmem>>) offsets(%dma_start3A_406 : memref<80xi32, #tpu.memory_space<vmem>>) semaphore(%dma_start3A_411 : memref<!tpu.dma_semaphore, #tpu.memory_space<semaphore_mem>>)
      %dma_wait3A_412 = arith.constant 1 : i32
      %dma_wait3A_413 = arith.constant 1 : i32
      %dma_wait3A_414 = arith.constant 0 : i32
      %dma_wait3A_415 = tpu.memref_slice %arg6[%dma_wait3A_412, %dma_wait3A_414] : memref<4x80xi32, #tpu.memory_space<vmem>> -> memref<1x80xi32, #tpu.memory_space<vmem>>
      %dma_wait3A_416 = tpu.memref_squeeze %dma_wait3A_415 : memref<1x80xi32, #tpu.memory_space<vmem>> -> memref<80xi32, #tpu.memory_space<vmem>>
      %dma_wait3A_417 = arith.constant 0 : i32
      %dma_wait3A_418 = tpu.memref_slice %arg2[%dma_wait3A_417] : memref<640000xi32, #tpu.memory_space<hbm>> -> memref<80xi32, #tpu.memory_space<hbm>>
      %dma_wait3A_419 = tpu.memref_slice %arg9[%dma_wait3A_413] : memref<4x!tpu.dma_semaphore, #tpu.memory_space<semaphore_mem>> -> memref<1x!tpu.dma_semaphore, #tpu.memory_space<semaphore_mem>>
      %dma_wait3A_420 = tpu.memref_squeeze %dma_wait3A_419 : memref<1x!tpu.dma_semaphore, #tpu.memory_space<semaphore_mem>> -> memref<!tpu.dma_semaphore, #tpu.memory_space<semaphore_mem>>
      %dma_wait3A_421 = arith.constant 0 : i32
      %dma_wait3A_422 = tpu.memref_slice %arg6[%dma_wait3A_412, %dma_wait3A_421] : memref<4x80xi32, #tpu.memory_space<vmem>> -> memref<1x80xi32, #tpu.memory_space<vmem>>
      %dma_wait3A_423 = tpu.memref_squeeze %dma_wait3A_422 : memref<1x80xi32, #tpu.memory_space<vmem>> -> memref<80xi32, #tpu.memory_space<vmem>>
      %dma_wait3A_424 = arith.constant 0 : i32
      %dma_wait3A_425 = tpu.memref_slice %arg2[%dma_wait3A_424] : memref<640000xi32, #tpu.memory_space<hbm>> -> memref<80xi32, #tpu.memory_space<hbm>>
      tpu.wait_dma2 semaphore(%dma_wait3A_420 : memref<!tpu.dma_semaphore, #tpu.memory_space<semaphore_mem>>) src(%dma_wait3A_425 : memref<80xi32, #tpu.memory_space<hbm>>) dst(%dma_wait3A_423 : memref<80xi32, #tpu.memory_space<vmem>>)
      %dma_start3A_426 = arith.constant 1 : i32
      %dma_start3A_427 = arith.constant 1 : i32
      %dma_start3A_428 = arith.constant 1 : i32
      %dma_start3A_429 = arith.constant 0 : i32
      %dma_start3A_430 = arith.constant 0 : i32
      %dma_start3A_431 = tpu.memref_slice %arg8[%dma_start3A_427, %dma_start3A_429, %dma_start3A_430] : memref<4x80x128xf32, #tpu.memory_space<vmem>> -> memref<1x80x128xf32, #tpu.memory_space<vmem>>
      %dma_start3A_432 = tpu.memref_squeeze %dma_start3A_431 : memref<1x80x128xf32, #tpu.memory_space<vmem>> -> memref<80x128xf32, #tpu.memory_space<vmem>>
      %dma_start3A_433 = arith.constant 0 : i32
      %dma_start3A_434 = tpu.memref_slice %arg6[%dma_start3A_426, %dma_start3A_433] : memref<4x80xi32, #tpu.memory_space<vmem>> -> memref<1x80xi32, #tpu.memory_space<vmem>>
      %dma_start3A_435 = tpu.memref_squeeze %dma_start3A_434 : memref<1x80xi32, #tpu.memory_space<vmem>> -> memref<80xi32, #tpu.memory_space<vmem>>
      %dma_start3A_436 = arith.constant 0 : i32
      %dma_start3A_437 = arith.constant 0 : i32
      %dma_start3A_438 = tpu.memref_slice %arg3[%dma_start3A_436, %dma_start3A_437] : memref<10000x128xf32, #tpu.memory_space<hbm>> -> memref<10000x128xf32, #tpu.memory_space<hbm>>
      %dma_start3A_439 = tpu.memref_slice %arg11[%dma_start3A_428] : memref<4x!tpu.dma_semaphore, #tpu.memory_space<semaphore_mem>> -> memref<1x!tpu.dma_semaphore, #tpu.memory_space<semaphore_mem>>
      %dma_start3A_440 = tpu.memref_squeeze %dma_start3A_439 : memref<1x!tpu.dma_semaphore, #tpu.memory_space<semaphore_mem>> -> memref<!tpu.dma_semaphore, #tpu.memory_space<semaphore_mem>>
      tpu.enqueue_indirect_dma source(%dma_start3A_438 : memref<10000x128xf32, #tpu.memory_space<hbm>>) target(%dma_start3A_432 : memref<80x128xf32, #tpu.memory_space<vmem>>) offsets(%dma_start3A_435 : memref<80xi32, #tpu.memory_space<vmem>>) semaphore(%dma_start3A_440 : memref<!tpu.dma_semaphore, #tpu.memory_space<semaphore_mem>>)
      %dma_wait3A_441 = arith.constant 2 : i32
      %dma_wait3A_442 = arith.constant 2 : i32
      %dma_wait3A_443 = arith.constant 0 : i32
      %dma_wait3A_444 = tpu.memref_slice %arg6[%dma_wait3A_441, %dma_wait3A_443] : memref<4x80xi32, #tpu.memory_space<vmem>> -> memref<1x80xi32, #tpu.memory_space<vmem>>
      %dma_wait3A_445 = tpu.memref_squeeze %dma_wait3A_444 : memref<1x80xi32, #tpu.memory_space<vmem>> -> memref<80xi32, #tpu.memory_space<vmem>>
      %dma_wait3A_446 = arith.constant 0 : i32
      %dma_wait3A_447 = tpu.memref_slice %arg2[%dma_wait3A_446] : memref<640000xi32, #tpu.memory_space<hbm>> -> memref<80xi32, #tpu.memory_space<hbm>>
      %dma_wait3A_448 = tpu.memref_slice %arg9[%dma_wait3A_442] : memref<4x!tpu.dma_semaphore, #tpu.memory_space<semaphore_mem>> -> memref<1x!tpu.dma_semaphore, #tpu.memory_space<semaphore_mem>>
      %dma_wait3A_449 = tpu.memref_squeeze %dma_wait3A_448 : memref<1x!tpu.dma_semaphore, #tpu.memory_space<semaphore_mem>> -> memref<!tpu.dma_semaphore, #tpu.memory_space<semaphore_mem>>
      %dma_wait3A_450 = arith.constant 0 : i32
      %dma_wait3A_451 = tpu.memref_slice %arg6[%dma_wait3A_441, %dma_wait3A_450] : memref<4x80xi32, #tpu.memory_space<vmem>> -> memref<1x80xi32, #tpu.memory_space<vmem>>
      %dma_wait3A_452 = tpu.memref_squeeze %dma_wait3A_451 : memref<1x80xi32, #tpu.memory_space<vmem>> -> memref<80xi32, #tpu.memory_space<vmem>>
      %dma_wait3A_453 = arith.constant 0 : i32
      %dma_wait3A_454 = tpu.memref_slice %arg2[%dma_wait3A_453] : memref<640000xi32, #tpu.memory_space<hbm>> -> memref<80xi32, #tpu.memory_space<hbm>>
      tpu.wait_dma2 semaphore(%dma_wait3A_449 : memref<!tpu.dma_semaphore, #tpu.memory_space<semaphore_mem>>) src(%dma_wait3A_454 : memref<80xi32, #tpu.memory_space<hbm>>) dst(%dma_wait3A_452 : memref<80xi32, #tpu.memory_space<vmem>>)
      %dma_start3A_455 = arith.constant 2 : i32
      %dma_start3A_456 = arith.constant 2 : i32
      %dma_start3A_457 = arith.constant 2 : i32
      %dma_start3A_458 = arith.constant 0 : i32
      %dma_start3A_459 = arith.constant 0 : i32
      %dma_start3A_460 = tpu.memref_slice %arg8[%dma_start3A_456, %dma_start3A_458, %dma_start3A_459] : memref<4x80x128xf32, #tpu.memory_space<vmem>> -> memref<1x80x128xf32, #tpu.memory_space<vmem>>
      %dma_start3A_461 = tpu.memref_squeeze %dma_start3A_460 : memref<1x80x128xf32, #tpu.memory_space<vmem>> -> memref<80x128xf32, #tpu.memory_space<vmem>>
      %dma_start3A_462 = arith.constant 0 : i32
      %dma_start3A_463 = tpu.memref_slice %arg6[%dma_start3A_455, %dma_start3A_462] : memref<4x80xi32, #tpu.memory_space<vmem>> -> memref<1x80xi32, #tpu.memory_space<vmem>>
      %dma_start3A_464 = tpu.memref_squeeze %dma_start3A_463 : memref<1x80xi32, #tpu.memory_space<vmem>> -> memref<80xi32, #tpu.memory_space<vmem>>
      %dma_start3A_465 = arith.constant 0 : i32
      %dma_start3A_466 = arith.constant 0 : i32
      %dma_start3A_467 = tpu.memref_slice %arg3[%dma_start3A_465, %dma_start3A_466] : memref<10000x128xf32, #tpu.memory_space<hbm>> -> memref<10000x128xf32, #tpu.memory_space<hbm>>
      %dma_start3A_468 = tpu.memref_slice %arg11[%dma_start3A_457] : memref<4x!tpu.dma_semaphore, #tpu.memory_space<semaphore_mem>> -> memref<1x!tpu.dma_semaphore, #tpu.memory_space<semaphore_mem>>
      %dma_start3A_469 = tpu.memref_squeeze %dma_start3A_468 : memref<1x!tpu.dma_semaphore, #tpu.memory_space<semaphore_mem>> -> memref<!tpu.dma_semaphore, #tpu.memory_space<semaphore_mem>>
      tpu.enqueue_indirect_dma source(%dma_start3A_467 : memref<10000x128xf32, #tpu.memory_space<hbm>>) target(%dma_start3A_461 : memref<80x128xf32, #tpu.memory_space<vmem>>) offsets(%dma_start3A_464 : memref<80xi32, #tpu.memory_space<vmem>>) semaphore(%dma_start3A_469 : memref<!tpu.dma_semaphore, #tpu.memory_space<semaphore_mem>>)
      %dma_wait3A_470 = arith.constant 3 : i32
      %dma_wait3A_471 = arith.constant 3 : i32
      %dma_wait3A_472 = arith.constant 0 : i32
      %dma_wait3A_473 = tpu.memref_slice %arg6[%dma_wait3A_470, %dma_wait3A_472] : memref<4x80xi32, #tpu.memory_space<vmem>> -> memref<1x80xi32, #tpu.memory_space<vmem>>
      %dma_wait3A_474 = tpu.memref_squeeze %dma_wait3A_473 : memref<1x80xi32, #tpu.memory_space<vmem>> -> memref<80xi32, #tpu.memory_space<vmem>>
      %dma_wait3A_475 = arith.constant 0 : i32
      %dma_wait3A_476 = tpu.memref_slice %arg2[%dma_wait3A_475] : memref<640000xi32, #tpu.memory_space<hbm>> -> memref<80xi32, #tpu.memory_space<hbm>>
      %dma_wait3A_477 = tpu.memref_slice %arg9[%dma_wait3A_471] : memref<4x!tpu.dma_semaphore, #tpu.memory_space<semaphore_mem>> -> memref<1x!tpu.dma_semaphore, #tpu.memory_space<semaphore_mem>>
      %dma_wait3A_478 = tpu.memref_squeeze %dma_wait3A_477 : memref<1x!tpu.dma_semaphore, #tpu.memory_space<semaphore_mem>> -> memref<!tpu.dma_semaphore, #tpu.memory_space<semaphore_mem>>
      %dma_wait3A_479 = arith.constant 0 : i32
      %dma_wait3A_480 = tpu.memref_slice %arg6[%dma_wait3A_470, %dma_wait3A_479] : memref<4x80xi32, #tpu.memory_space<vmem>> -> memref<1x80xi32, #tpu.memory_space<vmem>>
      %dma_wait3A_481 = tpu.memref_squeeze %dma_wait3A_480 : memref<1x80xi32, #tpu.memory_space<vmem>> -> memref<80xi32, #tpu.memory_space<vmem>>
      %dma_wait3A_482 = arith.constant 0 : i32
      %dma_wait3A_483 = tpu.memref_slice %arg2[%dma_wait3A_482] : memref<640000xi32, #tpu.memory_space<hbm>> -> memref<80xi32, #tpu.memory_space<hbm>>
      tpu.wait_dma2 semaphore(%dma_wait3A_478 : memref<!tpu.dma_semaphore, #tpu.memory_space<semaphore_mem>>) src(%dma_wait3A_483 : memref<80xi32, #tpu.memory_space<hbm>>) dst(%dma_wait3A_481 : memref<80xi32, #tpu.memory_space<vmem>>)
      %dma_start3A_484 = arith.constant 3 : i32
      %dma_start3A_485 = arith.constant 3 : i32
      %dma_start3A_486 = arith.constant 3 : i32
      %dma_start3A_487 = arith.constant 0 : i32
      %dma_start3A_488 = arith.constant 0 : i32
      %dma_start3A_489 = tpu.memref_slice %arg8[%dma_start3A_485, %dma_start3A_487, %dma_start3A_488] : memref<4x80x128xf32, #tpu.memory_space<vmem>> -> memref<1x80x128xf32, #tpu.memory_space<vmem>>
      %dma_start3A_490 = tpu.memref_squeeze %dma_start3A_489 : memref<1x80x128xf32, #tpu.memory_space<vmem>> -> memref<80x128xf32, #tpu.memory_space<vmem>>
      %dma_start3A_491 = arith.constant 0 : i32
      %dma_start3A_492 = tpu.memref_slice %arg6[%dma_start3A_484, %dma_start3A_491] : memref<4x80xi32, #tpu.memory_space<vmem>> -> memref<1x80xi32, #tpu.memory_space<vmem>>
      %dma_start3A_493 = tpu.memref_squeeze %dma_start3A_492 : memref<1x80xi32, #tpu.memory_space<vmem>> -> memref<80xi32, #tpu.memory_space<vmem>>
      %dma_start3A_494 = arith.constant 0 : i32
      %dma_start3A_495 = arith.constant 0 : i32
      %dma_start3A_496 = tpu.memref_slice %arg3[%dma_start3A_494, %dma_start3A_495] : memref<10000x128xf32, #tpu.memory_space<hbm>> -> memref<10000x128xf32, #tpu.memory_space<hbm>>
      %dma_start3A_497 = tpu.memref_slice %arg11[%dma_start3A_486] : memref<4x!tpu.dma_semaphore, #tpu.memory_space<semaphore_mem>> -> memref<1x!tpu.dma_semaphore, #tpu.memory_space<semaphore_mem>>
      %dma_start3A_498 = tpu.memref_squeeze %dma_start3A_497 : memref<1x!tpu.dma_semaphore, #tpu.memory_space<semaphore_mem>> -> memref<!tpu.dma_semaphore, #tpu.memory_space<semaphore_mem>>
      tpu.enqueue_indirect_dma source(%dma_start3A_496 : memref<10000x128xf32, #tpu.memory_space<hbm>>) target(%dma_start3A_490 : memref<80x128xf32, #tpu.memory_space<vmem>>) offsets(%dma_start3A_493 : memref<80xi32, #tpu.memory_space<vmem>>) semaphore(%dma_start3A_498 : memref<!tpu.dma_semaphore, #tpu.memory_space<semaphore_mem>>)
      %dma_wait3A_499 = arith.constant 0 : i32
      %dma_wait3A_500 = arith.constant 0 : i32
      %dma_wait3A_501 = arith.constant 0 : i32
      %dma_wait3A_502 = arith.constant 0 : i32
      %dma_wait3A_503 = arith.constant 0 : i32
      %dma_wait3A_504 = tpu.memref_slice %arg8[%dma_wait3A_500, %dma_wait3A_502, %dma_wait3A_503] : memref<4x80x128xf32, #tpu.memory_space<vmem>> -> memref<1x80x128xf32, #tpu.memory_space<vmem>>
      %dma_wait3A_505 = tpu.memref_squeeze %dma_wait3A_504 : memref<1x80x128xf32, #tpu.memory_space<vmem>> -> memref<80x128xf32, #tpu.memory_space<vmem>>
      %dma_wait3A_506 = arith.constant 0 : i32
      %dma_wait3A_507 = tpu.memref_slice %arg6[%dma_wait3A_499, %dma_wait3A_506] : memref<4x80xi32, #tpu.memory_space<vmem>> -> memref<1x80xi32, #tpu.memory_space<vmem>>
      %dma_wait3A_508 = tpu.memref_squeeze %dma_wait3A_507 : memref<1x80xi32, #tpu.memory_space<vmem>> -> memref<80xi32, #tpu.memory_space<vmem>>
      %dma_wait3A_509 = arith.constant 0 : i32
      %dma_wait3A_510 = arith.constant 0 : i32
      %dma_wait3A_511 = tpu.memref_slice %arg3[%dma_wait3A_509, %dma_wait3A_510] : memref<10000x128xf32, #tpu.memory_space<hbm>> -> memref<10000x128xf32, #tpu.memory_space<hbm>>
      %dma_wait3A_512 = tpu.memref_slice %arg11[%dma_wait3A_501] : memref<4x!tpu.dma_semaphore, #tpu.memory_space<semaphore_mem>> -> memref<1x!tpu.dma_semaphore, #tpu.memory_space<semaphore_mem>>
      %dma_wait3A_513 = tpu.memref_squeeze %dma_wait3A_512 : memref<1x!tpu.dma_semaphore, #tpu.memory_space<semaphore_mem>> -> memref<!tpu.dma_semaphore, #tpu.memory_space<semaphore_mem>>
      tpu.wait_indirect_dma semaphore(%dma_wait3A_513 : memref<!tpu.dma_semaphore, #tpu.memory_space<semaphore_mem>>) src(%dma_wait3A_511 : memref<10000x128xf32, #tpu.memory_space<hbm>>) dst(%dma_wait3A_505 : memref<80x128xf32, #tpu.memory_space<vmem>>)
      %dma_wait3A_514 = arith.constant 0 : i32
      %dma_wait3A_515 = arith.constant 0 : i32
      %dma_wait3A_516 = arith.constant 0 : i32
      %dma_wait3A_517 = tpu.memref_slice %arg7[%dma_wait3A_514, %dma_wait3A_516] : memref<4x80xi32, #tpu.memory_space<vmem>> -> memref<1x80xi32, #tpu.memory_space<vmem>>
      %dma_wait3A_518 = tpu.memref_squeeze %dma_wait3A_517 : memref<1x80xi32, #tpu.memory_space<vmem>> -> memref<80xi32, #tpu.memory_space<vmem>>
      %dma_wait3A_519 = arith.constant 0 : i32
      %dma_wait3A_520 = tpu.memref_slice %arg2[%dma_wait3A_519] : memref<640000xi32, #tpu.memory_space<hbm>> -> memref<80xi32, #tpu.memory_space<hbm>>
      %dma_wait3A_521 = tpu.memref_slice %arg10[%dma_wait3A_515] : memref<4x!tpu.dma_semaphore, #tpu.memory_space<semaphore_mem>> -> memref<1x!tpu.dma_semaphore, #tpu.memory_space<semaphore_mem>>
      %dma_wait3A_522 = tpu.memref_squeeze %dma_wait3A_521 : memref<1x!tpu.dma_semaphore, #tpu.memory_space<semaphore_mem>> -> memref<!tpu.dma_semaphore, #tpu.memory_space<semaphore_mem>>
      %dma_wait3A_523 = arith.constant 0 : i32
      %dma_wait3A_524 = tpu.memref_slice %arg7[%dma_wait3A_514, %dma_wait3A_523] : memref<4x80xi32, #tpu.memory_space<vmem>> -> memref<1x80xi32, #tpu.memory_space<vmem>>
      %dma_wait3A_525 = tpu.memref_squeeze %dma_wait3A_524 : memref<1x80xi32, #tpu.memory_space<vmem>> -> memref<80xi32, #tpu.memory_space<vmem>>
      %dma_wait3A_526 = arith.constant 0 : i32
      %dma_wait3A_527 = tpu.memref_slice %arg2[%dma_wait3A_526] : memref<640000xi32, #tpu.memory_space<hbm>> -> memref<80xi32, #tpu.memory_space<hbm>>
      tpu.wait_dma2 semaphore(%dma_wait3A_522 : memref<!tpu.dma_semaphore, #tpu.memory_space<semaphore_mem>>) src(%dma_wait3A_527 : memref<80xi32, #tpu.memory_space<hbm>>) dst(%dma_wait3A_525 : memref<80xi32, #tpu.memory_space<vmem>>)
      %dma_start3A_528 = arith.constant 0 : i32
      %dma_start3A_529 = arith.constant 0 : i32
      %dma_start3A_530 = arith.constant 0 : i32
      %dma_start3A_531 = arith.constant 0 : i32
      %dma_start3A_532 = arith.constant 0 : i32
      %dma_start3A_533 = tpu.memref_slice %arg8[%dma_start3A_528, %dma_start3A_531, %dma_start3A_532] : memref<4x80x128xf32, #tpu.memory_space<vmem>> -> memref<1x80x128xf32, #tpu.memory_space<vmem>>
      %dma_start3A_534 = tpu.memref_squeeze %dma_start3A_533 : memref<1x80x128xf32, #tpu.memory_space<vmem>> -> memref<80x128xf32, #tpu.memory_space<vmem>>
      %dma_start3A_535 = arith.constant 0 : i32
      %dma_start3A_536 = tpu.memref_slice %arg7[%dma_start3A_529, %dma_start3A_535] : memref<4x80xi32, #tpu.memory_space<vmem>> -> memref<1x80xi32, #tpu.memory_space<vmem>>
      %dma_start3A_537 = tpu.memref_squeeze %dma_start3A_536 : memref<1x80xi32, #tpu.memory_space<vmem>> -> memref<80xi32, #tpu.memory_space<vmem>>
      %dma_start3A_538 = arith.constant 0 : i32
      %dma_start3A_539 = arith.constant 0 : i32
      %dma_start3A_540 = tpu.memref_slice %arg5[%dma_start3A_538, %dma_start3A_539] : memref<10240x128xf32, #tpu.memory_space<vmem_shared>> -> memref<10240x128xf32, #tpu.memory_space<vmem_shared>>
      %dma_start3A_541 = tpu.memref_slice %arg12[%dma_start3A_530] : memref<4x!tpu.dma_semaphore, #tpu.memory_space<semaphore_mem>> -> memref<1x!tpu.dma_semaphore, #tpu.memory_space<semaphore_mem>>
      %dma_start3A_542 = tpu.memref_squeeze %dma_start3A_541 : memref<1x!tpu.dma_semaphore, #tpu.memory_space<semaphore_mem>> -> memref<!tpu.dma_semaphore, #tpu.memory_space<semaphore_mem>>
      tpu.enqueue_indirect_dma source(%dma_start3A_534 : memref<80x128xf32, #tpu.memory_space<vmem>>) target(%dma_start3A_540 : memref<10240x128xf32, #tpu.memory_space<vmem_shared>>) offsets(%dma_start3A_537 : memref<80xi32, #tpu.memory_space<vmem>>) semaphore(%dma_start3A_542 : memref<!tpu.dma_semaphore, #tpu.memory_space<semaphore_mem>>) {add = true}
      %dma_wait3A_543 = arith.constant 1 : i32
      %dma_wait3A_544 = arith.constant 1 : i32
      %dma_wait3A_545 = arith.constant 1 : i32
      %dma_wait3A_546 = arith.constant 0 : i32
      %dma_wait3A_547 = arith.constant 0 : i32
      %dma_wait3A_548 = tpu.memref_slice %arg8[%dma_wait3A_544, %dma_wait3A_546, %dma_wait3A_547] : memref<4x80x128xf32, #tpu.memory_space<vmem>> -> memref<1x80x128xf32, #tpu.memory_space<vmem>>
      %dma_wait3A_549 = tpu.memref_squeeze %dma_wait3A_548 : memref<1x80x128xf32, #tpu.memory_space<vmem>> -> memref<80x128xf32, #tpu.memory_space<vmem>>
      %dma_wait3A_550 = arith.constant 0 : i32
      %dma_wait3A_551 = tpu.memref_slice %arg6[%dma_wait3A_543, %dma_wait3A_550] : memref<4x80xi32, #tpu.memory_space<vmem>> -> memref<1x80xi32, #tpu.memory_space<vmem>>
      %dma_wait3A_552 = tpu.memref_squeeze %dma_wait3A_551 : memref<1x80xi32, #tpu.memory_space<vmem>> -> memref<80xi32, #tpu.memory_space<vmem>>
      %dma_wait3A_553 = arith.constant 0 : i32
      %dma_wait3A_554 = arith.constant 0 : i32
      %dma_wait3A_555 = tpu.memref_slice %arg3[%dma_wait3A_553, %dma_wait3A_554] : memref<10000x128xf32, #tpu.memory_space<hbm>> -> memref<10000x128xf32, #tpu.memory_space<hbm>>
      %dma_wait3A_556 = tpu.memref_slice %arg11[%dma_wait3A_545] : memref<4x!tpu.dma_semaphore, #tpu.memory_space<semaphore_mem>> -> memref<1x!tpu.dma_semaphore, #tpu.memory_space<semaphore_mem>>
      %dma_wait3A_557 = tpu.memref_squeeze %dma_wait3A_556 : memref<1x!tpu.dma_semaphore, #tpu.memory_space<semaphore_mem>> -> memref<!tpu.dma_semaphore, #tpu.memory_space<semaphore_mem>>
      tpu.wait_indirect_dma semaphore(%dma_wait3A_557 : memref<!tpu.dma_semaphore, #tpu.memory_space<semaphore_mem>>) src(%dma_wait3A_555 : memref<10000x128xf32, #tpu.memory_space<hbm>>) dst(%dma_wait3A_549 : memref<80x128xf32, #tpu.memory_space<vmem>>)
      %dma_wait3A_558 = arith.constant 1 : i32
      %dma_wait3A_559 = arith.constant 1 : i32
      %dma_wait3A_560 = arith.constant 0 : i32
      %dma_wait3A_561 = tpu.memref_slice %arg7[%dma_wait3A_558, %dma_wait3A_560] : memref<4x80xi32, #tpu.memory_space<vmem>> -> memref<1x80xi32, #tpu.memory_space<vmem>>
      %dma_wait3A_562 = tpu.memref_squeeze %dma_wait3A_561 : memref<1x80xi32, #tpu.memory_space<vmem>> -> memref<80xi32, #tpu.memory_space<vmem>>
      %dma_wait3A_563 = arith.constant 0 : i32
      %dma_wait3A_564 = tpu.memref_slice %arg2[%dma_wait3A_563] : memref<640000xi32, #tpu.memory_space<hbm>> -> memref<80xi32, #tpu.memory_space<hbm>>
      %dma_wait3A_565 = tpu.memref_slice %arg10[%dma_wait3A_559] : memref<4x!tpu.dma_semaphore, #tpu.memory_space<semaphore_mem>> -> memref<1x!tpu.dma_semaphore, #tpu.memory_space<semaphore_mem>>
      %dma_wait3A_566 = tpu.memref_squeeze %dma_wait3A_565 : memref<1x!tpu.dma_semaphore, #tpu.memory_space<semaphore_mem>> -> memref<!tpu.dma_semaphore, #tpu.memory_space<semaphore_mem>>
      %dma_wait3A_567 = arith.constant 0 : i32
      %dma_wait3A_568 = tpu.memref_slice %arg7[%dma_wait3A_558, %dma_wait3A_567] : memref<4x80xi32, #tpu.memory_space<vmem>> -> memref<1x80xi32, #tpu.memory_space<vmem>>
      %dma_wait3A_569 = tpu.memref_squeeze %dma_wait3A_568 : memref<1x80xi32, #tpu.memory_space<vmem>> -> memref<80xi32, #tpu.memory_space<vmem>>
      %dma_wait3A_570 = arith.constant 0 : i32
      %dma_wait3A_571 = tpu.memref_slice %arg2[%dma_wait3A_570] : memref<640000xi32, #tpu.memory_space<hbm>> -> memref<80xi32, #tpu.memory_space<hbm>>
      tpu.wait_dma2 semaphore(%dma_wait3A_566 : memref<!tpu.dma_semaphore, #tpu.memory_space<semaphore_mem>>) src(%dma_wait3A_571 : memref<80xi32, #tpu.memory_space<hbm>>) dst(%dma_wait3A_569 : memref<80xi32, #tpu.memory_space<vmem>>)
      %dma_start3A_572 = arith.constant 1 : i32
      %dma_start3A_573 = arith.constant 1 : i32
      %dma_start3A_574 = arith.constant 1 : i32
      %dma_start3A_575 = arith.constant 0 : i32
      %dma_start3A_576 = arith.constant 0 : i32
      %dma_start3A_577 = tpu.memref_slice %arg8[%dma_start3A_572, %dma_start3A_575, %dma_start3A_576] : memref<4x80x128xf32, #tpu.memory_space<vmem>> -> memref<1x80x128xf32, #tpu.memory_space<vmem>>
      %dma_start3A_578 = tpu.memref_squeeze %dma_start3A_577 : memref<1x80x128xf32, #tpu.memory_space<vmem>> -> memref<80x128xf32, #tpu.memory_space<vmem>>
      %dma_start3A_579 = arith.constant 0 : i32
      %dma_start3A_580 = tpu.memref_slice %arg7[%dma_start3A_573, %dma_start3A_579] : memref<4x80xi32, #tpu.memory_space<vmem>> -> memref<1x80xi32, #tpu.memory_space<vmem>>
      %dma_start3A_581 = tpu.memref_squeeze %dma_start3A_580 : memref<1x80xi32, #tpu.memory_space<vmem>> -> memref<80xi32, #tpu.memory_space<vmem>>
      %dma_start3A_582 = arith.constant 0 : i32
      %dma_start3A_583 = arith.constant 0 : i32
      %dma_start3A_584 = tpu.memref_slice %arg5[%dma_start3A_582, %dma_start3A_583] : memref<10240x128xf32, #tpu.memory_space<vmem_shared>> -> memref<10240x128xf32, #tpu.memory_space<vmem_shared>>
      %dma_start3A_585 = tpu.memref_slice %arg12[%dma_start3A_574] : memref<4x!tpu.dma_semaphore, #tpu.memory_space<semaphore_mem>> -> memref<1x!tpu.dma_semaphore, #tpu.memory_space<semaphore_mem>>
      %dma_start3A_586 = tpu.memref_squeeze %dma_start3A_585 : memref<1x!tpu.dma_semaphore, #tpu.memory_space<semaphore_mem>> -> memref<!tpu.dma_semaphore, #tpu.memory_space<semaphore_mem>>
      tpu.enqueue_indirect_dma source(%dma_start3A_578 : memref<80x128xf32, #tpu.memory_space<vmem>>) target(%dma_start3A_584 : memref<10240x128xf32, #tpu.memory_space<vmem_shared>>) offsets(%dma_start3A_581 : memref<80xi32, #tpu.memory_space<vmem>>) semaphore(%dma_start3A_586 : memref<!tpu.dma_semaphore, #tpu.memory_space<semaphore_mem>>) {add = true}
      %dma_wait3A_587 = arith.constant 2 : i32
      %dma_wait3A_588 = arith.constant 2 : i32
      %dma_wait3A_589 = arith.constant 2 : i32
      %dma_wait3A_590 = arith.constant 0 : i32
      %dma_wait3A_591 = arith.constant 0 : i32
      %dma_wait3A_592 = tpu.memref_slice %arg8[%dma_wait3A_588, %dma_wait3A_590, %dma_wait3A_591] : memref<4x80x128xf32, #tpu.memory_space<vmem>> -> memref<1x80x128xf32, #tpu.memory_space<vmem>>
      %dma_wait3A_593 = tpu.memref_squeeze %dma_wait3A_592 : memref<1x80x128xf32, #tpu.memory_space<vmem>> -> memref<80x128xf32, #tpu.memory_space<vmem>>
      %dma_wait3A_594 = arith.constant 0 : i32
      %dma_wait3A_595 = tpu.memref_slice %arg6[%dma_wait3A_587, %dma_wait3A_594] : memref<4x80xi32, #tpu.memory_space<vmem>> -> memref<1x80xi32, #tpu.memory_space<vmem>>
      %dma_wait3A_596 = tpu.memref_squeeze %dma_wait3A_595 : memref<1x80xi32, #tpu.memory_space<vmem>> -> memref<80xi32, #tpu.memory_space<vmem>>
      %dma_wait3A_597 = arith.constant 0 : i32
      %dma_wait3A_598 = arith.constant 0 : i32
      %dma_wait3A_599 = tpu.memref_slice %arg3[%dma_wait3A_597, %dma_wait3A_598] : memref<10000x128xf32, #tpu.memory_space<hbm>> -> memref<10000x128xf32, #tpu.memory_space<hbm>>
      %dma_wait3A_600 = tpu.memref_slice %arg11[%dma_wait3A_589] : memref<4x!tpu.dma_semaphore, #tpu.memory_space<semaphore_mem>> -> memref<1x!tpu.dma_semaphore, #tpu.memory_space<semaphore_mem>>
      %dma_wait3A_601 = tpu.memref_squeeze %dma_wait3A_600 : memref<1x!tpu.dma_semaphore, #tpu.memory_space<semaphore_mem>> -> memref<!tpu.dma_semaphore, #tpu.memory_space<semaphore_mem>>
      tpu.wait_indirect_dma semaphore(%dma_wait3A_601 : memref<!tpu.dma_semaphore, #tpu.memory_space<semaphore_mem>>) src(%dma_wait3A_599 : memref<10000x128xf32, #tpu.memory_space<hbm>>) dst(%dma_wait3A_593 : memref<80x128xf32, #tpu.memory_space<vmem>>)
      %dma_wait3A_602 = arith.constant 2 : i32
      %dma_wait3A_603 = arith.constant 2 : i32
      %dma_wait3A_604 = arith.constant 0 : i32
      %dma_wait3A_605 = tpu.memref_slice %arg7[%dma_wait3A_602, %dma_wait3A_604] : memref<4x80xi32, #tpu.memory_space<vmem>> -> memref<1x80xi32, #tpu.memory_space<vmem>>
      %dma_wait3A_606 = tpu.memref_squeeze %dma_wait3A_605 : memref<1x80xi32, #tpu.memory_space<vmem>> -> memref<80xi32, #tpu.memory_space<vmem>>
      %dma_wait3A_607 = arith.constant 0 : i32
      %dma_wait3A_608 = tpu.memref_slice %arg2[%dma_wait3A_607] : memref<640000xi32, #tpu.memory_space<hbm>> -> memref<80xi32, #tpu.memory_space<hbm>>
      %dma_wait3A_609 = tpu.memref_slice %arg10[%dma_wait3A_603] : memref<4x!tpu.dma_semaphore, #tpu.memory_space<semaphore_mem>> -> memref<1x!tpu.dma_semaphore, #tpu.memory_space<semaphore_mem>>
      %dma_wait3A_610 = tpu.memref_squeeze %dma_wait3A_609 : memref<1x!tpu.dma_semaphore, #tpu.memory_space<semaphore_mem>> -> memref<!tpu.dma_semaphore, #tpu.memory_space<semaphore_mem>>
      %dma_wait3A_611 = arith.constant 0 : i32
      %dma_wait3A_612 = tpu.memref_slice %arg7[%dma_wait3A_602, %dma_wait3A_611] : memref<4x80xi32, #tpu.memory_space<vmem>> -> memref<1x80xi32, #tpu.memory_space<vmem>>
      %dma_wait3A_613 = tpu.memref_squeeze %dma_wait3A_612 : memref<1x80xi32, #tpu.memory_space<vmem>> -> memref<80xi32, #tpu.memory_space<vmem>>
      %dma_wait3A_614 = arith.constant 0 : i32
      %dma_wait3A_615 = tpu.memref_slice %arg2[%dma_wait3A_614] : memref<640000xi32, #tpu.memory_space<hbm>> -> memref<80xi32, #tpu.memory_space<hbm>>
      tpu.wait_dma2 semaphore(%dma_wait3A_610 : memref<!tpu.dma_semaphore, #tpu.memory_space<semaphore_mem>>) src(%dma_wait3A_615 : memref<80xi32, #tpu.memory_space<hbm>>) dst(%dma_wait3A_613 : memref<80xi32, #tpu.memory_space<vmem>>)
      %dma_start3A_616 = arith.constant 2 : i32
      %dma_start3A_617 = arith.constant 2 : i32
      %dma_start3A_618 = arith.constant 2 : i32
      %dma_start3A_619 = arith.constant 0 : i32
      %dma_start3A_620 = arith.constant 0 : i32
      %dma_start3A_621 = tpu.memref_slice %arg8[%dma_start3A_616, %dma_start3A_619, %dma_start3A_620] : memref<4x80x128xf32, #tpu.memory_space<vmem>> -> memref<1x80x128xf32, #tpu.memory_space<vmem>>
      %dma_start3A_622 = tpu.memref_squeeze %dma_start3A_621 : memref<1x80x128xf32, #tpu.memory_space<vmem>> -> memref<80x128xf32, #tpu.memory_space<vmem>>
      %dma_start3A_623 = arith.constant 0 : i32
      %dma_start3A_624 = tpu.memref_slice %arg7[%dma_start3A_617, %dma_start3A_623] : memref<4x80xi32, #tpu.memory_space<vmem>> -> memref<1x80xi32, #tpu.memory_space<vmem>>
      %dma_start3A_625 = tpu.memref_squeeze %dma_start3A_624 : memref<1x80xi32, #tpu.memory_space<vmem>> -> memref<80xi32, #tpu.memory_space<vmem>>
      %dma_start3A_626 = arith.constant 0 : i32
      %dma_start3A_627 = arith.constant 0 : i32
      %dma_start3A_628 = tpu.memref_slice %arg5[%dma_start3A_626, %dma_start3A_627] : memref<10240x128xf32, #tpu.memory_space<vmem_shared>> -> memref<10240x128xf32, #tpu.memory_space<vmem_shared>>
      %dma_start3A_629 = tpu.memref_slice %arg12[%dma_start3A_618] : memref<4x!tpu.dma_semaphore, #tpu.memory_space<semaphore_mem>> -> memref<1x!tpu.dma_semaphore, #tpu.memory_space<semaphore_mem>>
      %dma_start3A_630 = tpu.memref_squeeze %dma_start3A_629 : memref<1x!tpu.dma_semaphore, #tpu.memory_space<semaphore_mem>> -> memref<!tpu.dma_semaphore, #tpu.memory_space<semaphore_mem>>
      tpu.enqueue_indirect_dma source(%dma_start3A_622 : memref<80x128xf32, #tpu.memory_space<vmem>>) target(%dma_start3A_628 : memref<10240x128xf32, #tpu.memory_space<vmem_shared>>) offsets(%dma_start3A_625 : memref<80xi32, #tpu.memory_space<vmem>>) semaphore(%dma_start3A_630 : memref<!tpu.dma_semaphore, #tpu.memory_space<semaphore_mem>>) {add = true}
      %dma_wait3A_631 = arith.constant 3 : i32
      %dma_wait3A_632 = arith.constant 3 : i32
      %dma_wait3A_633 = arith.constant 3 : i32
      %dma_wait3A_634 = arith.constant 0 : i32
      %dma_wait3A_635 = arith.constant 0 : i32
      %dma_wait3A_636 = tpu.memref_slice %arg8[%dma_wait3A_632, %dma_wait3A_634, %dma_wait3A_635] : memref<4x80x128xf32, #tpu.memory_space<vmem>> -> memref<1x80x128xf32, #tpu.memory_space<vmem>>
      %dma_wait3A_637 = tpu.memref_squeeze %dma_wait3A_636 : memref<1x80x128xf32, #tpu.memory_space<vmem>> -> memref<80x128xf32, #tpu.memory_space<vmem>>
      %dma_wait3A_638 = arith.constant 0 : i32
      %dma_wait3A_639 = tpu.memref_slice %arg6[%dma_wait3A_631, %dma_wait3A_638] : memref<4x80xi32, #tpu.memory_space<vmem>> -> memref<1x80xi32, #tpu.memory_space<vmem>>
      %dma_wait3A_640 = tpu.memref_squeeze %dma_wait3A_639 : memref<1x80xi32, #tpu.memory_space<vmem>> -> memref<80xi32, #tpu.memory_space<vmem>>
      %dma_wait3A_641 = arith.constant 0 : i32
      %dma_wait3A_642 = arith.constant 0 : i32
      %dma_wait3A_643 = tpu.memref_slice %arg3[%dma_wait3A_641, %dma_wait3A_642] : memref<10000x128xf32, #tpu.memory_space<hbm>> -> memref<10000x128xf32, #tpu.memory_space<hbm>>
      %dma_wait3A_644 = tpu.memref_slice %arg11[%dma_wait3A_633] : memref<4x!tpu.dma_semaphore, #tpu.memory_space<semaphore_mem>> -> memref<1x!tpu.dma_semaphore, #tpu.memory_space<semaphore_mem>>
      %dma_wait3A_645 = tpu.memref_squeeze %dma_wait3A_644 : memref<1x!tpu.dma_semaphore, #tpu.memory_space<semaphore_mem>> -> memref<!tpu.dma_semaphore, #tpu.memory_space<semaphore_mem>>
      tpu.wait_indirect_dma semaphore(%dma_wait3A_645 : memref<!tpu.dma_semaphore, #tpu.memory_space<semaphore_mem>>) src(%dma_wait3A_643 : memref<10000x128xf32, #tpu.memory_space<hbm>>) dst(%dma_wait3A_637 : memref<80x128xf32, #tpu.memory_space<vmem>>)
      %dma_wait3A_646 = arith.constant 3 : i32
      %dma_wait3A_647 = arith.constant 3 : i32
      %dma_wait3A_648 = arith.constant 0 : i32
      %dma_wait3A_649 = tpu.memref_slice %arg7[%dma_wait3A_646, %dma_wait3A_648] : memref<4x80xi32, #tpu.memory_space<vmem>> -> memref<1x80xi32, #tpu.memory_space<vmem>>
      %dma_wait3A_650 = tpu.memref_squeeze %dma_wait3A_649 : memref<1x80xi32, #tpu.memory_space<vmem>> -> memref<80xi32, #tpu.memory_space<vmem>>
      %dma_wait3A_651 = arith.constant 0 : i32
      %dma_wait3A_652 = tpu.memref_slice %arg2[%dma_wait3A_651] : memref<640000xi32, #tpu.memory_space<hbm>> -> memref<80xi32, #tpu.memory_space<hbm>>
      %dma_wait3A_653 = tpu.memref_slice %arg10[%dma_wait3A_647] : memref<4x!tpu.dma_semaphore, #tpu.memory_space<semaphore_mem>> -> memref<1x!tpu.dma_semaphore, #tpu.memory_space<semaphore_mem>>
      %dma_wait3A_654 = tpu.memref_squeeze %dma_wait3A_653 : memref<1x!tpu.dma_semaphore, #tpu.memory_space<semaphore_mem>> -> memref<!tpu.dma_semaphore, #tpu.memory_space<semaphore_mem>>
      %dma_wait3A_655 = arith.constant 0 : i32
      %dma_wait3A_656 = tpu.memref_slice %arg7[%dma_wait3A_646, %dma_wait3A_655] : memref<4x80xi32, #tpu.memory_space<vmem>> -> memref<1x80xi32, #tpu.memory_space<vmem>>
      %dma_wait3A_657 = tpu.memref_squeeze %dma_wait3A_656 : memref<1x80xi32, #tpu.memory_space<vmem>> -> memref<80xi32, #tpu.memory_space<vmem>>
      %dma_wait3A_658 = arith.constant 0 : i32
      %dma_wait3A_659 = tpu.memref_slice %arg2[%dma_wait3A_658] : memref<640000xi32, #tpu.memory_space<hbm>> -> memref<80xi32, #tpu.memory_space<hbm>>
      tpu.wait_dma2 semaphore(%dma_wait3A_654 : memref<!tpu.dma_semaphore, #tpu.memory_space<semaphore_mem>>) src(%dma_wait3A_659 : memref<80xi32, #tpu.memory_space<hbm>>) dst(%dma_wait3A_657 : memref<80xi32, #tpu.memory_space<vmem>>)
      %dma_start3A_660 = arith.constant 3 : i32
      %dma_start3A_661 = arith.constant 3 : i32
      %dma_start3A_662 = arith.constant 3 : i32
      %dma_start3A_663 = arith.constant 0 : i32
      %dma_start3A_664 = arith.constant 0 : i32
      %dma_start3A_665 = tpu.memref_slice %arg8[%dma_start3A_660, %dma_start3A_663, %dma_start3A_664] : memref<4x80x128xf32, #tpu.memory_space<vmem>> -> memref<1x80x128xf32, #tpu.memory_space<vmem>>
      %dma_start3A_666 = tpu.memref_squeeze %dma_start3A_665 : memref<1x80x128xf32, #tpu.memory_space<vmem>> -> memref<80x128xf32, #tpu.memory_space<vmem>>
      %dma_start3A_667 = arith.constant 0 : i32
      %dma_start3A_668 = tpu.memref_slice %arg7[%dma_start3A_661, %dma_start3A_667] : memref<4x80xi32, #tpu.memory_space<vmem>> -> memref<1x80xi32, #tpu.memory_space<vmem>>
      %dma_start3A_669 = tpu.memref_squeeze %dma_start3A_668 : memref<1x80xi32, #tpu.memory_space<vmem>> -> memref<80xi32, #tpu.memory_space<vmem>>
      %dma_start3A_670 = arith.constant 0 : i32
      %dma_start3A_671 = arith.constant 0 : i32
      %dma_start3A_672 = tpu.memref_slice %arg5[%dma_start3A_670, %dma_start3A_671] : memref<10240x128xf32, #tpu.memory_space<vmem_shared>> -> memref<10240x128xf32, #tpu.memory_space<vmem_shared>>
      %dma_start3A_673 = tpu.memref_slice %arg12[%dma_start3A_662] : memref<4x!tpu.dma_semaphore, #tpu.memory_space<semaphore_mem>> -> memref<1x!tpu.dma_semaphore, #tpu.memory_space<semaphore_mem>>
      %dma_start3A_674 = tpu.memref_squeeze %dma_start3A_673 : memref<1x!tpu.dma_semaphore, #tpu.memory_space<semaphore_mem>> -> memref<!tpu.dma_semaphore, #tpu.memory_space<semaphore_mem>>
      tpu.enqueue_indirect_dma source(%dma_start3A_666 : memref<80x128xf32, #tpu.memory_space<vmem>>) target(%dma_start3A_672 : memref<10240x128xf32, #tpu.memory_space<vmem_shared>>) offsets(%dma_start3A_669 : memref<80xi32, #tpu.memory_space<vmem>>) semaphore(%dma_start3A_674 : memref<!tpu.dma_semaphore, #tpu.memory_space<semaphore_mem>>) {add = true}
    }
    %scan3A_53 = arith.constant 31 : i32
    %dma_wait3A = arith.constant 0 : i32
    %dma_wait3A_54 = arith.constant 0 : i32
    %dma_wait3A_55 = arith.constant 0 : i32
    %dma_wait3A_56 = arith.constant 0 : i32
    %dma_wait3A_57 = arith.constant 0 : i32
    %dma_wait3A_58 = tpu.memref_slice %arg8[%dma_wait3A, %dma_wait3A_56, %dma_wait3A_57] : memref<4x80x128xf32, #tpu.memory_space<vmem>> -> memref<1x80x128xf32, #tpu.memory_space<vmem>>
    %dma_wait3A_59 = tpu.memref_squeeze %dma_wait3A_58 : memref<1x80x128xf32, #tpu.memory_space<vmem>> -> memref<80x128xf32, #tpu.memory_space<vmem>>
    %dma_wait3A_60 = arith.constant 0 : i32
    %dma_wait3A_61 = tpu.memref_slice %arg7[%dma_wait3A_54, %dma_wait3A_60] : memref<4x80xi32, #tpu.memory_space<vmem>> -> memref<1x80xi32, #tpu.memory_space<vmem>>
    %dma_wait3A_62 = tpu.memref_squeeze %dma_wait3A_61 : memref<1x80xi32, #tpu.memory_space<vmem>> -> memref<80xi32, #tpu.memory_space<vmem>>
    %dma_wait3A_63 = arith.constant 0 : i32
    %dma_wait3A_64 = arith.constant 0 : i32
    %dma_wait3A_65 = tpu.memref_slice %arg5[%dma_wait3A_63, %dma_wait3A_64] : memref<10240x128xf32, #tpu.memory_space<vmem_shared>> -> memref<10240x128xf32, #tpu.memory_space<vmem_shared>>
    %dma_wait3A_66 = tpu.memref_slice %arg12[%dma_wait3A_55] : memref<4x!tpu.dma_semaphore, #tpu.memory_space<semaphore_mem>> -> memref<1x!tpu.dma_semaphore, #tpu.memory_space<semaphore_mem>>
    %dma_wait3A_67 = tpu.memref_squeeze %dma_wait3A_66 : memref<1x!tpu.dma_semaphore, #tpu.memory_space<semaphore_mem>> -> memref<!tpu.dma_semaphore, #tpu.memory_space<semaphore_mem>>
    tpu.wait_indirect_dma semaphore(%dma_wait3A_67 : memref<!tpu.dma_semaphore, #tpu.memory_space<semaphore_mem>>) src(%dma_wait3A_59 : memref<80x128xf32, #tpu.memory_space<vmem>>) dst(%dma_wait3A_65 : memref<10240x128xf32, #tpu.memory_space<vmem_shared>>)
    %add3A_68 = arith.constant 9920 : i32
    %add3A_69 = arith.addi %mul3A_2, %add3A_68 : i32
    %dma_start3A = arith.constant 0 : i32
    %dma_start3A_70 = arith.constant 0 : i32
    %dma_start3A_71 = arith.constant 0 : i32
    %dma_start3A_72 = tpu.memref_slice %arg6[%dma_start3A, %dma_start3A_71] : memref<4x80xi32, #tpu.memory_space<vmem>> -> memref<1x80xi32, #tpu.memory_space<vmem>>
    %dma_start3A_73 = tpu.memref_squeeze %dma_start3A_72 : memref<1x80xi32, #tpu.memory_space<vmem>> -> memref<80xi32, #tpu.memory_space<vmem>>
    %dma_start3A_74 = tpu.memref_slice %arg2[%add3A_69] : memref<640000xi32, #tpu.memory_space<hbm>> -> memref<80xi32, #tpu.memory_space<hbm>>
    %dma_start3A_75 = tpu.memref_slice %arg9[%dma_start3A_70] : memref<4x!tpu.dma_semaphore, #tpu.memory_space<semaphore_mem>> -> memref<1x!tpu.dma_semaphore, #tpu.memory_space<semaphore_mem>>
    %dma_start3A_76 = tpu.memref_squeeze %dma_start3A_75 : memref<1x!tpu.dma_semaphore, #tpu.memory_space<semaphore_mem>> -> memref<!tpu.dma_semaphore, #tpu.memory_space<semaphore_mem>>
    %dma_start3A_77 = arith.constant 0 : i32
    %dma_start3A_78 = tpu.memref_slice %arg6[%dma_start3A, %dma_start3A_77] : memref<4x80xi32, #tpu.memory_space<vmem>> -> memref<1x80xi32, #tpu.memory_space<vmem>>
    %dma_start3A_79 = tpu.memref_squeeze %dma_start3A_78 : memref<1x80xi32, #tpu.memory_space<vmem>> -> memref<80xi32, #tpu.memory_space<vmem>>
    %dma_start3A_80 = tpu.memref_slice %arg2[%add3A_69] : memref<640000xi32, #tpu.memory_space<hbm>> -> memref<80xi32, #tpu.memory_space<hbm>>
    tpu.enqueue_dma source(%dma_start3A_80 : memref<80xi32, #tpu.memory_space<hbm>>) target(%dma_start3A_79 : memref<80xi32, #tpu.memory_space<vmem>>) target_semaphore(%dma_start3A_76 : memref<!tpu.dma_semaphore, #tpu.memory_space<semaphore_mem>>)
    %add3A_81 = arith.constant 320000 : i32
    %add3A_82 = arith.addi %add3A_81, %add3A_69 : i32
    %dma_start3A_83 = arith.constant 0 : i32
    %dma_start3A_84 = arith.constant 0 : i32
    %dma_start3A_85 = arith.constant 0 : i32
    %dma_start3A_86 = tpu.memref_slice %arg7[%dma_start3A_83, %dma_start3A_85] : memref<4x80xi32, #tpu.memory_space<vmem>> -> memref<1x80xi32, #tpu.memory_space<vmem>>
    %dma_start3A_87 = tpu.memref_squeeze %dma_start3A_86 : memref<1x80xi32, #tpu.memory_space<vmem>> -> memref<80xi32, #tpu.memory_space<vmem>>
    %dma_start3A_88 = tpu.memref_slice %arg2[%add3A_82] : memref<640000xi32, #tpu.memory_space<hbm>> -> memref<80xi32, #tpu.memory_space<hbm>>
    %dma_start3A_89 = tpu.memref_slice %arg10[%dma_start3A_84] : memref<4x!tpu.dma_semaphore, #tpu.memory_space<semaphore_mem>> -> memref<1x!tpu.dma_semaphore, #tpu.memory_space<semaphore_mem>>
    %dma_start3A_90 = tpu.memref_squeeze %dma_start3A_89 : memref<1x!tpu.dma_semaphore, #tpu.memory_space<semaphore_mem>> -> memref<!tpu.dma_semaphore, #tpu.memory_space<semaphore_mem>>
    %dma_start3A_91 = arith.constant 0 : i32
    %dma_start3A_92 = tpu.memref_slice %arg7[%dma_start3A_83, %dma_start3A_91] : memref<4x80xi32, #tpu.memory_space<vmem>> -> memref<1x80xi32, #tpu.memory_space<vmem>>
    %dma_start3A_93 = tpu.memref_squeeze %dma_start3A_92 : memref<1x80xi32, #tpu.memory_space<vmem>> -> memref<80xi32, #tpu.memory_space<vmem>>
    %dma_start3A_94 = tpu.memref_slice %arg2[%add3A_82] : memref<640000xi32, #tpu.memory_space<hbm>> -> memref<80xi32, #tpu.memory_space<hbm>>
    tpu.enqueue_dma source(%dma_start3A_94 : memref<80xi32, #tpu.memory_space<hbm>>) target(%dma_start3A_93 : memref<80xi32, #tpu.memory_space<vmem>>) target_semaphore(%dma_start3A_90 : memref<!tpu.dma_semaphore, #tpu.memory_space<semaphore_mem>>)
    %dma_wait3A_95 = arith.constant 0 : i32
    %dma_wait3A_96 = arith.constant 0 : i32
    %dma_wait3A_97 = arith.constant 0 : i32
    %dma_wait3A_98 = tpu.memref_slice %arg6[%dma_wait3A_95, %dma_wait3A_97] : memref<4x80xi32, #tpu.memory_space<vmem>> -> memref<1x80xi32, #tpu.memory_space<vmem>>
    %dma_wait3A_99 = tpu.memref_squeeze %dma_wait3A_98 : memref<1x80xi32, #tpu.memory_space<vmem>> -> memref<80xi32, #tpu.memory_space<vmem>>
    %dma_wait3A_100 = arith.constant 0 : i32
    %dma_wait3A_101 = tpu.memref_slice %arg2[%dma_wait3A_100] : memref<640000xi32, #tpu.memory_space<hbm>> -> memref<80xi32, #tpu.memory_space<hbm>>
    %dma_wait3A_102 = tpu.memref_slice %arg9[%dma_wait3A_96] : memref<4x!tpu.dma_semaphore, #tpu.memory_space<semaphore_mem>> -> memref<1x!tpu.dma_semaphore, #tpu.memory_space<semaphore_mem>>
    %dma_wait3A_103 = tpu.memref_squeeze %dma_wait3A_102 : memref<1x!tpu.dma_semaphore, #tpu.memory_space<semaphore_mem>> -> memref<!tpu.dma_semaphore, #tpu.memory_space<semaphore_mem>>
    %dma_wait3A_104 = arith.constant 0 : i32
    %dma_wait3A_105 = tpu.memref_slice %arg6[%dma_wait3A_95, %dma_wait3A_104] : memref<4x80xi32, #tpu.memory_space<vmem>> -> memref<1x80xi32, #tpu.memory_space<vmem>>
    %dma_wait3A_106 = tpu.memref_squeeze %dma_wait3A_105 : memref<1x80xi32, #tpu.memory_space<vmem>> -> memref<80xi32, #tpu.memory_space<vmem>>
    %dma_wait3A_107 = arith.constant 0 : i32
    %dma_wait3A_108 = tpu.memref_slice %arg2[%dma_wait3A_107] : memref<640000xi32, #tpu.memory_space<hbm>> -> memref<80xi32, #tpu.memory_space<hbm>>
    tpu.wait_dma2 semaphore(%dma_wait3A_103 : memref<!tpu.dma_semaphore, #tpu.memory_space<semaphore_mem>>) src(%dma_wait3A_108 : memref<80xi32, #tpu.memory_space<hbm>>) dst(%dma_wait3A_106 : memref<80xi32, #tpu.memory_space<vmem>>)
    %dma_start3A_109 = arith.constant 0 : i32
    %dma_start3A_110 = arith.constant 0 : i32
    %dma_start3A_111 = arith.constant 0 : i32
    %dma_start3A_112 = arith.constant 0 : i32
    %dma_start3A_113 = arith.constant 0 : i32
    %dma_start3A_114 = tpu.memref_slice %arg8[%dma_start3A_110, %dma_start3A_112, %dma_start3A_113] : memref<4x80x128xf32, #tpu.memory_space<vmem>> -> memref<1x80x128xf32, #tpu.memory_space<vmem>>
    %dma_start3A_115 = tpu.memref_squeeze %dma_start3A_114 : memref<1x80x128xf32, #tpu.memory_space<vmem>> -> memref<80x128xf32, #tpu.memory_space<vmem>>
    %dma_start3A_116 = arith.constant 0 : i32
    %dma_start3A_117 = tpu.memref_slice %arg6[%dma_start3A_109, %dma_start3A_116] : memref<4x80xi32, #tpu.memory_space<vmem>> -> memref<1x80xi32, #tpu.memory_space<vmem>>
    %dma_start3A_118 = tpu.memref_squeeze %dma_start3A_117 : memref<1x80xi32, #tpu.memory_space<vmem>> -> memref<80xi32, #tpu.memory_space<vmem>>
    %dma_start3A_119 = arith.constant 0 : i32
    %dma_start3A_120 = arith.constant 0 : i32
    %dma_start3A_121 = tpu.memref_slice %arg3[%dma_start3A_119, %dma_start3A_120] : memref<10000x128xf32, #tpu.memory_space<hbm>> -> memref<10000x128xf32, #tpu.memory_space<hbm>>
    %dma_start3A_122 = tpu.memref_slice %arg11[%dma_start3A_111] : memref<4x!tpu.dma_semaphore, #tpu.memory_space<semaphore_mem>> -> memref<1x!tpu.dma_semaphore, #tpu.memory_space<semaphore_mem>>
    %dma_start3A_123 = tpu.memref_squeeze %dma_start3A_122 : memref<1x!tpu.dma_semaphore, #tpu.memory_space<semaphore_mem>> -> memref<!tpu.dma_semaphore, #tpu.memory_space<semaphore_mem>>
    tpu.enqueue_indirect_dma source(%dma_start3A_121 : memref<10000x128xf32, #tpu.memory_space<hbm>>) target(%dma_start3A_115 : memref<80x128xf32, #tpu.memory_space<vmem>>) offsets(%dma_start3A_118 : memref<80xi32, #tpu.memory_space<vmem>>) semaphore(%dma_start3A_123 : memref<!tpu.dma_semaphore, #tpu.memory_space<semaphore_mem>>)
    %dma_wait3A_124 = arith.constant 0 : i32
    %dma_wait3A_125 = arith.constant 0 : i32
    %dma_wait3A_126 = arith.constant 0 : i32
    %dma_wait3A_127 = arith.constant 0 : i32
    %dma_wait3A_128 = arith.constant 0 : i32
    %dma_wait3A_129 = tpu.memref_slice %arg8[%dma_wait3A_125, %dma_wait3A_127, %dma_wait3A_128] : memref<4x80x128xf32, #tpu.memory_space<vmem>> -> memref<1x80x128xf32, #tpu.memory_space<vmem>>
    %dma_wait3A_130 = tpu.memref_squeeze %dma_wait3A_129 : memref<1x80x128xf32, #tpu.memory_space<vmem>> -> memref<80x128xf32, #tpu.memory_space<vmem>>
    %dma_wait3A_131 = arith.constant 0 : i32
    %dma_wait3A_132 = tpu.memref_slice %arg6[%dma_wait3A_124, %dma_wait3A_131] : memref<4x80xi32, #tpu.memory_space<vmem>> -> memref<1x80xi32, #tpu.memory_space<vmem>>
    %dma_wait3A_133 = tpu.memref_squeeze %dma_wait3A_132 : memref<1x80xi32, #tpu.memory_space<vmem>> -> memref<80xi32, #tpu.memory_space<vmem>>
    %dma_wait3A_134 = arith.constant 0 : i32
    %dma_wait3A_135 = arith.constant 0 : i32
    %dma_wait3A_136 = tpu.memref_slice %arg3[%dma_wait3A_134, %dma_wait3A_135] : memref<10000x128xf32, #tpu.memory_space<hbm>> -> memref<10000x128xf32, #tpu.memory_space<hbm>>
    %dma_wait3A_137 = tpu.memref_slice %arg11[%dma_wait3A_126] : memref<4x!tpu.dma_semaphore, #tpu.memory_space<semaphore_mem>> -> memref<1x!tpu.dma_semaphore, #tpu.memory_space<semaphore_mem>>
    %dma_wait3A_138 = tpu.memref_squeeze %dma_wait3A_137 : memref<1x!tpu.dma_semaphore, #tpu.memory_space<semaphore_mem>> -> memref<!tpu.dma_semaphore, #tpu.memory_space<semaphore_mem>>
    tpu.wait_indirect_dma semaphore(%dma_wait3A_138 : memref<!tpu.dma_semaphore, #tpu.memory_space<semaphore_mem>>) src(%dma_wait3A_136 : memref<10000x128xf32, #tpu.memory_space<hbm>>) dst(%dma_wait3A_130 : memref<80x128xf32, #tpu.memory_space<vmem>>)
    %dma_wait3A_139 = arith.constant 0 : i32
    %dma_wait3A_140 = arith.constant 0 : i32
    %dma_wait3A_141 = arith.constant 0 : i32
    %dma_wait3A_142 = tpu.memref_slice %arg7[%dma_wait3A_139, %dma_wait3A_141] : memref<4x80xi32, #tpu.memory_space<vmem>> -> memref<1x80xi32, #tpu.memory_space<vmem>>
    %dma_wait3A_143 = tpu.memref_squeeze %dma_wait3A_142 : memref<1x80xi32, #tpu.memory_space<vmem>> -> memref<80xi32, #tpu.memory_space<vmem>>
    %dma_wait3A_144 = arith.constant 0 : i32
    %dma_wait3A_145 = tpu.memref_slice %arg2[%dma_wait3A_144] : memref<640000xi32, #tpu.memory_space<hbm>> -> memref<80xi32, #tpu.memory_space<hbm>>
    %dma_wait3A_146 = tpu.memref_slice %arg10[%dma_wait3A_140] : memref<4x!tpu.dma_semaphore, #tpu.memory_space<semaphore_mem>> -> memref<1x!tpu.dma_semaphore, #tpu.memory_space<semaphore_mem>>
    %dma_wait3A_147 = tpu.memref_squeeze %dma_wait3A_146 : memref<1x!tpu.dma_semaphore, #tpu.memory_space<semaphore_mem>> -> memref<!tpu.dma_semaphore, #tpu.memory_space<semaphore_mem>>
    %dma_wait3A_148 = arith.constant 0 : i32
    %dma_wait3A_149 = tpu.memref_slice %arg7[%dma_wait3A_139, %dma_wait3A_148] : memref<4x80xi32, #tpu.memory_space<vmem>> -> memref<1x80xi32, #tpu.memory_space<vmem>>
    %dma_wait3A_150 = tpu.memref_squeeze %dma_wait3A_149 : memref<1x80xi32, #tpu.memory_space<vmem>> -> memref<80xi32, #tpu.memory_space<vmem>>
    %dma_wait3A_151 = arith.constant 0 : i32
    %dma_wait3A_152 = tpu.memref_slice %arg2[%dma_wait3A_151] : memref<640000xi32, #tpu.memory_space<hbm>> -> memref<80xi32, #tpu.memory_space<hbm>>
    tpu.wait_dma2 semaphore(%dma_wait3A_147 : memref<!tpu.dma_semaphore, #tpu.memory_space<semaphore_mem>>) src(%dma_wait3A_152 : memref<80xi32, #tpu.memory_space<hbm>>) dst(%dma_wait3A_150 : memref<80xi32, #tpu.memory_space<vmem>>)
    %dma_start3A_153 = arith.constant 0 : i32
    %dma_start3A_154 = arith.constant 0 : i32
    %dma_start3A_155 = arith.constant 0 : i32
    %dma_start3A_156 = arith.constant 0 : i32
    %dma_start3A_157 = arith.constant 0 : i32
    %dma_start3A_158 = tpu.memref_slice %arg8[%dma_start3A_153, %dma_start3A_156, %dma_start3A_157] : memref<4x80x128xf32, #tpu.memory_space<vmem>> -> memref<1x80x128xf32, #tpu.memory_space<vmem>>
    %dma_start3A_159 = tpu.memref_squeeze %dma_start3A_158 : memref<1x80x128xf32, #tpu.memory_space<vmem>> -> memref<80x128xf32, #tpu.memory_space<vmem>>
    %dma_start3A_160 = arith.constant 0 : i32
    %dma_start3A_161 = tpu.memref_slice %arg7[%dma_start3A_154, %dma_start3A_160] : memref<4x80xi32, #tpu.memory_space<vmem>> -> memref<1x80xi32, #tpu.memory_space<vmem>>
    %dma_start3A_162 = tpu.memref_squeeze %dma_start3A_161 : memref<1x80xi32, #tpu.memory_space<vmem>> -> memref<80xi32, #tpu.memory_space<vmem>>
    %dma_start3A_163 = arith.constant 0 : i32
    %dma_start3A_164 = arith.constant 0 : i32
    %dma_start3A_165 = tpu.memref_slice %arg5[%dma_start3A_163, %dma_start3A_164] : memref<10240x128xf32, #tpu.memory_space<vmem_shared>> -> memref<10240x128xf32, #tpu.memory_space<vmem_shared>>
    %dma_start3A_166 = tpu.memref_slice %arg12[%dma_start3A_155] : memref<4x!tpu.dma_semaphore, #tpu.memory_space<semaphore_mem>> -> memref<1x!tpu.dma_semaphore, #tpu.memory_space<semaphore_mem>>
    %dma_start3A_167 = tpu.memref_squeeze %dma_start3A_166 : memref<1x!tpu.dma_semaphore, #tpu.memory_space<semaphore_mem>> -> memref<!tpu.dma_semaphore, #tpu.memory_space<semaphore_mem>>
    tpu.enqueue_indirect_dma source(%dma_start3A_159 : memref<80x128xf32, #tpu.memory_space<vmem>>) target(%dma_start3A_165 : memref<10240x128xf32, #tpu.memory_space<vmem_shared>>) offsets(%dma_start3A_162 : memref<80xi32, #tpu.memory_space<vmem>>) semaphore(%dma_start3A_167 : memref<!tpu.dma_semaphore, #tpu.memory_space<semaphore_mem>>) {add = true}
    %dma_wait3A_168 = arith.constant 0 : i32
    %dma_wait3A_169 = arith.constant 0 : i32
    %dma_wait3A_170 = arith.constant 0 : i32
    %dma_wait3A_171 = arith.constant 0 : i32
    %dma_wait3A_172 = arith.constant 0 : i32
    %dma_wait3A_173 = tpu.memref_slice %arg8[%dma_wait3A_168, %dma_wait3A_171, %dma_wait3A_172] : memref<4x80x128xf32, #tpu.memory_space<vmem>> -> memref<1x80x128xf32, #tpu.memory_space<vmem>>
    %dma_wait3A_174 = tpu.memref_squeeze %dma_wait3A_173 : memref<1x80x128xf32, #tpu.memory_space<vmem>> -> memref<80x128xf32, #tpu.memory_space<vmem>>
    %dma_wait3A_175 = arith.constant 0 : i32
    %dma_wait3A_176 = tpu.memref_slice %arg7[%dma_wait3A_169, %dma_wait3A_175] : memref<4x80xi32, #tpu.memory_space<vmem>> -> memref<1x80xi32, #tpu.memory_space<vmem>>
    %dma_wait3A_177 = tpu.memref_squeeze %dma_wait3A_176 : memref<1x80xi32, #tpu.memory_space<vmem>> -> memref<80xi32, #tpu.memory_space<vmem>>
    %dma_wait3A_178 = arith.constant 0 : i32
    %dma_wait3A_179 = arith.constant 0 : i32
    %dma_wait3A_180 = tpu.memref_slice %arg5[%dma_wait3A_178, %dma_wait3A_179] : memref<10240x128xf32, #tpu.memory_space<vmem_shared>> -> memref<10240x128xf32, #tpu.memory_space<vmem_shared>>
    %dma_wait3A_181 = tpu.memref_slice %arg12[%dma_wait3A_170] : memref<4x!tpu.dma_semaphore, #tpu.memory_space<semaphore_mem>> -> memref<1x!tpu.dma_semaphore, #tpu.memory_space<semaphore_mem>>
    %dma_wait3A_182 = tpu.memref_squeeze %dma_wait3A_181 : memref<1x!tpu.dma_semaphore, #tpu.memory_space<semaphore_mem>> -> memref<!tpu.dma_semaphore, #tpu.memory_space<semaphore_mem>>
    tpu.wait_indirect_dma semaphore(%dma_wait3A_182 : memref<!tpu.dma_semaphore, #tpu.memory_space<semaphore_mem>>) src(%dma_wait3A_174 : memref<80x128xf32, #tpu.memory_space<vmem>>) dst(%dma_wait3A_180 : memref<10240x128xf32, #tpu.memory_space<vmem_shared>>)
    %dma_wait3A_183 = arith.constant 1 : i32
    %dma_wait3A_184 = arith.constant 1 : i32
    %dma_wait3A_185 = arith.constant 1 : i32
    %dma_wait3A_186 = arith.constant 0 : i32
    %dma_wait3A_187 = arith.constant 0 : i32
    %dma_wait3A_188 = tpu.memref_slice %arg8[%dma_wait3A_183, %dma_wait3A_186, %dma_wait3A_187] : memref<4x80x128xf32, #tpu.memory_space<vmem>> -> memref<1x80x128xf32, #tpu.memory_space<vmem>>
    %dma_wait3A_189 = tpu.memref_squeeze %dma_wait3A_188 : memref<1x80x128xf32, #tpu.memory_space<vmem>> -> memref<80x128xf32, #tpu.memory_space<vmem>>
    %dma_wait3A_190 = arith.constant 0 : i32
    %dma_wait3A_191 = tpu.memref_slice %arg7[%dma_wait3A_184, %dma_wait3A_190] : memref<4x80xi32, #tpu.memory_space<vmem>> -> memref<1x80xi32, #tpu.memory_space<vmem>>
    %dma_wait3A_192 = tpu.memref_squeeze %dma_wait3A_191 : memref<1x80xi32, #tpu.memory_space<vmem>> -> memref<80xi32, #tpu.memory_space<vmem>>
    %dma_wait3A_193 = arith.constant 0 : i32
    %dma_wait3A_194 = arith.constant 0 : i32
    %dma_wait3A_195 = tpu.memref_slice %arg5[%dma_wait3A_193, %dma_wait3A_194] : memref<10240x128xf32, #tpu.memory_space<vmem_shared>> -> memref<10240x128xf32, #tpu.memory_space<vmem_shared>>
    %dma_wait3A_196 = tpu.memref_slice %arg12[%dma_wait3A_185] : memref<4x!tpu.dma_semaphore, #tpu.memory_space<semaphore_mem>> -> memref<1x!tpu.dma_semaphore, #tpu.memory_space<semaphore_mem>>
    %dma_wait3A_197 = tpu.memref_squeeze %dma_wait3A_196 : memref<1x!tpu.dma_semaphore, #tpu.memory_space<semaphore_mem>> -> memref<!tpu.dma_semaphore, #tpu.memory_space<semaphore_mem>>
    tpu.wait_indirect_dma semaphore(%dma_wait3A_197 : memref<!tpu.dma_semaphore, #tpu.memory_space<semaphore_mem>>) src(%dma_wait3A_189 : memref<80x128xf32, #tpu.memory_space<vmem>>) dst(%dma_wait3A_195 : memref<10240x128xf32, #tpu.memory_space<vmem_shared>>)
    %dma_wait3A_198 = arith.constant 2 : i32
    %dma_wait3A_199 = arith.constant 2 : i32
    %dma_wait3A_200 = arith.constant 2 : i32
    %dma_wait3A_201 = arith.constant 0 : i32
    %dma_wait3A_202 = arith.constant 0 : i32
    %dma_wait3A_203 = tpu.memref_slice %arg8[%dma_wait3A_198, %dma_wait3A_201, %dma_wait3A_202] : memref<4x80x128xf32, #tpu.memory_space<vmem>> -> memref<1x80x128xf32, #tpu.memory_space<vmem>>
    %dma_wait3A_204 = tpu.memref_squeeze %dma_wait3A_203 : memref<1x80x128xf32, #tpu.memory_space<vmem>> -> memref<80x128xf32, #tpu.memory_space<vmem>>
    %dma_wait3A_205 = arith.constant 0 : i32
    %dma_wait3A_206 = tpu.memref_slice %arg7[%dma_wait3A_199, %dma_wait3A_205] : memref<4x80xi32, #tpu.memory_space<vmem>> -> memref<1x80xi32, #tpu.memory_space<vmem>>
    %dma_wait3A_207 = tpu.memref_squeeze %dma_wait3A_206 : memref<1x80xi32, #tpu.memory_space<vmem>> -> memref<80xi32, #tpu.memory_space<vmem>>
    %dma_wait3A_208 = arith.constant 0 : i32
    %dma_wait3A_209 = arith.constant 0 : i32
    %dma_wait3A_210 = tpu.memref_slice %arg5[%dma_wait3A_208, %dma_wait3A_209] : memref<10240x128xf32, #tpu.memory_space<vmem_shared>> -> memref<10240x128xf32, #tpu.memory_space<vmem_shared>>
    %dma_wait3A_211 = tpu.memref_slice %arg12[%dma_wait3A_200] : memref<4x!tpu.dma_semaphore, #tpu.memory_space<semaphore_mem>> -> memref<1x!tpu.dma_semaphore, #tpu.memory_space<semaphore_mem>>
    %dma_wait3A_212 = tpu.memref_squeeze %dma_wait3A_211 : memref<1x!tpu.dma_semaphore, #tpu.memory_space<semaphore_mem>> -> memref<!tpu.dma_semaphore, #tpu.memory_space<semaphore_mem>>
    tpu.wait_indirect_dma semaphore(%dma_wait3A_212 : memref<!tpu.dma_semaphore, #tpu.memory_space<semaphore_mem>>) src(%dma_wait3A_204 : memref<80x128xf32, #tpu.memory_space<vmem>>) dst(%dma_wait3A_210 : memref<10240x128xf32, #tpu.memory_space<vmem_shared>>)
    %dma_wait3A_213 = arith.constant 3 : i32
    %dma_wait3A_214 = arith.constant 3 : i32
    %dma_wait3A_215 = arith.constant 3 : i32
    %dma_wait3A_216 = arith.constant 0 : i32
    %dma_wait3A_217 = arith.constant 0 : i32
    %dma_wait3A_218 = tpu.memref_slice %arg8[%dma_wait3A_213, %dma_wait3A_216, %dma_wait3A_217] : memref<4x80x128xf32, #tpu.memory_space<vmem>> -> memref<1x80x128xf32, #tpu.memory_space<vmem>>
    %dma_wait3A_219 = tpu.memref_squeeze %dma_wait3A_218 : memref<1x80x128xf32, #tpu.memory_space<vmem>> -> memref<80x128xf32, #tpu.memory_space<vmem>>
    %dma_wait3A_220 = arith.constant 0 : i32
    %dma_wait3A_221 = tpu.memref_slice %arg7[%dma_wait3A_214, %dma_wait3A_220] : memref<4x80xi32, #tpu.memory_space<vmem>> -> memref<1x80xi32, #tpu.memory_space<vmem>>
    %dma_wait3A_222 = tpu.memref_squeeze %dma_wait3A_221 : memref<1x80xi32, #tpu.memory_space<vmem>> -> memref<80xi32, #tpu.memory_space<vmem>>
    %dma_wait3A_223 = arith.constant 0 : i32
    %dma_wait3A_224 = arith.constant 0 : i32
    %dma_wait3A_225 = tpu.memref_slice %arg5[%dma_wait3A_223, %dma_wait3A_224] : memref<10240x128xf32, #tpu.memory_space<vmem_shared>> -> memref<10240x128xf32, #tpu.memory_space<vmem_shared>>
    %dma_wait3A_226 = tpu.memref_slice %arg12[%dma_wait3A_215] : memref<4x!tpu.dma_semaphore, #tpu.memory_space<semaphore_mem>> -> memref<1x!tpu.dma_semaphore, #tpu.memory_space<semaphore_mem>>
    %dma_wait3A_227 = tpu.memref_squeeze %dma_wait3A_226 : memref<1x!tpu.dma_semaphore, #tpu.memory_space<semaphore_mem>> -> memref<!tpu.dma_semaphore, #tpu.memory_space<semaphore_mem>>
    tpu.wait_indirect_dma semaphore(%dma_wait3A_227 : memref<!tpu.dma_semaphore, #tpu.memory_space<semaphore_mem>>) src(%dma_wait3A_219 : memref<80x128xf32, #tpu.memory_space<vmem>>) dst(%dma_wait3A_225 : memref<10240x128xf32, #tpu.memory_space<vmem_shared>>)
    %barrier3A_228 = arith.constant 0 : index
    tpu.barrier barrier_id(%barrier3A_228)
    %mul3A_229 = arith.constant 640 : i32
    %mul3A_230 = arith.muli %arg1, %mul3A_229 : i32
    %mul3A_231 = arith.constant 640 : i32
    %mul3A_232 = arith.muli %arg1, %mul3A_231 : i32
    "tpu.region"() ({
      %run_scoped3A_233 = tpu.sem_alloc : memref<!tpu.dma_semaphore, #tpu.memory_space<semaphore_mem>>
      %dma_start3A_234 = arith.constant 0 : i32
      %dma_start3A_235 = arith.constant 0 : i32
      %dma_start3A_236 = tpu.memref_slice %arg4[%arg0, %dma_start3A_234, %dma_start3A_235] : memref<2x10240x128xf32, #tpu.memory_space<hbm>> -> memref<1x10240x128xf32, #tpu.memory_space<hbm>>
      %dma_start3A_237 = tpu.memref_squeeze %dma_start3A_236 : memref<1x10240x128xf32, #tpu.memory_space<hbm>> -> memref<10240x128xf32, #tpu.memory_space<hbm>>
      %dma_start3A_238 = arith.constant 0 : i32
      %dma_start3A_239 = tpu.memref_slice %dma_start3A_237[%mul3A_232, %dma_start3A_238] : memref<10240x128xf32, #tpu.memory_space<hbm>> -> memref<640x128xf32, #tpu.memory_space<hbm>>
      %dma_start3A_240 = arith.constant 0 : i32
      %dma_start3A_241 = tpu.memref_slice %arg5[%mul3A_230, %dma_start3A_240] : memref<10240x128xf32, #tpu.memory_space<vmem_shared>> -> memref<640x128xf32, #tpu.memory_space<vmem_shared>>
      tpu.enqueue_dma source(%dma_start3A_241 : memref<640x128xf32, #tpu.memory_space<vmem_shared>>) target(%dma_start3A_239 : memref<640x128xf32, #tpu.memory_space<hbm>>) target_semaphore(%run_scoped3A_233 : memref<!tpu.dma_semaphore, #tpu.memory_space<semaphore_mem>>)
      %dma_wait3A_242 = arith.constant 0 : i32
      %dma_wait3A_243 = arith.constant 0 : i32
      %dma_wait3A_244 = tpu.memref_slice %arg4[%arg0, %dma_wait3A_242, %dma_wait3A_243] : memref<2x10240x128xf32, #tpu.memory_space<hbm>> -> memref<1x10240x128xf32, #tpu.memory_space<hbm>>
      %dma_wait3A_245 = tpu.memref_squeeze %dma_wait3A_244 : memref<1x10240x128xf32, #tpu.memory_space<hbm>> -> memref<10240x128xf32, #tpu.memory_space<hbm>>
      %dma_wait3A_246 = arith.constant 0 : i32
      %dma_wait3A_247 = tpu.memref_slice %dma_wait3A_245[%mul3A_232, %dma_wait3A_246] : memref<10240x128xf32, #tpu.memory_space<hbm>> -> memref<640x128xf32, #tpu.memory_space<hbm>>
      %dma_wait3A_248 = arith.constant 0 : i32
      %dma_wait3A_249 = tpu.memref_slice %arg5[%mul3A_230, %dma_wait3A_248] : memref<10240x128xf32, #tpu.memory_space<vmem_shared>> -> memref<640x128xf32, #tpu.memory_space<vmem_shared>>
      tpu.wait_dma2 semaphore(%run_scoped3A_233 : memref<!tpu.dma_semaphore, #tpu.memory_space<semaphore_mem>>) src(%dma_wait3A_249 : memref<640x128xf32, #tpu.memory_space<vmem_shared>>) dst(%dma_wait3A_247 : memref<640x128xf32, #tpu.memory_space<hbm>>)
      tpu.yield
    }) : () -> ()
    return
  }
}

module attributes {stable_mosaic.version = 14 : i64} {
  func.func @_tc_first_body(%arg0: i32, %arg1: memref<2x2000x128xf32, #tpu.memory_space<vmem>>, %arg2: memref<2000x128xf32, #tpu.memory_space<vmem>>, %arg3: memref<128x128xf32, #tpu.memory_space<vmem>>, %arg4: memref<2000x128xf32, #tpu.memory_space<vmem>>) attributes {dimension_semantics = [#tpu.dimension_semantics<arbitrary>], iteration_bounds = array<i64: 5>, scalar_prefetch = 0 : i64, scratch_operands = 0 : i64, tpu.core_type = #tpu.core_type<tc>, window_params = [{transform_indices = @transform_0, window_bounds = array<i64: 2, 2000, 128>}, {transform_indices = @transform_1, window_bounds = array<i64: 2000, 128>}, {pipeline_mode = #tpu.pipeline_mode<synchronous>, transform_indices = @transform_2, window_bounds = array<i64: 128, 128>}, {transform_indices = @transform_3, window_bounds = array<i64: 2000, 128>}]} {
    %get3A = arith.constant 0 : index
    %get3A_0 = arith.constant 0 : index
    %get3A_1 = arith.constant 0 : index
    %get3A_2 = vector.load %arg1[%get3A, %get3A_0, %get3A_1] : memref<2x2000x128xf32, #tpu.memory_space<vmem>>, vector<1x2000x1xf32>
    %get3A_3 = vector.shape_cast %get3A_2 : vector<1x2000x1xf32> to vector<2000xf32>
    %get3A_4 = arith.constant 1 : index
    %get3A_5 = arith.constant 0 : index
    %get3A_6 = arith.constant 0 : index
    %get3A_7 = vector.load %arg1[%get3A_4, %get3A_5, %get3A_6] : memref<2x2000x128xf32, #tpu.memory_space<vmem>>, vector<1x2000x1xf32>
    %get3A_8 = vector.shape_cast %get3A_7 : vector<1x2000x1xf32> to vector<2000xf32>
    %add3A = arith.addf %get3A_3, %get3A_8 : vector<2000xf32>
    %add3A_9 = arith.constant 1.000000e+00 : f32
    %add3A_10 = vector.broadcast %add3A_9 : f32 to vector<2000xf32>
    %add3A_11 = arith.addf %add3A, %add3A_10 : vector<2000xf32>
    %rsqrt3A = math.rsqrt %add3A_11 : vector<2000xf32>
    %get3A_12 = arith.constant 0 : index
    %get3A_13 = arith.constant 0 : index
    %get3A_14 = vector.load %arg2[%get3A_12, %get3A_13] : memref<2000x128xf32, #tpu.memory_space<vmem>>, vector<2000x128xf32>
    %get3A_15 = arith.constant 0 : index
    %get3A_16 = arith.constant 0 : index
    %get3A_17 = vector.load %arg3[%get3A_15, %get3A_16] : memref<128x128xf32, #tpu.memory_space<vmem>>, vector<128x128xf32>
    %dot_general3A = arith.constant dense<0.000000e+00> : vector<2000x128xf32>
    %dot_general3A_18 = tpu.matmul %get3A_14, %get3A_17, %dot_general3A {dimension_numbers = #tpu.dot_dimension_numbers<[1], [1], [0], [0], [0, 0, 1, 0], [], []>, transpose_lhs_hint = false} : vector<2000x128xf32>, vector<128x128xf32>, vector<2000x128xf32> -> vector<2000x128xf32>
    %broadcast_in_dim3A = vector.shape_cast %rsqrt3A : vector<2000xf32> to vector<2000x1xf32>
    %mul3A = vector.broadcast %broadcast_in_dim3A : vector<2000x1xf32> to vector<2000x128xf32>
    %mul3A_19 = arith.mulf %dot_general3A_18, %mul3A : vector<2000x128xf32>
    %swap3A = arith.constant 0 : index
    %swap3A_20 = arith.constant 0 : index
    %swap3A_21 = vector.load %arg4[%swap3A, %swap3A_20] : memref<2000x128xf32, #tpu.memory_space<vmem>>, vector<2000x128xf32>
    tpu.vector_store %arg4[%swap3A, %swap3A_20], %mul3A_19 {strides = array<i32>} : memref<2000x128xf32, #tpu.memory_space<vmem>>, vector<2000x128xf32>,
    return
  }
  func.func @transform_0(%arg0: i32) -> (i32, i32, i32) {
    %c0_i32 = arith.constant 0 : i32
    %c0_i32_0 = arith.constant 0 : i32
    %c0_i32_1 = arith.constant 0 : i32
    return %c0_i32, %arg0, %c0_i32_0 : i32, i32, i32
  }
  func.func @transform_1(%arg0: i32) -> (i32, i32) {
    %c0_i32 = arith.constant 0 : i32
    %c0_i32_0 = arith.constant 0 : i32
    return %arg0, %c0_i32 : i32, i32
  }
  func.func @transform_2(%arg0: i32) -> (i32, i32) {
    %c0_i32 = arith.constant 0 : i32
    %c0_i32_0 = arith.constant 0 : i32
    %c0_i32_1 = arith.constant 0 : i32
    return %c0_i32, %c0_i32_0 : i32, i32
  }
  func.func @transform_3(%arg0: i32) -> (i32, i32) {
    %c0_i32 = arith.constant 0 : i32
    %c0_i32_0 = arith.constant 0 : i32
    return %arg0, %c0_i32 : i32, i32
  }
}

module attributes {stable_mosaic.version = 14 : i64} {
  func.func @_tc_mid_body(%arg0: i32, %arg1: memref<2x2000x128xf32, #tpu.memory_space<vmem>>, %arg2: memref<2x2000x128xf32, #tpu.memory_space<vmem>>, %arg3: memref<2000x128xf32, #tpu.memory_space<vmem>>, %arg4: memref<1x128xf32, #tpu.memory_space<vmem>>, %arg5: memref<128x128xf32, #tpu.memory_space<vmem>>, %arg6: memref<2000x128xf32, #tpu.memory_space<vmem>>, %arg7: memref<2000x128xf32, #tpu.memory_space<vmem>>) attributes {dimension_semantics = [#tpu.dimension_semantics<arbitrary>], iteration_bounds = array<i64: 5>, scalar_prefetch = 0 : i64, scratch_operands = 0 : i64, tpu.core_type = #tpu.core_type<tc>, window_params = [{transform_indices = @transform_0, window_bounds = array<i64: 2, 2000, 128>}, {transform_indices = @transform_1, window_bounds = array<i64: 2, 2000, 128>}, {transform_indices = @transform_2, window_bounds = array<i64: 2000, 128>}, {pipeline_mode = #tpu.pipeline_mode<synchronous>, transform_indices = @transform_3, window_bounds = array<i64: 1, 128>}, {pipeline_mode = #tpu.pipeline_mode<synchronous>, transform_indices = @transform_4, window_bounds = array<i64: 128, 128>}, {transform_indices = @transform_5, window_bounds = array<i64: 2000, 128>}, {transform_indices = @transform_6, window_bounds = array<i64: 2000, 128>}]} {
    %get3A = arith.constant 0 : index
    %get3A_0 = arith.constant 0 : index
    %get3A_1 = arith.constant 0 : index
    %get3A_2 = vector.load %arg1[%get3A, %get3A_0, %get3A_1] : memref<2x2000x128xf32, #tpu.memory_space<vmem>>, vector<1x2000x1xf32>
    %get3A_3 = vector.shape_cast %get3A_2 : vector<1x2000x1xf32> to vector<2000xf32>
    %get3A_4 = arith.constant 1 : index
    %get3A_5 = arith.constant 0 : index
    %get3A_6 = arith.constant 0 : index
    %get3A_7 = vector.load %arg1[%get3A_4, %get3A_5, %get3A_6] : memref<2x2000x128xf32, #tpu.memory_space<vmem>>, vector<1x2000x1xf32>
    %get3A_8 = vector.shape_cast %get3A_7 : vector<1x2000x1xf32> to vector<2000xf32>
    %add3A = arith.addf %get3A_3, %get3A_8 : vector<2000xf32>
    %add3A_9 = arith.constant 1.000000e+00 : f32
    %add3A_10 = vector.broadcast %add3A_9 : f32 to vector<2000xf32>
    %add3A_11 = arith.addf %add3A, %add3A_10 : vector<2000xf32>
    %rsqrt3A = math.rsqrt %add3A_11 : vector<2000xf32>
    %get3A_12 = arith.constant 0 : index
    %get3A_13 = arith.constant 0 : index
    %get3A_14 = arith.constant 0 : index
    %get3A_15 = vector.load %arg2[%get3A_12, %get3A_13, %get3A_14] : memref<2x2000x128xf32, #tpu.memory_space<vmem>>, vector<1x2000x128xf32>
    %get3A_16 = vector.shape_cast %get3A_15 : vector<1x2000x128xf32> to vector<2000x128xf32>
    %get3A_17 = arith.constant 1 : index
    %get3A_18 = arith.constant 0 : index
    %get3A_19 = arith.constant 0 : index
    %get3A_20 = vector.load %arg2[%get3A_17, %get3A_18, %get3A_19] : memref<2x2000x128xf32, #tpu.memory_space<vmem>>, vector<1x2000x128xf32>
    %get3A_21 = vector.shape_cast %get3A_20 : vector<1x2000x128xf32> to vector<2000x128xf32>
    %add3A_22 = arith.addf %get3A_16, %get3A_21 : vector<2000x128xf32>
    %get3A_23 = arith.constant 0 : index
    %get3A_24 = arith.constant 0 : index
    %get3A_25 = vector.load %arg3[%get3A_23, %get3A_24] : memref<2000x128xf32, #tpu.memory_space<vmem>>, vector<2000x128xf32>
    %add3A_26 = arith.addf %add3A_22, %get3A_25 : vector<2000x128xf32>
    %broadcast_in_dim3A = vector.shape_cast %rsqrt3A : vector<2000xf32> to vector<2000x1xf32>
    %mul3A = vector.broadcast %broadcast_in_dim3A : vector<2000x1xf32> to vector<2000x128xf32>
    %mul3A_27 = arith.mulf %add3A_26, %mul3A : vector<2000x128xf32>
    %get3A_28 = arith.constant 0 : index
    %get3A_29 = arith.constant 0 : index
    %get3A_30 = vector.load %arg4[%get3A_28, %get3A_29] : memref<1x128xf32, #tpu.memory_space<vmem>>, vector<1x128xf32>
    %add3A_31 = vector.broadcast %get3A_30 : vector<1x128xf32> to vector<2000x128xf32>
    %add3A_32 = arith.addf %mul3A_27, %add3A_31 : vector<2000x128xf32>
    %max3A = arith.constant 0.000000e+00 : f32
    %max3A_33 = vector.broadcast %max3A : f32 to vector<2000x128xf32>
    %max3A_34 = arith.maximumf %add3A_32, %max3A_33 : vector<2000x128xf32>
    %swap3A = arith.constant 0 : index
    %swap3A_35 = arith.constant 0 : index
    %swap3A_36 = vector.load %arg6[%swap3A, %swap3A_35] : memref<2000x128xf32, #tpu.memory_space<vmem>>, vector<2000x128xf32>
    tpu.vector_store %arg6[%swap3A, %swap3A_35], %max3A_34 {strides = array<i32>} : memref<2000x128xf32, #tpu.memory_space<vmem>>, vector<2000x128xf32>,
    %get3A_37 = arith.constant 0 : index
    %get3A_38 = arith.constant 0 : index
    %get3A_39 = vector.load %arg5[%get3A_37, %get3A_38] : memref<128x128xf32, #tpu.memory_space<vmem>>, vector<128x128xf32>
    %dot_general3A = arith.constant dense<0.000000e+00> : vector<2000x128xf32>
    %dot_general3A_40 = tpu.matmul %max3A_34, %get3A_39, %dot_general3A {dimension_numbers = #tpu.dot_dimension_numbers<[1], [1], [0], [0], [0, 0, 1, 0], [], []>, transpose_lhs_hint = false} : vector<2000x128xf32>, vector<128x128xf32>, vector<2000x128xf32> -> vector<2000x128xf32>
    %broadcast_in_dim3A_41 = vector.shape_cast %rsqrt3A : vector<2000xf32> to vector<2000x1xf32>
    %mul3A_42 = vector.broadcast %broadcast_in_dim3A_41 : vector<2000x1xf32> to vector<2000x128xf32>
    %mul3A_43 = arith.mulf %dot_general3A_40, %mul3A_42 : vector<2000x128xf32>
    %swap3A_44 = arith.constant 0 : index
    %swap3A_45 = arith.constant 0 : index
    %swap3A_46 = vector.load %arg7[%swap3A_44, %swap3A_45] : memref<2000x128xf32, #tpu.memory_space<vmem>>, vector<2000x128xf32>
    tpu.vector_store %arg7[%swap3A_44, %swap3A_45], %mul3A_43 {strides = array<i32>} : memref<2000x128xf32, #tpu.memory_space<vmem>>, vector<2000x128xf32>,
    return
  }
  func.func @transform_0(%arg0: i32) -> (i32, i32, i32) {
    %c0_i32 = arith.constant 0 : i32
    %c0_i32_0 = arith.constant 0 : i32
    %c0_i32_1 = arith.constant 0 : i32
    return %c0_i32, %arg0, %c0_i32_0 : i32, i32, i32
  }
  func.func @transform_1(%arg0: i32) -> (i32, i32, i32) {
    %c0_i32 = arith.constant 0 : i32
    %c0_i32_0 = arith.constant 0 : i32
    %c0_i32_1 = arith.constant 0 : i32
    return %c0_i32, %arg0, %c0_i32_0 : i32, i32, i32
  }
  func.func @transform_2(%arg0: i32) -> (i32, i32) {
    %c0_i32 = arith.constant 0 : i32
    %c0_i32_0 = arith.constant 0 : i32
    return %arg0, %c0_i32 : i32, i32
  }
  func.func @transform_3(%arg0: i32) -> (i32, i32) {
    %c0_i32 = arith.constant 0 : i32
    %c0_i32_0 = arith.constant 0 : i32
    %c0_i32_1 = arith.constant 0 : i32
    return %c0_i32, %c0_i32_0 : i32, i32
  }
  func.func @transform_4(%arg0: i32) -> (i32, i32) {
    %c0_i32 = arith.constant 0 : i32
    %c0_i32_0 = arith.constant 0 : i32
    %c0_i32_1 = arith.constant 0 : i32
    return %c0_i32, %c0_i32_0 : i32, i32
  }
  func.func @transform_5(%arg0: i32) -> (i32, i32) {
    %c0_i32 = arith.constant 0 : i32
    %c0_i32_0 = arith.constant 0 : i32
    return %arg0, %c0_i32 : i32, i32
  }
  func.func @transform_6(%arg0: i32) -> (i32, i32) {
    %c0_i32 = arith.constant 0 : i32
    %c0_i32_0 = arith.constant 0 : i32
    return %arg0, %c0_i32 : i32, i32
  }
}

module attributes {stable_mosaic.version = 14 : i64} {
  func.func @_tc_last_body(%arg0: i32, %arg1: memref<2x2000x128xf32, #tpu.memory_space<vmem>>, %arg2: memref<2x2000x128xf32, #tpu.memory_space<vmem>>, %arg3: memref<2000x128xf32, #tpu.memory_space<vmem>>, %arg4: memref<1x128xf32, #tpu.memory_space<vmem>>, %arg5: memref<2000x128xf32, #tpu.memory_space<vmem>>, %arg6: memref<128x128xf32, #tpu.memory_space<vmem>>, %arg7: memref<128x128xf32, #tpu.memory_space<vmem>>, %arg8: memref<1x128xf32, #tpu.memory_space<vmem>>, %arg9: memref<128x128xf32, #tpu.memory_space<vmem>>, %arg10: memref<1x128xf32, #tpu.memory_space<vmem>>, %arg11: memref<2000x128xf32, #tpu.memory_space<vmem>>) attributes {dimension_semantics = [#tpu.dimension_semantics<arbitrary>], iteration_bounds = array<i64: 5>, scalar_prefetch = 0 : i64, scratch_operands = 0 : i64, tpu.core_type = #tpu.core_type<tc>, window_params = [{transform_indices = @transform_0, window_bounds = array<i64: 2, 2000, 128>}, {transform_indices = @transform_1, window_bounds = array<i64: 2, 2000, 128>}, {transform_indices = @transform_2, window_bounds = array<i64: 2000, 128>}, {pipeline_mode = #tpu.pipeline_mode<synchronous>, transform_indices = @transform_3, window_bounds = array<i64: 1, 128>}, {transform_indices = @transform_4, window_bounds = array<i64: 2000, 128>}, {pipeline_mode = #tpu.pipeline_mode<synchronous>, transform_indices = @transform_5, window_bounds = array<i64: 128, 128>}, {pipeline_mode = #tpu.pipeline_mode<synchronous>, transform_indices = @transform_6, window_bounds = array<i64: 128, 128>}, {pipeline_mode = #tpu.pipeline_mode<synchronous>, transform_indices = @transform_7, window_bounds = array<i64: 1, 128>}, {pipeline_mode = #tpu.pipeline_mode<synchronous>, transform_indices = @transform_8, window_bounds = array<i64: 128, 128>}, {pipeline_mode = #tpu.pipeline_mode<synchronous>, transform_indices = @transform_9, window_bounds = array<i64: 1, 128>}, {transform_indices = @transform_10, window_bounds = array<i64: 2000, 128>}]} {
    %get3A = arith.constant 0 : index
    %get3A_0 = arith.constant 0 : index
    %get3A_1 = arith.constant 0 : index
    %get3A_2 = vector.load %arg1[%get3A, %get3A_0, %get3A_1] : memref<2x2000x128xf32, #tpu.memory_space<vmem>>, vector<1x2000x1xf32>
    %get3A_3 = vector.shape_cast %get3A_2 : vector<1x2000x1xf32> to vector<2000xf32>
    %get3A_4 = arith.constant 1 : index
    %get3A_5 = arith.constant 0 : index
    %get3A_6 = arith.constant 0 : index
    %get3A_7 = vector.load %arg1[%get3A_4, %get3A_5, %get3A_6] : memref<2x2000x128xf32, #tpu.memory_space<vmem>>, vector<1x2000x1xf32>
    %get3A_8 = vector.shape_cast %get3A_7 : vector<1x2000x1xf32> to vector<2000xf32>
    %add3A = arith.addf %get3A_3, %get3A_8 : vector<2000xf32>
    %add3A_9 = arith.constant 1.000000e+00 : f32
    %add3A_10 = vector.broadcast %add3A_9 : f32 to vector<2000xf32>
    %add3A_11 = arith.addf %add3A, %add3A_10 : vector<2000xf32>
    %rsqrt3A = math.rsqrt %add3A_11 : vector<2000xf32>
    %get3A_12 = arith.constant 0 : index
    %get3A_13 = arith.constant 0 : index
    %get3A_14 = arith.constant 0 : index
    %get3A_15 = vector.load %arg2[%get3A_12, %get3A_13, %get3A_14] : memref<2x2000x128xf32, #tpu.memory_space<vmem>>, vector<1x2000x128xf32>
    %get3A_16 = vector.shape_cast %get3A_15 : vector<1x2000x128xf32> to vector<2000x128xf32>
    %get3A_17 = arith.constant 1 : index
    %get3A_18 = arith.constant 0 : index
    %get3A_19 = arith.constant 0 : index
    %get3A_20 = vector.load %arg2[%get3A_17, %get3A_18, %get3A_19] : memref<2x2000x128xf32, #tpu.memory_space<vmem>>, vector<1x2000x128xf32>
    %get3A_21 = vector.shape_cast %get3A_20 : vector<1x2000x128xf32> to vector<2000x128xf32>
    %add3A_22 = arith.addf %get3A_16, %get3A_21 : vector<2000x128xf32>
    %get3A_23 = arith.constant 0 : index
    %get3A_24 = arith.constant 0 : index
    %get3A_25 = vector.load %arg3[%get3A_23, %get3A_24] : memref<2000x128xf32, #tpu.memory_space<vmem>>, vector<2000x128xf32>
    %add3A_26 = arith.addf %add3A_22, %get3A_25 : vector<2000x128xf32>
    %broadcast_in_dim3A = vector.shape_cast %rsqrt3A : vector<2000xf32> to vector<2000x1xf32>
    %mul3A = vector.broadcast %broadcast_in_dim3A : vector<2000x1xf32> to vector<2000x128xf32>
    %mul3A_27 = arith.mulf %add3A_26, %mul3A : vector<2000x128xf32>
    %get3A_28 = arith.constant 0 : index
    %get3A_29 = arith.constant 0 : index
    %get3A_30 = vector.load %arg4[%get3A_28, %get3A_29] : memref<1x128xf32, #tpu.memory_space<vmem>>, vector<1x128xf32>
    %add3A_31 = vector.broadcast %get3A_30 : vector<1x128xf32> to vector<2000x128xf32>
    %add3A_32 = arith.addf %mul3A_27, %add3A_31 : vector<2000x128xf32>
    %max3A = arith.constant 0.000000e+00 : f32
    %max3A_33 = vector.broadcast %max3A : f32 to vector<2000x128xf32>
    %max3A_34 = arith.maximumf %add3A_32, %max3A_33 : vector<2000x128xf32>
    %get3A_35 = arith.constant 0 : index
    %get3A_36 = arith.constant 0 : index
    %get3A_37 = vector.load %arg5[%get3A_35, %get3A_36] : memref<2000x128xf32, #tpu.memory_space<vmem>>, vector<2000x128xf32>
    %get3A_38 = arith.constant 0 : index
    %get3A_39 = arith.constant 0 : index
    %get3A_40 = vector.load %arg6[%get3A_38, %get3A_39] : memref<128x128xf32, #tpu.memory_space<vmem>>, vector<128x128xf32>
    %dot_general3A = arith.constant dense<0.000000e+00> : vector<2000x128xf32>
    %dot_general3A_41 = tpu.matmul %get3A_37, %get3A_40, %dot_general3A {dimension_numbers = #tpu.dot_dimension_numbers<[1], [1], [0], [0], [0, 0, 1, 0], [], []>, transpose_lhs_hint = false} : vector<2000x128xf32>, vector<128x128xf32>, vector<2000x128xf32> -> vector<2000x128xf32>
    %get3A_42 = arith.constant 0 : index
    %get3A_43 = arith.constant 0 : index
    %get3A_44 = vector.load %arg7[%get3A_42, %get3A_43] : memref<128x128xf32, #tpu.memory_space<vmem>>, vector<128x128xf32>
    %dot_general3A_45 = arith.constant dense<0.000000e+00> : vector<2000x128xf32>
    %dot_general3A_46 = tpu.matmul %max3A_34, %get3A_44, %dot_general3A_45 {dimension_numbers = #tpu.dot_dimension_numbers<[1], [1], [0], [0], [0, 0, 1, 0], [], []>, transpose_lhs_hint = false} : vector<2000x128xf32>, vector<128x128xf32>, vector<2000x128xf32> -> vector<2000x128xf32>
    %add3A_47 = arith.addf %dot_general3A_41, %dot_general3A_46 : vector<2000x128xf32>
    %get3A_48 = arith.constant 0 : index
    %get3A_49 = arith.constant 0 : index
    %get3A_50 = vector.load %arg8[%get3A_48, %get3A_49] : memref<1x128xf32, #tpu.memory_space<vmem>>, vector<1x128xf32>
    %add3A_51 = vector.broadcast %get3A_50 : vector<1x128xf32> to vector<2000x128xf32>
    %add3A_52 = arith.addf %add3A_47, %add3A_51 : vector<2000x128xf32>
    %max3A_53 = arith.constant 0.000000e+00 : f32
    %max3A_54 = vector.broadcast %max3A_53 : f32 to vector<2000x128xf32>
    %max3A_55 = arith.maximumf %add3A_52, %max3A_54 : vector<2000x128xf32>
    %get3A_56 = arith.constant 0 : index
    %get3A_57 = arith.constant 0 : index
    %get3A_58 = vector.load %arg9[%get3A_56, %get3A_57] : memref<128x128xf32, #tpu.memory_space<vmem>>, vector<128x128xf32>
    %dot_general3A_59 = arith.constant dense<0.000000e+00> : vector<2000x128xf32>
    %dot_general3A_60 = tpu.matmul %max3A_55, %get3A_58, %dot_general3A_59 {dimension_numbers = #tpu.dot_dimension_numbers<[1], [1], [0], [0], [0, 0, 1, 0], [], []>, transpose_lhs_hint = false} : vector<2000x128xf32>, vector<128x128xf32>, vector<2000x128xf32> -> vector<2000x128xf32>
    %get3A_61 = arith.constant 0 : index
    %get3A_62 = arith.constant 0 : index
    %get3A_63 = vector.load %arg10[%get3A_61, %get3A_62] : memref<1x128xf32, #tpu.memory_space<vmem>>, vector<1x128xf32>
    %add3A_64 = vector.broadcast %get3A_63 : vector<1x128xf32> to vector<2000x128xf32>
    %add3A_65 = arith.addf %dot_general3A_60, %add3A_64 : vector<2000x128xf32>
    %swap3A = arith.constant 0 : index
    %swap3A_66 = arith.constant 0 : index
    %swap3A_67 = vector.load %arg11[%swap3A, %swap3A_66] : memref<2000x128xf32, #tpu.memory_space<vmem>>, vector<2000x128xf32>
    tpu.vector_store %arg11[%swap3A, %swap3A_66], %add3A_65 {strides = array<i32>} : memref<2000x128xf32, #tpu.memory_space<vmem>>, vector<2000x128xf32>,
    return
  }
  func.func @transform_0(%arg0: i32) -> (i32, i32, i32) {
    %c0_i32 = arith.constant 0 : i32
    %c0_i32_0 = arith.constant 0 : i32
    %c0_i32_1 = arith.constant 0 : i32
    return %c0_i32, %arg0, %c0_i32_0 : i32, i32, i32
  }
  func.func @transform_1(%arg0: i32) -> (i32, i32, i32) {
    %c0_i32 = arith.constant 0 : i32
    %c0_i32_0 = arith.constant 0 : i32
    %c0_i32_1 = arith.constant 0 : i32
    return %c0_i32, %arg0, %c0_i32_0 : i32, i32, i32
  }
  func.func @transform_2(%arg0: i32) -> (i32, i32) {
    %c0_i32 = arith.constant 0 : i32
    %c0_i32_0 = arith.constant 0 : i32
    return %arg0, %c0_i32 : i32, i32
  }
  func.func @transform_3(%arg0: i32) -> (i32, i32) {
    %c0_i32 = arith.constant 0 : i32
    %c0_i32_0 = arith.constant 0 : i32
    %c0_i32_1 = arith.constant 0 : i32
    return %c0_i32, %c0_i32_0 : i32, i32
  }
  func.func @transform_4(%arg0: i32) -> (i32, i32) {
    %c0_i32 = arith.constant 0 : i32
    %c0_i32_0 = arith.constant 0 : i32
    return %arg0, %c0_i32 : i32, i32
  }
  func.func @transform_5(%arg0: i32) -> (i32, i32) {
    %c0_i32 = arith.constant 0 : i32
    %c0_i32_0 = arith.constant 0 : i32
    %c0_i32_1 = arith.constant 0 : i32
    return %c0_i32, %c0_i32_0 : i32, i32
  }
  func.func @transform_6(%arg0: i32) -> (i32, i32) {
    %c0_i32 = arith.constant 0 : i32
    %c0_i32_0 = arith.constant 0 : i32
    %c0_i32_1 = arith.constant 0 : i32
    return %c0_i32, %c0_i32_0 : i32, i32
  }
  func.func @transform_7(%arg0: i32) -> (i32, i32) {
    %c0_i32 = arith.constant 0 : i32
    %c0_i32_0 = arith.constant 0 : i32
    %c0_i32_1 = arith.constant 0 : i32
    return %c0_i32, %c0_i32_0 : i32, i32
  }
  func.func @transform_8(%arg0: i32) -> (i32, i32) {
    %c0_i32 = arith.constant 0 : i32
    %c0_i32_0 = arith.constant 0 : i32
    %c0_i32_1 = arith.constant 0 : i32
    return %c0_i32, %c0_i32_0 : i32, i32
  }
  func.func @transform_9(%arg0: i32) -> (i32, i32) {
    %c0_i32 = arith.constant 0 : i32
    %c0_i32_0 = arith.constant 0 : i32
    %c0_i32_1 = arith.constant 0 : i32
    return %c0_i32, %c0_i32_0 : i32, i32
  }
  func.func @transform_10(%arg0: i32) -> (i32, i32) {
    %c0_i32 = arith.constant 0 : i32
    %c0_i32_0 = arith.constant 0 : i32
    return %arg0, %c0_i32 : i32, i32
  }
}

</mosaic_0001>

<sc_bundles>
// kernel: kernel.11.cloned.1.call-start
scs
__scs_entry_jumppad:
0x0: {  	(pc) =	sbr.rel $0x88, $3  }
0x1: {  	(tag) =	ssettag $0x0;
	lr =	simm.s32 $0x1  }
0x2: {  	[smem:$0x3F97] =	sst lr;
	_ =	strace $0xD0000000  }
0x3: {  	_ = 	snop  }
0x4: {  	_ = 	snop  }
0x5: {  	_ = 	snop  }
0x6: {  	_ = 	snop  }
0x7: {  	_ = 	snop  }
__scs_overlays_trampoline_lowered:
0x8: {  	[smem:$0x3FA6] =	sst s0  }
0x9: {  	[smem:$0x3FA7] =	sst s1  }
0xa: {  	[smem:$0x3FA8] =	sst s2  }
0xb: {  	[smem:$0x3FA9] =	sst s3  }
0xc: {  	[smem:$0x3FAA] =	sst s4  }
0xd: {  	[smem:$0x3FAB] =	sst s5  }
0xe: {  	[smem:$0x3FAC] =	sst s6  }
0xf: {  	[smem:$0x3FAD] =	sst s7  }
0x10: {  	[smem:$0x3FAE] =	sst s8  }
0x11: {  	[smem:$0x3FAF] =	sst s9;
	s0 =	simm.s32 @!p0 $0x0  }
0x12: {  	s1 =	sld [smem:$0x3F95];
	s0 =	simm.s32 @p0 $0x1  }
0x13: {  	[smem:$0x3FB0] =	sst s0;
	s0 =	simm.s32 @!p1 $0x0  }
0x14: {  	s2 =	sld [smem:$0x3F94];
	s0 =	simm.s32 @p1 $0x1  }
0x15: {  	[smem:$0x3FB1] =	sst s0;
	s0 =	simm.s32 @!p2 $0x0  }
0x16: {  	s3 =	sld [smem:$0x3FDB];
	s0 =	simm.s32 @p2 $0x1  }
0x17: {  	s4 =	simm.s32 $0x1BF5;
	[smem:$0x3FB3] =	sst s0  }
0x18: {  	s0 =	sld [smem:$0x3F96];
	_ =	swait.ge [sflag:s4], $0x0  }
0x19: {  	s7 =	sld [smem:$0x3F97]  }
0x1a: {  	s8 =	sadd.s32 $0xFFFFE003, lr  }
0x1b: {  	s9 =	sadd.s32 $0xFFFFFEF7, lr;
	s5 =	simm.s32 $0xFFFFFFFF;
	p2 =	slt.u32 s8, $0xFFFFF086  }
0x1c: {  	p1 =	slt.u32 s9, $0xF7A;
	s5 =	simm.s32 @!p2 $0x0  }
0x1d: {  	s5 =	simm.s32 @p1 $0x1;
	p0 =	seq.s32 s7, s2  }
0x1e: {  	s7 =	smul.u32 @!p0 $0xF7A, s2;
	p2 =	seq.s32 @!p0 s5, $0x0  }
0x1f: {  	s9 =	smul.u32 $0xF7A, s1;
	s8 =	simm.s32 @!p0 $0x1BF5;
	p2 =	por !p2, p0  }
0x20: {  	[sflag:s8] =	ssyncset.s32 @!p0 $0xFFFFF086;
	s6 =	sadd.s32 @!p0 s3, s7;
	s7 =	simm.s32 @!p0 $0x108  }
0x21: {  	s3 =	sadd.s32 s3, s9;
	s6 =	sadd.s32 @!p0 $0x88, s6;
	s7 =	simm.s32 @p2 $0x1082  }
0x22: {  	[simem:s7], [sflag:s8] =	dma.local @!p0 [hbm:s6], $0xF7A  }
0x23: {  	s9 =	sor.u32 $0xD0000000, s2;
	s6 =	simm.s32 $0x108;
	_ =	swait.ge @!p0 [sflag:s8], $0x0  }
0x24: {  	s3 =	sadd.s32 $0x88, s3;
	s6 =	simm.s32 @!p1 $0x1082;
	[sflag:s4] =	ssyncset.s32 $0xFFFFF086  }
0x25: {  	[simem:s6], [sflag:s4] =	dma.local [hbm:s3], $0xF7A  }
0x26: {  	[smem:$0x3F97] =	sst s1;
	(tag) =	ssettag s2;
	_ =	strace s9  }
0x27: {  	s1 =	sld [smem:$0x3FA7]  }
0x28: {  	s2 =	sld [smem:$0x3FA8]  }
0x29: {  	s4 =	sld [smem:$0x3FAA]  }
0x2a: {  	p0 =	seq.s32 s5, $0x0;
	s5 =	sld [smem:$0x3FAB]  }
0x2b: {  	s6 =	sld [smem:$0x3FAC]  }
0x2c: {  	s7 =	sld [smem:$0x3FAD]  }
0x2d: {  	s3 =	simm.s32 $0x108;
	s8 =	sld [smem:$0x3FAE]  }
0x2e: {  	s3 =	simm.s32 @!p0 $0x1082;
	s9 =	sld [smem:$0x3FAF]  }
0x2f: {  	lr =	sadd.s32 s0, s3;
	s0 =	sld [smem:$0x3FA6]  }
0x30: {  	s3 =	sld [smem:$0x3FA9]  }
0x31: {  	[smem:$0x3FB2] =	sst s10  }
0x32: {  	s10 =	sld [smem:$0x3FB0];
	_ =	sdelay $0x3  }
0x33: {  	p0 =	seq.s32 s10, $0x1;
	s10 =	sld [smem:$0x3FB2];
	_ =	sdelay $0x3  }
0x34: {  	[smem:$0x3FB2] =	sst s10  }
0x35: {  	s10 =	sld [smem:$0x3FB1];
	_ =	sdelay $0x3  }
0x36: {  	p1 =	seq.s32 s10, $0x1;
	s10 =	sld [smem:$0x3FB2];
	_ =	sdelay $0x3  }
0x37: {  	[smem:$0x3FB2] =	sst s10  }
0x38: {  	s10 =	sld [smem:$0x3FB3]  }
0x39: {  	_ = 	snop;
	(pc) =	sbr.ind lr, $3  }
0x3a: {  	_ = 	snop  }
0x3b: {  	_ = 	snop  }
0x3c: {  	p2 =	seq.s32 s10, $0x1;
	s10 =	sld [smem:$0x3FB2]  }
0x3d: {  	_ =	shalt  }
0x3e: {  	_ =	shalt  }
0x3f: {  	_ =	shalt  }
0x40: {  	_ =	shalt  }
0x41: {  	_ =	shalt  }
0x42: {  	_ =	shalt  }
0x43: {  	_ =	shalt  }
0x44: {  	_ =	shalt  }
0x45: {  	_ =	shalt  }
0x46: {  	_ =	shalt  }
0x47: {  	_ =	shalt  }
0x48: {  	_ =	shalt  }
0x49: {  	_ =	shalt  }
0x4a: {  	_ =	shalt  }
0x4b: {  	_ =	shalt  }
0x4c: {  	_ =	shalt  }
0x4d: {  	_ =	shalt  }
0x4e: {  	_ =	shalt  }
0x4f: {  	_ =	shalt  }
0x50: {  	_ =	shalt  }
0x51: {  	_ =	shalt  }
0x52: {  	_ =	shalt  }
0x53: {  	_ =	shalt  }
0x54: {  	_ =	shalt  }
0x55: {  	_ =	shalt  }
0x56: {  	_ =	shalt  }
0x57: {  	_ =	shalt  }
0x58: {  	_ =	shalt  }
0x59: {  	_ =	shalt  }
0x5a: {  	_ =	shalt  }
0x5b: {  	_ =	shalt  }
0x5c: {  	_ =	shalt  }
0x5d: {  	_ =	shalt  }
0x5e: {  	_ =	shalt  }
0x5f: {  	_ =	shalt  }
0x60: {  	_ =	shalt  }
0x61: {  	_ =	shalt  }
0x62: {  	_ =	shalt  }
0x63: {  	_ =	shalt  }
0x64: {  	_ =	shalt  }
0x65: {  	_ =	shalt  }
0x66: {  	_ =	shalt  }
0x67: {  	_ =	shalt  }
0x68: {  	_ =	shalt  }
0x69: {  	_ =	shalt  }
0x6a: {  	_ =	shalt  }
0x6b: {  	_ =	shalt  }
0x6c: {  	_ =	shalt  }
0x6d: {  	_ =	shalt  }
0x6e: {  	_ =	shalt  }
0x6f: {  	_ =	shalt  }
0x70: {  	_ =	shalt  }
0x71: {  	_ =	shalt  }
0x72: {  	_ =	shalt  }
0x73: {  	_ =	shalt  }
0x74: {  	_ =	shalt  }
0x75: {  	_ =	shalt  }
0x76: {  	_ =	shalt  }
0x77: {  	_ =	shalt  }
0x78: {  	_ =	shalt  }
0x79: {  	_ =	shalt  }
0x7a: {  	_ =	shalt  }
0x7b: {  	_ =	shalt  }
0x7c: {  	_ =	shalt  }
0x7d: {  	_ =	shalt  }
0x7e: {  	_ =	shalt  }
0x7f: {  	_ =	shalt  }
0x80: {  	_ =	shalt  }
0x81: {  	_ =	shalt  }
0x82: {  	_ =	shalt  }
0x83: {  	_ =	shalt  }
0x84: {  	_ =	shalt  }
0x85: {  	_ =	shalt  }
0x86: {  	_ =	shalt  }
0x87: {  	_ =	shalt  }
.Lfunc_end0:
.L_simem_size_0:
called_computation.1_lowered:
.L_overlay_start_0:
0x88: {  	s2 =	sld [smem:$0x3FD9]  }
0x89: {  	s3 =	sld [smem:$0x3FFE];
	_ =	sdelay $0x1  }
0x8a: {  	s1 =	srdreg.scid  }
0x8b: {  	s0 =	sand.u32 $0x1, s1  }
0x8c: {  	s17 =	sshll.u32 s0, $0xA;
	s2 =	sadd.s32 s3, s2  }
0x8d: {  	s2 =	sadd.s32 s2, s17  }
0x8e: {  	[smem:$0x3FBE] =	sst s2  }
0x8f: {  	_ = 	snop  }
0x90: {  	s2 =	sld [smem:$0x3FD0];
	(tm) =	ssettm $0x1  }
0x91: {  	s18 =	sld [smem:$0x3FFB];
	_ =	sdelay $0x3  }
0x92: {  	_ =	strace s18  }
0x93: {  	s3 =	sld [smem:$0x3FFC];
	_ =	sdelay $0x3  }
0x94: {  	_ =	strace s3  }
0x95: {  	s3 =	sld [smem:$0x3FFD];
	_ =	sdelay $0x3  }
0x96: {  	_ =	strace s3  }
0x97: {  	_ =	strace $0x8FFFFFFF  }
0x98: {  	s19 =	sld [smem:$0x3FDB];
	_ =	sdelay $0x1  }
0x99: {  	s4 =	simm.s32 $_scs_section_size  }
0x9a: {  	s5 =	simm.s32 $_size__tile_overlayer_lowered;
	s6 =	simm.s32 $_tile_overlayer_lowered  }
0x9b: {  	s22 =	simm.s32 $0x1BFF;
	s21 =	sshll.u32 s6, $0x1;
	s3 =	sadd.s32 s4, s19  }
0x9c: {  	s7 =	simm.s32 $0x0;
	s20 =	sshll.u32 s5, $0x1;
	s5 =	sadd.s32 s21, s3  }
0x9d: {  	[timem:s7], [sflag:s22] =	dma.local [hbm:s5], s20  }
0x9e: {  	_ =	swait.ge [sflag:s22], s20  }
0x9f: {  	s4 =	ssub.s32 $0x0, s20;
	[sflag:s22] =	ssyncset.done $0x0  }
0xa0: {  	[sflag:s22] =	ssyncadd.s32 s4;
	_ =	sdelay $0x1  }
0xa1: {  	s23 =	simm.s32 $0x1B8B  }
0xa2: {  	_ =	swait.ge [sflag:s23], $0x1  }
0xa3: {  	[sflag:s23] =	ssyncset.done $0x0  }
0xa4: {  	s25 =	simm.s32 $0x1B8E;
	s24 =	sld [smem:$0x3FFE];
	[sflag:s23] =	ssyncadd.s32 $0xFFFFFFFF  }
0xa5: {  	s26 =	simm.s32 $execute0_lowered;
	[smem:$0x3FD2] =	sst s25  }
0xa6: {  	s5 =	sshll.u32 s26, $0x1;
	_ =	strace $0x80000049;
	[dreg:$0x1] =	wrdreg $0xFFFFFFFF  }
0xa7: {  	s28 =	simm.s32 $_size_execute0_lowered;
	s3 =	sadd.s32 s3, s5;
	[dreg:$0x0] =	wrdreg $0x0  }
0xa8: {  	s5 =	sshll.u32 s28, $0x1;
	[dreg:$0x2] =	wrdreg s3  }
0xa9: {  	[dreg:$0x3] =	wrdreg s5  }
0xaa: {  	[dreg:$0x4] =	wrdreg $0xC0  }
0xab: {  	_ =	task [dreg:s7], $0x5FFFF  }
0xac: {  	[dreg:$0x1] =	wrdreg $0xFFFFFFFF  }
0xad: {  	[dreg:$0x0] =	wrdreg $0x60  }
0xae: {  	[dreg:$0x2] =	wrdreg s24  }
0xaf: {  	[dreg:$0x3] =	wrdreg s2  }
0xb0: {  	[dreg:$0x4] =	wrdreg $0x0  }
0xb1: {  	[dreg:$0x5] =	wrdreg $0x9  }
0xb2: {  	_ =	task.clear_ibuf [dreg:s7], $0x6FFFF;
	_ =	strace $0x90000049  }
0xb3: {  	s29 =	simm.s32 $0x9;
	_ =	strace $0x8000004B  }
0xb4: {  	_ =	swait.ge [sflag:s29], $0x1  }
0xb5: {  	[sflag:s29] =	ssyncadd.s32 $0xFFFFFFFF  }
0xb6: {  	_ =	strace $0x9000004B  }
0xb7: {  	_ =	sfence  }
0xb8: {  	s30 =	sld [smem:$0x0];
	_ =	sdelay $0x2  }
0xb9: {  	s31 =	sshll.u32 s1, $0xD;
	s1 =	sshrl.u32 s1, $0x2  }
0xba: {  	s3 =	sand.u32 $0x4000, s31;
	s1 =	sadd.s32 s1, s30  }
0xbb: {  	s0 =	sor.u32 s3, s0;
	s1 =	sshll.u32 s1, $0x11  }
0xbc: {  	s0 =	sor.u32 s1, s0  }
0xbd: {  	s0 =	sadd.s32 $0x8F2B, s0  }
0xbe: {  	[sflag:s0] =	ssyncadd.remote.s32 $0x1  }
0xbf: {  	_ =	sfence.sel $0xFFFF  }
0xc0: {  	[dreg:$0x0] =	wrdreg $0xFFFFFFFF;
	(pc) =	sbr.abs _section_cstart, $3  }
0xc1: {  	[dreg:$0x1] =	wrdreg $0xFFFFFFFF  }
0xc2: {  	_ =	task.clear_ibuf [dreg:s7], $0x2FFFF;
	_ =	strace $0x9FFFFFFF  }
0xc3: {  	(tm) =	ssettm $0x7FFFFFFF  }
tec
execute0_lowered:
.L_overlay_start_1:
0x0: {  	(tag) =	ssettag $0x1  }
0x1: {  	s0 =	rddreg [dreg:$0x0]  }
0x2: {  	s1 =	rddreg [dreg:$0x1]  }
0x3: {  	s2 =	rddreg [dreg:$0x2];
	s3 =	simm.s32 $0x0  }
0x4: {  	s4 =	srdreg.scid;
	s10 =	stileid.u32;
	s28 =	simm.s32 $0x1  }
0x5: {  	s29 =	simm.s32 $0x50;
	s30 =	simm.s32 $0x2;
	s31 =	simm.s32 $0x14380  }
0x6: {  	[smem:$0x7FF] =	sst s3;
	s4 =	sand.u32 $0x1, s4;
	s6 =	smul.u32 $0x50000, s10  }
0x7: {  	s7 =	sadd.s32 $0x3E00, s0;
	s16 =	sshll.u32 s10, $0x1;
	s19 =	smul.u32 $0x4E20, s10  }
0x8: {  	s5 =	smul.u32 $0x28000, s4;
	s8 =	ssub.s32 $0x2, s4;
	s6 =	sshrl.u32 s6, $0x2  }
0x9: {  	_ =	strace $0x8000004A;
	s9 =	sshrl.u32 s8, $0x1;
	s18 =	sadd.s32 s6, s2  }
0xa: {  	s0 =	sadd.s32 s5, s0;
	s17 =	sadd.s32 $0x2800, s18;
	[dreg:$0xc] =	wrdreg s18  }
0xb: {  	s5 =	sor.u32 s4, s16;
	s20 =	sadd.s32 $0x5000, s18;
	[dreg:$0xd] =	wrdreg s17  }
0xc: {  	s6 =	ssub.s32 s8, s9;
	s21 =	sadd.s32 $0x7800, s18;
	[dreg:$0xe] =	wrdreg s20  }
0xd: {  	s4 =	smul.u32 $0x2710, s4;
	s22 =	sadd.s32 $0xA000, s18;
	[dreg:$0xf] =	wrdreg s21  }
0xe: {  	s5 =	smul.u32 $0x2710, s5;
	s23 =	sadd.s32 $0xC800, s18;
	[dreg:$0x10] =	wrdreg s22  }
0xf: {  	s24 =	sadd.s32 $0xF000, s18;
	s25 =	sadd.s32 $0x11800, s18;
	[dreg:$0x11] =	wrdreg s23  }
0x10: {  	s0 =	sadd.s32 $0x67800, s0;
	s6 =	smax.u32 s6, $0x1;
	[dreg:$0x12] =	wrdreg s24  }
0x11: {  	s4 =	sadd.s32 s4, s19;
	[dreg:$0x13] =	wrdreg s25;
	s23 =	smul.u32 $0x2800, s10  }
0x12: {  	[dreg:$0x16] =	wrdreg s6;
	s6 =	simm.s32 $0x4;
	s10 =	simm.s32 $0xA  }
0x13: {  	s5 =	sshrl.u32 s5, $0x3;
	s9 =	sadd.s32 $0xF0, s4;
	s12 =	sadd.s32 $0x4E2F0, s4  }
0x14: {  	s14 =	sadd.s32 $0xA0, s4;
	s16 =	sadd.s32 $0x4E2A0, s4;
	s17 =	sadd.s32 $0x50, s4  }
0x15: {  	s22 =	sadd.s32 $0x4E250, s4;
	s25 =	sshrl.u32 s4, $0x3;
	s4 =	sadd.s32 $0x4E200, s4  }
0x16: {  	s5 =	sadd.s32 s7, s5;
	s11 =	sshrl.u32 s9, $0x3;
	s8 =	sshrl.u32 s12, $0x3  }
0x17: {  	s15 =	sshrl.u32 s14, $0x3;
	s20 =	sshrl.u32 s17, $0x3;
	s24 =	sshrl.u32 s22, $0x3  }
0x18: {  	s4 =	sshrl.u32 s4, $0x3;
	s0 =	sadd.s32 s23, s0;
	s9 =	simm.s32 $0x5  }
0x19: {  	s12 =	simm.s32 $0xB;
	s14 =	simm.s32 $0xC;
	s22 =	simm.s32 $0x14080  }
0x1a: {  	s23 =	simm.s32 $0x14280;
	s26 =	sadd.s32 $0x4D8, s5;
	s5 =	sadd.s32 $0xA118, s5  }
0x1b: {  	s13 =	sadd.s32 s8, s7;
	s8 =	sshrl.u32 s16, $0x3;
	[dreg:$0x17] =	wrdreg s0  }
0x1c: {  	s21 =	sadd.s32 s20, s7;
	s4 =	sadd.s32 s4, s7;
	[dreg:$0x14] =	wrdreg s26  }
0x1d: {  	s16 =	simm.s32 $0x11;
	s0 =	simm.s32 $0x3;
	[dreg:$0x15] =	wrdreg s5  }
0x1e: {  	s20 =	simm.s32 $0x14000;
	s5 =	sadd.s32 s11, s7;
	[dreg:$0x5] =	wrdreg s13  }
0x1f: {  	s19 =	sadd.s32 s8, s7;
	[dreg:$0x8] =	wrdreg s21;
	s26 =	sadd.s32 s25, s7  }
0x20: {  	[dreg:$0xb] =	wrdreg s4;
	s8 =	simm.s32 $0x9;
	s11 =	simm.s32 $0x6  }
0x21: {  	s13 =	simm.s32 $0x7;
	s4 =	simm.s32 $0x0;
	[dreg:$0x4] =	wrdreg s5  }
0x22: {  	s21 =	simm.s32 $0x14200;
	s25 =	simm.s32 $0x14100;
	[dreg:$0x7] =	wrdreg s19  }
0x23: {  	s5 =	sadd.s32 s15, s7;
	[dreg:$0xa] =	wrdreg s26;
	s19 =	simm.s32 $0x14400  }
0x24: {  	s15 =	simm.s32 $0x8;
	[dreg:$0x6] =	wrdreg s5;
	s5 =	sadd.s32 s24, s7  }
0x25: {  	v0 =	vimm.f32 $0.0e+00;
	s26 =	simm.s32 $0x14300;
	s7 =	simm.s32 $0x19400;
	[dreg:$0x9] =	wrdreg s5  }
.LBB2_1:
0x26: {  	[dreg:$0x18] =	wrdreg s4;
	s5 =	simm.s32 $0x0;
	s17 =	simm.s32 $0x200  }
.LBB2_2:
0x27: {  	p0 =	sne.s32 s17, $0x9E00;
	[tilespmem:s5+$0x14470] =	vst v0  }
0x28: {  	[tilespmem:s5+$0x14400] =	vst v0  }
0x29: {  	[tilespmem:s5+$0x14410] =	vst v0  }
.Ltmp0:
0x2a: {  	[tilespmem:s5+$0x14420] =	vst v0;
	(pc) =	sbr.rel @p0 .LBB2_2-.Ltmp0, $4  }
0x2b: {  	[tilespmem:s5+$0x14430] =	vst v0  }
0x2c: {  	[tilespmem:s5+$0x14440] =	vst v0  }
0x2d: {  	[tilespmem:s5+$0x14450] =	vst v0  }
0x2e: {  	[tilespmem:s5+$0x14460] =	vst v0;
	s5 =	sshra.s32 s17, $0x2;
	s17 =	sadd.s32 $0x200, s17  }
0x2f: {  	[tilespmem:s5+$0x14470] =	vst v0  }
0x30: {  	[tilespmem:s5+$0x14400] =	vst v0  }
0x31: {  	[tilespmem:s5+$0x14410] =	vst v0  }
0x32: {  	[tilespmem:s5+$0x14420] =	vst v0  }
0x33: {  	[tilespmem:s5+$0x14430] =	vst v0  }
0x34: {  	[tilespmem:s5+$0x14440] =	vst v0  }
0x35: {  	[tilespmem:s5+$0x14450] =	vst v0  }
0x36: {  	[tilespmem:s5+$0x14460] =	vst v0  }
0x37: {  	[spmem:s18] =	stream.linear.scatter [tilespmem:s19], [sflag:$0x11], $0x2800, $0x38;
	[tilespmem:$0x1E400] =	vst v63  }
0x38: {  	_ =	swait.ge [sflag:s16], $0x2800  }
0x39: {  	[sflag:s16] =	ssyncset.done $0x0  }
0x3a: {  	s24 =	rddreg [dreg:$0xd];
	[sflag:s16] =	ssyncadd.s32 $0xFFFFD800  }
0x3b: {  	[spmem:s24] =	stream.linear.scatter [tilespmem:s19], [sflag:$0x11], $0x2800, $0x38;
	[tilespmem:$0x1E400] =	vst v63  }
0x3c: {  	_ =	swait.ge [sflag:s16], $0x2800  }
0x3d: {  	[sflag:s16] =	ssyncset.done $0x0  }
0x3e: {  	s4 =	rddreg [dreg:$0xe];
	[sflag:s16] =	ssyncadd.s32 $0xFFFFD800  }
0x3f: {  	[spmem:s4] =	stream.linear.scatter [tilespmem:s19], [sflag:$0x11], $0x2800, $0x38;
	[tilespmem:$0x1E400] =	vst v63  }
0x40: {  	_ =	swait.ge [sflag:s16], $0x2800  }
0x41: {  	[sflag:s16] =	ssyncset.done $0x0  }
0x42: {  	s17 =	rddreg [dreg:$0xf];
	[sflag:s16] =	ssyncadd.s32 $0xFFFFD800  }
0x43: {  	[spmem:s17] =	stream.linear.scatter [tilespmem:s19], [sflag:$0x11], $0x2800, $0x38;
	[tilespmem:$0x1E400] =	vst v63  }
0x44: {  	_ =	swait.ge [sflag:s16], $0x2800  }
0x45: {  	[sflag:s16] =	ssyncset.done $0x0  }
0x46: {  	s18 =	rddreg [dreg:$0x10];
	[sflag:s16] =	ssyncadd.s32 $0xFFFFD800  }
0x47: {  	[spmem:s18] =	stream.linear.scatter [tilespmem:s19], [sflag:$0x11], $0x2800, $0x38;
	[tilespmem:$0x1E400] =	vst v63  }
0x48: {  	_ =	swait.ge [sflag:s16], $0x2800  }
0x49: {  	[sflag:s16] =	ssyncset.done $0x0  }
0x4a: {  	s24 =	rddreg [dreg:$0x11];
	[sflag:s16] =	ssyncadd.s32 $0xFFFFD800  }
0x4b: {  	[spmem:s24] =	stream.linear.scatter [tilespmem:s19], [sflag:$0x11], $0x2800, $0x38;
	[tilespmem:$0x1E400] =	vst v63  }
0x4c: {  	_ =	swait.ge [sflag:s16], $0x2800  }
0x4d: {  	[sflag:s16] =	ssyncset.done $0x0  }
0x4e: {  	s4 =	rddreg [dreg:$0x12];
	[sflag:s16] =	ssyncadd.s32 $0xFFFFD800  }
0x4f: {  	[spmem:s4] =	stream.linear.scatter [tilespmem:s19], [sflag:$0x11], $0x2800, $0x38;
	[tilespmem:$0x1E400] =	vst v63  }
0x50: {  	_ =	swait.ge [sflag:s16], $0x2800  }
0x51: {  	[sflag:s16] =	ssyncset.done $0x0  }
0x52: {  	s17 =	rddreg [dreg:$0x13];
	[sflag:s16] =	ssyncadd.s32 $0xFFFFD800  }
0x53: {  	[spmem:s17] =	stream.linear.scatter [tilespmem:s19], [sflag:$0x11], $0x2800, $0x38;
	[tilespmem:$0x1E400] =	vst v63  }
0x54: {  	_ =	swait.ge [sflag:s16], $0x2800  }
0x55: {  	[sflag:s16] =	ssyncset.done $0x0  }
0x56: {  	p0 =	por $0x1, $0x1;
	[sflag:s16] =	ssyncadd.s32 $0xFFFFD800  }
0x57: {  	s5 =	simm.s32 @!p0 $0xD;
	[bflag:$0x0] =	sbarrier.arrive $0xFFFF  }
0x58: {  	_ =	swait.ge @!p0 [sflag:s5], $0x2800  }
0x59: {  	s17 =	rddreg [dreg:$0xa];
	[sflag:s5] =	ssyncset.done @!p0 $0x0  }
0x5a: {  	s24 =	rddreg [dreg:$0xb];
	[sflag:s5] =	ssyncadd.s32 @!p0 $0xFFFFD800;
	s18 =	sadd.s32 $0x0, s17  }
0x5b: {  	[tilespmem:s20], [sflag:$0x1] =	stream.linear.gather [hbm4b:s18+s3], $0x50, $0x38;
	[tilespmem:$0x1E400] =	vst v63  }
0x5c: {  	s4 =	sadd.s32 $0x0, s24;
	s17 =	simm.s32 @!p0 $0xE  }
0x5d: {  	[tilespmem:s21], [sflag:$0x5] =	stream.linear.gather [hbm4b:s4+s3], $0x50, $0x38;
	[tilespmem:$0x1E400] =	vst v63  }
0x5e: {  	_ =	swait.ge @!p0 [sflag:s17], $0x2800  }
0x5f: {  	s16 =	rddreg [dreg:$0x8];
	[sflag:s17] =	ssyncset.done @!p0 $0x0  }
0x60: {  	s18 =	rddreg [dreg:$0x9];
	[sflag:s17] =	ssyncadd.s32 @!p0 $0xFFFFD800;
	s5 =	sadd.s32 $0x0, s16  }
0x61: {  	[tilespmem:s22], [sflag:$0x2] =	stream.linear.gather [hbm4b:s5+s3], $0x50, $0x38;
	[tilespmem:$0x1E400] =	vst v63  }
0x62: {  	s4 =	sadd.s32 $0x0, s18;
	s17 =	simm.s32 @!p0 $0xF  }
0x63: {  	[tilespmem:s23], [sflag:$0x6] =	stream.linear.gather [hbm4b:s4+s3], $0x50, $0x38;
	[tilespmem:$0x1E400] =	vst v63  }
0x64: {  	_ =	swait.ge @!p0 [sflag:s17], $0x2800  }
0x65: {  	s16 =	rddreg [dreg:$0x6];
	[sflag:s17] =	ssyncset.done @!p0 $0x0  }
0x66: {  	s18 =	rddreg [dreg:$0x7];
	[sflag:s17] =	ssyncadd.s32 @!p0 $0xFFFFD800;
	s5 =	sadd.s32 $0x0, s16  }
0x67: {  	[tilespmem:s25], [sflag:$0x3] =	stream.linear.gather [hbm4b:s5+s3], $0x50, $0x38;
	[tilespmem:$0x1E400] =	vst v63  }
0x68: {  	s24 =	sadd.s32 $0x0, s18;
	s17 =	simm.s32 @!p0 $0x10  }
0x69: {  	[tilespmem:s26], [sflag:$0x7] =	stream.linear.gather [hbm4b:s24+s3], $0x50, $0x38;
	[tilespmem:$0x1E400] =	vst v63  }
0x6a: {  	_ =	swait.ge @!p0 [sflag:s17], $0x2800  }
0x6b: {  	s4 =	rddreg [dreg:$0x4]  }
0x6c: {  	[sflag:s17] =	ssyncset.done @!p0 $0x0;
	s16 =	rddreg [dreg:$0x5]  }
0x6d: {  	[sflag:s17] =	ssyncadd.s32 @!p0 $0xFFFFD800;
	s5 =	sadd.s32 $0x0, s4;
	s17 =	simm.s32 $0x14180  }
0x6e: {  	[tilespmem:s17], [sflag:$0x4] =	stream.linear.gather [hbm4b:s5+s3], $0x50, $0x38;
	[tilespmem:$0x1E400] =	vst v63  }
0x6f: {  	s18 =	sadd.s32 $0x0, s16  }
0x70: {  	[tilespmem:s31], [sflag:$0x8] =	stream.linear.gather [hbm4b:s18+s3], $0x50, $0x38;
	[tilespmem:$0x1E400] =	vst v63  }
0x71: {  	_ =	swait.ge [sflag:s28], $0x50  }
0x72: {  	[sflag:s28] =	ssyncset.done $0x0  }
0x73: {  	[sflag:s28] =	ssyncadd.s32 $0xFFFFFFB0  }
0x74: {  	[tilespmem:s19], [sflag:$0x9] =	stream.indirect.gather [hbm4b:s1+s29], $0x80, s20, s29, $0xb8;
	[tilespmem:$0x1E400] =	vst v63  }
0x75: {  	_ =	swait.ge [sflag:s30], $0x50  }
0x76: {  	[sflag:s30] =	ssyncset.done $0x0  }
0x77: {  	s4 =	simm.s32 $0x16C00;
	[sflag:s30] =	ssyncadd.s32 $0xFFFFFFB0  }
0x78: {  	[tilespmem:s4], [sflag:$0xA] =	stream.indirect.gather [hbm4b:s1+s29], $0x80, s22, s29, $0xb8;
	[tilespmem:$0x1E400] =	vst v63  }
0x79: {  	_ =	swait.ge [sflag:s0], $0x50  }
0x7a: {  	[sflag:s0] =	ssyncset.done $0x0  }
0x7b: {  	[sflag:s0] =	ssyncadd.s32 $0xFFFFFFB0  }
0x7c: {  	[tilespmem:s7], [sflag:$0xB] =	stream.indirect.gather [hbm4b:s1+s29], $0x80, s25, s29, $0xb8;
	[tilespmem:$0x1E400] =	vst v63  }
0x7d: {  	_ =	swait.ge [sflag:s6], $0x50  }
0x7e: {  	[sflag:s6] =	ssyncset.done $0x0  }
0x7f: {  	s24 =	simm.s32 $0x1BC00;
	[sflag:s6] =	ssyncadd.s32 $0xFFFFFFB0  }
0x80: {  	[tilespmem:s24], [sflag:$0xC] =	stream.indirect.gather [hbm4b:s1+s29], $0x80, s17, s29, $0xb8;
	[tilespmem:$0x1E400] =	vst v63  }
0x81: {  	_ =	swait.ge [sflag:s8], $0x2800  }
0x82: {  	[sflag:s8] =	ssyncset.done $0x0  }
0x83: {  	[sflag:s8] =	ssyncadd.s32 $0xFFFFD800  }
0x84: {  	_ =	swait.ge [sflag:s9], $0x50  }
0x85: {  	[sflag:s9] =	ssyncset.done $0x0  }
0x86: {  	[sflag:s9] =	ssyncadd.s32 $0xFFFFFFB0  }
0x87: {  	[spmem:s2] =	stream.indirect.scatter.add.f32 [tilespmem:s19], [sflag:$0xD], $0x80, s21, s29, $0xb8;
	[tilespmem:$0x1E400] =	vst v63  }
0x88: {  	_ =	swait.ge [sflag:s10], $0x2800  }
0x89: {  	[sflag:s10] =	ssyncset.done $0x0  }
0x8a: {  	[sflag:s10] =	ssyncadd.s32 $0xFFFFD800  }
0x8b: {  	_ =	swait.ge [sflag:s11], $0x50  }
0x8c: {  	[sflag:s11] =	ssyncset.done $0x0  }
0x8d: {  	[sflag:s11] =	ssyncadd.s32 $0xFFFFFFB0  }
0x8e: {  	[spmem:s2] =	stream.indirect.scatter.add.f32 [tilespmem:s4], [sflag:$0xE], $0x80, s23, s29, $0xb8;
	[tilespmem:$0x1E400] =	vst v63  }
0x8f: {  	_ =	swait.ge [sflag:s12], $0x2800  }
0x90: {  	[sflag:s12] =	ssyncset.done $0x0  }
0x91: {  	[sflag:s12] =	ssyncadd.s32 $0xFFFFD800  }
0x92: {  	_ =	swait.ge [sflag:s13], $0x50  }
0x93: {  	[sflag:s13] =	ssyncset.done $0x0  }
0x94: {  	[sflag:s13] =	ssyncadd.s32 $0xFFFFFFB0  }
0x95: {  	[spmem:s2] =	stream.indirect.scatter.add.f32 [tilespmem:s7], [sflag:$0xF], $0x80, s26, s29, $0xb8;
	[tilespmem:$0x1E400] =	vst v63  }
0x96: {  	_ =	swait.ge [sflag:s14], $0x2800  }
0x97: {  	[sflag:s14] =	ssyncset.done $0x0  }
0x98: {  	[sflag:s14] =	ssyncadd.s32 $0xFFFFD800  }
0x99: {  	p1 =	por $0x0, $0x0;
	s16 =	simm.s32 $0x1BC00;
	_ =	swait.ge [sflag:s15], $0x50  }
0x9a: {  	s5 =	simm.s32 $0x50;
	s24 =	simm.s32 $0x28;
	[sflag:s15] =	ssyncset.done $0x0  }
.LBB2_4:
0x9b: {  	s18 =	simm.s32 @!p1 $0xD;
	[sflag:s15] =	ssyncadd.s32 $0xFFFFFFB0  }
0x9c: {  	[spmem:s2] =	stream.indirect.scatter.add.f32 [tilespmem:s16], [sflag:$0x10], $0x80, s31, s29, $0xb8;
	[tilespmem:$0x1E400] =	vst v63  }
0x9d: {  	_ =	swait.ge @!p1 [sflag:s18], $0x2800  }
0x9e: {  	[sflag:s18] =	ssyncset.done @!p1 $0x0;
	s16 =	rddreg [dreg:$0xa]  }
0x9f: {  	s19 =	rddreg [dreg:$0xb];
	[sflag:s18] =	ssyncadd.s32 @!p1 $0xFFFFD800;
	s16 =	sadd.s32 s24, s16  }
0xa0: {  	[tilespmem:s20], [sflag:$0x1] =	stream.linear.gather [hbm4b:s16+s3], $0x50, $0x38;
	[tilespmem:$0x1E400] =	vst v63  }
0xa1: {  	s19 =	sadd.s32 s24, s19;
	s18 =	simm.s32 @!p1 $0xE  }
0xa2: {  	[tilespmem:s21], [sflag:$0x5] =	stream.linear.gather [hbm4b:s19+s3], $0x50, $0x38;
	[tilespmem:$0x1E400] =	vst v63  }
0xa3: {  	_ =	swait.ge @!p1 [sflag:s18], $0x2800  }
0xa4: {  	s16 =	rddreg [dreg:$0x8];
	[sflag:s18] =	ssyncset.done @!p1 $0x0  }
0xa5: {  	s19 =	rddreg [dreg:$0x9];
	[sflag:s18] =	ssyncadd.s32 @!p1 $0xFFFFD800;
	s16 =	sadd.s32 s24, s16  }
0xa6: {  	[tilespmem:s22], [sflag:$0x2] =	stream.linear.gather [hbm4b:s16+s3], $0x50, $0x38;
	[tilespmem:$0x1E400] =	vst v63  }
0xa7: {  	s19 =	sadd.s32 s24, s19;
	s18 =	simm.s32 @!p1 $0xF  }
0xa8: {  	[tilespmem:s23], [sflag:$0x6] =	stream.linear.gather [hbm4b:s19+s3], $0x50, $0x38;
	[tilespmem:$0x1E400] =	vst v63  }
0xa9: {  	_ =	swait.ge @!p1 [sflag:s18], $0x2800  }
0xaa: {  	s16 =	rddreg [dreg:$0x6];
	[sflag:s18] =	ssyncset.done @!p1 $0x0  }
0xab: {  	s19 =	rddreg [dreg:$0x7];
	[sflag:s18] =	ssyncadd.s32 @!p1 $0xFFFFD800;
	s16 =	sadd.s32 s24, s16  }
0xac: {  	[tilespmem:s25], [sflag:$0x3] =	stream.linear.gather [hbm4b:s16+s3], $0x50, $0x38;
	[tilespmem:$0x1E400] =	vst v63  }
0xad: {  	s19 =	sadd.s32 s24, s19;
	s18 =	simm.s32 @!p1 $0x10  }
0xae: {  	[tilespmem:s26], [sflag:$0x7] =	stream.linear.gather [hbm4b:s19+s3], $0x50, $0x38;
	[tilespmem:$0x1E400] =	vst v63  }
0xaf: {  	_ =	swait.ge @!p1 [sflag:s18], $0x2800  }
0xb0: {  	s16 =	rddreg [dreg:$0x4]  }
0xb1: {  	[sflag:s18] =	ssyncset.done @!p1 $0x0;
	s19 =	rddreg [dreg:$0x5]  }
0xb2: {  	[sflag:s18] =	ssyncadd.s32 @!p1 $0xFFFFD800;
	s18 =	simm.s32 $0x14180;
	s16 =	sadd.s32 s24, s16  }
0xb3: {  	[tilespmem:s18], [sflag:$0x4] =	stream.linear.gather [hbm4b:s16+s3], $0x50, $0x38;
	[tilespmem:$0x1E400] =	vst v63  }
0xb4: {  	s16 =	sadd.s32 s24, s19  }
0xb5: {  	[tilespmem:s31], [sflag:$0x8] =	stream.linear.gather [hbm4b:s16+s3], $0x50, $0x38;
	[tilespmem:$0x1E400] =	vst v63  }
0xb6: {  	_ =	swait.ge [sflag:s28], $0x50  }
0xb7: {  	[sflag:s28] =	ssyncset.done $0x0  }
0xb8: {  	s19 =	simm.s32 $0x14400;
	[sflag:s28] =	ssyncadd.s32 $0xFFFFFFB0  }
0xb9: {  	[tilespmem:s19], [sflag:$0x9] =	stream.indirect.gather [hbm4b:s1+s29], $0x80, s20, s29, $0xb8;
	[tilespmem:$0x1E400] =	vst v63  }
0xba: {  	_ =	swait.ge [sflag:s30], $0x50  }
0xbb: {  	[sflag:s30] =	ssyncset.done $0x0  }
0xbc: {  	[sflag:s30] =	ssyncadd.s32 $0xFFFFFFB0  }
0xbd: {  	[tilespmem:s4], [sflag:$0xA] =	stream.indirect.gather [hbm4b:s1+s29], $0x80, s22, s29, $0xb8;
	[tilespmem:$0x1E400] =	vst v63  }
0xbe: {  	_ =	swait.ge [sflag:s0], $0x50  }
0xbf: {  	[sflag:s0] =	ssyncset.done $0x0  }
0xc0: {  	[sflag:s0] =	ssyncadd.s32 $0xFFFFFFB0  }
0xc1: {  	[tilespmem:s7], [sflag:$0xB] =	stream.indirect.gather [hbm4b:s1+s29], $0x80, s25, s29, $0xb8;
	[tilespmem:$0x1E400] =	vst v63  }
0xc2: {  	_ =	swait.ge [sflag:s6], $0x50  }
0xc3: {  	[sflag:s6] =	ssyncset.done $0x0  }
0xc4: {  	s16 =	simm.s32 $0x1BC00;
	[sflag:s6] =	ssyncadd.s32 $0xFFFFFFB0  }
0xc5: {  	[tilespmem:s16], [sflag:$0xC] =	stream.indirect.gather [hbm4b:s1+s29], $0x80, s18, s29, $0xb8;
	[tilespmem:$0x1E400] =	vst v63  }
0xc6: {  	_ =	swait.ge [sflag:s8], $0x2800  }
0xc7: {  	[sflag:s8] =	ssyncset.done $0x0  }
0xc8: {  	[sflag:s8] =	ssyncadd.s32 $0xFFFFD800  }
0xc9: {  	_ =	swait.ge [sflag:s9], $0x50  }
0xca: {  	[sflag:s9] =	ssyncset.done $0x0  }
0xcb: {  	[sflag:s9] =	ssyncadd.s32 $0xFFFFFFB0  }
0xcc: {  	[spmem:s2] =	stream.indirect.scatter.add.f32 [tilespmem:s19], [sflag:$0xD], $0x80, s21, s29, $0xb8;
	[tilespmem:$0x1E400] =	vst v63  }
0xcd: {  	_ =	swait.ge [sflag:s10], $0x2800  }
0xce: {  	[sflag:s10] =	ssyncset.done $0x0  }
0xcf: {  	[sflag:s10] =	ssyncadd.s32 $0xFFFFD800  }
0xd0: {  	_ =	swait.ge [sflag:s11], $0x50  }
0xd1: {  	[sflag:s11] =	ssyncset.done $0x0  }
0xd2: {  	[sflag:s11] =	ssyncadd.s32 $0xFFFFFFB0  }
0xd3: {  	[spmem:s2] =	stream.indirect.scatter.add.f32 [tilespmem:s4], [sflag:$0xE], $0x80, s23, s29, $0xb8;
	[tilespmem:$0x1E400] =	vst v63  }
0xd4: {  	_ =	swait.ge [sflag:s12], $0x2800  }
0xd5: {  	[sflag:s12] =	ssyncset.done $0x0  }
0xd6: {  	[sflag:s12] =	ssyncadd.s32 $0xFFFFD800  }
0xd7: {  	_ =	swait.ge [sflag:s13], $0x50  }
0xd8: {  	s17 =	smov.u32 s5;
	s5 =	sadd.s32 $0x28, s5;
	[sflag:s13] =	ssyncset.done $0x0  }
0xd9: {  	p0 =	sne.s32 s5, $0x4D8;
	[sflag:s13] =	ssyncadd.s32 $0xFFFFFFB0  }
0xda: {  	[spmem:s2] =	stream.indirect.scatter.add.f32 [tilespmem:s7], [sflag:$0xF], $0x80, s26, s29, $0xb8;
	[tilespmem:$0x1E400] =	vst v63  }
.Ltmp1:
0xdb: {  	_ =	swait.ge [sflag:s14], $0x2800;
	(pc) =	sbr.rel @p0 .LBB2_4-.Ltmp1, $4  }
0xdc: {  	[sflag:s14] =	ssyncset.done $0x0  }
0xdd: {  	[sflag:s14] =	ssyncadd.s32 $0xFFFFD800  }
0xde: {  	s24 =	smov.u32 s17;
	_ =	swait.ge [sflag:s15], $0x50  }
0xdf: {  	p1 =	seq.s32 s24, $0x0;
	[sflag:s15] =	ssyncset.done $0x0  }
0xe0: {  	s5 =	simm.s32 @!p1 $0xD;
	[sflag:s15] =	ssyncadd.s32 $0xFFFFFFB0  }
0xe1: {  	[spmem:s2] =	stream.indirect.scatter.add.f32 [tilespmem:s16], [sflag:$0x10], $0x80, s31, s29, $0xb8;
	[tilespmem:$0x1E400] =	vst v63  }
0xe2: {  	_ =	swait.ge @!p1 [sflag:s5], $0x2800  }
0xe3: {  	s16 =	rddreg [dreg:$0xa];
	[sflag:s5] =	ssyncset.done @!p1 $0x0  }
0xe4: {  	s17 =	rddreg [dreg:$0xb];
	[sflag:s5] =	ssyncadd.s32 @!p1 $0xFFFFD800;
	s16 =	sadd.s32 s24, s16  }
0xe5: {  	[tilespmem:s20], [sflag:$0x1] =	stream.linear.gather [hbm4b:s16+s3], $0x50, $0x38;
	[tilespmem:$0x1E400] =	vst v63  }
0xe6: {  	s17 =	sadd.s32 s24, s17;
	s16 =	simm.s32 @!p1 $0xE  }
0xe7: {  	[tilespmem:s21], [sflag:$0x5] =	stream.linear.gather [hbm4b:s17+s3], $0x50, $0x38;
	[tilespmem:$0x1E400] =	vst v63  }
0xe8: {  	_ =	swait.ge @!p1 [sflag:s16], $0x2800  }
0xe9: {  	s5 =	rddreg [dreg:$0x8];
	[sflag:s16] =	ssyncset.done @!p1 $0x0  }
0xea: {  	s17 =	rddreg [dreg:$0x9];
	[sflag:s16] =	ssyncadd.s32 @!p1 $0xFFFFD800;
	s5 =	sadd.s32 s24, s5  }
0xeb: {  	[tilespmem:s22], [sflag:$0x2] =	stream.linear.gather [hbm4b:s5+s3], $0x50, $0x38;
	[tilespmem:$0x1E400] =	vst v63  }
0xec: {  	s17 =	sadd.s32 s24, s17;
	s16 =	simm.s32 @!p1 $0xF  }
0xed: {  	[tilespmem:s23], [sflag:$0x6] =	stream.linear.gather [hbm4b:s17+s3], $0x50, $0x38;
	[tilespmem:$0x1E400] =	vst v63  }
0xee: {  	_ =	swait.ge @!p1 [sflag:s16], $0x2800  }
0xef: {  	s5 =	rddreg [dreg:$0x6];
	[sflag:s16] =	ssyncset.done @!p1 $0x0  }
0xf0: {  	s17 =	rddreg [dreg:$0x7];
	[sflag:s16] =	ssyncadd.s32 @!p1 $0xFFFFD800;
	s5 =	sadd.s32 s24, s5  }
0xf1: {  	[tilespmem:s25], [sflag:$0x3] =	stream.linear.gather [hbm4b:s5+s3], $0x50, $0x38;
	[tilespmem:$0x1E400] =	vst v63  }
0xf2: {  	s17 =	sadd.s32 s24, s17;
	s16 =	simm.s32 @!p1 $0x10  }
0xf3: {  	[tilespmem:s26], [sflag:$0x7] =	stream.linear.gather [hbm4b:s17+s3], $0x50, $0x38;
	[tilespmem:$0x1E400] =	vst v63  }
0xf4: {  	_ =	swait.ge @!p1 [sflag:s16], $0x2800  }
0xf5: {  	s5 =	rddreg [dreg:$0x4];
	[sflag:s16] =	ssyncset.done @!p1 $0x0  }
0xf6: {  	s17 =	rddreg [dreg:$0x5];
	[sflag:s16] =	ssyncadd.s32 @!p1 $0xFFFFD800;
	s5 =	sadd.s32 s24, s5  }
0xf7: {  	[tilespmem:s18], [sflag:$0x4] =	stream.linear.gather [hbm4b:s5+s3], $0x50, $0x38;
	[tilespmem:$0x1E400] =	vst v63  }
0xf8: {  	s24 =	sadd.s32 s24, s17  }
0xf9: {  	[tilespmem:s31], [sflag:$0x8] =	stream.linear.gather [hbm4b:s24+s3], $0x50, $0x38;
	[tilespmem:$0x1E400] =	vst v63  }
0xfa: {  	_ =	swait.ge [sflag:s28], $0x50  }
0xfb: {  	[sflag:s28] =	ssyncset.done $0x0  }
0xfc: {  	[sflag:s28] =	ssyncadd.s32 $0xFFFFFFB0  }
0xfd: {  	[tilespmem:s19], [sflag:$0x9] =	stream.indirect.gather [hbm4b:s1+s29], $0x80, s20, s29, $0xb8;
	[tilespmem:$0x1E400] =	vst v63  }
0xfe: {  	_ =	swait.ge [sflag:s30], $0x50  }
0xff: {  	[sflag:s30] =	ssyncset.done $0x0  }
0x100: {  	[sflag:s30] =	ssyncadd.s32 $0xFFFFFFB0  }
0x101: {  	[tilespmem:s4], [sflag:$0xA] =	stream.indirect.gather [hbm4b:s1+s29], $0x80, s22, s29, $0xb8;
	[tilespmem:$0x1E400] =	vst v63  }
0x102: {  	_ =	swait.ge [sflag:s0], $0x50  }
0x103: {  	[sflag:s0] =	ssyncset.done $0x0  }
0x104: {  	[sflag:s0] =	ssyncadd.s32 $0xFFFFFFB0  }
0x105: {  	[tilespmem:s7], [sflag:$0xB] =	stream.indirect.gather [hbm4b:s1+s29], $0x80, s25, s29, $0xb8;
	[tilespmem:$0x1E400] =	vst v63  }
0x106: {  	_ =	swait.ge [sflag:s6], $0x50  }
0x107: {  	[sflag:s6] =	ssyncset.done $0x0  }
0x108: {  	s16 =	simm.s32 $0x1BC00;
	[sflag:s6] =	ssyncadd.s32 $0xFFFFFFB0  }
0x109: {  	[tilespmem:s16], [sflag:$0xC] =	stream.indirect.gather [hbm4b:s1+s29], $0x80, s18, s29, $0xb8;
	[tilespmem:$0x1E400] =	vst v63  }
0x10a: {  	_ =	swait.ge [sflag:s8], $0x2800  }
0x10b: {  	[sflag:s8] =	ssyncset.done $0x0  }
0x10c: {  	[sflag:s8] =	ssyncadd.s32 $0xFFFFD800  }
0x10d: {  	_ =	swait.ge [sflag:s9], $0x50  }
0x10e: {  	[sflag:s9] =	ssyncset.done $0x0  }
0x10f: {  	[sflag:s9] =	ssyncadd.s32 $0xFFFFFFB0  }
0x110: {  	[spmem:s2] =	stream.indirect.scatter.add.f32 [tilespmem:s19], [sflag:$0xD], $0x80, s21, s29, $0xb8;
	[tilespmem:$0x1E400] =	vst v63  }
0x111: {  	_ =	swait.ge [sflag:s10], $0x2800  }
0x112: {  	[sflag:s10] =	ssyncset.done $0x0  }
0x113: {  	[sflag:s10] =	ssyncadd.s32 $0xFFFFD800  }
0x114: {  	_ =	swait.ge [sflag:s11], $0x50  }
0x115: {  	[sflag:s11] =	ssyncset.done $0x0  }
0x116: {  	[sflag:s11] =	ssyncadd.s32 $0xFFFFFFB0  }
0x117: {  	[spmem:s2] =	stream.indirect.scatter.add.f32 [tilespmem:s4], [sflag:$0xE], $0x80, s23, s29, $0xb8;
	[tilespmem:$0x1E400] =	vst v63  }
0x118: {  	_ =	swait.ge [sflag:s12], $0x2800  }
0x119: {  	[sflag:s12] =	ssyncset.done $0x0  }
0x11a: {  	[sflag:s12] =	ssyncadd.s32 $0xFFFFD800  }
0x11b: {  	_ =	swait.ge [sflag:s13], $0x50  }
0x11c: {  	[sflag:s13] =	ssyncset.done $0x0  }
0x11d: {  	[sflag:s13] =	ssyncadd.s32 $0xFFFFFFB0  }
0x11e: {  	[spmem:s2] =	stream.indirect.scatter.add.f32 [tilespmem:s7], [sflag:$0xF], $0x80, s26, s29, $0xb8;
	[tilespmem:$0x1E400] =	vst v63  }
0x11f: {  	_ =	swait.ge [sflag:s14], $0x2800  }
0x120: {  	[sflag:s14] =	ssyncset.done $0x0  }
0x121: {  	[sflag:s14] =	ssyncadd.s32 $0xFFFFD800  }
0x122: {  	_ =	swait.ge [sflag:s15], $0x50  }
0x123: {  	[sflag:s15] =	ssyncset.done $0x0  }
0x124: {  	s17 =	simm.s32 $0xD;
	[sflag:s15] =	ssyncadd.s32 $0xFFFFFFB0  }
0x125: {  	[spmem:s2] =	stream.indirect.scatter.add.f32 [tilespmem:s16], [sflag:$0x10], $0x80, s31, s29, $0xb8;
	[tilespmem:$0x1E400] =	vst v63  }
0x126: {  	_ =	swait.ge [sflag:s17], $0x2800  }
0x127: {  	[sflag:s17] =	ssyncset.done $0x0  }
0x128: {  	s18 =	rddreg [dreg:$0x14];
	[sflag:s17] =	ssyncadd.s32 $0xFFFFD800  }
0x129: {  	[tilespmem:s20], [sflag:$0x1] =	stream.linear.gather [hbm4b:s18+s3], $0x50, $0x38;
	[tilespmem:$0x1E400] =	vst v63  }
0x12a: {  	s24 =	rddreg [dreg:$0x15]  }
0x12b: {  	[tilespmem:s21], [sflag:$0x5] =	stream.linear.gather [hbm4b:s24+s3], $0x50, $0x38;
	[tilespmem:$0x1E400] =	vst v63  }
0x12c: {  	_ =	swait.ge [sflag:s28], $0x50  }
0x12d: {  	[sflag:s28] =	ssyncset.done $0x0  }
0x12e: {  	[sflag:s28] =	ssyncadd.s32 $0xFFFFFFB0  }
0x12f: {  	[tilespmem:s19], [sflag:$0x9] =	stream.indirect.gather [hbm4b:s1+s29], $0x80, s20, s29, $0xb8;
	[tilespmem:$0x1E400] =	vst v63  }
0x130: {  	_ =	swait.ge [sflag:s8], $0x2800  }
0x131: {  	[sflag:s8] =	ssyncset.done $0x0  }
0x132: {  	[sflag:s8] =	ssyncadd.s32 $0xFFFFD800  }
0x133: {  	_ =	swait.ge [sflag:s9], $0x50  }
0x134: {  	[sflag:s9] =	ssyncset.done $0x0  }
0x135: {  	[sflag:s9] =	ssyncadd.s32 $0xFFFFFFB0  }
0x136: {  	[spmem:s2] =	stream.indirect.scatter.add.f32 [tilespmem:s19], [sflag:$0xD], $0x80, s21, s29, $0xb8;
	[tilespmem:$0x1E400] =	vst v63  }
0x137: {  	_ =	swait.ge [sflag:s17], $0x2800  }
0x138: {  	[sflag:s17] =	ssyncset.done $0x0  }
0x139: {  	s5 =	simm.s32 $0xE;
	[sflag:s17] =	ssyncadd.s32 $0xFFFFD800  }
0x13a: {  	_ =	swait.ge [sflag:s5], $0x2800  }
0x13b: {  	[sflag:s5] =	ssyncset.done $0x0  }
0x13c: {  	s16 =	simm.s32 $0xF;
	[sflag:s5] =	ssyncadd.s32 $0xFFFFD800  }
0x13d: {  	_ =	swait.ge [sflag:s16], $0x2800  }
0x13e: {  	[sflag:s16] =	ssyncset.done $0x0  }
0x13f: {  	s17 =	simm.s32 $0x10;
	[sflag:s16] =	ssyncadd.s32 $0xFFFFD800  }
0x140: {  	_ =	swait.ge [sflag:s17], $0x2800  }
0x141: {  	[sflag:s17] =	ssyncset.done $0x0  }
0x142: {  	s18 =	stileid.u32;
	[sflag:s17] =	ssyncadd.s32 $0xFFFFD800  }
0x143: {  	s5 =	sshll.u32 s18, $0x6;
	[bflag:$0x0] =	sbarrier.arrive $0xFFFF  }
0x144: {  	s5 =	sor.u32 $0x1C11, s5;
	s18 =	rddreg [dreg:$0xc]  }
0x145: {  	s16 =	simm.s32 $0x11;
	s4 =	rddreg [dreg:$0x17];
	s24 =	sshrl.u32 s18, $0x3  }
0x146: {  	[hbm:s4], [sflag:s5] =	dma.local [spmem:s24], $0x2800  }
0x147: {  	_ =	swait.ge [sflag:s16], $0x2800  }
0x148: {  	s17 =	rddreg [dreg:$0x18]  }
0x149: {  	s24 =	rddreg [dreg:$0x16];
	s4 =	sadd.s32 $0x1, s17  }
0x14a: {  	p0 =	sne.s32 s4, s24  }
.Ltmp2:
0x14b: {  	_ = 	snop;
	(pc) =	sbr.rel @p0 .LBB2_1-.Ltmp2, $3  }
0x14c: {  	_ =	sdelay $0x1  }
0x14d: {  	[sflag:s16] =	ssyncset.done $0x0  }
0x14e: {  	[sflag:s16] =	ssyncadd.s32 $0xFFFFD800  }
0x14f: {  	_ =	sfence.sel $0x180000  }
0x150: {  	[bflag:$0x0] =	sbarrier.arrive $0xFFFF  }
0x151: {  	_ =	strace $0x9000004A  }
0x152: {  	s0 =	stileid.u32;
	[bflag:$0x2] =	sbarrier.arrive $0xFFFF  }
0x153: {  	p0 =	sne.s32 s0, $0x0;
	s0 =	rddreg [dreg:$0x3]  }
0x154: {  	s0 =	sadd.s32 @!p0 $0x100000, s0  }
0x155: {  	[sflag:s0] =	ssyncadd.tile.s32 @!p0 $0x1;
	_ =	shalt  }
.Lfunc_end2:
_tile_overlayer_lowered:
.L_overlay_start_2:
0x156: {  	(tag) =	ssettag $0x2  }
0x157: {  	s0 =	rddreg [dreg:$0x0];
	s2 =	stileid.u32  }
0x158: {  	s1 =	rddreg [dreg:$0x1];
	p0 =	sne.s32 s2, $0x0  }
0x159: {  	s3 =	rddreg [dreg:$0x2];
	[bflag:$0x3] =	sbarrier.arrive $0xFFFF;
	s2 =	simm.s32 @!p0 $0x1C11  }
0x15a: {  	[timem:s3], [sflag:s2] =	dma.local @!p0 [hbm:s0], s1  }
0x15b: {  	s0 =	simm.s32 @!p0 $0x11  }
0x15c: {  	_ =	swait.ge @!p0 [sflag:s0], s1  }
0x15d: {  	s1 =	ssub.s32 @!p0 $0x0, s1;
	[sflag:s0] =	ssyncset.done @!p0 $0x0  }
0x15e: {  	[sflag:s0] =	ssyncadd.s32 @!p0 s1  }
0x15f: {  	[bflag:$0x3] =	sbarrier.arrive $0xFFFF  }
0x160: {  	_ =	shalt  }

// kernel: kernel.14.cloned.1.call-start
scs
__scs_entry_jumppad:
0x0: {  	(pc) =	sbr.rel $0x88, $3  }
0x1: {  	(tag) =	ssettag $0x0;
	lr =	simm.s32 $0x1  }
0x2: {  	[smem:$0x3F97] =	sst lr;
	_ =	strace $0xD0000000  }
0x3: {  	_ = 	snop  }
0x4: {  	_ = 	snop  }
0x5: {  	_ = 	snop  }
0x6: {  	_ = 	snop  }
0x7: {  	_ = 	snop  }
__scs_overlays_trampoline_lowered:
0x8: {  	[smem:$0x3FA6] =	sst s0  }
0x9: {  	[smem:$0x3FA7] =	sst s1  }
0xa: {  	[smem:$0x3FA8] =	sst s2  }
0xb: {  	[smem:$0x3FA9] =	sst s3  }
0xc: {  	[smem:$0x3FAA] =	sst s4  }
0xd: {  	[smem:$0x3FAB] =	sst s5  }
0xe: {  	[smem:$0x3FAC] =	sst s6  }
0xf: {  	[smem:$0x3FAD] =	sst s7  }
0x10: {  	[smem:$0x3FAE] =	sst s8  }
0x11: {  	[smem:$0x3FAF] =	sst s9;
	s0 =	simm.s32 @!p0 $0x0  }
0x12: {  	s1 =	sld [smem:$0x3F95];
	s0 =	simm.s32 @p0 $0x1  }
0x13: {  	[smem:$0x3FB0] =	sst s0;
	s0 =	simm.s32 @!p1 $0x0  }
0x14: {  	s2 =	sld [smem:$0x3F94];
	s0 =	simm.s32 @p1 $0x1  }
0x15: {  	[smem:$0x3FB1] =	sst s0;
	s0 =	simm.s32 @!p2 $0x0  }
0x16: {  	s3 =	sld [smem:$0x3FDB];
	s0 =	simm.s32 @p2 $0x1  }
0x17: {  	s4 =	simm.s32 $0x1BF5;
	[smem:$0x3FB3] =	sst s0  }
0x18: {  	s0 =	sld [smem:$0x3F96];
	_ =	swait.ge [sflag:s4], $0x0  }
0x19: {  	s7 =	sld [smem:$0x3F97]  }
0x1a: {  	s8 =	sadd.s32 $0xFFFFE003, lr  }
0x1b: {  	s9 =	sadd.s32 $0xFFFFFEF7, lr;
	s5 =	simm.s32 $0xFFFFFFFF;
	p2 =	slt.u32 s8, $0xFFFFF086  }
0x1c: {  	p1 =	slt.u32 s9, $0xF7A;
	s5 =	simm.s32 @!p2 $0x0  }
0x1d: {  	s5 =	simm.s32 @p1 $0x1;
	p0 =	seq.s32 s7, s2  }
0x1e: {  	s7 =	smul.u32 @!p0 $0xF7A, s2;
	p2 =	seq.s32 @!p0 s5, $0x0  }
0x1f: {  	s9 =	smul.u32 $0xF7A, s1;
	s8 =	simm.s32 @!p0 $0x1BF5;
	p2 =	por !p2, p0  }
0x20: {  	[sflag:s8] =	ssyncset.s32 @!p0 $0xFFFFF086;
	s6 =	sadd.s32 @!p0 s3, s7;
	s7 =	simm.s32 @!p0 $0x108  }
0x21: {  	s3 =	sadd.s32 s3, s9;
	s6 =	sadd.s32 @!p0 $0x88, s6;
	s7 =	simm.s32 @p2 $0x1082  }
0x22: {  	[simem:s7], [sflag:s8] =	dma.local @!p0 [hbm:s6], $0xF7A  }
0x23: {  	s9 =	sor.u32 $0xD0000000, s2;
	s6 =	simm.s32 $0x108;
	_ =	swait.ge @!p0 [sflag:s8], $0x0  }
0x24: {  	s3 =	sadd.s32 $0x88, s3;
	s6 =	simm.s32 @!p1 $0x1082;
	[sflag:s4] =	ssyncset.s32 $0xFFFFF086  }
0x25: {  	[simem:s6], [sflag:s4] =	dma.local [hbm:s3], $0xF7A  }
0x26: {  	[smem:$0x3F97] =	sst s1;
	(tag) =	ssettag s2;
	_ =	strace s9  }
0x27: {  	s1 =	sld [smem:$0x3FA7]  }
0x28: {  	s2 =	sld [smem:$0x3FA8]  }
0x29: {  	s4 =	sld [smem:$0x3FAA]  }
0x2a: {  	p0 =	seq.s32 s5, $0x0;
	s5 =	sld [smem:$0x3FAB]  }
0x2b: {  	s6 =	sld [smem:$0x3FAC]  }
0x2c: {  	s7 =	sld [smem:$0x3FAD]  }
0x2d: {  	s3 =	simm.s32 $0x108;
	s8 =	sld [smem:$0x3FAE]  }
0x2e: {  	s3 =	simm.s32 @!p0 $0x1082;
	s9 =	sld [smem:$0x3FAF]  }
0x2f: {  	lr =	sadd.s32 s0, s3;
	s0 =	sld [smem:$0x3FA6]  }
0x30: {  	s3 =	sld [smem:$0x3FA9]  }
0x31: {  	[smem:$0x3FB2] =	sst s10  }
0x32: {  	s10 =	sld [smem:$0x3FB0];
	_ =	sdelay $0x3  }
0x33: {  	p0 =	seq.s32 s10, $0x1;
	s10 =	sld [smem:$0x3FB2];
	_ =	sdelay $0x3  }
0x34: {  	[smem:$0x3FB2] =	sst s10  }
0x35: {  	s10 =	sld [smem:$0x3FB1];
	_ =	sdelay $0x3  }
0x36: {  	p1 =	seq.s32 s10, $0x1;
	s10 =	sld [smem:$0x3FB2];
	_ =	sdelay $0x3  }
0x37: {  	[smem:$0x3FB2] =	sst s10  }
0x38: {  	s10 =	sld [smem:$0x3FB3]  }
0x39: {  	_ = 	snop;
	(pc) =	sbr.ind lr, $3  }
0x3a: {  	_ = 	snop  }
0x3b: {  	_ = 	snop  }
0x3c: {  	p2 =	seq.s32 s10, $0x1;
	s10 =	sld [smem:$0x3FB2]  }
0x3d: {  	_ =	shalt  }
0x3e: {  	_ =	shalt  }
0x3f: {  	_ =	shalt  }
0x40: {  	_ =	shalt  }
0x41: {  	_ =	shalt  }
0x42: {  	_ =	shalt  }
0x43: {  	_ =	shalt  }
0x44: {  	_ =	shalt  }
0x45: {  	_ =	shalt  }
0x46: {  	_ =	shalt  }
0x47: {  	_ =	shalt  }
0x48: {  	_ =	shalt  }
0x49: {  	_ =	shalt  }
0x4a: {  	_ =	shalt  }
0x4b: {  	_ =	shalt  }
0x4c: {  	_ =	shalt  }
0x4d: {  	_ =	shalt  }
0x4e: {  	_ =	shalt  }
0x4f: {  	_ =	shalt  }
0x50: {  	_ =	shalt  }
0x51: {  	_ =	shalt  }
0x52: {  	_ =	shalt  }
0x53: {  	_ =	shalt  }
0x54: {  	_ =	shalt  }
0x55: {  	_ =	shalt  }
0x56: {  	_ =	shalt  }
0x57: {  	_ =	shalt  }
0x58: {  	_ =	shalt  }
0x59: {  	_ =	shalt  }
0x5a: {  	_ =	shalt  }
0x5b: {  	_ =	shalt  }
0x5c: {  	_ =	shalt  }
0x5d: {  	_ =	shalt  }
0x5e: {  	_ =	shalt  }
0x5f: {  	_ =	shalt  }
0x60: {  	_ =	shalt  }
0x61: {  	_ =	shalt  }
0x62: {  	_ =	shalt  }
0x63: {  	_ =	shalt  }
0x64: {  	_ =	shalt  }
0x65: {  	_ =	shalt  }
0x66: {  	_ =	shalt  }
0x67: {  	_ =	shalt  }
0x68: {  	_ =	shalt  }
0x69: {  	_ =	shalt  }
0x6a: {  	_ =	shalt  }
0x6b: {  	_ =	shalt  }
0x6c: {  	_ =	shalt  }
0x6d: {  	_ =	shalt  }
0x6e: {  	_ =	shalt  }
0x6f: {  	_ =	shalt  }
0x70: {  	_ =	shalt  }
0x71: {  	_ =	shalt  }
0x72: {  	_ =	shalt  }
0x73: {  	_ =	shalt  }
0x74: {  	_ =	shalt  }
0x75: {  	_ =	shalt  }
0x76: {  	_ =	shalt  }
0x77: {  	_ =	shalt  }
0x78: {  	_ =	shalt  }
0x79: {  	_ =	shalt  }
0x7a: {  	_ =	shalt  }
0x7b: {  	_ =	shalt  }
0x7c: {  	_ =	shalt  }
0x7d: {  	_ =	shalt  }
0x7e: {  	_ =	shalt  }
0x7f: {  	_ =	shalt  }
0x80: {  	_ =	shalt  }
0x81: {  	_ =	shalt  }
0x82: {  	_ =	shalt  }
0x83: {  	_ =	shalt  }
0x84: {  	_ =	shalt  }
0x85: {  	_ =	shalt  }
0x86: {  	_ =	shalt  }
0x87: {  	_ =	shalt  }
.Lfunc_end0:
.L_simem_size_0:
called_computation.2_lowered:
.L_overlay_start_0:
0x88: {  	s2 =	sld [smem:$0x3FD9]  }
0x89: {  	s3 =	sld [smem:$0x3FFE];
	_ =	sdelay $0x1  }
0x8a: {  	s1 =	srdreg.scid  }
0x8b: {  	s0 =	sand.u32 $0x1, s1  }
0x8c: {  	s17 =	sshll.u32 s0, $0xA;
	s2 =	sadd.s32 s3, s2  }
0x8d: {  	s2 =	sadd.s32 s2, s17  }
0x8e: {  	[smem:$0x3FBE] =	sst s2  }
0x8f: {  	_ = 	snop  }
0x90: {  	s2 =	sld [smem:$0x3FD0];
	(tm) =	ssettm $0x1  }
0x91: {  	s18 =	sld [smem:$0x3FFB];
	_ =	sdelay $0x3  }
0x92: {  	_ =	strace s18  }
0x93: {  	s3 =	sld [smem:$0x3FFC];
	_ =	sdelay $0x3  }
0x94: {  	_ =	strace s3  }
0x95: {  	s3 =	sld [smem:$0x3FFD];
	_ =	sdelay $0x3  }
0x96: {  	_ =	strace s3  }
0x97: {  	_ =	strace $0x8FFFFFFF  }
0x98: {  	s19 =	sld [smem:$0x3FDB];
	_ =	sdelay $0x1  }
0x99: {  	s4 =	simm.s32 $_scs_section_size  }
0x9a: {  	s5 =	simm.s32 $_size__tile_overlayer_lowered;
	s6 =	simm.s32 $_tile_overlayer_lowered  }
0x9b: {  	s22 =	simm.s32 $0x1BFF;
	s21 =	sshll.u32 s6, $0x1;
	s3 =	sadd.s32 s4, s19  }
0x9c: {  	s7 =	simm.s32 $0x0;
	s20 =	sshll.u32 s5, $0x1;
	s5 =	sadd.s32 s21, s3  }
0x9d: {  	[timem:s7], [sflag:s22] =	dma.local [hbm:s5], s20  }
0x9e: {  	_ =	swait.ge [sflag:s22], s20  }
0x9f: {  	s4 =	ssub.s32 $0x0, s20;
	[sflag:s22] =	ssyncset.done $0x0  }
0xa0: {  	[sflag:s22] =	ssyncadd.s32 s4;
	_ =	sdelay $0x1  }
0xa1: {  	s23 =	simm.s32 $0x1B8B  }
0xa2: {  	_ =	swait.ge [sflag:s23], $0x1  }
0xa3: {  	[sflag:s23] =	ssyncset.done $0x0  }
0xa4: {  	s25 =	simm.s32 $0x1B8E;
	s24 =	sld [smem:$0x3FFE];
	[sflag:s23] =	ssyncadd.s32 $0xFFFFFFFF  }
0xa5: {  	s26 =	simm.s32 $execute0_lowered;
	[smem:$0x3FD2] =	sst s25  }
0xa6: {  	s5 =	sshll.u32 s26, $0x1;
	_ =	strace $0x8000004C;
	[dreg:$0x1] =	wrdreg $0xFFFFFFFF  }
0xa7: {  	s28 =	simm.s32 $_size_execute0_lowered;
	s3 =	sadd.s32 s3, s5;
	[dreg:$0x0] =	wrdreg $0x0  }
0xa8: {  	s5 =	sshll.u32 s28, $0x1;
	[dreg:$0x2] =	wrdreg s3  }
0xa9: {  	[dreg:$0x3] =	wrdreg s5  }
0xaa: {  	[dreg:$0x4] =	wrdreg $0xC0  }
0xab: {  	_ =	task [dreg:s7], $0x5FFFF  }
0xac: {  	[dreg:$0x1] =	wrdreg $0xFFFFFFFF  }
0xad: {  	[dreg:$0x0] =	wrdreg $0x60  }
0xae: {  	[dreg:$0x2] =	wrdreg s24  }
0xaf: {  	[dreg:$0x3] =	wrdreg s2  }
0xb0: {  	[dreg:$0x4] =	wrdreg $0x0  }
0xb1: {  	[dreg:$0x5] =	wrdreg $0x9  }
0xb2: {  	_ =	task.clear_ibuf [dreg:s7], $0x6FFFF;
	_ =	strace $0x9000004C  }
0xb3: {  	s29 =	simm.s32 $0x9;
	_ =	strace $0x8000004E  }
0xb4: {  	_ =	swait.ge [sflag:s29], $0x1  }
0xb5: {  	[sflag:s29] =	ssyncadd.s32 $0xFFFFFFFF  }
0xb6: {  	_ =	strace $0x9000004E  }
0xb7: {  	_ =	sfence  }
0xb8: {  	s30 =	sld [smem:$0x0];
	_ =	sdelay $0x2  }
0xb9: {  	s31 =	sshll.u32 s1, $0xD;
	s1 =	sshrl.u32 s1, $0x2  }
0xba: {  	s3 =	sand.u32 $0x4000, s31;
	s1 =	sadd.s32 s1, s30  }
0xbb: {  	s0 =	sor.u32 s3, s0;
	s1 =	sshll.u32 s1, $0x11  }
0xbc: {  	s0 =	sor.u32 s1, s0  }
0xbd: {  	s0 =	sadd.s32 $0x8F2B, s0  }
0xbe: {  	[sflag:s0] =	ssyncadd.remote.s32 $0x1  }
0xbf: {  	_ =	sfence.sel $0xFFFF  }
0xc0: {  	[dreg:$0x0] =	wrdreg $0xFFFFFFFF;
	(pc) =	sbr.abs _section_cstart, $3  }
0xc1: {  	[dreg:$0x1] =	wrdreg $0xFFFFFFFF  }
0xc2: {  	_ =	task.clear_ibuf [dreg:s7], $0x2FFFF;
	_ =	strace $0x9FFFFFFF  }
0xc3: {  	(tm) =	ssettm $0x7FFFFFFF  }
tec
execute0_lowered:
.L_overlay_start_1:
0x0: {  	(tag) =	ssettag $0x1  }
0x1: {  	s0 =	rddreg [dreg:$0x0]  }
0x2: {  	s1 =	rddreg [dreg:$0x1]  }
0x3: {  	s2 =	rddreg [dreg:$0x2];
	s3 =	simm.s32 $0x0  }
0x4: {  	s4 =	srdreg.scid;
	s10 =	stileid.u32;
	s28 =	simm.s32 $0x1  }
0x5: {  	s29 =	simm.s32 $0x50;
	s30 =	simm.s32 $0x2;
	s31 =	simm.s32 $0x14380  }
0x6: {  	[smem:$0x7FF] =	sst s3;
	s4 =	sand.u32 $0x1, s4;
	s6 =	smul.u32 $0x50000, s10  }
0x7: {  	s7 =	sadd.s32 $0x3E00, s0;
	s16 =	sshll.u32 s10, $0x1;
	s19 =	smul.u32 $0x4E20, s10  }
0x8: {  	s5 =	smul.u32 $0x28000, s4;
	s8 =	ssub.s32 $0x2, s4;
	s6 =	sshrl.u32 s6, $0x2  }
0x9: {  	_ =	strace $0x8000004D;
	s9 =	sshrl.u32 s8, $0x1;
	s18 =	sadd.s32 s6, s2  }
0xa: {  	s0 =	sadd.s32 s5, s0;
	s17 =	sadd.s32 $0x2800, s18;
	[dreg:$0xc] =	wrdreg s18  }
0xb: {  	s5 =	sor.u32 s4, s16;
	s20 =	sadd.s32 $0x5000, s18;
	[dreg:$0xd] =	wrdreg s17  }
0xc: {  	s6 =	ssub.s32 s8, s9;
	s21 =	sadd.s32 $0x7800, s18;
	[dreg:$0xe] =	wrdreg s20  }
0xd: {  	s4 =	smul.u32 $0x2710, s4;
	s22 =	sadd.s32 $0xA000, s18;
	[dreg:$0xf] =	wrdreg s21  }
0xe: {  	s5 =	smul.u32 $0x2710, s5;
	s23 =	sadd.s32 $0xC800, s18;
	[dreg:$0x10] =	wrdreg s22  }
0xf: {  	s24 =	sadd.s32 $0xF000, s18;
	s25 =	sadd.s32 $0x11800, s18;
	[dreg:$0x11] =	wrdreg s23  }
0x10: {  	s0 =	sadd.s32 $0x67800, s0;
	s6 =	smax.u32 s6, $0x1;
	[dreg:$0x12] =	wrdreg s24  }
0x11: {  	s4 =	sadd.s32 s4, s19;
	[dreg:$0x13] =	wrdreg s25;
	s23 =	smul.u32 $0x2800, s10  }
0x12: {  	[dreg:$0x16] =	wrdreg s6;
	s6 =	simm.s32 $0x4;
	s10 =	simm.s32 $0xA  }
0x13: {  	s5 =	sshrl.u32 s5, $0x3;
	s9 =	sadd.s32 $0xF0, s4;
	s12 =	sadd.s32 $0x4E2F0, s4  }
0x14: {  	s14 =	sadd.s32 $0xA0, s4;
	s16 =	sadd.s32 $0x4E2A0, s4;
	s17 =	sadd.s32 $0x50, s4  }
0x15: {  	s22 =	sadd.s32 $0x4E250, s4;
	s25 =	sshrl.u32 s4, $0x3;
	s4 =	sadd.s32 $0x4E200, s4  }
0x16: {  	s5 =	sadd.s32 s7, s5;
	s11 =	sshrl.u32 s9, $0x3;
	s8 =	sshrl.u32 s12, $0x3  }
0x17: {  	s15 =	sshrl.u32 s14, $0x3;
	s20 =	sshrl.u32 s17, $0x3;
	s24 =	sshrl.u32 s22, $0x3  }
0x18: {  	s4 =	sshrl.u32 s4, $0x3;
	s0 =	sadd.s32 s23, s0;
	s9 =	simm.s32 $0x5  }
0x19: {  	s12 =	simm.s32 $0xB;
	s14 =	simm.s32 $0xC;
	s22 =	simm.s32 $0x14080  }
0x1a: {  	s23 =	simm.s32 $0x14280;
	s26 =	sadd.s32 $0x4D8, s5;
	s5 =	sadd.s32 $0xA118, s5  }
0x1b: {  	s13 =	sadd.s32 s8, s7;
	s8 =	sshrl.u32 s16, $0x3;
	[dreg:$0x17] =	wrdreg s0  }
0x1c: {  	s21 =	sadd.s32 s20, s7;
	s4 =	sadd.s32 s4, s7;
	[dreg:$0x14] =	wrdreg s26  }
0x1d: {  	s16 =	simm.s32 $0x11;
	s0 =	simm.s32 $0x3;
	[dreg:$0x15] =	wrdreg s5  }
0x1e: {  	s20 =	simm.s32 $0x14000;
	s5 =	sadd.s32 s11, s7;
	[dreg:$0x5] =	wrdreg s13  }
0x1f: {  	s19 =	sadd.s32 s8, s7;
	[dreg:$0x8] =	wrdreg s21;
	s26 =	sadd.s32 s25, s7  }
0x20: {  	[dreg:$0xb] =	wrdreg s4;
	s8 =	simm.s32 $0x9;
	s11 =	simm.s32 $0x6  }
0x21: {  	s13 =	simm.s32 $0x7;
	s4 =	simm.s32 $0x0;
	[dreg:$0x4] =	wrdreg s5  }
0x22: {  	s21 =	simm.s32 $0x14200;
	s25 =	simm.s32 $0x14100;
	[dreg:$0x7] =	wrdreg s19  }
0x23: {  	s5 =	sadd.s32 s15, s7;
	[dreg:$0xa] =	wrdreg s26;
	s19 =	simm.s32 $0x14400  }
0x24: {  	s15 =	simm.s32 $0x8;
	[dreg:$0x6] =	wrdreg s5;
	s5 =	sadd.s32 s24, s7  }
0x25: {  	v0 =	vimm.f32 $0.0e+00;
	s26 =	simm.s32 $0x14300;
	s7 =	simm.s32 $0x19400;
	[dreg:$0x9] =	wrdreg s5  }
.LBB2_1:
0x26: {  	[dreg:$0x18] =	wrdreg s4;
	s5 =	simm.s32 $0x0;
	s17 =	simm.s32 $0x200  }
.LBB2_2:
0x27: {  	p0 =	sne.s32 s17, $0x9E00;
	[tilespmem:s5+$0x14470] =	vst v0  }
0x28: {  	[tilespmem:s5+$0x14400] =	vst v0  }
0x29: {  	[tilespmem:s5+$0x14410] =	vst v0  }
.Ltmp0:
0x2a: {  	[tilespmem:s5+$0x14420] =	vst v0;
	(pc) =	sbr.rel @p0 .LBB2_2-.Ltmp0, $4  }
0x2b: {  	[tilespmem:s5+$0x14430] =	vst v0  }
0x2c: {  	[tilespmem:s5+$0x14440] =	vst v0  }
0x2d: {  	[tilespmem:s5+$0x14450] =	vst v0  }
0x2e: {  	[tilespmem:s5+$0x14460] =	vst v0;
	s5 =	sshra.s32 s17, $0x2;
	s17 =	sadd.s32 $0x200, s17  }
0x2f: {  	[tilespmem:s5+$0x14470] =	vst v0  }
0x30: {  	[tilespmem:s5+$0x14400] =	vst v0  }
0x31: {  	[tilespmem:s5+$0x14410] =	vst v0  }
0x32: {  	[tilespmem:s5+$0x14420] =	vst v0  }
0x33: {  	[tilespmem:s5+$0x14430] =	vst v0  }
0x34: {  	[tilespmem:s5+$0x14440] =	vst v0  }
0x35: {  	[tilespmem:s5+$0x14450] =	vst v0  }
0x36: {  	[tilespmem:s5+$0x14460] =	vst v0  }
0x37: {  	[spmem:s18] =	stream.linear.scatter [tilespmem:s19], [sflag:$0x11], $0x2800, $0x38;
	[tilespmem:$0x1E400] =	vst v63  }
0x38: {  	_ =	swait.ge [sflag:s16], $0x2800  }
0x39: {  	[sflag:s16] =	ssyncset.done $0x0  }
0x3a: {  	s24 =	rddreg [dreg:$0xd];
	[sflag:s16] =	ssyncadd.s32 $0xFFFFD800  }
0x3b: {  	[spmem:s24] =	stream.linear.scatter [tilespmem:s19], [sflag:$0x11], $0x2800, $0x38;
	[tilespmem:$0x1E400] =	vst v63  }
0x3c: {  	_ =	swait.ge [sflag:s16], $0x2800  }
0x3d: {  	[sflag:s16] =	ssyncset.done $0x0  }
0x3e: {  	s4 =	rddreg [dreg:$0xe];
	[sflag:s16] =	ssyncadd.s32 $0xFFFFD800  }
0x3f: {  	[spmem:s4] =	stream.linear.scatter [tilespmem:s19], [sflag:$0x11], $0x2800, $0x38;
	[tilespmem:$0x1E400] =	vst v63  }
0x40: {  	_ =	swait.ge [sflag:s16], $0x2800  }
0x41: {  	[sflag:s16] =	ssyncset.done $0x0  }
0x42: {  	s17 =	rddreg [dreg:$0xf];
	[sflag:s16] =	ssyncadd.s32 $0xFFFFD800  }
0x43: {  	[spmem:s17] =	stream.linear.scatter [tilespmem:s19], [sflag:$0x11], $0x2800, $0x38;
	[tilespmem:$0x1E400] =	vst v63  }
0x44: {  	_ =	swait.ge [sflag:s16], $0x2800  }
0x45: {  	[sflag:s16] =	ssyncset.done $0x0  }
0x46: {  	s18 =	rddreg [dreg:$0x10];
	[sflag:s16] =	ssyncadd.s32 $0xFFFFD800  }
0x47: {  	[spmem:s18] =	stream.linear.scatter [tilespmem:s19], [sflag:$0x11], $0x2800, $0x38;
	[tilespmem:$0x1E400] =	vst v63  }
0x48: {  	_ =	swait.ge [sflag:s16], $0x2800  }
0x49: {  	[sflag:s16] =	ssyncset.done $0x0  }
0x4a: {  	s24 =	rddreg [dreg:$0x11];
	[sflag:s16] =	ssyncadd.s32 $0xFFFFD800  }
0x4b: {  	[spmem:s24] =	stream.linear.scatter [tilespmem:s19], [sflag:$0x11], $0x2800, $0x38;
	[tilespmem:$0x1E400] =	vst v63  }
0x4c: {  	_ =	swait.ge [sflag:s16], $0x2800  }
0x4d: {  	[sflag:s16] =	ssyncset.done $0x0  }
0x4e: {  	s4 =	rddreg [dreg:$0x12];
	[sflag:s16] =	ssyncadd.s32 $0xFFFFD800  }
0x4f: {  	[spmem:s4] =	stream.linear.scatter [tilespmem:s19], [sflag:$0x11], $0x2800, $0x38;
	[tilespmem:$0x1E400] =	vst v63  }
0x50: {  	_ =	swait.ge [sflag:s16], $0x2800  }
0x51: {  	[sflag:s16] =	ssyncset.done $0x0  }
0x52: {  	s17 =	rddreg [dreg:$0x13];
	[sflag:s16] =	ssyncadd.s32 $0xFFFFD800  }
0x53: {  	[spmem:s17] =	stream.linear.scatter [tilespmem:s19], [sflag:$0x11], $0x2800, $0x38;
	[tilespmem:$0x1E400] =	vst v63  }
0x54: {  	_ =	swait.ge [sflag:s16], $0x2800  }
0x55: {  	[sflag:s16] =	ssyncset.done $0x0  }
0x56: {  	p0 =	por $0x1, $0x1;
	[sflag:s16] =	ssyncadd.s32 $0xFFFFD800  }
0x57: {  	s5 =	simm.s32 @!p0 $0xD;
	[bflag:$0x0] =	sbarrier.arrive $0xFFFF  }
0x58: {  	_ =	swait.ge @!p0 [sflag:s5], $0x2800  }
0x59: {  	s17 =	rddreg [dreg:$0xa];
	[sflag:s5] =	ssyncset.done @!p0 $0x0  }
0x5a: {  	s24 =	rddreg [dreg:$0xb];
	[sflag:s5] =	ssyncadd.s32 @!p0 $0xFFFFD800;
	s18 =	sadd.s32 $0x0, s17  }
0x5b: {  	[tilespmem:s20], [sflag:$0x1] =	stream.linear.gather [hbm4b:s18+s3], $0x50, $0x38;
	[tilespmem:$0x1E400] =	vst v63  }
0x5c: {  	s4 =	sadd.s32 $0x0, s24;
	s17 =	simm.s32 @!p0 $0xE  }
0x5d: {  	[tilespmem:s21], [sflag:$0x5] =	stream.linear.gather [hbm4b:s4+s3], $0x50, $0x38;
	[tilespmem:$0x1E400] =	vst v63  }
0x5e: {  	_ =	swait.ge @!p0 [sflag:s17], $0x2800  }
0x5f: {  	s16 =	rddreg [dreg:$0x8];
	[sflag:s17] =	ssyncset.done @!p0 $0x0  }
0x60: {  	s18 =	rddreg [dreg:$0x9];
	[sflag:s17] =	ssyncadd.s32 @!p0 $0xFFFFD800;
	s5 =	sadd.s32 $0x0, s16  }
0x61: {  	[tilespmem:s22], [sflag:$0x2] =	stream.linear.gather [hbm4b:s5+s3], $0x50, $0x38;
	[tilespmem:$0x1E400] =	vst v63  }
0x62: {  	s4 =	sadd.s32 $0x0, s18;
	s17 =	simm.s32 @!p0 $0xF  }
0x63: {  	[tilespmem:s23], [sflag:$0x6] =	stream.linear.gather [hbm4b:s4+s3], $0x50, $0x38;
	[tilespmem:$0x1E400] =	vst v63  }
0x64: {  	_ =	swait.ge @!p0 [sflag:s17], $0x2800  }
0x65: {  	s16 =	rddreg [dreg:$0x6];
	[sflag:s17] =	ssyncset.done @!p0 $0x0  }
0x66: {  	s18 =	rddreg [dreg:$0x7];
	[sflag:s17] =	ssyncadd.s32 @!p0 $0xFFFFD800;
	s5 =	sadd.s32 $0x0, s16  }
0x67: {  	[tilespmem:s25], [sflag:$0x3] =	stream.linear.gather [hbm4b:s5+s3], $0x50, $0x38;
	[tilespmem:$0x1E400] =	vst v63  }
0x68: {  	s24 =	sadd.s32 $0x0, s18;
	s17 =	simm.s32 @!p0 $0x10  }
0x69: {  	[tilespmem:s26], [sflag:$0x7] =	stream.linear.gather [hbm4b:s24+s3], $0x50, $0x38;
	[tilespmem:$0x1E400] =	vst v63  }
0x6a: {  	_ =	swait.ge @!p0 [sflag:s17], $0x2800  }
0x6b: {  	s4 =	rddreg [dreg:$0x4]  }
0x6c: {  	[sflag:s17] =	ssyncset.done @!p0 $0x0;
	s16 =	rddreg [dreg:$0x5]  }
0x6d: {  	[sflag:s17] =	ssyncadd.s32 @!p0 $0xFFFFD800;
	s5 =	sadd.s32 $0x0, s4;
	s17 =	simm.s32 $0x14180  }
0x6e: {  	[tilespmem:s17], [sflag:$0x4] =	stream.linear.gather [hbm4b:s5+s3], $0x50, $0x38;
	[tilespmem:$0x1E400] =	vst v63  }
0x6f: {  	s18 =	sadd.s32 $0x0, s16  }
0x70: {  	[tilespmem:s31], [sflag:$0x8] =	stream.linear.gather [hbm4b:s18+s3], $0x50, $0x38;
	[tilespmem:$0x1E400] =	vst v63  }
0x71: {  	_ =	swait.ge [sflag:s28], $0x50  }
0x72: {  	[sflag:s28] =	ssyncset.done $0x0  }
0x73: {  	[sflag:s28] =	ssyncadd.s32 $0xFFFFFFB0  }
0x74: {  	[tilespmem:s19], [sflag:$0x9] =	stream.indirect.gather [hbm4b:s1+s29], $0x80, s20, s29, $0xb8;
	[tilespmem:$0x1E400] =	vst v63  }
0x75: {  	_ =	swait.ge [sflag:s30], $0x50  }
0x76: {  	[sflag:s30] =	ssyncset.done $0x0  }
0x77: {  	s4 =	simm.s32 $0x16C00;
	[sflag:s30] =	ssyncadd.s32 $0xFFFFFFB0  }
0x78: {  	[tilespmem:s4], [sflag:$0xA] =	stream.indirect.gather [hbm4b:s1+s29], $0x80, s22, s29, $0xb8;
	[tilespmem:$0x1E400] =	vst v63  }
0x79: {  	_ =	swait.ge [sflag:s0], $0x50  }
0x7a: {  	[sflag:s0] =	ssyncset.done $0x0  }
0x7b: {  	[sflag:s0] =	ssyncadd.s32 $0xFFFFFFB0  }
0x7c: {  	[tilespmem:s7], [sflag:$0xB] =	stream.indirect.gather [hbm4b:s1+s29], $0x80, s25, s29, $0xb8;
	[tilespmem:$0x1E400] =	vst v63  }
0x7d: {  	_ =	swait.ge [sflag:s6], $0x50  }
0x7e: {  	[sflag:s6] =	ssyncset.done $0x0  }
0x7f: {  	s24 =	simm.s32 $0x1BC00;
	[sflag:s6] =	ssyncadd.s32 $0xFFFFFFB0  }
0x80: {  	[tilespmem:s24], [sflag:$0xC] =	stream.indirect.gather [hbm4b:s1+s29], $0x80, s17, s29, $0xb8;
	[tilespmem:$0x1E400] =	vst v63  }
0x81: {  	_ =	swait.ge [sflag:s8], $0x2800  }
0x82: {  	[sflag:s8] =	ssyncset.done $0x0  }
0x83: {  	[sflag:s8] =	ssyncadd.s32 $0xFFFFD800  }
0x84: {  	_ =	swait.ge [sflag:s9], $0x50  }
0x85: {  	[sflag:s9] =	ssyncset.done $0x0  }
0x86: {  	[sflag:s9] =	ssyncadd.s32 $0xFFFFFFB0  }
0x87: {  	[spmem:s2] =	stream.indirect.scatter.add.f32 [tilespmem:s19], [sflag:$0xD], $0x80, s21, s29, $0xb8;
	[tilespmem:$0x1E400] =	vst v63  }
0x88: {  	_ =	swait.ge [sflag:s10], $0x2800  }
0x89: {  	[sflag:s10] =	ssyncset.done $0x0  }
0x8a: {  	[sflag:s10] =	ssyncadd.s32 $0xFFFFD800  }
0x8b: {  	_ =	swait.ge [sflag:s11], $0x50  }
0x8c: {  	[sflag:s11] =	ssyncset.done $0x0  }
0x8d: {  	[sflag:s11] =	ssyncadd.s32 $0xFFFFFFB0  }
0x8e: {  	[spmem:s2] =	stream.indirect.scatter.add.f32 [tilespmem:s4], [sflag:$0xE], $0x80, s23, s29, $0xb8;
	[tilespmem:$0x1E400] =	vst v63  }
0x8f: {  	_ =	swait.ge [sflag:s12], $0x2800  }
0x90: {  	[sflag:s12] =	ssyncset.done $0x0  }
0x91: {  	[sflag:s12] =	ssyncadd.s32 $0xFFFFD800  }
0x92: {  	_ =	swait.ge [sflag:s13], $0x50  }
0x93: {  	[sflag:s13] =	ssyncset.done $0x0  }
0x94: {  	[sflag:s13] =	ssyncadd.s32 $0xFFFFFFB0  }
0x95: {  	[spmem:s2] =	stream.indirect.scatter.add.f32 [tilespmem:s7], [sflag:$0xF], $0x80, s26, s29, $0xb8;
	[tilespmem:$0x1E400] =	vst v63  }
0x96: {  	_ =	swait.ge [sflag:s14], $0x2800  }
0x97: {  	[sflag:s14] =	ssyncset.done $0x0  }
0x98: {  	[sflag:s14] =	ssyncadd.s32 $0xFFFFD800  }
0x99: {  	p1 =	por $0x0, $0x0;
	s16 =	simm.s32 $0x1BC00;
	_ =	swait.ge [sflag:s15], $0x50  }
0x9a: {  	s5 =	simm.s32 $0x50;
	s24 =	simm.s32 $0x28;
	[sflag:s15] =	ssyncset.done $0x0  }
.LBB2_4:
0x9b: {  	s18 =	simm.s32 @!p1 $0xD;
	[sflag:s15] =	ssyncadd.s32 $0xFFFFFFB0  }
0x9c: {  	[spmem:s2] =	stream.indirect.scatter.add.f32 [tilespmem:s16], [sflag:$0x10], $0x80, s31, s29, $0xb8;
	[tilespmem:$0x1E400] =	vst v63  }
0x9d: {  	_ =	swait.ge @!p1 [sflag:s18], $0x2800  }
0x9e: {  	[sflag:s18] =	ssyncset.done @!p1 $0x0;
	s16 =	rddreg [dreg:$0xa]  }
0x9f: {  	s19 =	rddreg [dreg:$0xb];
	[sflag:s18] =	ssyncadd.s32 @!p1 $0xFFFFD800;
	s16 =	sadd.s32 s24, s16  }
0xa0: {  	[tilespmem:s20], [sflag:$0x1] =	stream.linear.gather [hbm4b:s16+s3], $0x50, $0x38;
	[tilespmem:$0x1E400] =	vst v63  }
0xa1: {  	s19 =	sadd.s32 s24, s19;
	s18 =	simm.s32 @!p1 $0xE  }
0xa2: {  	[tilespmem:s21], [sflag:$0x5] =	stream.linear.gather [hbm4b:s19+s3], $0x50, $0x38;
	[tilespmem:$0x1E400] =	vst v63  }
0xa3: {  	_ =	swait.ge @!p1 [sflag:s18], $0x2800  }
0xa4: {  	s16 =	rddreg [dreg:$0x8];
	[sflag:s18] =	ssyncset.done @!p1 $0x0  }
0xa5: {  	s19 =	rddreg [dreg:$0x9];
	[sflag:s18] =	ssyncadd.s32 @!p1 $0xFFFFD800;
	s16 =	sadd.s32 s24, s16  }
0xa6: {  	[tilespmem:s22], [sflag:$0x2] =	stream.linear.gather [hbm4b:s16+s3], $0x50, $0x38;
	[tilespmem:$0x1E400] =	vst v63  }
0xa7: {  	s19 =	sadd.s32 s24, s19;
	s18 =	simm.s32 @!p1 $0xF  }
0xa8: {  	[tilespmem:s23], [sflag:$0x6] =	stream.linear.gather [hbm4b:s19+s3], $0x50, $0x38;
	[tilespmem:$0x1E400] =	vst v63  }
0xa9: {  	_ =	swait.ge @!p1 [sflag:s18], $0x2800  }
0xaa: {  	s16 =	rddreg [dreg:$0x6];
	[sflag:s18] =	ssyncset.done @!p1 $0x0  }
0xab: {  	s19 =	rddreg [dreg:$0x7];
	[sflag:s18] =	ssyncadd.s32 @!p1 $0xFFFFD800;
	s16 =	sadd.s32 s24, s16  }
0xac: {  	[tilespmem:s25], [sflag:$0x3] =	stream.linear.gather [hbm4b:s16+s3], $0x50, $0x38;
	[tilespmem:$0x1E400] =	vst v63  }
0xad: {  	s19 =	sadd.s32 s24, s19;
	s18 =	simm.s32 @!p1 $0x10  }
0xae: {  	[tilespmem:s26], [sflag:$0x7] =	stream.linear.gather [hbm4b:s19+s3], $0x50, $0x38;
	[tilespmem:$0x1E400] =	vst v63  }
0xaf: {  	_ =	swait.ge @!p1 [sflag:s18], $0x2800  }
0xb0: {  	s16 =	rddreg [dreg:$0x4]  }
0xb1: {  	[sflag:s18] =	ssyncset.done @!p1 $0x0;
	s19 =	rddreg [dreg:$0x5]  }
0xb2: {  	[sflag:s18] =	ssyncadd.s32 @!p1 $0xFFFFD800;
	s18 =	simm.s32 $0x14180;
	s16 =	sadd.s32 s24, s16  }
0xb3: {  	[tilespmem:s18], [sflag:$0x4] =	stream.linear.gather [hbm4b:s16+s3], $0x50, $0x38;
	[tilespmem:$0x1E400] =	vst v63  }
0xb4: {  	s16 =	sadd.s32 s24, s19  }
0xb5: {  	[tilespmem:s31], [sflag:$0x8] =	stream.linear.gather [hbm4b:s16+s3], $0x50, $0x38;
	[tilespmem:$0x1E400] =	vst v63  }
0xb6: {  	_ =	swait.ge [sflag:s28], $0x50  }
0xb7: {  	[sflag:s28] =	ssyncset.done $0x0  }
0xb8: {  	s19 =	simm.s32 $0x14400;
	[sflag:s28] =	ssyncadd.s32 $0xFFFFFFB0  }
0xb9: {  	[tilespmem:s19], [sflag:$0x9] =	stream.indirect.gather [hbm4b:s1+s29], $0x80, s20, s29, $0xb8;
	[tilespmem:$0x1E400] =	vst v63  }
0xba: {  	_ =	swait.ge [sflag:s30], $0x50  }
0xbb: {  	[sflag:s30] =	ssyncset.done $0x0  }
0xbc: {  	[sflag:s30] =	ssyncadd.s32 $0xFFFFFFB0  }
0xbd: {  	[tilespmem:s4], [sflag:$0xA] =	stream.indirect.gather [hbm4b:s1+s29], $0x80, s22, s29, $0xb8;
	[tilespmem:$0x1E400] =	vst v63  }
0xbe: {  	_ =	swait.ge [sflag:s0], $0x50  }
0xbf: {  	[sflag:s0] =	ssyncset.done $0x0  }
0xc0: {  	[sflag:s0] =	ssyncadd.s32 $0xFFFFFFB0  }
0xc1: {  	[tilespmem:s7], [sflag:$0xB] =	stream.indirect.gather [hbm4b:s1+s29], $0x80, s25, s29, $0xb8;
	[tilespmem:$0x1E400] =	vst v63  }
0xc2: {  	_ =	swait.ge [sflag:s6], $0x50  }
0xc3: {  	[sflag:s6] =	ssyncset.done $0x0  }
0xc4: {  	s16 =	simm.s32 $0x1BC00;
	[sflag:s6] =	ssyncadd.s32 $0xFFFFFFB0  }
0xc5: {  	[tilespmem:s16], [sflag:$0xC] =	stream.indirect.gather [hbm4b:s1+s29], $0x80, s18, s29, $0xb8;
	[tilespmem:$0x1E400] =	vst v63  }
0xc6: {  	_ =	swait.ge [sflag:s8], $0x2800  }
0xc7: {  	[sflag:s8] =	ssyncset.done $0x0  }
0xc8: {  	[sflag:s8] =	ssyncadd.s32 $0xFFFFD800  }
0xc9: {  	_ =	swait.ge [sflag:s9], $0x50  }
0xca: {  	[sflag:s9] =	ssyncset.done $0x0  }
0xcb: {  	[sflag:s9] =	ssyncadd.s32 $0xFFFFFFB0  }
0xcc: {  	[spmem:s2] =	stream.indirect.scatter.add.f32 [tilespmem:s19], [sflag:$0xD], $0x80, s21, s29, $0xb8;
	[tilespmem:$0x1E400] =	vst v63  }
0xcd: {  	_ =	swait.ge [sflag:s10], $0x2800  }
0xce: {  	[sflag:s10] =	ssyncset.done $0x0  }
0xcf: {  	[sflag:s10] =	ssyncadd.s32 $0xFFFFD800  }
0xd0: {  	_ =	swait.ge [sflag:s11], $0x50  }
0xd1: {  	[sflag:s11] =	ssyncset.done $0x0  }
0xd2: {  	[sflag:s11] =	ssyncadd.s32 $0xFFFFFFB0  }
0xd3: {  	[spmem:s2] =	stream.indirect.scatter.add.f32 [tilespmem:s4], [sflag:$0xE], $0x80, s23, s29, $0xb8;
	[tilespmem:$0x1E400] =	vst v63  }
0xd4: {  	_ =	swait.ge [sflag:s12], $0x2800  }
0xd5: {  	[sflag:s12] =	ssyncset.done $0x0  }
0xd6: {  	[sflag:s12] =	ssyncadd.s32 $0xFFFFD800  }
0xd7: {  	_ =	swait.ge [sflag:s13], $0x50  }
0xd8: {  	s17 =	smov.u32 s5;
	s5 =	sadd.s32 $0x28, s5;
	[sflag:s13] =	ssyncset.done $0x0  }
0xd9: {  	p0 =	sne.s32 s5, $0x4D8;
	[sflag:s13] =	ssyncadd.s32 $0xFFFFFFB0  }
0xda: {  	[spmem:s2] =	stream.indirect.scatter.add.f32 [tilespmem:s7], [sflag:$0xF], $0x80, s26, s29, $0xb8;
	[tilespmem:$0x1E400] =	vst v63  }
.Ltmp1:
0xdb: {  	_ =	swait.ge [sflag:s14], $0x2800;
	(pc) =	sbr.rel @p0 .LBB2_4-.Ltmp1, $4  }
0xdc: {  	[sflag:s14] =	ssyncset.done $0x0  }
0xdd: {  	[sflag:s14] =	ssyncadd.s32 $0xFFFFD800  }
0xde: {  	s24 =	smov.u32 s17;
	_ =	swait.ge [sflag:s15], $0x50  }
0xdf: {  	p1 =	seq.s32 s24, $0x0;
	[sflag:s15] =	ssyncset.done $0x0  }
0xe0: {  	s5 =	simm.s32 @!p1 $0xD;
	[sflag:s15] =	ssyncadd.s32 $0xFFFFFFB0  }
0xe1: {  	[spmem:s2] =	stream.indirect.scatter.add.f32 [tilespmem:s16], [sflag:$0x10], $0x80, s31, s29, $0xb8;
	[tilespmem:$0x1E400] =	vst v63  }
0xe2: {  	_ =	swait.ge @!p1 [sflag:s5], $0x2800  }
0xe3: {  	s16 =	rddreg [dreg:$0xa];
	[sflag:s5] =	ssyncset.done @!p1 $0x0  }
0xe4: {  	s17 =	rddreg [dreg:$0xb];
	[sflag:s5] =	ssyncadd.s32 @!p1 $0xFFFFD800;
	s16 =	sadd.s32 s24, s16  }
0xe5: {  	[tilespmem:s20], [sflag:$0x1] =	stream.linear.gather [hbm4b:s16+s3], $0x50, $0x38;
	[tilespmem:$0x1E400] =	vst v63  }
0xe6: {  	s17 =	sadd.s32 s24, s17;
	s16 =	simm.s32 @!p1 $0xE  }
0xe7: {  	[tilespmem:s21], [sflag:$0x5] =	stream.linear.gather [hbm4b:s17+s3], $0x50, $0x38;
	[tilespmem:$0x1E400] =	vst v63  }
0xe8: {  	_ =	swait.ge @!p1 [sflag:s16], $0x2800  }
0xe9: {  	s5 =	rddreg [dreg:$0x8];
	[sflag:s16] =	ssyncset.done @!p1 $0x0  }
0xea: {  	s17 =	rddreg [dreg:$0x9];
	[sflag:s16] =	ssyncadd.s32 @!p1 $0xFFFFD800;
	s5 =	sadd.s32 s24, s5  }
0xeb: {  	[tilespmem:s22], [sflag:$0x2] =	stream.linear.gather [hbm4b:s5+s3], $0x50, $0x38;
	[tilespmem:$0x1E400] =	vst v63  }
0xec: {  	s17 =	sadd.s32 s24, s17;
	s16 =	simm.s32 @!p1 $0xF  }
0xed: {  	[tilespmem:s23], [sflag:$0x6] =	stream.linear.gather [hbm4b:s17+s3], $0x50, $0x38;
	[tilespmem:$0x1E400] =	vst v63  }
0xee: {  	_ =	swait.ge @!p1 [sflag:s16], $0x2800  }
0xef: {  	s5 =	rddreg [dreg:$0x6];
	[sflag:s16] =	ssyncset.done @!p1 $0x0  }
0xf0: {  	s17 =	rddreg [dreg:$0x7];
	[sflag:s16] =	ssyncadd.s32 @!p1 $0xFFFFD800;
	s5 =	sadd.s32 s24, s5  }
0xf1: {  	[tilespmem:s25], [sflag:$0x3] =	stream.linear.gather [hbm4b:s5+s3], $0x50, $0x38;
	[tilespmem:$0x1E400] =	vst v63  }
0xf2: {  	s17 =	sadd.s32 s24, s17;
	s16 =	simm.s32 @!p1 $0x10  }
0xf3: {  	[tilespmem:s26], [sflag:$0x7] =	stream.linear.gather [hbm4b:s17+s3], $0x50, $0x38;
	[tilespmem:$0x1E400] =	vst v63  }
0xf4: {  	_ =	swait.ge @!p1 [sflag:s16], $0x2800  }
0xf5: {  	s5 =	rddreg [dreg:$0x4];
	[sflag:s16] =	ssyncset.done @!p1 $0x0  }
0xf6: {  	s17 =	rddreg [dreg:$0x5];
	[sflag:s16] =	ssyncadd.s32 @!p1 $0xFFFFD800;
	s5 =	sadd.s32 s24, s5  }
0xf7: {  	[tilespmem:s18], [sflag:$0x4] =	stream.linear.gather [hbm4b:s5+s3], $0x50, $0x38;
	[tilespmem:$0x1E400] =	vst v63  }
0xf8: {  	s24 =	sadd.s32 s24, s17  }
0xf9: {  	[tilespmem:s31], [sflag:$0x8] =	stream.linear.gather [hbm4b:s24+s3], $0x50, $0x38;
	[tilespmem:$0x1E400] =	vst v63  }
0xfa: {  	_ =	swait.ge [sflag:s28], $0x50  }
0xfb: {  	[sflag:s28] =	ssyncset.done $0x0  }
0xfc: {  	[sflag:s28] =	ssyncadd.s32 $0xFFFFFFB0  }
0xfd: {  	[tilespmem:s19], [sflag:$0x9] =	stream.indirect.gather [hbm4b:s1+s29], $0x80, s20, s29, $0xb8;
	[tilespmem:$0x1E400] =	vst v63  }
0xfe: {  	_ =	swait.ge [sflag:s30], $0x50  }
0xff: {  	[sflag:s30] =	ssyncset.done $0x0  }
0x100: {  	[sflag:s30] =	ssyncadd.s32 $0xFFFFFFB0  }
0x101: {  	[tilespmem:s4], [sflag:$0xA] =	stream.indirect.gather [hbm4b:s1+s29], $0x80, s22, s29, $0xb8;
	[tilespmem:$0x1E400] =	vst v63  }
0x102: {  	_ =	swait.ge [sflag:s0], $0x50  }
0x103: {  	[sflag:s0] =	ssyncset.done $0x0  }
0x104: {  	[sflag:s0] =	ssyncadd.s32 $0xFFFFFFB0  }
0x105: {  	[tilespmem:s7], [sflag:$0xB] =	stream.indirect.gather [hbm4b:s1+s29], $0x80, s25, s29, $0xb8;
	[tilespmem:$0x1E400] =	vst v63  }
0x106: {  	_ =	swait.ge [sflag:s6], $0x50  }
0x107: {  	[sflag:s6] =	ssyncset.done $0x0  }
0x108: {  	s16 =	simm.s32 $0x1BC00;
	[sflag:s6] =	ssyncadd.s32 $0xFFFFFFB0  }
0x109: {  	[tilespmem:s16], [sflag:$0xC] =	stream.indirect.gather [hbm4b:s1+s29], $0x80, s18, s29, $0xb8;
	[tilespmem:$0x1E400] =	vst v63  }
0x10a: {  	_ =	swait.ge [sflag:s8], $0x2800  }
0x10b: {  	[sflag:s8] =	ssyncset.done $0x0  }
0x10c: {  	[sflag:s8] =	ssyncadd.s32 $0xFFFFD800  }
0x10d: {  	_ =	swait.ge [sflag:s9], $0x50  }
0x10e: {  	[sflag:s9] =	ssyncset.done $0x0  }
0x10f: {  	[sflag:s9] =	ssyncadd.s32 $0xFFFFFFB0  }
0x110: {  	[spmem:s2] =	stream.indirect.scatter.add.f32 [tilespmem:s19], [sflag:$0xD], $0x80, s21, s29, $0xb8;
	[tilespmem:$0x1E400] =	vst v63  }
0x111: {  	_ =	swait.ge [sflag:s10], $0x2800  }
0x112: {  	[sflag:s10] =	ssyncset.done $0x0  }
0x113: {  	[sflag:s10] =	ssyncadd.s32 $0xFFFFD800  }
0x114: {  	_ =	swait.ge [sflag:s11], $0x50  }
0x115: {  	[sflag:s11] =	ssyncset.done $0x0  }
0x116: {  	[sflag:s11] =	ssyncadd.s32 $0xFFFFFFB0  }
0x117: {  	[spmem:s2] =	stream.indirect.scatter.add.f32 [tilespmem:s4], [sflag:$0xE], $0x80, s23, s29, $0xb8;
	[tilespmem:$0x1E400] =	vst v63  }
0x118: {  	_ =	swait.ge [sflag:s12], $0x2800  }
0x119: {  	[sflag:s12] =	ssyncset.done $0x0  }
0x11a: {  	[sflag:s12] =	ssyncadd.s32 $0xFFFFD800  }
0x11b: {  	_ =	swait.ge [sflag:s13], $0x50  }
0x11c: {  	[sflag:s13] =	ssyncset.done $0x0  }
0x11d: {  	[sflag:s13] =	ssyncadd.s32 $0xFFFFFFB0  }
0x11e: {  	[spmem:s2] =	stream.indirect.scatter.add.f32 [tilespmem:s7], [sflag:$0xF], $0x80, s26, s29, $0xb8;
	[tilespmem:$0x1E400] =	vst v63  }
0x11f: {  	_ =	swait.ge [sflag:s14], $0x2800  }
0x120: {  	[sflag:s14] =	ssyncset.done $0x0  }
0x121: {  	[sflag:s14] =	ssyncadd.s32 $0xFFFFD800  }
0x122: {  	_ =	swait.ge [sflag:s15], $0x50  }
0x123: {  	[sflag:s15] =	ssyncset.done $0x0  }
0x124: {  	s17 =	simm.s32 $0xD;
	[sflag:s15] =	ssyncadd.s32 $0xFFFFFFB0  }
0x125: {  	[spmem:s2] =	stream.indirect.scatter.add.f32 [tilespmem:s16], [sflag:$0x10], $0x80, s31, s29, $0xb8;
	[tilespmem:$0x1E400] =	vst v63  }
0x126: {  	_ =	swait.ge [sflag:s17], $0x2800  }
0x127: {  	[sflag:s17] =	ssyncset.done $0x0  }
0x128: {  	s18 =	rddreg [dreg:$0x14];
	[sflag:s17] =	ssyncadd.s32 $0xFFFFD800  }
0x129: {  	[tilespmem:s20], [sflag:$0x1] =	stream.linear.gather [hbm4b:s18+s3], $0x50, $0x38;
	[tilespmem:$0x1E400] =	vst v63  }
0x12a: {  	s24 =	rddreg [dreg:$0x15]  }
0x12b: {  	[tilespmem:s21], [sflag:$0x5] =	stream.linear.gather [hbm4b:s24+s3], $0x50, $0x38;
	[tilespmem:$0x1E400] =	vst v63  }
0x12c: {  	_ =	swait.ge [sflag:s28], $0x50  }
0x12d: {  	[sflag:s28] =	ssyncset.done $0x0  }
0x12e: {  	[sflag:s28] =	ssyncadd.s32 $0xFFFFFFB0  }
0x12f: {  	[tilespmem:s19], [sflag:$0x9] =	stream.indirect.gather [hbm4b:s1+s29], $0x80, s20, s29, $0xb8;
	[tilespmem:$0x1E400] =	vst v63  }
0x130: {  	_ =	swait.ge [sflag:s8], $0x2800  }
0x131: {  	[sflag:s8] =	ssyncset.done $0x0  }
0x132: {  	[sflag:s8] =	ssyncadd.s32 $0xFFFFD800  }
0x133: {  	_ =	swait.ge [sflag:s9], $0x50  }
0x134: {  	[sflag:s9] =	ssyncset.done $0x0  }
0x135: {  	[sflag:s9] =	ssyncadd.s32 $0xFFFFFFB0  }
0x136: {  	[spmem:s2] =	stream.indirect.scatter.add.f32 [tilespmem:s19], [sflag:$0xD], $0x80, s21, s29, $0xb8;
	[tilespmem:$0x1E400] =	vst v63  }
0x137: {  	_ =	swait.ge [sflag:s17], $0x2800  }
0x138: {  	[sflag:s17] =	ssyncset.done $0x0  }
0x139: {  	s5 =	simm.s32 $0xE;
	[sflag:s17] =	ssyncadd.s32 $0xFFFFD800  }
0x13a: {  	_ =	swait.ge [sflag:s5], $0x2800  }
0x13b: {  	[sflag:s5] =	ssyncset.done $0x0  }
0x13c: {  	s16 =	simm.s32 $0xF;
	[sflag:s5] =	ssyncadd.s32 $0xFFFFD800  }
0x13d: {  	_ =	swait.ge [sflag:s16], $0x2800  }
0x13e: {  	[sflag:s16] =	ssyncset.done $0x0  }
0x13f: {  	s17 =	simm.s32 $0x10;
	[sflag:s16] =	ssyncadd.s32 $0xFFFFD800  }
0x140: {  	_ =	swait.ge [sflag:s17], $0x2800  }
0x141: {  	[sflag:s17] =	ssyncset.done $0x0  }
0x142: {  	s18 =	stileid.u32;
	[sflag:s17] =	ssyncadd.s32 $0xFFFFD800  }
0x143: {  	s5 =	sshll.u32 s18, $0x6;
	[bflag:$0x0] =	sbarrier.arrive $0xFFFF  }
0x144: {  	s5 =	sor.u32 $0x1C11, s5;
	s18 =	rddreg [dreg:$0xc]  }
0x145: {  	s16 =	simm.s32 $0x11;
	s4 =	rddreg [dreg:$0x17];
	s24 =	sshrl.u32 s18, $0x3  }
0x146: {  	[hbm:s4], [sflag:s5] =	dma.local [spmem:s24], $0x2800  }
0x147: {  	_ =	swait.ge [sflag:s16], $0x2800  }
0x148: {  	s17 =	rddreg [dreg:$0x18]  }
0x149: {  	s24 =	rddreg [dreg:$0x16];
	s4 =	sadd.s32 $0x1, s17  }
0x14a: {  	p0 =	sne.s32 s4, s24  }
.Ltmp2:
0x14b: {  	_ = 	snop;
	(pc) =	sbr.rel @p0 .LBB2_1-.Ltmp2, $3  }
0x14c: {  	_ =	sdelay $0x1  }
0x14d: {  	[sflag:s16] =	ssyncset.done $0x0  }
0x14e: {  	[sflag:s16] =	ssyncadd.s32 $0xFFFFD800  }
0x14f: {  	_ =	sfence.sel $0x180000  }
0x150: {  	[bflag:$0x0] =	sbarrier.arrive $0xFFFF  }
0x151: {  	_ =	strace $0x9000004D  }
0x152: {  	s0 =	stileid.u32;
	[bflag:$0x2] =	sbarrier.arrive $0xFFFF  }
0x153: {  	p0 =	sne.s32 s0, $0x0;
	s0 =	rddreg [dreg:$0x3]  }
0x154: {  	s0 =	sadd.s32 @!p0 $0x100000, s0  }
0x155: {  	[sflag:s0] =	ssyncadd.tile.s32 @!p0 $0x1;
	_ =	shalt  }
.Lfunc_end2:
_tile_overlayer_lowered:
.L_overlay_start_2:
0x156: {  	(tag) =	ssettag $0x2  }
0x157: {  	s0 =	rddreg [dreg:$0x0];
	s2 =	stileid.u32  }
0x158: {  	s1 =	rddreg [dreg:$0x1];
	p0 =	sne.s32 s2, $0x0  }
0x159: {  	s3 =	rddreg [dreg:$0x2];
	[bflag:$0x3] =	sbarrier.arrive $0xFFFF;
	s2 =	simm.s32 @!p0 $0x1C11  }
0x15a: {  	[timem:s3], [sflag:s2] =	dma.local @!p0 [hbm:s0], s1  }
0x15b: {  	s0 =	simm.s32 @!p0 $0x11  }
0x15c: {  	_ =	swait.ge @!p0 [sflag:s0], s1  }
0x15d: {  	s1 =	ssub.s32 @!p0 $0x0, s1;
	[sflag:s0] =	ssyncset.done @!p0 $0x0  }
0x15e: {  	[sflag:s0] =	ssyncadd.s32 @!p0 s1  }
0x15f: {  	[bflag:$0x3] =	sbarrier.arrive $0xFFFF  }
0x160: {  	_ =	shalt  }

// kernel: kernel.8.cloned.1.call-start
scs
__scs_entry_jumppad:
0x0: {  	(pc) =	sbr.rel $0x88, $3  }
0x1: {  	(tag) =	ssettag $0x0;
	lr =	simm.s32 $0x1  }
0x2: {  	[smem:$0x3F97] =	sst lr;
	_ =	strace $0xD0000000  }
0x3: {  	_ = 	snop  }
0x4: {  	_ = 	snop  }
0x5: {  	_ = 	snop  }
0x6: {  	_ = 	snop  }
0x7: {  	_ = 	snop  }
__scs_overlays_trampoline_lowered:
0x8: {  	[smem:$0x3FA6] =	sst s0  }
0x9: {  	[smem:$0x3FA7] =	sst s1  }
0xa: {  	[smem:$0x3FA8] =	sst s2  }
0xb: {  	[smem:$0x3FA9] =	sst s3  }
0xc: {  	[smem:$0x3FAA] =	sst s4  }
0xd: {  	[smem:$0x3FAB] =	sst s5  }
0xe: {  	[smem:$0x3FAC] =	sst s6  }
0xf: {  	[smem:$0x3FAD] =	sst s7  }
0x10: {  	[smem:$0x3FAE] =	sst s8  }
0x11: {  	[smem:$0x3FAF] =	sst s9;
	s0 =	simm.s32 @!p0 $0x0  }
0x12: {  	s1 =	sld [smem:$0x3F95];
	s0 =	simm.s32 @p0 $0x1  }
0x13: {  	[smem:$0x3FB0] =	sst s0;
	s0 =	simm.s32 @!p1 $0x0  }
0x14: {  	s2 =	sld [smem:$0x3F94];
	s0 =	simm.s32 @p1 $0x1  }
0x15: {  	[smem:$0x3FB1] =	sst s0;
	s0 =	simm.s32 @!p2 $0x0  }
0x16: {  	s3 =	sld [smem:$0x3FDB];
	s0 =	simm.s32 @p2 $0x1  }
0x17: {  	s4 =	simm.s32 $0x1BF5;
	[smem:$0x3FB3] =	sst s0  }
0x18: {  	s0 =	sld [smem:$0x3F96];
	_ =	swait.ge [sflag:s4], $0x0  }
0x19: {  	s7 =	sld [smem:$0x3F97]  }
0x1a: {  	s8 =	sadd.s32 $0xFFFFE003, lr  }
0x1b: {  	s9 =	sadd.s32 $0xFFFFFEF7, lr;
	s5 =	simm.s32 $0xFFFFFFFF;
	p2 =	slt.u32 s8, $0xFFFFF086  }
0x1c: {  	p1 =	slt.u32 s9, $0xF7A;
	s5 =	simm.s32 @!p2 $0x0  }
0x1d: {  	s5 =	simm.s32 @p1 $0x1;
	p0 =	seq.s32 s7, s2  }
0x1e: {  	s7 =	smul.u32 @!p0 $0xF7A, s2;
	p2 =	seq.s32 @!p0 s5, $0x0  }
0x1f: {  	s9 =	smul.u32 $0xF7A, s1;
	s8 =	simm.s32 @!p0 $0x1BF5;
	p2 =	por !p2, p0  }
0x20: {  	[sflag:s8] =	ssyncset.s32 @!p0 $0xFFFFF086;
	s6 =	sadd.s32 @!p0 s3, s7;
	s7 =	simm.s32 @!p0 $0x108  }
0x21: {  	s3 =	sadd.s32 s3, s9;
	s6 =	sadd.s32 @!p0 $0x88, s6;
	s7 =	simm.s32 @p2 $0x1082  }
0x22: {  	[simem:s7], [sflag:s8] =	dma.local @!p0 [hbm:s6], $0xF7A  }
0x23: {  	s9 =	sor.u32 $0xD0000000, s2;
	s6 =	simm.s32 $0x108;
	_ =	swait.ge @!p0 [sflag:s8], $0x0  }
0x24: {  	s3 =	sadd.s32 $0x88, s3;
	s6 =	simm.s32 @!p1 $0x1082;
	[sflag:s4] =	ssyncset.s32 $0xFFFFF086  }
0x25: {  	[simem:s6], [sflag:s4] =	dma.local [hbm:s3], $0xF7A  }
0x26: {  	[smem:$0x3F97] =	sst s1;
	(tag) =	ssettag s2;
	_ =	strace s9  }
0x27: {  	s1 =	sld [smem:$0x3FA7]  }
0x28: {  	s2 =	sld [smem:$0x3FA8]  }
0x29: {  	s4 =	sld [smem:$0x3FAA]  }
0x2a: {  	p0 =	seq.s32 s5, $0x0;
	s5 =	sld [smem:$0x3FAB]  }
0x2b: {  	s6 =	sld [smem:$0x3FAC]  }
0x2c: {  	s7 =	sld [smem:$0x3FAD]  }
0x2d: {  	s3 =	simm.s32 $0x108;
	s8 =	sld [smem:$0x3FAE]  }
0x2e: {  	s3 =	simm.s32 @!p0 $0x1082;
	s9 =	sld [smem:$0x3FAF]  }
0x2f: {  	lr =	sadd.s32 s0, s3;
	s0 =	sld [smem:$0x3FA6]  }
0x30: {  	s3 =	sld [smem:$0x3FA9]  }
0x31: {  	[smem:$0x3FB2] =	sst s10  }
0x32: {  	s10 =	sld [smem:$0x3FB0];
	_ =	sdelay $0x3  }
0x33: {  	p0 =	seq.s32 s10, $0x1;
	s10 =	sld [smem:$0x3FB2];
	_ =	sdelay $0x3  }
0x34: {  	[smem:$0x3FB2] =	sst s10  }
0x35: {  	s10 =	sld [smem:$0x3FB1];
	_ =	sdelay $0x3  }
0x36: {  	p1 =	seq.s32 s10, $0x1;
	s10 =	sld [smem:$0x3FB2];
	_ =	sdelay $0x3  }
0x37: {  	[smem:$0x3FB2] =	sst s10  }
0x38: {  	s10 =	sld [smem:$0x3FB3]  }
0x39: {  	_ = 	snop;
	(pc) =	sbr.ind lr, $3  }
0x3a: {  	_ = 	snop  }
0x3b: {  	_ = 	snop  }
0x3c: {  	p2 =	seq.s32 s10, $0x1;
	s10 =	sld [smem:$0x3FB2]  }
0x3d: {  	_ =	shalt  }
0x3e: {  	_ =	shalt  }
0x3f: {  	_ =	shalt  }
0x40: {  	_ =	shalt  }
0x41: {  	_ =	shalt  }
0x42: {  	_ =	shalt  }
0x43: {  	_ =	shalt  }
0x44: {  	_ =	shalt  }
0x45: {  	_ =	shalt  }
0x46: {  	_ =	shalt  }
0x47: {  	_ =	shalt  }
0x48: {  	_ =	shalt  }
0x49: {  	_ =	shalt  }
0x4a: {  	_ =	shalt  }
0x4b: {  	_ =	shalt  }
0x4c: {  	_ =	shalt  }
0x4d: {  	_ =	shalt  }
0x4e: {  	_ =	shalt  }
0x4f: {  	_ =	shalt  }
0x50: {  	_ =	shalt  }
0x51: {  	_ =	shalt  }
0x52: {  	_ =	shalt  }
0x53: {  	_ =	shalt  }
0x54: {  	_ =	shalt  }
0x55: {  	_ =	shalt  }
0x56: {  	_ =	shalt  }
0x57: {  	_ =	shalt  }
0x58: {  	_ =	shalt  }
0x59: {  	_ =	shalt  }
0x5a: {  	_ =	shalt  }
0x5b: {  	_ =	shalt  }
0x5c: {  	_ =	shalt  }
0x5d: {  	_ =	shalt  }
0x5e: {  	_ =	shalt  }
0x5f: {  	_ =	shalt  }
0x60: {  	_ =	shalt  }
0x61: {  	_ =	shalt  }
0x62: {  	_ =	shalt  }
0x63: {  	_ =	shalt  }
0x64: {  	_ =	shalt  }
0x65: {  	_ =	shalt  }
0x66: {  	_ =	shalt  }
0x67: {  	_ =	shalt  }
0x68: {  	_ =	shalt  }
0x69: {  	_ =	shalt  }
0x6a: {  	_ =	shalt  }
0x6b: {  	_ =	shalt  }
0x6c: {  	_ =	shalt  }
0x6d: {  	_ =	shalt  }
0x6e: {  	_ =	shalt  }
0x6f: {  	_ =	shalt  }
0x70: {  	_ =	shalt  }
0x71: {  	_ =	shalt  }
0x72: {  	_ =	shalt  }
0x73: {  	_ =	shalt  }
0x74: {  	_ =	shalt  }
0x75: {  	_ =	shalt  }
0x76: {  	_ =	shalt  }
0x77: {  	_ =	shalt  }
0x78: {  	_ =	shalt  }
0x79: {  	_ =	shalt  }
0x7a: {  	_ =	shalt  }
0x7b: {  	_ =	shalt  }
0x7c: {  	_ =	shalt  }
0x7d: {  	_ =	shalt  }
0x7e: {  	_ =	shalt  }
0x7f: {  	_ =	shalt  }
0x80: {  	_ =	shalt  }
0x81: {  	_ =	shalt  }
0x82: {  	_ =	shalt  }
0x83: {  	_ =	shalt  }
0x84: {  	_ =	shalt  }
0x85: {  	_ =	shalt  }
0x86: {  	_ =	shalt  }
0x87: {  	_ =	shalt  }
.Lfunc_end0:
.L_simem_size_0:
called_computation_lowered:
.L_overlay_start_0:
0x88: {  	s2 =	sld [smem:$0x3FD9]  }
0x89: {  	s3 =	sld [smem:$0x3FFE];
	_ =	sdelay $0x1  }
0x8a: {  	s1 =	srdreg.scid  }
0x8b: {  	s0 =	sand.u32 $0x1, s1  }
0x8c: {  	s16 =	sshll.u32 s0, $0xA;
	s2 =	sadd.s32 s3, s2  }
0x8d: {  	s2 =	sadd.s32 s2, s16  }
0x8e: {  	[smem:$0x3FBE] =	sst s2  }
0x8f: {  	_ = 	snop  }
0x90: {  	(tm) =	ssettm $0x1  }
0x91: {  	s17 =	sld [smem:$0x3FFB];
	_ =	sdelay $0x3  }
0x92: {  	_ =	strace s17  }
0x93: {  	s2 =	sld [smem:$0x3FFC];
	_ =	sdelay $0x3  }
0x94: {  	_ =	strace s2  }
0x95: {  	s2 =	sld [smem:$0x3FFD];
	_ =	sdelay $0x3  }
0x96: {  	_ =	strace s2  }
0x97: {  	_ =	strace $0x8FFFFFFF  }
0x98: {  	s18 =	sld [smem:$0x3FDB];
	_ =	sdelay $0x1  }
0x99: {  	s19 =	simm.s32 $_scs_section_size  }
0x9a: {  	s4 =	simm.s32 $_size__tile_overlayer_lowered;
	s5 =	simm.s32 $_tile_overlayer_lowered  }
0x9b: {  	s22 =	simm.s32 $0x1BFF;
	s21 =	sshll.u32 s5, $0x1;
	s2 =	sadd.s32 s19, s18  }
0x9c: {  	s6 =	simm.s32 $0x0;
	s20 =	sshll.u32 s4, $0x1;
	s4 =	sadd.s32 s21, s2  }
0x9d: {  	[timem:s6], [sflag:s22] =	dma.local [hbm:s4], s20  }
0x9e: {  	_ =	swait.ge [sflag:s22], s20  }
0x9f: {  	s3 =	ssub.s32 $0x0, s20;
	[sflag:s22] =	ssyncset.done $0x0  }
0xa0: {  	[sflag:s22] =	ssyncadd.s32 s3;
	_ =	sdelay $0x1  }
0xa1: {  	s23 =	simm.s32 $0x1B8B  }
0xa2: {  	_ =	swait.ge [sflag:s23], $0x1  }
0xa3: {  	[sflag:s23] =	ssyncset.done $0x0  }
0xa4: {  	s25 =	simm.s32 $0x1B8E;
	s24 =	sld [smem:$0x3FFE];
	[sflag:s23] =	ssyncadd.s32 $0xFFFFFFFF  }
0xa5: {  	s26 =	simm.s32 $execute0_lowered;
	[smem:$0x3FD2] =	sst s25  }
0xa6: {  	s4 =	sshll.u32 s26, $0x1;
	_ =	strace $0x80000046;
	[dreg:$0x1] =	wrdreg $0xFFFFFFFF  }
0xa7: {  	s28 =	simm.s32 $_size_execute0_lowered;
	s2 =	sadd.s32 s2, s4;
	[dreg:$0x0] =	wrdreg $0x0  }
0xa8: {  	s4 =	sshll.u32 s28, $0x1;
	[dreg:$0x2] =	wrdreg s2  }
0xa9: {  	[dreg:$0x3] =	wrdreg s4  }
0xaa: {  	[dreg:$0x4] =	wrdreg $0xC0  }
0xab: {  	_ =	task [dreg:s6], $0x5FFFF  }
0xac: {  	[dreg:$0x1] =	wrdreg $0xFFFFFFFF  }
0xad: {  	[dreg:$0x0] =	wrdreg $0x60  }
0xae: {  	[dreg:$0x2] =	wrdreg s24  }
0xaf: {  	[dreg:$0x3] =	wrdreg $0x0  }
0xb0: {  	[dreg:$0x4] =	wrdreg $0x9  }
0xb1: {  	_ =	task.clear_ibuf [dreg:s6], $0x5FFFF;
	_ =	strace $0x90000046  }
0xb2: {  	s29 =	simm.s32 $0x9;
	_ =	strace $0x80000048  }
0xb3: {  	_ =	swait.ge [sflag:s29], $0x1  }
0xb4: {  	[sflag:s29] =	ssyncadd.s32 $0xFFFFFFFF  }
0xb5: {  	_ =	strace $0x90000048  }
0xb6: {  	_ =	sfence  }
0xb7: {  	s30 =	sld [smem:$0x0];
	_ =	sdelay $0x2  }
0xb8: {  	s31 =	sshll.u32 s1, $0xD;
	s1 =	sshrl.u32 s1, $0x2  }
0xb9: {  	s3 =	sand.u32 $0x4000, s31;
	s1 =	sadd.s32 s1, s30  }
0xba: {  	s0 =	sor.u32 s3, s0;
	s1 =	sshll.u32 s1, $0x11  }
0xbb: {  	s0 =	sor.u32 s1, s0  }
0xbc: {  	s0 =	sadd.s32 $0x8F2B, s0  }
0xbd: {  	[sflag:s0] =	ssyncadd.remote.s32 $0x1  }
0xbe: {  	_ =	sfence.sel $0xFFFF  }
0xbf: {  	[dreg:$0x0] =	wrdreg $0xFFFFFFFF;
	(pc) =	sbr.abs _section_cstart, $3  }
0xc0: {  	[dreg:$0x1] =	wrdreg $0xFFFFFFFF  }
0xc1: {  	_ =	task.clear_ibuf [dreg:s6], $0x2FFFF;
	_ =	strace $0x9FFFFFFF  }
0xc2: {  	(tm) =	ssettm $0x7FFFFFFF  }
0xc3: {  	_ =	shalt  }
tec
execute0_lowered:
.L_overlay_start_1:
0x0: {  	(tag) =	ssettag $0x1  }
0x1: {  	s0 =	rddreg [dreg:$0x0]  }
0x2: {  	s1 =	rddreg [dreg:$0x1]  }
0x3: {  	s2 =	simm.s32 $0x0;
	s3 =	srdreg.scid;
	s9 =	stileid.u32  }
0x4: {  	s28 =	simm.s32 $0x14100;
	s29 =	simm.s32 $0x14180;
	s5 =	smul.u32 $0x50000, s9  }
0x5: {  	s30 =	simm.s32 $0x1;
	s31 =	simm.s32 $0x50;
	s26 =	smul.u32 $0x4E20, s9  }
0x6: {  	[smem:$0x7FF] =	sst s2;
	s3 =	sand.u32 $0x1, s3;
	s14 =	smul.u32 $0x2800, s9  }
0x7: {  	s6 =	sadd.s32 $0x3E00, s0;
	s8 =	sshll.u32 s9, $0x1;
	s4 =	smul.u32 $0x28000, s3  }
0x8: {  	s9 =	simm.s32 $0x7;
	_ =	strace $0x80000047;
	s5 =	sshrl.u32 s5, $0x2  }
0x9: {  	s20 =	ssub.s32 $0x2, s3;
	s0 =	sadd.s32 s4, s0;
	s4 =	sadd.s32 s5, s1  }
0xa: {  	s8 =	sor.u32 s3, s8;
	s3 =	smul.u32 $0x2710, s3;
	s22 =	sadd.s32 $0x2800, s4  }
0xb: {  	s7 =	sshrl.u32 s20, $0x1;
	s23 =	sadd.s32 $0x5000, s4;
	[dreg:$0x3] =	wrdreg s22  }
0xc: {  	s21 =	smul.u32 $0x2710, s8;
	s24 =	sadd.s32 $0x7800, s4;
	[dreg:$0x4] =	wrdreg s23  }
0xd: {  	s8 =	simm.s32 $0x6;
	s25 =	sadd.s32 $0xA000, s4;
	[dreg:$0x5] =	wrdreg s24  }
0xe: {  	s7 =	ssub.s32 s20, s7;
	s10 =	sadd.s32 $0xC800, s4;
	[dreg:$0x6] =	wrdreg s25  }
0xf: {  	s3 =	sadd.s32 s3, s26;
	s11 =	sadd.s32 $0xF000, s4;
	[dreg:$0x7] =	wrdreg s10  }
0x10: {  	s5 =	sshrl.u32 s21, $0x3;
	s12 =	sadd.s32 $0x11800, s4;
	[dreg:$0x8] =	wrdreg s11  }
0x11: {  	s0 =	sadd.s32 $0x17800, s0;
	s7 =	smax.u32 s7, $0x1;
	[dreg:$0x9] =	wrdreg s12  }
0x12: {  	s26 =	sadd.s32 $0x4E390, s3;
	s5 =	sadd.s32 s6, s5;
	[dreg:$0xb] =	wrdreg s7  }
0x13: {  	s23 =	sadd.s32 $0x4E430, s3;
	s25 =	sadd.s32 $0x4E3E0, s3;
	s3 =	sadd.s32 $0x4E340, s3  }
0x14: {  	s22 =	simm.s32 $0x16A00;
	s10 =	simm.s32 $0x8;
	s11 =	simm.s32 $0x0  }
0x15: {  	s13 =	sadd.s32 $0xA118, s5;
	s24 =	sadd.s32 $0x9C40, s5;
	s15 =	sadd.s32 $0x9C4A, s5  }
0x16: {  	s7 =	sshrl.u32 s23, $0x3;
	s16 =	sadd.s32 $0x9C54, s5;
	s17 =	sadd.s32 $0x9C5E, s5  }
0x17: {  	s5 =	sshrl.u32 s25, $0x3;
	s3 =	sshrl.u32 s3, $0x3;
	[dreg:$0xa] =	wrdreg s13  }
0x18: {  	s23 =	simm.s32 $0x9;
	s25 =	simm.s32 $0x14000;
	[dreg:$0xc] =	wrdreg s24  }
0x19: {  	s18 =	sadd.s32 s7, s6;
	s7 =	sshrl.u32 s26, $0x3;
	s19 =	sadd.s32 s5, s6  }
0x1a: {  	s21 =	sadd.s32 s3, s6;
	s24 =	sadd.s32 s14, s0;
	s26 =	simm.s32 $0x14080  }
0x1b: {  	s0 =	simm.s32 $0x14200;
	s3 =	simm.s32 $0x2;
	s5 =	simm.s32 $0x3  }
0x1c: {  	v0 =	vimm.f32 $1.000000000e+00;
	v1 =	vimm.f32 $0.0e+00;
	s20 =	sadd.s32 s7, s6;
	s6 =	simm.s32 $0x4;
	s7 =	simm.s32 $0x5  }
.LBB2_1:
0x1d: {  	s12 =	simm.s32 $0x0;
	s13 =	simm.s32 $0x200  }
.LBB2_2:
0x1e: {  	p0 =	sne.s32 s13, $0x9E00;
	[tilespmem:s12+$0x16A70] =	vst v1  }
0x1f: {  	[tilespmem:s12+$0x14200] =	vst v0  }
0x20: {  	[tilespmem:s12+$0x16A00] =	vst v1  }
0x21: {  	[tilespmem:s12+$0x14210] =	vst v0  }
0x22: {  	[tilespmem:s12+$0x16A10] =	vst v1  }
0x23: {  	[tilespmem:s12+$0x14220] =	vst v0  }
0x24: {  	[tilespmem:s12+$0x16A20] =	vst v1  }
0x25: {  	[tilespmem:s12+$0x14230] =	vst v0  }
0x26: {  	[tilespmem:s12+$0x16A30] =	vst v1  }
0x27: {  	[tilespmem:s12+$0x14240] =	vst v0  }
0x28: {  	[tilespmem:s12+$0x16A40] =	vst v1  }
.Ltmp0:
0x29: {  	[tilespmem:s12+$0x14250] =	vst v0;
	(pc) =	sbr.rel @p0 .LBB2_2-.Ltmp0, $4  }
0x2a: {  	[tilespmem:s12+$0x16A50] =	vst v1  }
0x2b: {  	[tilespmem:s12+$0x14260] =	vst v0  }
0x2c: {  	[tilespmem:s12+$0x16A60] =	vst v1  }
0x2d: {  	[tilespmem:s12+$0x14270] =	vst v0;
	s12 =	sshra.s32 s13, $0x2;
	s13 =	sadd.s32 $0x200, s13  }
0x2e: {  	[tilespmem:s12+$0x16A70] =	vst v1  }
0x2f: {  	[tilespmem:s12+$0x14200] =	vst v0  }
0x30: {  	[tilespmem:s12+$0x16A00] =	vst v1  }
0x31: {  	[tilespmem:s12+$0x14210] =	vst v0  }
0x32: {  	[tilespmem:s12+$0x16A10] =	vst v1  }
0x33: {  	[tilespmem:s12+$0x14220] =	vst v0  }
0x34: {  	[tilespmem:s12+$0x16A20] =	vst v1  }
0x35: {  	[tilespmem:s12+$0x14230] =	vst v0  }
0x36: {  	[tilespmem:s12+$0x16A30] =	vst v1  }
0x37: {  	[tilespmem:s12+$0x14240] =	vst v0  }
0x38: {  	[tilespmem:s12+$0x16A40] =	vst v1  }
0x39: {  	[tilespmem:s12+$0x14250] =	vst v0  }
0x3a: {  	[tilespmem:s12+$0x16A50] =	vst v1  }
0x3b: {  	[tilespmem:s12+$0x14260] =	vst v0  }
0x3c: {  	[tilespmem:s12+$0x16A60] =	vst v1  }
0x3d: {  	[tilespmem:s12+$0x14270] =	vst v0  }
0x3e: {  	[spmem:s4] =	stream.linear.scatter [tilespmem:s22], [sflag:$0x9], $0x2800, $0x38;
	[tilespmem:$0x19200] =	vst v63  }
0x3f: {  	_ =	swait.ge [sflag:s23], $0x2800  }
0x40: {  	[sflag:s23] =	ssyncset.done $0x0  }
0x41: {  	s13 =	rddreg [dreg:$0x3];
	[sflag:s23] =	ssyncadd.s32 $0xFFFFD800  }
0x42: {  	[spmem:s13] =	stream.linear.scatter [tilespmem:s22], [sflag:$0x9], $0x2800, $0x38;
	[tilespmem:$0x19200] =	vst v63  }
0x43: {  	_ =	swait.ge [sflag:s23], $0x2800  }
0x44: {  	[sflag:s23] =	ssyncset.done $0x0  }
0x45: {  	s14 =	rddreg [dreg:$0x4];
	[sflag:s23] =	ssyncadd.s32 $0xFFFFD800  }
0x46: {  	[spmem:s14] =	stream.linear.scatter [tilespmem:s22], [sflag:$0x9], $0x2800, $0x38;
	[tilespmem:$0x19200] =	vst v63  }
0x47: {  	_ =	swait.ge [sflag:s23], $0x2800  }
0x48: {  	[sflag:s23] =	ssyncset.done $0x0  }
0x49: {  	s13 =	rddreg [dreg:$0x5];
	[sflag:s23] =	ssyncadd.s32 $0xFFFFD800  }
0x4a: {  	[spmem:s13] =	stream.linear.scatter [tilespmem:s22], [sflag:$0x9], $0x2800, $0x38;
	[tilespmem:$0x19200] =	vst v63  }
0x4b: {  	_ =	swait.ge [sflag:s23], $0x2800  }
0x4c: {  	[sflag:s23] =	ssyncset.done $0x0  }
0x4d: {  	s14 =	rddreg [dreg:$0x6];
	[sflag:s23] =	ssyncadd.s32 $0xFFFFD800  }
0x4e: {  	[spmem:s14] =	stream.linear.scatter [tilespmem:s22], [sflag:$0x9], $0x2800, $0x38;
	[tilespmem:$0x19200] =	vst v63  }
0x4f: {  	_ =	swait.ge [sflag:s23], $0x2800  }
0x50: {  	[sflag:s23] =	ssyncset.done $0x0  }
0x51: {  	s13 =	rddreg [dreg:$0x7];
	[sflag:s23] =	ssyncadd.s32 $0xFFFFD800  }
0x52: {  	[spmem:s13] =	stream.linear.scatter [tilespmem:s22], [sflag:$0x9], $0x2800, $0x38;
	[tilespmem:$0x19200] =	vst v63  }
0x53: {  	_ =	swait.ge [sflag:s23], $0x2800  }
0x54: {  	[sflag:s23] =	ssyncset.done $0x0  }
0x55: {  	s14 =	rddreg [dreg:$0x8];
	[sflag:s23] =	ssyncadd.s32 $0xFFFFD800  }
0x56: {  	[spmem:s14] =	stream.linear.scatter [tilespmem:s22], [sflag:$0x9], $0x2800, $0x38;
	[tilespmem:$0x19200] =	vst v63  }
0x57: {  	_ =	swait.ge [sflag:s23], $0x2800  }
0x58: {  	[sflag:s23] =	ssyncset.done $0x0  }
0x59: {  	s13 =	rddreg [dreg:$0x9];
	[sflag:s23] =	ssyncadd.s32 $0xFFFFD800  }
0x5a: {  	[spmem:s13] =	stream.linear.scatter [tilespmem:s22], [sflag:$0x9], $0x2800, $0x38;
	[tilespmem:$0x19200] =	vst v63  }
0x5b: {  	_ =	swait.ge [sflag:s23], $0x2800  }
0x5c: {  	[sflag:s23] =	ssyncset.done $0x0  }
0x5d: {  	[sflag:s23] =	ssyncadd.s32 $0xFFFFD800  }
0x5e: {  	[bflag:$0x0] =	sbarrier.arrive $0xFFFF  }
0x5f: {  	s14 =	simm.s32 $0x0;
	s13 =	rddreg [dreg:$0xc]  }
0x60: {  	[tilespmem:s25], [sflag:$0x1] =	stream.linear.gather [hbm4b:s13+s14], $0x50, $0x38;
	[tilespmem:$0x19200] =	vst v63  }
0x61: {  	_ = 	snop  }
0x62: {  	[tilespmem:s26], [sflag:$0x2] =	stream.linear.gather [hbm4b:s15+s14], $0x50, $0x38;
	[tilespmem:$0x19200] =	vst v63  }
0x63: {  	_ = 	snop  }
0x64: {  	[tilespmem:s28], [sflag:$0x3] =	stream.linear.gather [hbm4b:s16+s14], $0x50, $0x38;
	[tilespmem:$0x19200] =	vst v63  }
0x65: {  	_ = 	snop  }
0x66: {  	[tilespmem:s29], [sflag:$0x4] =	stream.linear.gather [hbm4b:s17+s14], $0x50, $0x38;
	[tilespmem:$0x19200] =	vst v63  }
0x67: {  	_ =	swait.ge [sflag:s30], $0x50  }
0x68: {  	[sflag:s30] =	ssyncset.done $0x0  }
0x69: {  	[sflag:s30] =	ssyncadd.s32 $0xFFFFFFB0  }
0x6a: {  	[spmem:s1] =	stream.indirect.scatter.add.f32 [tilespmem:s0], [sflag:$0x5], $0x80, s25, s31, $0xb8;
	[tilespmem:$0x19200] =	vst v63  }
0x6b: {  	_ =	swait.ge [sflag:s3], $0x50  }
0x6c: {  	[sflag:s3] =	ssyncset.done $0x0  }
0x6d: {  	[sflag:s3] =	ssyncadd.s32 $0xFFFFFFB0  }
0x6e: {  	[spmem:s1] =	stream.indirect.scatter.add.f32 [tilespmem:s0], [sflag:$0x6], $0x80, s26, s31, $0xb8;
	[tilespmem:$0x19200] =	vst v63  }
0x6f: {  	_ =	swait.ge [sflag:s5], $0x50  }
0x70: {  	[sflag:s5] =	ssyncset.done $0x0  }
0x71: {  	[sflag:s5] =	ssyncadd.s32 $0xFFFFFFB0  }
0x72: {  	[spmem:s1] =	stream.indirect.scatter.add.f32 [tilespmem:s0], [sflag:$0x7], $0x80, s28, s31, $0xb8;
	[tilespmem:$0x19200] =	vst v63  }
0x73: {  	_ =	swait.ge [sflag:s6], $0x50  }
0x74: {  	[sflag:s6] =	ssyncset.done $0x0  }
0x75: {  	[sflag:s6] =	ssyncadd.s32 $0xFFFFFFB0  }
0x76: {  	[spmem:s1] =	stream.indirect.scatter.add.f32 [tilespmem:s0], [sflag:$0x8], $0x80, s29, s31, $0xb8;
	[tilespmem:$0x19200] =	vst v63  }
0x77: {  	_ =	swait.ge [sflag:s7], $0x2800  }
0x78: {  	[sflag:s7] =	ssyncset.done $0x0  }
0x79: {  	s13 =	sadd.s32 $0x0, s21;
	[sflag:s7] =	ssyncadd.s32 $0xFFFFD800  }
0x7a: {  	[tilespmem:s25], [sflag:$0x1] =	stream.linear.gather [hbm4b:s13+s2], $0x50, $0x38;
	[tilespmem:$0x19200] =	vst v63  }
0x7b: {  	_ =	swait.ge [sflag:s8], $0x2800  }
0x7c: {  	[sflag:s8] =	ssyncset.done $0x0  }
0x7d: {  	s14 =	sadd.s32 $0x0, s20;
	[sflag:s8] =	ssyncadd.s32 $0xFFFFD800  }
0x7e: {  	[tilespmem:s26], [sflag:$0x2] =	stream.linear.gather [hbm4b:s14+s2], $0x50, $0x38;
	[tilespmem:$0x19200] =	vst v63  }
0x7f: {  	_ =	swait.ge [sflag:s9], $0x2800  }
0x80: {  	[sflag:s9] =	ssyncset.done $0x0  }
0x81: {  	s13 =	sadd.s32 $0x0, s19;
	[sflag:s9] =	ssyncadd.s32 $0xFFFFD800  }
0x82: {  	[tilespmem:s28], [sflag:$0x3] =	stream.linear.gather [hbm4b:s13+s2], $0x50, $0x38;
	[tilespmem:$0x19200] =	vst v63  }
0x83: {  	_ =	swait.ge [sflag:s10], $0x2800  }
0x84: {  	[sflag:s10] =	ssyncset.done $0x0  }
0x85: {  	s14 =	sadd.s32 $0x0, s18;
	[sflag:s10] =	ssyncadd.s32 $0xFFFFD800  }
0x86: {  	[tilespmem:s29], [sflag:$0x4] =	stream.linear.gather [hbm4b:s14+s2], $0x50, $0x38;
	[tilespmem:$0x19200] =	vst v63  }
0x87: {  	_ =	swait.ge [sflag:s30], $0x50  }
0x88: {  	[sflag:s30] =	ssyncset.done $0x0  }
0x89: {  	[sflag:s30] =	ssyncadd.s32 $0xFFFFFFB0  }
0x8a: {  	[spmem:s1] =	stream.indirect.scatter.add.f32 [tilespmem:s0], [sflag:$0x5], $0x80, s25, s31, $0xb8;
	[tilespmem:$0x19200] =	vst v63  }
0x8b: {  	_ =	swait.ge [sflag:s3], $0x50  }
0x8c: {  	[sflag:s3] =	ssyncset.done $0x0  }
0x8d: {  	[sflag:s3] =	ssyncadd.s32 $0xFFFFFFB0  }
0x8e: {  	[spmem:s1] =	stream.indirect.scatter.add.f32 [tilespmem:s0], [sflag:$0x6], $0x80, s26, s31, $0xb8;
	[tilespmem:$0x19200] =	vst v63  }
0x8f: {  	_ =	swait.ge [sflag:s5], $0x50  }
0x90: {  	[sflag:s5] =	ssyncset.done $0x0  }
0x91: {  	[sflag:s5] =	ssyncadd.s32 $0xFFFFFFB0  }
0x92: {  	[spmem:s1] =	stream.indirect.scatter.add.f32 [tilespmem:s0], [sflag:$0x7], $0x80, s28, s31, $0xb8;
	[tilespmem:$0x19200] =	vst v63  }
0x93: {  	_ =	swait.ge [sflag:s6], $0x50  }
0x94: {  	[sflag:s6] =	ssyncset.done $0x0  }
0x95: {  	s12 =	simm.s32 $0x28;
	[sflag:s6] =	ssyncadd.s32 $0xFFFFFFB0  }
.LBB2_4:
0x96: {  	[spmem:s1] =	stream.indirect.scatter.add.f32 [tilespmem:s0], [sflag:$0x8], $0x80, s29, s31, $0xb8;
	[tilespmem:$0x19200] =	vst v63  }
0x97: {  	s13 =	smov.u32 s12  }
0x98: {  	p0 =	sne.s32 s12, $0x488;
	s12 =	sadd.s32 $0x28, s12;
	_ =	swait.ge [sflag:s7], $0x2800  }
0x99: {  	[sflag:s7] =	ssyncset.done $0x0  }
0x9a: {  	s14 =	sadd.s32 s13, s21;
	[sflag:s7] =	ssyncadd.s32 $0xFFFFD800  }
0x9b: {  	[tilespmem:s25], [sflag:$0x1] =	stream.linear.gather [hbm4b:s14+s2], $0x50, $0x38;
	[tilespmem:$0x19200] =	vst v63  }
0x9c: {  	_ =	swait.ge [sflag:s8], $0x2800  }
0x9d: {  	[sflag:s8] =	ssyncset.done $0x0  }
0x9e: {  	s14 =	sadd.s32 s13, s20;
	[sflag:s8] =	ssyncadd.s32 $0xFFFFD800  }
0x9f: {  	[tilespmem:s26], [sflag:$0x2] =	stream.linear.gather [hbm4b:s14+s2], $0x50, $0x38;
	[tilespmem:$0x19200] =	vst v63  }
0xa0: {  	_ =	swait.ge [sflag:s9], $0x2800  }
0xa1: {  	[sflag:s9] =	ssyncset.done $0x0  }
0xa2: {  	s14 =	sadd.s32 s13, s19;
	[sflag:s9] =	ssyncadd.s32 $0xFFFFD800  }
0xa3: {  	[tilespmem:s28], [sflag:$0x3] =	stream.linear.gather [hbm4b:s14+s2], $0x50, $0x38;
	[tilespmem:$0x19200] =	vst v63  }
0xa4: {  	_ =	swait.ge [sflag:s10], $0x2800  }
0xa5: {  	[sflag:s10] =	ssyncset.done $0x0  }
0xa6: {  	s13 =	sadd.s32 s13, s18;
	[sflag:s10] =	ssyncadd.s32 $0xFFFFD800  }
0xa7: {  	[tilespmem:s29], [sflag:$0x4] =	stream.linear.gather [hbm4b:s13+s2], $0x50, $0x38;
	[tilespmem:$0x19200] =	vst v63  }
0xa8: {  	_ =	swait.ge [sflag:s30], $0x50  }
0xa9: {  	[sflag:s30] =	ssyncset.done $0x0  }
0xaa: {  	[sflag:s30] =	ssyncadd.s32 $0xFFFFFFB0  }
0xab: {  	[spmem:s1] =	stream.indirect.scatter.add.f32 [tilespmem:s0], [sflag:$0x5], $0x80, s25, s31, $0xb8;
	[tilespmem:$0x19200] =	vst v63  }
0xac: {  	_ =	swait.ge [sflag:s3], $0x50  }
0xad: {  	[sflag:s3] =	ssyncset.done $0x0  }
0xae: {  	[sflag:s3] =	ssyncadd.s32 $0xFFFFFFB0  }
0xaf: {  	[spmem:s1] =	stream.indirect.scatter.add.f32 [tilespmem:s0], [sflag:$0x6], $0x80, s26, s31, $0xb8;
	[tilespmem:$0x19200] =	vst v63  }
0xb0: {  	_ =	swait.ge [sflag:s5], $0x50  }
0xb1: {  	[sflag:s5] =	ssyncset.done $0x0  }
.Ltmp1:
0xb2: {  	[sflag:s5] =	ssyncadd.s32 $0xFFFFFFB0;
	(pc) =	sbr.rel @p0 .LBB2_4-.Ltmp1, $4  }
0xb3: {  	[spmem:s1] =	stream.indirect.scatter.add.f32 [tilespmem:s0], [sflag:$0x7], $0x80, s28, s31, $0xb8;
	[tilespmem:$0x19200] =	vst v63  }
0xb4: {  	_ =	swait.ge [sflag:s6], $0x50  }
0xb5: {  	[sflag:s6] =	ssyncset.done $0x0  }
0xb6: {  	[sflag:s6] =	ssyncadd.s32 $0xFFFFFFB0  }
0xb7: {  	[spmem:s1] =	stream.indirect.scatter.add.f32 [tilespmem:s0], [sflag:$0x8], $0x80, s29, s31, $0xb8;
	[tilespmem:$0x19200] =	vst v63  }
0xb8: {  	_ =	swait.ge [sflag:s7], $0x2800  }
0xb9: {  	[sflag:s7] =	ssyncset.done $0x0  }
0xba: {  	s12 =	rddreg [dreg:$0xa];
	[sflag:s7] =	ssyncadd.s32 $0xFFFFD800  }
0xbb: {  	[tilespmem:s25], [sflag:$0x1] =	stream.linear.gather [hbm4b:s12+s2], $0x50, $0x38;
	[tilespmem:$0x19200] =	vst v63  }
0xbc: {  	_ =	swait.ge [sflag:s30], $0x50  }
0xbd: {  	[sflag:s30] =	ssyncset.done $0x0  }
0xbe: {  	[sflag:s30] =	ssyncadd.s32 $0xFFFFFFB0  }
0xbf: {  	[spmem:s1] =	stream.indirect.scatter.add.f32 [tilespmem:s0], [sflag:$0x5], $0x80, s25, s31, $0xb8;
	[tilespmem:$0x19200] =	vst v63  }
0xc0: {  	_ =	swait.ge [sflag:s7], $0x2800  }
0xc1: {  	[sflag:s7] =	ssyncset.done $0x0  }
0xc2: {  	[sflag:s7] =	ssyncadd.s32 $0xFFFFD800  }
0xc3: {  	_ =	swait.ge [sflag:s8], $0x2800  }
0xc4: {  	[sflag:s8] =	ssyncset.done $0x0  }
0xc5: {  	[sflag:s8] =	ssyncadd.s32 $0xFFFFD800  }
0xc6: {  	_ =	swait.ge [sflag:s9], $0x2800  }
0xc7: {  	[sflag:s9] =	ssyncset.done $0x0  }
0xc8: {  	[sflag:s9] =	ssyncadd.s32 $0xFFFFD800  }
0xc9: {  	_ =	swait.ge [sflag:s10], $0x2800  }
0xca: {  	s13 =	stileid.u32;
	[sflag:s10] =	ssyncset.done $0x0  }
0xcb: {  	s12 =	sshll.u32 s13, $0x6;
	[sflag:s10] =	ssyncadd.s32 $0xFFFFD800  }
0xcc: {  	s13 =	sshrl.u32 s4, $0x3;
	s12 =	sor.u32 $0x1C09, s12;
	[bflag:$0x0] =	sbarrier.arrive $0xFFFF  }
0xcd: {  	[hbm:s24], [sflag:s12] =	dma.local [spmem:s13], $0x2800  }
0xce: {  	_ =	swait.ge [sflag:s23], $0x2800  }
0xcf: {  	s11 =	sadd.s32 $0x1, s11;
	s14 =	rddreg [dreg:$0xb]  }
0xd0: {  	p0 =	sne.s32 s11, s14  }
.Ltmp2:
0xd1: {  	_ = 	snop;
	(pc) =	sbr.rel @p0 .LBB2_1-.Ltmp2, $3  }
0xd2: {  	_ =	sdelay $0x1  }
0xd3: {  	[sflag:s23] =	ssyncset.done $0x0  }
0xd4: {  	[sflag:s23] =	ssyncadd.s32 $0xFFFFD800  }
0xd5: {  	_ =	sfence.sel $0x180000  }
0xd6: {  	[bflag:$0x0] =	sbarrier.arrive $0xFFFF  }
0xd7: {  	_ =	strace $0x90000047  }
0xd8: {  	s0 =	stileid.u32;
	[bflag:$0x2] =	sbarrier.arrive $0xFFFF  }
0xd9: {  	p0 =	sne.s32 s0, $0x0;
	s0 =	rddreg [dreg:$0x2]  }
0xda: {  	s0 =	sadd.s32 @!p0 $0x100000, s0  }
0xdb: {  	[sflag:s0] =	ssyncadd.tile.s32 @!p0 $0x1;
	_ =	shalt  }
.Lfunc_end2:
_tile_overlayer_lowered:
.L_overlay_start_2:
0xdc: {  	(tag) =	ssettag $0x2  }
0xdd: {  	s0 =	rddreg [dreg:$0x0];
	s2 =	stileid.u32  }
0xde: {  	s1 =	rddreg [dreg:$0x1];
	p0 =	sne.s32 s2, $0x0  }
0xdf: {  	s3 =	rddreg [dreg:$0x2];
	[bflag:$0x3] =	sbarrier.arrive $0xFFFF;
	s2 =	simm.s32 @!p0 $0x1C09  }
0xe0: {  	[timem:s3], [sflag:s2] =	dma.local @!p0 [hbm:s0], s1  }
0xe1: {  	s0 =	simm.s32 @!p0 $0x9  }
0xe2: {  	_ =	swait.ge @!p0 [sflag:s0], s1  }
0xe3: {  	s1 =	ssub.s32 @!p0 $0x0, s1;
	[sflag:s0] =	ssyncset.done @!p0 $0x0  }
0xe4: {  	[sflag:s0] =	ssyncadd.s32 @!p0 s1  }
0xe5: {  	[bflag:$0x3] =	sbarrier.arrive $0xFFFF  }
0xe6: {  	_ =	shalt  }

</sc_bundles>
